<compile_context>
chip_gen: v7x
topology: tpu7x:2x2x1
jax: 0.10.2.dev20260603
libtpu: 0.0.44.dev20260713+nightly
codegen_flags: <defaults>
</compile_context>

<pallas_src>
import jax
import jax.numpy as jnp
from jax import lax
from jax.experimental import pallas as pl
from jax.experimental.pallas import tpu as pltpu
from jax.experimental.pallas import tpu_sc as plsc

N = 10000
E = 320000
DF = 128
DE = 16
HD = 128
G = 64

NP = 10240
NC, NS, L = 2, 16, 16
NW = NC * NS
CHUNK = 96
NCHK = 105
EPT = CHUNK * NCHK
EP = NW * EPT
RPT = NP // NS
F32 = jnp.float32


def _sc_edge_body(z_hbm, c_hbm, idx_hbm, out_hbm,
                  idxA, idxB, idxC, bufA, bufB, bufC, agg_sh,
                  isA, isB, isC, csA, csB, csC,
                  gsA, gsB, gsC, ssA, ssB, ssC):
    c = lax.axis_index("c")
    s = lax.axis_index("s")
    tile = c * NS + s
    ebase = tile * EPT
    idxs = (idxA, idxB, idxC)
    bufs = (bufA, bufB, bufC)
    iss = (isA, isB, isC)
    css = (csA, csB, csC)
    gss = (gsA, gsB, gsC)
    sss = (ssA, ssB, ssC)

    def zset(i, carry):
        for k in range(HD // L):
            bufA[i, pl.ds(k * L, L)] = jnp.zeros((L,), F32)
        return carry
    lax.fori_loop(0, CHUNK, zset, 0)
    r0 = s * RPT
    nfull = RPT // CHUNK
    rem = RPT - nfull * CHUNK
    for q in range(nfull):
        pltpu.sync_copy(bufA, agg_sh.at[pl.ds(r0 + q * CHUNK, CHUNK)])
    if rem:
        pltpu.sync_copy(bufA.at[pl.ds(0, rem)],
                        agg_sh.at[pl.ds(r0 + nfull * CHUNK, rem)])
    plsc.subcore_barrier()

    def ixissue(j, b):
        pltpu.async_copy(idx_hbm.at[tile, j], idxs[b], iss[b])

    def ixwait(b):
        pltpu.make_async_copy(idx_hbm.at[tile, 0], idxs[b], iss[b]).wait()

    def cissue(j, b):
        pltpu.async_copy(c_hbm.at[pl.ds(ebase + j * CHUNK, CHUNK)],
                         bufs[b], css[b])

    def cwait(b):
        pltpu.make_async_copy(c_hbm.at[pl.ds(ebase, CHUNK)],
                              bufs[b], css[b]).wait()

    def gissue(b):
        pltpu.async_copy(z_hbm.at[idxs[b].at[0]], bufs[b], gss[b], add=True)

    def gwait(b):
        pltpu.make_async_copy(z_hbm.at[idxs[b].at[0]], bufs[b], gss[b]).wait()

    def sissue(b):
        pltpu.async_copy(bufs[b], agg_sh.at[idxs[b].at[1]], sss[b], add=True)

    def swait(b):
        pltpu.make_async_copy(bufs[b], agg_sh.at[idxs[b].at[1]], sss[b]).wait()

    def relu_buf(buf):
        def erow(e, cc):
            for k in range(HD // L):
                sl = pl.ds(k * L, L)
                buf[e, sl] = jnp.maximum(buf[e, sl], 0.0)
            return cc
        lax.fori_loop(0, CHUNK, erow, 0)

    TRIPS = NCHK // 3
    assert NCHK == 3 * TRIPS
    ixissue(0, 0)
    cissue(0, 0)
    ixissue(1, 1)
    cissue(1, 1)
    ixwait(0)
    cwait(0)
    gissue(0)

    def trip_body(i, carry):
        for b in (0, 1, 2):
            j = 3 * i + b
            n1 = (b + 1) % 3
            n2 = (b + 2) % 3
            gwait(b)
            relu_buf(bufs[b])
            sissue(b)

            @pl.when(j >= 1)
            def _():
                swait(n2)

            @pl.when(j + 2 < NCHK)
            def _():
                ixissue(j + 2, n2)
                cissue(j + 2, n2)

            @pl.when(j + 1 < NCHK)
            def _():
                ixwait(n1)
                cwait(n1)
                gissue(n1)
        return carry
    lax.fori_loop(0, TRIPS, trip_body, 0)

    swait((NCHK - 1) % 3)
    plsc.subcore_barrier()

    for q in range(nfull):
        rr = r0 + q * CHUNK
        pltpu.sync_copy(agg_sh.at[pl.ds(rr, CHUNK)], bufA)
        pltpu.sync_copy(bufA, out_hbm.at[c, pl.ds(rr, CHUNK)])
    if rem:
        rr = r0 + nfull * CHUNK
        pltpu.sync_copy(agg_sh.at[pl.ds(rr, rem)], bufA.at[pl.ds(0, rem)])
        pltpu.sync_copy(bufA.at[pl.ds(0, rem)], out_hbm.at[c, pl.ds(rr, rem)])


_sc_edge_pass = pl.kernel(
    _sc_edge_body,
    out_type=jax.ShapeDtypeStruct((NC, NP, HD), F32),
    mesh=plsc.VectorSubcoreMesh(core_axis_name="c", subcore_axis_name="s",
                                num_cores=NC, num_subcores=NS),
    scratch_types=(
        [pltpu.VMEM((2, CHUNK), jnp.int32) for _ in range(3)]
        + [pltpu.VMEM((CHUNK, HD), F32) for _ in range(3)]
        + [pltpu.VMEM_SHARED((NP, HD), F32)]
        + [pltpu.SemaphoreType.DMA for _ in range(12)]
    ),
)


def _mm_bias_body(x_ref, w_ref, b_ref, o_ref):
    o_ref[...] = (jnp.dot(x_ref[...], w_ref[...], preferred_element_type=F32)
                  + b_ref[...])


def _mm_bias(x, w, b, bm):
    m, k = x.shape
    hd = w.shape[1]
    return pl.pallas_call(
        _mm_bias_body,
        grid=(m // bm,),
        in_specs=[
            pl.BlockSpec((bm, k), lambda i: (i, 0)),
            pl.BlockSpec((k, hd), lambda i: (0, 0)),
            pl.BlockSpec((1, hd), lambda i: (0, 0)),
        ],
        out_specs=pl.BlockSpec((bm, hd), lambda i: (i, 0)),
        out_shape=jax.ShapeDtypeStruct((m, hd), F32),
    )(x, w, b.reshape(1, hd))


BM = 2048


def _onehot(b_ref):
    ids = jax.lax.broadcasted_iota(jnp.int32, (BM, G), 1)
    return (b_ref[...] == ids).astype(F32)


def _update_pool_body(p0, p1, y, wua, wub, bu, b_ref, o_y, o_pool):
    agg = p0[...] + p1[...]
    yn = jnp.maximum(
        jnp.dot(agg, wua[...], preferred_element_type=F32)
        + jnp.dot(y[...], wub[...], preferred_element_type=F32)
        + bu[...], 0.0)
    o_y[...] = yn

    @pl.when(pl.program_id(0) == 0)
    def _():
        o_pool[...] = jnp.zeros_like(o_pool)
    oh = _onehot(b_ref)
    o_pool[...] += jax.lax.dot_general(
        oh, yn, (((0,), (0,)), ((), ())), preferred_element_type=F32,
        precision=jax.lax.Precision.HIGHEST)


def _update_pool(p0, p1, y, wua, wub, bu, bidx):
    return pl.pallas_call(
        _update_pool_body,
        grid=(NP // BM,),
        in_specs=[
            pl.BlockSpec((BM, HD), lambda i: (i, 0)),
            pl.BlockSpec((BM, HD), lambda i: (i, 0)),
            pl.BlockSpec((BM, HD), lambda i: (i, 0)),
            pl.BlockSpec((HD, HD), lambda i: (0, 0)),
            pl.BlockSpec((HD, HD), lambda i: (0, 0)),
            pl.BlockSpec((1, HD), lambda i: (0, 0)),
            pl.BlockSpec((BM, 1), lambda i: (i, 0)),
        ],
        out_specs=[
            pl.BlockSpec((BM, HD), lambda i: (i, 0)),
            pl.BlockSpec((G, HD), lambda i: (0, 0)),
        ],
        out_shape=[
            jax.ShapeDtypeStruct((NP, HD), F32),
            jax.ShapeDtypeStruct((G, HD), F32),
        ],
    )(p0, p1, y, wua, wub, bu.reshape(1, HD), bidx)


def _vn_z_body(y, pool, wv, bv, b_ref, wma, o_y2, o_z):
    v = jnp.maximum(
        jnp.dot(pool[...], wv[...], preferred_element_type=F32) + bv[...], 0.0)
    oh = _onehot(b_ref)
    y2 = y[...] + jnp.dot(oh, v, preferred_element_type=F32,
                          precision=jax.lax.Precision.HIGHEST)
    o_y2[...] = y2
    o_z[...] = jnp.dot(y2, wma[...], preferred_element_type=F32)


def _vn_z(y, pool, wv, bv, bidx, wma):
    return pl.pallas_call(
        _vn_z_body,
        grid=(NP // BM,),
        in_specs=[
            pl.BlockSpec((BM, HD), lambda i: (i, 0)),
            pl.BlockSpec((G, HD), lambda i: (0, 0)),
            pl.BlockSpec((HD, HD), lambda i: (0, 0)),
            pl.BlockSpec((1, HD), lambda i: (0, 0)),
            pl.BlockSpec((BM, 1), lambda i: (i, 0)),
            pl.BlockSpec((HD, HD), lambda i: (0, 0)),
        ],
        out_specs=[
            pl.BlockSpec((BM, HD), lambda i: (i, 0)),
            pl.BlockSpec((BM, HD), lambda i: (i, 0)),
        ],
        out_shape=[
            jax.ShapeDtypeStruct((NP, HD), F32),
            jax.ShapeDtypeStruct((NP, HD), F32),
        ],
    )(y, pool, wv, bv.reshape(1, HD), bidx, wma)


def _head_body(pool, wout, bout, o_ref):
    o_ref[...] = (jnp.dot(pool[...], wout[...], preferred_element_type=F32)
                  + bout[...])


def _head(pool, wout, bout):
    return pl.pallas_call(
        _head_body,
        grid=(1,),
        in_specs=[
            pl.BlockSpec((G, HD), lambda i: (0, 0)),
            pl.BlockSpec((HD, 1), lambda i: (0, 0)),
            pl.BlockSpec((1, 1), lambda i: (0, 0)),
        ],
        out_specs=pl.BlockSpec((G, 1), lambda i: (0, 0)),
        out_shape=jax.ShapeDtypeStruct((G, 1), F32),
    )(pool, wout, bout.reshape(1, 1))


def kernel(H, Xe, id_Xe, batch_idx, params):
    padE = EP - E
    src = jnp.concatenate([id_Xe[0], jnp.zeros((padE,), jnp.int32)])
    dst = jnp.concatenate(
        [id_Xe[1], N + (jnp.arange(padE, dtype=jnp.int32) % (NP - N))])
    idx2 = jnp.stack([src.reshape(NW, NCHK, CHUNK),
                      dst.reshape(NW, NCHK, CHUNK)], axis=2)
    Xep = jnp.pad(Xe, ((0, padE), (0, 0)))
    Hp = jnp.pad(H, ((0, NP - N), (0, 0)))
    bidx = jnp.pad(batch_idx, (0, NP - N), constant_values=G).reshape(NP, 1)

    p = params
    Wm = [p['Wm0'], p['Wm1'], p['Wm2']]
    bm = [p['bm0'], p['bm1'], p['bm2']]
    Wu = [p['Wu0'], p['Wu1'], p['Wu2']]
    bu = [p['bu0'], p['bu1'], p['bu2']]
    Wv = [p['Wv0'], p['Wv1']]
    bv = [p['bv0'], p['bv1']]

    C = [_mm_bias(Xep, Wm[l][DF:], bm[l], 2520) for l in range(3)]

    y = Hp
    Z = _mm_bias(Hp, Wm[0][:DF], jnp.zeros((HD,), F32), BM)
    pool = None
    for l in range(3):
        P = _sc_edge_pass(Z, C[l], idx2)
        y, pool = _update_pool(P[0], P[1], y, Wu[l][:HD], Wu[l][HD:],
                               bu[l], bidx)
        if l < 2:
            y, Z = _vn_z(y, pool, Wv[l], bv[l], bidx, Wm[l + 1][:DF])

    return _head(pool, p['Wout'], p['bout'])

# --- scband reference (transcript-rebuilt; emitter-appended) ---
"""Pipeline reference for scband-rnetwork-21449066676604 (READ-ONLY COPY).

The authoritative reference and input builder live on the scoring server;
editing this copy changes nothing except your own understanding.
"""

import jax, jax.numpy as jnp
import numpy as np

N = 10000
E = 320000
DF = 128
DE = 16
HD = 128
G = 64

def _lin(key, fan_in, fan_out):
    return jax.random.normal(key, (fan_in, fan_out), dtype=jnp.float32) / np.sqrt(fan_in)

def setup_inputs(seed: int = 0):
    key = jax.random.key(seed)
    ks = jax.random.split(key, 24)
    H = jax.random.normal(ks[0], (N, DF), dtype=jnp.float32)
    Xe = jax.random.normal(ks[1], (E, DE), dtype=jnp.float32)
    id_Xe = jax.random.randint(ks[2], (2, E), 0, N, dtype=jnp.int32)
    batch_idx = jnp.sort(jax.random.randint(ks[3], (N,), 0, G, dtype=jnp.int32))
    params = {
        'Wm0': _lin(ks[4], DF + DE, HD), 'bm0': jnp.zeros((HD,), jnp.float32),
        'Wu0': _lin(ks[5], HD + DF, HD), 'bu0': jnp.zeros((HD,), jnp.float32),
        'Wm1': _lin(ks[6], HD + DE, HD), 'bm1': jnp.zeros((HD,), jnp.float32),
        'Wu1': _lin(ks[7], 2 * HD, HD), 'bu1': jnp.zeros((HD,), jnp.float32),
        'Wm2': _lin(ks[8], HD + DE, HD), 'bm2': jnp.zeros((HD,), jnp.float32),
        'Wu2': _lin(ks[9], 2 * HD, HD), 'bu2': jnp.zeros((HD,), jnp.float32),
        'Wv0': _lin(ks[10], HD, HD), 'bv0': jnp.zeros((HD,), jnp.float32),
        'Wv1': _lin(ks[11], HD, HD), 'bv1': jnp.zeros((HD,), jnp.float32),
        'Wout': _lin(ks[12], HD, 1), 'bout': jnp.zeros((1,), jnp.float32),
    }
    return {'H': H, 'Xe': Xe, 'id_Xe': id_Xe, 'batch_idx': batch_idx, 'params': params}

def _gnn_layer(y, Xe, src, dst, Wm, bm, Wu, bu):
    # message: MLP over concat(source node features, edge features)
    m = jax.nn.relu(jnp.concatenate([jnp.take(y, src, axis=0), Xe], axis=1) @ Wm + bm)
    # sparse aggregation: scatter-add messages into destination nodes
    agg = jax.ops.segment_sum(m, dst, num_segments=N)
    # update: MLP over concat(aggregated messages, previous node state)
    return jax.nn.relu(jnp.concatenate([agg, y], axis=1) @ Wu + bu)

def _virtual_node(y, batch_idx, Wv, bv):
    pooled = jax.ops.segment_sum(y, batch_idx, num_segments=G)
    vn = jax.nn.relu(pooled @ Wv + bv)
    return y + jnp.take(vn, batch_idx, axis=0)

def _forward(H, Xe, params, id_Xe, batch_idx):
    src = id_Xe[0]
    dst = id_Xe[1]
    y = _gnn_layer(H, Xe, src, dst, params['Wm0'], params['bm0'], params['Wu0'], params['bu0'])
    y = _virtual_node(y, batch_idx, params['Wv0'], params['bv0'])
    y = _gnn_layer(y, Xe, src, dst, params['Wm1'], params['bm1'], params['Wu1'], params['bu1'])
    y = _virtual_node(y, batch_idx, params['Wv1'], params['bv1'])
    y = _gnn_layer(y, Xe, src, dst, params['Wm2'], params['bm2'], params['Wu2'], params['bu2'])
    pooled = jax.ops.segment_sum(y, batch_idx, num_segments=G)
    return pooled @ params['Wout'] + params['bout']

def reference(H, Xe, id_Xe, batch_idx, params):
    return _forward(H, Xe, params, id_Xe, batch_idx)

if __name__ == "__main__":
    import jax
    _d = setup_inputs()
    print(jax.jit(kernel)(*tuple(_d.values())))

</pallas_src>

<mosaic_0001>
#map = affine_map<(d0, d1) -> (0, 0)>
#map1 = affine_map<(d0, d1) -> (0, 0, 0, 0)>
#map2 = affine_map<(d0, d1) -> (0, 0, 0)>
module attributes {stable_mosaic.version = 14 : i64} {
  func.func @_sc_edge_body(%arg0: i32, %arg1: i32, %arg2: memref<10240x128xf32, #tpu.memory_space<hbm>>, %arg3: memref<322560x128xf32, #tpu.memory_space<hbm>>, %arg4: memref<32x105x2x96xi32, #tpu.memory_space<hbm>>, %arg5: memref<2x10240x128xf32, #tpu.memory_space<hbm>>, %arg6: memref<2x96xi32, #tpu.memory_space<vmem>>, %arg7: memref<2x96xi32, #tpu.memory_space<vmem>>, %arg8: memref<2x96xi32, #tpu.memory_space<vmem>>, %arg9: memref<96x128xf32, #tpu.memory_space<vmem>>, %arg10: memref<96x128xf32, #tpu.memory_space<vmem>>, %arg11: memref<96x128xf32, #tpu.memory_space<vmem>>, %arg12: memref<10240x128xf32, #tpu.memory_space<vmem_shared>>, %arg13: memref<!tpu.dma_semaphore, #tpu.memory_space<semaphore_mem>>, %arg14: memref<!tpu.dma_semaphore, #tpu.memory_space<semaphore_mem>>, %arg15: memref<!tpu.dma_semaphore, #tpu.memory_space<semaphore_mem>>, %arg16: memref<!tpu.dma_semaphore, #tpu.memory_space<semaphore_mem>>, %arg17: memref<!tpu.dma_semaphore, #tpu.memory_space<semaphore_mem>>, %arg18: memref<!tpu.dma_semaphore, #tpu.memory_space<semaphore_mem>>, %arg19: memref<!tpu.dma_semaphore, #tpu.memory_space<semaphore_mem>>, %arg20: memref<!tpu.dma_semaphore, #tpu.memory_space<semaphore_mem>>, %arg21: memref<!tpu.dma_semaphore, #tpu.memory_space<semaphore_mem>>, %arg22: memref<!tpu.dma_semaphore, #tpu.memory_space<semaphore_mem>>, %arg23: memref<!tpu.dma_semaphore, #tpu.memory_space<semaphore_mem>>, %arg24: memref<!tpu.dma_semaphore, #tpu.memory_space<semaphore_mem>>) attributes {dimension_semantics = [#tpu.dimension_semantics<core_parallel>, #tpu.dimension_semantics<subcore_parallel>], iteration_bounds = array<i64: 2, 16>, scalar_prefetch = 0 : i64, scratch_operands = 19 : i64, tpu.core_type = #tpu.core_type<sc_vector_subcore>, window_params = [{transform_indices = #map}, {transform_indices = #map}, {transform_indices = #map1}, {transform_indices = #map2}]} {
    %mul3A = arith.constant 16 : i32
    %mul3A_0 = arith.muli %arg0, %mul3A : i32
    %add3A = arith.addi %mul3A_0, %arg1 : i32
    %mul3A_1 = arith.constant 10080 : i32
    %mul3A_2 = arith.muli %add3A, %mul3A_1 : i32
    %scan3A = arith.constant 0 : i32
    %scan3A_3 = arith.constant 0 : i32
    %scan3A_4 = arith.constant 96 : i32
    %scan3A_5 = arith.addi %scan3A_3, %scan3A_4 : i32
    %scan3A_6 = arith.constant 1 : i32
    scf.for %scan3A_100 = %scan3A_3 to %scan3A_5 step %scan3A_6  : i32 {
      %broadcast_in_dim3A = arith.constant 0.000000e+00 : f32
      %broadcast_in_dim3A_101 = vector.broadcast %broadcast_in_dim3A : f32 to vector<16xf32>
      %swap3A = arith.index_cast %scan3A_100 : i32 to index
      %swap3A_102 = arith.constant 0 : index
      %swap3A_103 = tpu.vector_load %arg9[%swap3A, %swap3A_102] {strides = array<i32>} : memref<96x128xf32, #tpu.memory_space<vmem>>, vector<1x16xf32>,
      %swap3A_104 = vector.shape_cast %swap3A_103 : vector<1x16xf32> to vector<16xf32>
      %swap3A_105 = vector.shape_cast %broadcast_in_dim3A_101 : vector<16xf32> to vector<1x16xf32>
      tpu.vector_store %arg9[%swap3A, %swap3A_102], %swap3A_105 {strides = array<i32>} : memref<96x128xf32, #tpu.memory_space<vmem>>, vector<1x16xf32>,
      %broadcast_in_dim3A_106 = arith.constant 0.000000e+00 : f32
      %broadcast_in_dim3A_107 = vector.broadcast %broadcast_in_dim3A_106 : f32 to vector<16xf32>
      %swap3A_108 = arith.index_cast %scan3A_100 : i32 to index
      %swap3A_109 = arith.constant 16 : index
      %swap3A_110 = tpu.vector_load %arg9[%swap3A_108, %swap3A_109] {strides = array<i32>} : memref<96x128xf32, #tpu.memory_space<vmem>>, vector<1x16xf32>,
      %swap3A_111 = vector.shape_cast %swap3A_110 : vector<1x16xf32> to vector<16xf32>
      %swap3A_112 = vector.shape_cast %broadcast_in_dim3A_107 : vector<16xf32> to vector<1x16xf32>
      tpu.vector_store %arg9[%swap3A_108, %swap3A_109], %swap3A_112 {strides = array<i32>} : memref<96x128xf32, #tpu.memory_space<vmem>>, vector<1x16xf32>,
      %broadcast_in_dim3A_113 = arith.constant 0.000000e+00 : f32
      %broadcast_in_dim3A_114 = vector.broadcast %broadcast_in_dim3A_113 : f32 to vector<16xf32>
      %swap3A_115 = arith.index_cast %scan3A_100 : i32 to index
      %swap3A_116 = arith.constant 32 : index
      %swap3A_117 = tpu.vector_load %arg9[%swap3A_115, %swap3A_116] {strides = array<i32>} : memref<96x128xf32, #tpu.memory_space<vmem>>, vector<1x16xf32>,
      %swap3A_118 = vector.shape_cast %swap3A_117 : vector<1x16xf32> to vector<16xf32>
      %swap3A_119 = vector.shape_cast %broadcast_in_dim3A_114 : vector<16xf32> to vector<1x16xf32>
      tpu.vector_store %arg9[%swap3A_115, %swap3A_116], %swap3A_119 {strides = array<i32>} : memref<96x128xf32, #tpu.memory_space<vmem>>, vector<1x16xf32>,
      %broadcast_in_dim3A_120 = arith.constant 0.000000e+00 : f32
      %broadcast_in_dim3A_121 = vector.broadcast %broadcast_in_dim3A_120 : f32 to vector<16xf32>
      %swap3A_122 = arith.index_cast %scan3A_100 : i32 to index
      %swap3A_123 = arith.constant 48 : index
      %swap3A_124 = tpu.vector_load %arg9[%swap3A_122, %swap3A_123] {strides = array<i32>} : memref<96x128xf32, #tpu.memory_space<vmem>>, vector<1x16xf32>,
      %swap3A_125 = vector.shape_cast %swap3A_124 : vector<1x16xf32> to vector<16xf32>
      %swap3A_126 = vector.shape_cast %broadcast_in_dim3A_121 : vector<16xf32> to vector<1x16xf32>
      tpu.vector_store %arg9[%swap3A_122, %swap3A_123], %swap3A_126 {strides = array<i32>} : memref<96x128xf32, #tpu.memory_space<vmem>>, vector<1x16xf32>,
      %broadcast_in_dim3A_127 = arith.constant 0.000000e+00 : f32
      %broadcast_in_dim3A_128 = vector.broadcast %broadcast_in_dim3A_127 : f32 to vector<16xf32>
      %swap3A_129 = arith.index_cast %scan3A_100 : i32 to index
      %swap3A_130 = arith.constant 64 : index
      %swap3A_131 = tpu.vector_load %arg9[%swap3A_129, %swap3A_130] {strides = array<i32>} : memref<96x128xf32, #tpu.memory_space<vmem>>, vector<1x16xf32>,
      %swap3A_132 = vector.shape_cast %swap3A_131 : vector<1x16xf32> to vector<16xf32>
      %swap3A_133 = vector.shape_cast %broadcast_in_dim3A_128 : vector<16xf32> to vector<1x16xf32>
      tpu.vector_store %arg9[%swap3A_129, %swap3A_130], %swap3A_133 {strides = array<i32>} : memref<96x128xf32, #tpu.memory_space<vmem>>, vector<1x16xf32>,
      %broadcast_in_dim3A_134 = arith.constant 0.000000e+00 : f32
      %broadcast_in_dim3A_135 = vector.broadcast %broadcast_in_dim3A_134 : f32 to vector<16xf32>
      %swap3A_136 = arith.index_cast %scan3A_100 : i32 to index
      %swap3A_137 = arith.constant 80 : index
      %swap3A_138 = tpu.vector_load %arg9[%swap3A_136, %swap3A_137] {strides = array<i32>} : memref<96x128xf32, #tpu.memory_space<vmem>>, vector<1x16xf32>,
      %swap3A_139 = vector.shape_cast %swap3A_138 : vector<1x16xf32> to vector<16xf32>
      %swap3A_140 = vector.shape_cast %broadcast_in_dim3A_135 : vector<16xf32> to vector<1x16xf32>
      tpu.vector_store %arg9[%swap3A_136, %swap3A_137], %swap3A_140 {strides = array<i32>} : memref<96x128xf32, #tpu.memory_space<vmem>>, vector<1x16xf32>,
      %broadcast_in_dim3A_141 = arith.constant 0.000000e+00 : f32
      %broadcast_in_dim3A_142 = vector.broadcast %broadcast_in_dim3A_141 : f32 to vector<16xf32>
      %swap3A_143 = arith.index_cast %scan3A_100 : i32 to index
      %swap3A_144 = arith.constant 96 : index
      %swap3A_145 = tpu.vector_load %arg9[%swap3A_143, %swap3A_144] {strides = array<i32>} : memref<96x128xf32, #tpu.memory_space<vmem>>, vector<1x16xf32>,
      %swap3A_146 = vector.shape_cast %swap3A_145 : vector<1x16xf32> to vector<16xf32>
      %swap3A_147 = vector.shape_cast %broadcast_in_dim3A_142 : vector<16xf32> to vector<1x16xf32>
      tpu.vector_store %arg9[%swap3A_143, %swap3A_144], %swap3A_147 {strides = array<i32>} : memref<96x128xf32, #tpu.memory_space<vmem>>, vector<1x16xf32>,
      %broadcast_in_dim3A_148 = arith.constant 0.000000e+00 : f32
      %broadcast_in_dim3A_149 = vector.broadcast %broadcast_in_dim3A_148 : f32 to vector<16xf32>
      %swap3A_150 = arith.index_cast %scan3A_100 : i32 to index
      %swap3A_151 = arith.constant 112 : index
      %swap3A_152 = tpu.vector_load %arg9[%swap3A_150, %swap3A_151] {strides = array<i32>} : memref<96x128xf32, #tpu.memory_space<vmem>>, vector<1x16xf32>,
      %swap3A_153 = vector.shape_cast %swap3A_152 : vector<1x16xf32> to vector<16xf32>
      %swap3A_154 = vector.shape_cast %broadcast_in_dim3A_149 : vector<16xf32> to vector<1x16xf32>
      tpu.vector_store %arg9[%swap3A_150, %swap3A_151], %swap3A_154 {strides = array<i32>} : memref<96x128xf32, #tpu.memory_space<vmem>>, vector<1x16xf32>,
    }
    %scan3A_7 = arith.constant 96 : i32
    %mul3A_8 = arith.constant 640 : i32
    %mul3A_9 = arith.muli %arg1, %mul3A_8 : i32
    %add3A_10 = arith.constant 0 : i32
    %add3A_11 = arith.addi %mul3A_9, %add3A_10 : i32
    "tpu.region"() ({
      %run_scoped3A = tpu.sem_alloc : memref<!tpu.dma_semaphore, #tpu.memory_space<semaphore_mem>>
      %dma_start3A_100 = arith.constant 0 : i32
      %dma_start3A_101 = tpu.memref_slice %arg12[%add3A_11, %dma_start3A_100] : memref<10240x128xf32, #tpu.memory_space<vmem_shared>> -> memref<96x128xf32, #tpu.memory_space<vmem_shared>>
      %dma_start3A_102 = arith.constant 0 : i32
      %dma_start3A_103 = tpu.memref_slice %arg12[%add3A_11, %dma_start3A_102] : memref<10240x128xf32, #tpu.memory_space<vmem_shared>> -> memref<96x128xf32, #tpu.memory_space<vmem_shared>>
      tpu.enqueue_dma source(%arg9 : memref<96x128xf32, #tpu.memory_space<vmem>>) target(%dma_start3A_103 : memref<96x128xf32, #tpu.memory_space<vmem_shared>>) target_semaphore(%run_scoped3A : memref<!tpu.dma_semaphore, #tpu.memory_space<semaphore_mem>>)
      %dma_wait3A_104 = arith.constant 0 : i32
      %dma_wait3A_105 = tpu.memref_slice %arg12[%add3A_11, %dma_wait3A_104] : memref<10240x128xf32, #tpu.memory_space<vmem_shared>> -> memref<96x128xf32, #tpu.memory_space<vmem_shared>>
      %dma_wait3A_106 = arith.constant 0 : i32
      %dma_wait3A_107 = tpu.memref_slice %arg12[%add3A_11, %dma_wait3A_106] : memref<10240x128xf32, #tpu.memory_space<vmem_shared>> -> memref<96x128xf32, #tpu.memory_space<vmem_shared>>
      tpu.wait_dma2 semaphore(%run_scoped3A : memref<!tpu.dma_semaphore, #tpu.memory_space<semaphore_mem>>) src(%arg9 : memref<96x128xf32, #tpu.memory_space<vmem>>) dst(%dma_wait3A_107 : memref<96x128xf32, #tpu.memory_space<vmem_shared>>)
      tpu.yield
    }) : () -> ()
    %add3A_12 = arith.constant 96 : i32
    %add3A_13 = arith.addi %mul3A_9, %add3A_12 : i32
    "tpu.region"() ({
      %run_scoped3A = tpu.sem_alloc : memref<!tpu.dma_semaphore, #tpu.memory_space<semaphore_mem>>
      %dma_start3A_100 = arith.constant 0 : i32
      %dma_start3A_101 = tpu.memref_slice %arg12[%add3A_13, %dma_start3A_100] : memref<10240x128xf32, #tpu.memory_space<vmem_shared>> -> memref<96x128xf32, #tpu.memory_space<vmem_shared>>
      %dma_start3A_102 = arith.constant 0 : i32
      %dma_start3A_103 = tpu.memref_slice %arg12[%add3A_13, %dma_start3A_102] : memref<10240x128xf32, #tpu.memory_space<vmem_shared>> -> memref<96x128xf32, #tpu.memory_space<vmem_shared>>
      tpu.enqueue_dma source(%arg9 : memref<96x128xf32, #tpu.memory_space<vmem>>) target(%dma_start3A_103 : memref<96x128xf32, #tpu.memory_space<vmem_shared>>) target_semaphore(%run_scoped3A : memref<!tpu.dma_semaphore, #tpu.memory_space<semaphore_mem>>)
      %dma_wait3A_104 = arith.constant 0 : i32
      %dma_wait3A_105 = tpu.memref_slice %arg12[%add3A_13, %dma_wait3A_104] : memref<10240x128xf32, #tpu.memory_space<vmem_shared>> -> memref<96x128xf32, #tpu.memory_space<vmem_shared>>
      %dma_wait3A_106 = arith.constant 0 : i32
      %dma_wait3A_107 = tpu.memref_slice %arg12[%add3A_13, %dma_wait3A_106] : memref<10240x128xf32, #tpu.memory_space<vmem_shared>> -> memref<96x128xf32, #tpu.memory_space<vmem_shared>>
      tpu.wait_dma2 semaphore(%run_scoped3A : memref<!tpu.dma_semaphore, #tpu.memory_space<semaphore_mem>>) src(%arg9 : memref<96x128xf32, #tpu.memory_space<vmem>>) dst(%dma_wait3A_107 : memref<96x128xf32, #tpu.memory_space<vmem_shared>>)
      tpu.yield
    }) : () -> ()
    %add3A_14 = arith.constant 192 : i32
    %add3A_15 = arith.addi %mul3A_9, %add3A_14 : i32
    "tpu.region"() ({
      %run_scoped3A = tpu.sem_alloc : memref<!tpu.dma_semaphore, #tpu.memory_space<semaphore_mem>>
      %dma_start3A_100 = arith.constant 0 : i32
      %dma_start3A_101 = tpu.memref_slice %arg12[%add3A_15, %dma_start3A_100] : memref<10240x128xf32, #tpu.memory_space<vmem_shared>> -> memref<96x128xf32, #tpu.memory_space<vmem_shared>>
      %dma_start3A_102 = arith.constant 0 : i32
      %dma_start3A_103 = tpu.memref_slice %arg12[%add3A_15, %dma_start3A_102] : memref<10240x128xf32, #tpu.memory_space<vmem_shared>> -> memref<96x128xf32, #tpu.memory_space<vmem_shared>>
      tpu.enqueue_dma source(%arg9 : memref<96x128xf32, #tpu.memory_space<vmem>>) target(%dma_start3A_103 : memref<96x128xf32, #tpu.memory_space<vmem_shared>>) target_semaphore(%run_scoped3A : memref<!tpu.dma_semaphore, #tpu.memory_space<semaphore_mem>>)
      %dma_wait3A_104 = arith.constant 0 : i32
      %dma_wait3A_105 = tpu.memref_slice %arg12[%add3A_15, %dma_wait3A_104] : memref<10240x128xf32, #tpu.memory_space<vmem_shared>> -> memref<96x128xf32, #tpu.memory_space<vmem_shared>>
      %dma_wait3A_106 = arith.constant 0 : i32
      %dma_wait3A_107 = tpu.memref_slice %arg12[%add3A_15, %dma_wait3A_106] : memref<10240x128xf32, #tpu.memory_space<vmem_shared>> -> memref<96x128xf32, #tpu.memory_space<vmem_shared>>
      tpu.wait_dma2 semaphore(%run_scoped3A : memref<!tpu.dma_semaphore, #tpu.memory_space<semaphore_mem>>) src(%arg9 : memref<96x128xf32, #tpu.memory_space<vmem>>) dst(%dma_wait3A_107 : memref<96x128xf32, #tpu.memory_space<vmem_shared>>)
      tpu.yield
    }) : () -> ()
    %add3A_16 = arith.constant 288 : i32
    %add3A_17 = arith.addi %mul3A_9, %add3A_16 : i32
    "tpu.region"() ({
      %run_scoped3A = tpu.sem_alloc : memref<!tpu.dma_semaphore, #tpu.memory_space<semaphore_mem>>
      %dma_start3A_100 = arith.constant 0 : i32
      %dma_start3A_101 = tpu.memref_slice %arg12[%add3A_17, %dma_start3A_100] : memref<10240x128xf32, #tpu.memory_space<vmem_shared>> -> memref<96x128xf32, #tpu.memory_space<vmem_shared>>
      %dma_start3A_102 = arith.constant 0 : i32
      %dma_start3A_103 = tpu.memref_slice %arg12[%add3A_17, %dma_start3A_102] : memref<10240x128xf32, #tpu.memory_space<vmem_shared>> -> memref<96x128xf32, #tpu.memory_space<vmem_shared>>
      tpu.enqueue_dma source(%arg9 : memref<96x128xf32, #tpu.memory_space<vmem>>) target(%dma_start3A_103 : memref<96x128xf32, #tpu.memory_space<vmem_shared>>) target_semaphore(%run_scoped3A : memref<!tpu.dma_semaphore, #tpu.memory_space<semaphore_mem>>)
      %dma_wait3A_104 = arith.constant 0 : i32
      %dma_wait3A_105 = tpu.memref_slice %arg12[%add3A_17, %dma_wait3A_104] : memref<10240x128xf32, #tpu.memory_space<vmem_shared>> -> memref<96x128xf32, #tpu.memory_space<vmem_shared>>
      %dma_wait3A_106 = arith.constant 0 : i32
      %dma_wait3A_107 = tpu.memref_slice %arg12[%add3A_17, %dma_wait3A_106] : memref<10240x128xf32, #tpu.memory_space<vmem_shared>> -> memref<96x128xf32, #tpu.memory_space<vmem_shared>>
      tpu.wait_dma2 semaphore(%run_scoped3A : memref<!tpu.dma_semaphore, #tpu.memory_space<semaphore_mem>>) src(%arg9 : memref<96x128xf32, #tpu.memory_space<vmem>>) dst(%dma_wait3A_107 : memref<96x128xf32, #tpu.memory_space<vmem_shared>>)
      tpu.yield
    }) : () -> ()
    %add3A_18 = arith.constant 384 : i32
    %add3A_19 = arith.addi %mul3A_9, %add3A_18 : i32
    "tpu.region"() ({
      %run_scoped3A = tpu.sem_alloc : memref<!tpu.dma_semaphore, #tpu.memory_space<semaphore_mem>>
      %dma_start3A_100 = arith.constant 0 : i32
      %dma_start3A_101 = tpu.memref_slice %arg12[%add3A_19, %dma_start3A_100] : memref<10240x128xf32, #tpu.memory_space<vmem_shared>> -> memref<96x128xf32, #tpu.memory_space<vmem_shared>>
      %dma_start3A_102 = arith.constant 0 : i32
      %dma_start3A_103 = tpu.memref_slice %arg12[%add3A_19, %dma_start3A_102] : memref<10240x128xf32, #tpu.memory_space<vmem_shared>> -> memref<96x128xf32, #tpu.memory_space<vmem_shared>>
      tpu.enqueue_dma source(%arg9 : memref<96x128xf32, #tpu.memory_space<vmem>>) target(%dma_start3A_103 : memref<96x128xf32, #tpu.memory_space<vmem_shared>>) target_semaphore(%run_scoped3A : memref<!tpu.dma_semaphore, #tpu.memory_space<semaphore_mem>>)
      %dma_wait3A_104 = arith.constant 0 : i32
      %dma_wait3A_105 = tpu.memref_slice %arg12[%add3A_19, %dma_wait3A_104] : memref<10240x128xf32, #tpu.memory_space<vmem_shared>> -> memref<96x128xf32, #tpu.memory_space<vmem_shared>>
      %dma_wait3A_106 = arith.constant 0 : i32
      %dma_wait3A_107 = tpu.memref_slice %arg12[%add3A_19, %dma_wait3A_106] : memref<10240x128xf32, #tpu.memory_space<vmem_shared>> -> memref<96x128xf32, #tpu.memory_space<vmem_shared>>
      tpu.wait_dma2 semaphore(%run_scoped3A : memref<!tpu.dma_semaphore, #tpu.memory_space<semaphore_mem>>) src(%arg9 : memref<96x128xf32, #tpu.memory_space<vmem>>) dst(%dma_wait3A_107 : memref<96x128xf32, #tpu.memory_space<vmem_shared>>)
      tpu.yield
    }) : () -> ()
    %add3A_20 = arith.constant 480 : i32
    %add3A_21 = arith.addi %mul3A_9, %add3A_20 : i32
    "tpu.region"() ({
      %run_scoped3A = tpu.sem_alloc : memref<!tpu.dma_semaphore, #tpu.memory_space<semaphore_mem>>
      %dma_start3A_100 = arith.constant 0 : i32
      %dma_start3A_101 = tpu.memref_slice %arg12[%add3A_21, %dma_start3A_100] : memref<10240x128xf32, #tpu.memory_space<vmem_shared>> -> memref<96x128xf32, #tpu.memory_space<vmem_shared>>
      %dma_start3A_102 = arith.constant 0 : i32
      %dma_start3A_103 = tpu.memref_slice %arg12[%add3A_21, %dma_start3A_102] : memref<10240x128xf32, #tpu.memory_space<vmem_shared>> -> memref<96x128xf32, #tpu.memory_space<vmem_shared>>
      tpu.enqueue_dma source(%arg9 : memref<96x128xf32, #tpu.memory_space<vmem>>) target(%dma_start3A_103 : memref<96x128xf32, #tpu.memory_space<vmem_shared>>) target_semaphore(%run_scoped3A : memref<!tpu.dma_semaphore, #tpu.memory_space<semaphore_mem>>)
      %dma_wait3A_104 = arith.constant 0 : i32
      %dma_wait3A_105 = tpu.memref_slice %arg12[%add3A_21, %dma_wait3A_104] : memref<10240x128xf32, #tpu.memory_space<vmem_shared>> -> memref<96x128xf32, #tpu.memory_space<vmem_shared>>
      %dma_wait3A_106 = arith.constant 0 : i32
      %dma_wait3A_107 = tpu.memref_slice %arg12[%add3A_21, %dma_wait3A_106] : memref<10240x128xf32, #tpu.memory_space<vmem_shared>> -> memref<96x128xf32, #tpu.memory_space<vmem_shared>>
      tpu.wait_dma2 semaphore(%run_scoped3A : memref<!tpu.dma_semaphore, #tpu.memory_space<semaphore_mem>>) src(%arg9 : memref<96x128xf32, #tpu.memory_space<vmem>>) dst(%dma_wait3A_107 : memref<96x128xf32, #tpu.memory_space<vmem_shared>>)
      tpu.yield
    }) : () -> ()
    %add3A_22 = arith.constant 576 : i32
    %add3A_23 = arith.addi %mul3A_9, %add3A_22 : i32
    "tpu.region"() ({
      %run_scoped3A = tpu.sem_alloc : memref<!tpu.dma_semaphore, #tpu.memory_space<semaphore_mem>>
      %dma_start3A_100 = arith.constant 0 : i32
      %dma_start3A_101 = arith.constant 0 : i32
      %dma_start3A_102 = tpu.memref_slice %arg9[%dma_start3A_100, %dma_start3A_101] : memref<96x128xf32, #tpu.memory_space<vmem>> -> memref<64x128xf32, #tpu.memory_space<vmem>>
      %dma_start3A_103 = arith.constant 0 : i32
      %dma_start3A_104 = tpu.memref_slice %arg12[%add3A_23, %dma_start3A_103] : memref<10240x128xf32, #tpu.memory_space<vmem_shared>> -> memref<64x128xf32, #tpu.memory_space<vmem_shared>>
      %dma_start3A_105 = arith.constant 0 : i32
      %dma_start3A_106 = tpu.memref_slice %arg12[%add3A_23, %dma_start3A_105] : memref<10240x128xf32, #tpu.memory_space<vmem_shared>> -> memref<64x128xf32, #tpu.memory_space<vmem_shared>>
      %dma_start3A_107 = arith.constant 0 : i32
      %dma_start3A_108 = arith.constant 0 : i32
      %dma_start3A_109 = tpu.memref_slice %arg9[%dma_start3A_107, %dma_start3A_108] : memref<96x128xf32, #tpu.memory_space<vmem>> -> memref<64x128xf32, #tpu.memory_space<vmem>>
      tpu.enqueue_dma source(%dma_start3A_109 : memref<64x128xf32, #tpu.memory_space<vmem>>) target(%dma_start3A_106 : memref<64x128xf32, #tpu.memory_space<vmem_shared>>) target_semaphore(%run_scoped3A : memref<!tpu.dma_semaphore, #tpu.memory_space<semaphore_mem>>)
      %dma_wait3A_110 = arith.constant 0 : i32
      %dma_wait3A_111 = arith.constant 0 : i32
      %dma_wait3A_112 = tpu.memref_slice %arg9[%dma_wait3A_110, %dma_wait3A_111] : memref<96x128xf32, #tpu.memory_space<vmem>> -> memref<64x128xf32, #tpu.memory_space<vmem>>
      %dma_wait3A_113 = arith.constant 0 : i32
      %dma_wait3A_114 = tpu.memref_slice %arg12[%add3A_23, %dma_wait3A_113] : memref<10240x128xf32, #tpu.memory_space<vmem_shared>> -> memref<64x128xf32, #tpu.memory_space<vmem_shared>>
      %dma_wait3A_115 = arith.constant 0 : i32
      %dma_wait3A_116 = tpu.memref_slice %arg12[%add3A_23, %dma_wait3A_115] : memref<10240x128xf32, #tpu.memory_space<vmem_shared>> -> memref<64x128xf32, #tpu.memory_space<vmem_shared>>
      %dma_wait3A_117 = arith.constant 0 : i32
      %dma_wait3A_118 = arith.constant 0 : i32
      %dma_wait3A_119 = tpu.memref_slice %arg9[%dma_wait3A_117, %dma_wait3A_118] : memref<96x128xf32, #tpu.memory_space<vmem>> -> memref<64x128xf32, #tpu.memory_space<vmem>>
      tpu.wait_dma2 semaphore(%run_scoped3A : memref<!tpu.dma_semaphore, #tpu.memory_space<semaphore_mem>>) src(%dma_wait3A_119 : memref<64x128xf32, #tpu.memory_space<vmem>>) dst(%dma_wait3A_116 : memref<64x128xf32, #tpu.memory_space<vmem_shared>>)
      tpu.yield
    }) : () -> ()
    %barrier3A = arith.constant 0 : index
    tpu.barrier barrier_id(%barrier3A)
    %dma_start3A = arith.constant 0 : i32
    %dma_start3A_24 = arith.constant 0 : i32
    %dma_start3A_25 = arith.constant 0 : i32
    %dma_start3A_26 = tpu.memref_slice %arg4[%add3A, %dma_start3A, %dma_start3A_24, %dma_start3A_25] : memref<32x105x2x96xi32, #tpu.memory_space<hbm>> -> memref<1x1x2x96xi32, #tpu.memory_space<hbm>>
    %dma_start3A_27 = tpu.memref_squeeze %dma_start3A_26 : memref<1x1x2x96xi32, #tpu.memory_space<hbm>> -> memref<2x96xi32, #tpu.memory_space<hbm>>
    %dma_start3A_28 = arith.constant 0 : i32
    %dma_start3A_29 = arith.constant 0 : i32
    %dma_start3A_30 = tpu.memref_slice %arg4[%add3A, %dma_start3A, %dma_start3A_28, %dma_start3A_29] : memref<32x105x2x96xi32, #tpu.memory_space<hbm>> -> memref<1x1x2x96xi32, #tpu.memory_space<hbm>>
    %dma_start3A_31 = tpu.memref_squeeze %dma_start3A_30 : memref<1x1x2x96xi32, #tpu.memory_space<hbm>> -> memref<2x96xi32, #tpu.memory_space<hbm>>
    tpu.enqueue_dma source(%dma_start3A_31 : memref<2x96xi32, #tpu.memory_space<hbm>>) target(%arg6 : memref<2x96xi32, #tpu.memory_space<vmem>>) target_semaphore(%arg13 : memref<!tpu.dma_semaphore, #tpu.memory_space<semaphore_mem>>)
    %add3A_32 = arith.constant 0 : i32
    %add3A_33 = arith.addi %mul3A_2, %add3A_32 : i32
    %dma_start3A_34 = arith.constant 0 : i32
    %dma_start3A_35 = tpu.memref_slice %arg3[%add3A_33, %dma_start3A_34] : memref<322560x128xf32, #tpu.memory_space<hbm>> -> memref<96x128xf32, #tpu.memory_space<hbm>>
    %dma_start3A_36 = arith.constant 0 : i32
    %dma_start3A_37 = tpu.memref_slice %arg3[%add3A_33, %dma_start3A_36] : memref<322560x128xf32, #tpu.memory_space<hbm>> -> memref<96x128xf32, #tpu.memory_space<hbm>>
    tpu.enqueue_dma source(%dma_start3A_37 : memref<96x128xf32, #tpu.memory_space<hbm>>) target(%arg9 : memref<96x128xf32, #tpu.memory_space<vmem>>) target_semaphore(%arg16 : memref<!tpu.dma_semaphore, #tpu.memory_space<semaphore_mem>>)
    %dma_start3A_38 = arith.constant 1 : i32
    %dma_start3A_39 = arith.constant 0 : i32
    %dma_start3A_40 = arith.constant 0 : i32
    %dma_start3A_41 = tpu.memref_slice %arg4[%add3A, %dma_start3A_38, %dma_start3A_39, %dma_start3A_40] : memref<32x105x2x96xi32, #tpu.memory_space<hbm>> -> memref<1x1x2x96xi32, #tpu.memory_space<hbm>>
    %dma_start3A_42 = tpu.memref_squeeze %dma_start3A_41 : memref<1x1x2x96xi32, #tpu.memory_space<hbm>> -> memref<2x96xi32, #tpu.memory_space<hbm>>
    %dma_start3A_43 = arith.constant 0 : i32
    %dma_start3A_44 = arith.constant 0 : i32
    %dma_start3A_45 = tpu.memref_slice %arg4[%add3A, %dma_start3A_38, %dma_start3A_43, %dma_start3A_44] : memref<32x105x2x96xi32, #tpu.memory_space<hbm>> -> memref<1x1x2x96xi32, #tpu.memory_space<hbm>>
    %dma_start3A_46 = tpu.memref_squeeze %dma_start3A_45 : memref<1x1x2x96xi32, #tpu.memory_space<hbm>> -> memref<2x96xi32, #tpu.memory_space<hbm>>
    tpu.enqueue_dma source(%dma_start3A_46 : memref<2x96xi32, #tpu.memory_space<hbm>>) target(%arg7 : memref<2x96xi32, #tpu.memory_space<vmem>>) target_semaphore(%arg14 : memref<!tpu.dma_semaphore, #tpu.memory_space<semaphore_mem>>)
    %add3A_47 = arith.constant 96 : i32
    %add3A_48 = arith.addi %mul3A_2, %add3A_47 : i32
    %dma_start3A_49 = arith.constant 0 : i32
    %dma_start3A_50 = tpu.memref_slice %arg3[%add3A_48, %dma_start3A_49] : memref<322560x128xf32, #tpu.memory_space<hbm>> -> memref<96x128xf32, #tpu.memory_space<hbm>>
    %dma_start3A_51 = arith.constant 0 : i32
    %dma_start3A_52 = tpu.memref_slice %arg3[%add3A_48, %dma_start3A_51] : memref<322560x128xf32, #tpu.memory_space<hbm>> -> memref<96x128xf32, #tpu.memory_space<hbm>>
    tpu.enqueue_dma source(%dma_start3A_52 : memref<96x128xf32, #tpu.memory_space<hbm>>) target(%arg10 : memref<96x128xf32, #tpu.memory_space<vmem>>) target_semaphore(%arg17 : memref<!tpu.dma_semaphore, #tpu.memory_space<semaphore_mem>>)
    %dma_wait3A = arith.constant 0 : i32
    %dma_wait3A_53 = arith.constant 0 : i32
    %dma_wait3A_54 = arith.constant 0 : i32
    %dma_wait3A_55 = tpu.memref_slice %arg4[%add3A, %dma_wait3A, %dma_wait3A_53, %dma_wait3A_54] : memref<32x105x2x96xi32, #tpu.memory_space<hbm>> -> memref<1x1x2x96xi32, #tpu.memory_space<hbm>>
    %dma_wait3A_56 = tpu.memref_squeeze %dma_wait3A_55 : memref<1x1x2x96xi32, #tpu.memory_space<hbm>> -> memref<2x96xi32, #tpu.memory_space<hbm>>
    %dma_wait3A_57 = arith.constant 0 : i32
    %dma_wait3A_58 = arith.constant 0 : i32
    %dma_wait3A_59 = tpu.memref_slice %arg4[%add3A, %dma_wait3A, %dma_wait3A_57, %dma_wait3A_58] : memref<32x105x2x96xi32, #tpu.memory_space<hbm>> -> memref<1x1x2x96xi32, #tpu.memory_space<hbm>>
    %dma_wait3A_60 = tpu.memref_squeeze %dma_wait3A_59 : memref<1x1x2x96xi32, #tpu.memory_space<hbm>> -> memref<2x96xi32, #tpu.memory_space<hbm>>
    tpu.wait_dma2 semaphore(%arg13 : memref<!tpu.dma_semaphore, #tpu.memory_space<semaphore_mem>>) src(%dma_wait3A_60 : memref<2x96xi32, #tpu.memory_space<hbm>>) dst(%arg6 : memref<2x96xi32, #tpu.memory_space<vmem>>)
    %dma_wait3A_61 = arith.constant 0 : i32
    %dma_wait3A_62 = tpu.memref_slice %arg3[%mul3A_2, %dma_wait3A_61] : memref<322560x128xf32, #tpu.memory_space<hbm>> -> memref<96x128xf32, #tpu.memory_space<hbm>>
    %dma_wait3A_63 = arith.constant 0 : i32
    %dma_wait3A_64 = tpu.memref_slice %arg3[%mul3A_2, %dma_wait3A_63] : memref<322560x128xf32, #tpu.memory_space<hbm>> -> memref<96x128xf32, #tpu.memory_space<hbm>>
    tpu.wait_dma2 semaphore(%arg16 : memref<!tpu.dma_semaphore, #tpu.memory_space<semaphore_mem>>) src(%dma_wait3A_64 : memref<96x128xf32, #tpu.memory_space<hbm>>) dst(%arg9 : memref<96x128xf32, #tpu.memory_space<vmem>>)
    %dma_start3A_65 = arith.constant 0 : i32
    %dma_start3A_66 = arith.constant 0 : i32
    %dma_start3A_67 = tpu.memref_slice %arg6[%dma_start3A_65, %dma_start3A_66] : memref<2x96xi32, #tpu.memory_space<vmem>> -> memref<1x96xi32, #tpu.memory_space<vmem>>
    %dma_start3A_68 = tpu.memref_squeeze %dma_start3A_67 : memref<1x96xi32, #tpu.memory_space<vmem>> -> memref<96xi32, #tpu.memory_space<vmem>>
    %dma_start3A_69 = arith.constant 0 : i32
    %dma_start3A_70 = arith.constant 0 : i32
    %dma_start3A_71 = tpu.memref_slice %arg2[%dma_start3A_69, %dma_start3A_70] : memref<10240x128xf32, #tpu.memory_space<hbm>> -> memref<10240x128xf32, #tpu.memory_space<hbm>>
    tpu.enqueue_indirect_dma source(%dma_start3A_71 : memref<10240x128xf32, #tpu.memory_space<hbm>>) target(%arg9 : memref<96x128xf32, #tpu.memory_space<vmem>>) offsets(%dma_start3A_68 : memref<96xi32, #tpu.memory_space<vmem>>) semaphore(%arg19 : memref<!tpu.dma_semaphore, #tpu.memory_space<semaphore_mem>>) {add = true}
    %scan3A_72 = arith.constant 0 : i32
    %scan3A_73 = arith.constant 0 : i32
    %scan3A_74 = arith.constant 35 : i32
    %scan3A_75 = arith.addi %scan3A_73, %scan3A_74 : i32
    %scan3A_76 = arith.constant 1 : i32
    scf.for %scan3A_100 = %scan3A_73 to %scan3A_75 step %scan3A_76  : i32 {
      %mul3A_101 = arith.constant 3 : i32
      %mul3A_102 = arith.muli %mul3A_101, %scan3A_100 : i32
      %add3A_103 = arith.constant 0 : i32
      %add3A_104 = arith.addi %mul3A_102, %add3A_103 : i32
      %dma_wait3A_105 = arith.constant 0 : i32
      %dma_wait3A_106 = arith.constant 0 : i32
      %dma_wait3A_107 = tpu.memref_slice %arg6[%dma_wait3A_105, %dma_wait3A_106] : memref<2x96xi32, #tpu.memory_space<vmem>> -> memref<1x96xi32, #tpu.memory_space<vmem>>
      %dma_wait3A_108 = tpu.memref_squeeze %dma_wait3A_107 : memref<1x96xi32, #tpu.memory_space<vmem>> -> memref<96xi32, #tpu.memory_space<vmem>>
      %dma_wait3A_109 = arith.constant 0 : i32
      %dma_wait3A_110 = arith.constant 0 : i32
      %dma_wait3A_111 = tpu.memref_slice %arg2[%dma_wait3A_109, %dma_wait3A_110] : memref<10240x128xf32, #tpu.memory_space<hbm>> -> memref<10240x128xf32, #tpu.memory_space<hbm>>
      tpu.wait_indirect_dma semaphore(%arg19 : memref<!tpu.dma_semaphore, #tpu.memory_space<semaphore_mem>>) src(%dma_wait3A_111 : memref<10240x128xf32, #tpu.memory_space<hbm>>) dst(%arg9 : memref<96x128xf32, #tpu.memory_space<vmem>>)
      %scan3A_112 = arith.constant 0 : i32
      %scan3A_113 = arith.constant 0 : i32
      %scan3A_114 = arith.constant 96 : i32
      %scan3A_115 = arith.addi %scan3A_113, %scan3A_114 : i32
      %scan3A_116 = arith.constant 1 : i32
      scf.for %scan3A_226 = %scan3A_113 to %scan3A_115 step %scan3A_116  : i32 {
        %get3A = arith.index_cast %scan3A_226 : i32 to index
        %get3A_227 = arith.constant 0 : index
        %get3A_228 = tpu.vector_load %arg9[%get3A, %get3A_227] {strides = array<i32>} : memref<96x128xf32, #tpu.memory_space<vmem>>, vector<1x16xf32>,
        %get3A_229 = vector.shape_cast %get3A_228 : vector<1x16xf32> to vector<16xf32>
        %max3A = arith.constant 0.000000e+00 : f32
        %max3A_230 = vector.broadcast %max3A : f32 to vector<16xf32>
        %max3A_231 = arith.maximumf %get3A_229, %max3A_230 : vector<16xf32>
        %swap3A = arith.index_cast %scan3A_226 : i32 to index
        %swap3A_232 = arith.constant 0 : index
        %swap3A_233 = tpu.vector_load %arg9[%swap3A, %swap3A_232] {strides = array<i32>} : memref<96x128xf32, #tpu.memory_space<vmem>>, vector<1x16xf32>,
        %swap3A_234 = vector.shape_cast %swap3A_233 : vector<1x16xf32> to vector<16xf32>
        %swap3A_235 = vector.shape_cast %max3A_231 : vector<16xf32> to vector<1x16xf32>
        tpu.vector_store %arg9[%swap3A, %swap3A_232], %swap3A_235 {strides = array<i32>} : memref<96x128xf32, #tpu.memory_space<vmem>>, vector<1x16xf32>,
        %get3A_236 = arith.index_cast %scan3A_226 : i32 to index
        %get3A_237 = arith.constant 16 : index
        %get3A_238 = tpu.vector_load %arg9[%get3A_236, %get3A_237] {strides = array<i32>} : memref<96x128xf32, #tpu.memory_space<vmem>>, vector<1x16xf32>,
        %get3A_239 = vector.shape_cast %get3A_238 : vector<1x16xf32> to vector<16xf32>
        %max3A_240 = arith.constant 0.000000e+00 : f32
        %max3A_241 = vector.broadcast %max3A_240 : f32 to vector<16xf32>
        %max3A_242 = arith.maximumf %get3A_239, %max3A_241 : vector<16xf32>
        %swap3A_243 = arith.index_cast %scan3A_226 : i32 to index
        %swap3A_244 = arith.constant 16 : index
        %swap3A_245 = tpu.vector_load %arg9[%swap3A_243, %swap3A_244] {strides = array<i32>} : memref<96x128xf32, #tpu.memory_space<vmem>>, vector<1x16xf32>,
        %swap3A_246 = vector.shape_cast %swap3A_245 : vector<1x16xf32> to vector<16xf32>
        %swap3A_247 = vector.shape_cast %max3A_242 : vector<16xf32> to vector<1x16xf32>
        tpu.vector_store %arg9[%swap3A_243, %swap3A_244], %swap3A_247 {strides = array<i32>} : memref<96x128xf32, #tpu.memory_space<vmem>>, vector<1x16xf32>,
        %get3A_248 = arith.index_cast %scan3A_226 : i32 to index
        %get3A_249 = arith.constant 32 : index
        %get3A_250 = tpu.vector_load %arg9[%get3A_248, %get3A_249] {strides = array<i32>} : memref<96x128xf32, #tpu.memory_space<vmem>>, vector<1x16xf32>,
        %get3A_251 = vector.shape_cast %get3A_250 : vector<1x16xf32> to vector<16xf32>
        %max3A_252 = arith.constant 0.000000e+00 : f32
        %max3A_253 = vector.broadcast %max3A_252 : f32 to vector<16xf32>
        %max3A_254 = arith.maximumf %get3A_251, %max3A_253 : vector<16xf32>
        %swap3A_255 = arith.index_cast %scan3A_226 : i32 to index
        %swap3A_256 = arith.constant 32 : index
        %swap3A_257 = tpu.vector_load %arg9[%swap3A_255, %swap3A_256] {strides = array<i32>} : memref<96x128xf32, #tpu.memory_space<vmem>>, vector<1x16xf32>,
        %swap3A_258 = vector.shape_cast %swap3A_257 : vector<1x16xf32> to vector<16xf32>
        %swap3A_259 = vector.shape_cast %max3A_254 : vector<16xf32> to vector<1x16xf32>
        tpu.vector_store %arg9[%swap3A_255, %swap3A_256], %swap3A_259 {strides = array<i32>} : memref<96x128xf32, #tpu.memory_space<vmem>>, vector<1x16xf32>,
        %get3A_260 = arith.index_cast %scan3A_226 : i32 to index
        %get3A_261 = arith.constant 48 : index
        %get3A_262 = tpu.vector_load %arg9[%get3A_260, %get3A_261] {strides = array<i32>} : memref<96x128xf32, #tpu.memory_space<vmem>>, vector<1x16xf32>,
        %get3A_263 = vector.shape_cast %get3A_262 : vector<1x16xf32> to vector<16xf32>
        %max3A_264 = arith.constant 0.000000e+00 : f32
        %max3A_265 = vector.broadcast %max3A_264 : f32 to vector<16xf32>
        %max3A_266 = arith.maximumf %get3A_263, %max3A_265 : vector<16xf32>
        %swap3A_267 = arith.index_cast %scan3A_226 : i32 to index
        %swap3A_268 = arith.constant 48 : index
        %swap3A_269 = tpu.vector_load %arg9[%swap3A_267, %swap3A_268] {strides = array<i32>} : memref<96x128xf32, #tpu.memory_space<vmem>>, vector<1x16xf32>,
        %swap3A_270 = vector.shape_cast %swap3A_269 : vector<1x16xf32> to vector<16xf32>
        %swap3A_271 = vector.shape_cast %max3A_266 : vector<16xf32> to vector<1x16xf32>
        tpu.vector_store %arg9[%swap3A_267, %swap3A_268], %swap3A_271 {strides = array<i32>} : memref<96x128xf32, #tpu.memory_space<vmem>>, vector<1x16xf32>,
        %get3A_272 = arith.index_cast %scan3A_226 : i32 to index
        %get3A_273 = arith.constant 64 : index
        %get3A_274 = tpu.vector_load %arg9[%get3A_272, %get3A_273] {strides = array<i32>} : memref<96x128xf32, #tpu.memory_space<vmem>>, vector<1x16xf32>,
        %get3A_275 = vector.shape_cast %get3A_274 : vector<1x16xf32> to vector<16xf32>
        %max3A_276 = arith.constant 0.000000e+00 : f32
        %max3A_277 = vector.broadcast %max3A_276 : f32 to vector<16xf32>
        %max3A_278 = arith.maximumf %get3A_275, %max3A_277 : vector<16xf32>
        %swap3A_279 = arith.index_cast %scan3A_226 : i32 to index
        %swap3A_280 = arith.constant 64 : index
        %swap3A_281 = tpu.vector_load %arg9[%swap3A_279, %swap3A_280] {strides = array<i32>} : memref<96x128xf32, #tpu.memory_space<vmem>>, vector<1x16xf32>,
        %swap3A_282 = vector.shape_cast %swap3A_281 : vector<1x16xf32> to vector<16xf32>
        %swap3A_283 = vector.shape_cast %max3A_278 : vector<16xf32> to vector<1x16xf32>
        tpu.vector_store %arg9[%swap3A_279, %swap3A_280], %swap3A_283 {strides = array<i32>} : memref<96x128xf32, #tpu.memory_space<vmem>>, vector<1x16xf32>,
        %get3A_284 = arith.index_cast %scan3A_226 : i32 to index
        %get3A_285 = arith.constant 80 : index
        %get3A_286 = tpu.vector_load %arg9[%get3A_284, %get3A_285] {strides = array<i32>} : memref<96x128xf32, #tpu.memory_space<vmem>>, vector<1x16xf32>,
        %get3A_287 = vector.shape_cast %get3A_286 : vector<1x16xf32> to vector<16xf32>
        %max3A_288 = arith.constant 0.000000e+00 : f32
        %max3A_289 = vector.broadcast %max3A_288 : f32 to vector<16xf32>
        %max3A_290 = arith.maximumf %get3A_287, %max3A_289 : vector<16xf32>
        %swap3A_291 = arith.index_cast %scan3A_226 : i32 to index
        %swap3A_292 = arith.constant 80 : index
        %swap3A_293 = tpu.vector_load %arg9[%swap3A_291, %swap3A_292] {strides = array<i32>} : memref<96x128xf32, #tpu.memory_space<vmem>>, vector<1x16xf32>,
        %swap3A_294 = vector.shape_cast %swap3A_293 : vector<1x16xf32> to vector<16xf32>
        %swap3A_295 = vector.shape_cast %max3A_290 : vector<16xf32> to vector<1x16xf32>
        tpu.vector_store %arg9[%swap3A_291, %swap3A_292], %swap3A_295 {strides = array<i32>} : memref<96x128xf32, #tpu.memory_space<vmem>>, vector<1x16xf32>,
        %get3A_296 = arith.index_cast %scan3A_226 : i32 to index
        %get3A_297 = arith.constant 96 : index
        %get3A_298 = tpu.vector_load %arg9[%get3A_296, %get3A_297] {strides = array<i32>} : memref<96x128xf32, #tpu.memory_space<vmem>>, vector<1x16xf32>,
        %get3A_299 = vector.shape_cast %get3A_298 : vector<1x16xf32> to vector<16xf32>
        %max3A_300 = arith.constant 0.000000e+00 : f32
        %max3A_301 = vector.broadcast %max3A_300 : f32 to vector<16xf32>
        %max3A_302 = arith.maximumf %get3A_299, %max3A_301 : vector<16xf32>
        %swap3A_303 = arith.index_cast %scan3A_226 : i32 to index
        %swap3A_304 = arith.constant 96 : index
        %swap3A_305 = tpu.vector_load %arg9[%swap3A_303, %swap3A_304] {strides = array<i32>} : memref<96x128xf32, #tpu.memory_space<vmem>>, vector<1x16xf32>,
        %swap3A_306 = vector.shape_cast %swap3A_305 : vector<1x16xf32> to vector<16xf32>
        %swap3A_307 = vector.shape_cast %max3A_302 : vector<16xf32> to vector<1x16xf32>
        tpu.vector_store %arg9[%swap3A_303, %swap3A_304], %swap3A_307 {strides = array<i32>} : memref<96x128xf32, #tpu.memory_space<vmem>>, vector<1x16xf32>,
        %get3A_308 = arith.index_cast %scan3A_226 : i32 to index
        %get3A_309 = arith.constant 112 : index
        %get3A_310 = tpu.vector_load %arg9[%get3A_308, %get3A_309] {strides = array<i32>} : memref<96x128xf32, #tpu.memory_space<vmem>>, vector<1x16xf32>,
        %get3A_311 = vector.shape_cast %get3A_310 : vector<1x16xf32> to vector<16xf32>
        %max3A_312 = arith.constant 0.000000e+00 : f32
        %max3A_313 = vector.broadcast %max3A_312 : f32 to vector<16xf32>
        %max3A_314 = arith.maximumf %get3A_311, %max3A_313 : vector<16xf32>
        %swap3A_315 = arith.index_cast %scan3A_226 : i32 to index
        %swap3A_316 = arith.constant 112 : index
        %swap3A_317 = tpu.vector_load %arg9[%swap3A_315, %swap3A_316] {strides = array<i32>} : memref<96x128xf32, #tpu.memory_space<vmem>>, vector<1x16xf32>,
        %swap3A_318 = vector.shape_cast %swap3A_317 : vector<1x16xf32> to vector<16xf32>
        %swap3A_319 = vector.shape_cast %max3A_314 : vector<16xf32> to vector<1x16xf32>
        tpu.vector_store %arg9[%swap3A_315, %swap3A_316], %swap3A_319 {strides = array<i32>} : memref<96x128xf32, #tpu.memory_space<vmem>>, vector<1x16xf32>,
      }
      %scan3A_117 = arith.constant 96 : i32
      %dma_start3A_118 = arith.constant 1 : i32
      %dma_start3A_119 = arith.constant 0 : i32
      %dma_start3A_120 = tpu.memref_slice %arg6[%dma_start3A_118, %dma_start3A_119] : memref<2x96xi32, #tpu.memory_space<vmem>> -> memref<1x96xi32, #tpu.memory_space<vmem>>
      %dma_start3A_121 = tpu.memref_squeeze %dma_start3A_120 : memref<1x96xi32, #tpu.memory_space<vmem>> -> memref<96xi32, #tpu.memory_space<vmem>>
      %dma_start3A_122 = arith.constant 0 : i32
      %dma_start3A_123 = arith.constant 0 : i32
      %dma_start3A_124 = tpu.memref_slice %arg12[%dma_start3A_122, %dma_start3A_123] : memref<10240x128xf32, #tpu.memory_space<vmem_shared>> -> memref<10240x128xf32, #tpu.memory_space<vmem_shared>>
      tpu.enqueue_indirect_dma source(%arg9 : memref<96x128xf32, #tpu.memory_space<vmem>>) target(%dma_start3A_124 : memref<10240x128xf32, #tpu.memory_space<vmem_shared>>) offsets(%dma_start3A_121 : memref<96xi32, #tpu.memory_space<vmem>>) semaphore(%arg22 : memref<!tpu.dma_semaphore, #tpu.memory_space<semaphore_mem>>) {add = true}
      %ge3A = arith.constant 1 : i32
      %ge3A_125 = arith.cmpi sge, %add3A_104, %ge3A : i32
      %convert_element_type3A = arith.extui %ge3A_125 : i1 to i32
      %cond3A = arith.constant 0 : i32
      %cond3A_126 = arith.cmpi ne, %convert_element_type3A, %cond3A : i32
      scf.if %cond3A_126 {
        %dma_wait3A_226 = arith.constant 1 : i32
        %dma_wait3A_227 = arith.constant 0 : i32
        %dma_wait3A_228 = tpu.memref_slice %arg8[%dma_wait3A_226, %dma_wait3A_227] : memref<2x96xi32, #tpu.memory_space<vmem>> -> memref<1x96xi32, #tpu.memory_space<vmem>>
        %dma_wait3A_229 = tpu.memref_squeeze %dma_wait3A_228 : memref<1x96xi32, #tpu.memory_space<vmem>> -> memref<96xi32, #tpu.memory_space<vmem>>
        %dma_wait3A_230 = arith.constant 0 : i32
        %dma_wait3A_231 = arith.constant 0 : i32
        %dma_wait3A_232 = tpu.memref_slice %arg12[%dma_wait3A_230, %dma_wait3A_231] : memref<10240x128xf32, #tpu.memory_space<vmem_shared>> -> memref<10240x128xf32, #tpu.memory_space<vmem_shared>>
        tpu.wait_indirect_dma semaphore(%arg24 : memref<!tpu.dma_semaphore, #tpu.memory_space<semaphore_mem>>) src(%arg11 : memref<96x128xf32, #tpu.memory_space<vmem>>) dst(%dma_wait3A_232 : memref<10240x128xf32, #tpu.memory_space<vmem_shared>>)
      } else {
      }
      %add3A_127 = arith.constant 2 : i32
      %add3A_128 = arith.addi %add3A_104, %add3A_127 : i32
      %lt3A = arith.constant 105 : i32
      %lt3A_129 = arith.cmpi slt, %add3A_128, %lt3A : i32
      %convert_element_type3A_130 = arith.extui %lt3A_129 : i1 to i32
      %cond3A_131 = arith.constant 0 : i32
      %cond3A_132 = arith.cmpi ne, %convert_element_type3A_130, %cond3A_131 : i32
      scf.if %cond3A_132 {
        %add3A_226 = arith.constant 2 : i32
        %add3A_227 = arith.addi %add3A_104, %add3A_226 : i32
        %dma_start3A_228 = arith.constant 0 : i32
        %dma_start3A_229 = arith.constant 0 : i32
        %dma_start3A_230 = tpu.memref_slice %arg4[%add3A, %add3A_227, %dma_start3A_228, %dma_start3A_229] : memref<32x105x2x96xi32, #tpu.memory_space<hbm>> -> memref<1x1x2x96xi32, #tpu.memory_space<hbm>>
        %dma_start3A_231 = tpu.memref_squeeze %dma_start3A_230 : memref<1x1x2x96xi32, #tpu.memory_space<hbm>> -> memref<2x96xi32, #tpu.memory_space<hbm>>
        %dma_start3A_232 = arith.constant 0 : i32
        %dma_start3A_233 = arith.constant 0 : i32
        %dma_start3A_234 = tpu.memref_slice %arg4[%add3A, %add3A_227, %dma_start3A_232, %dma_start3A_233] : memref<32x105x2x96xi32, #tpu.memory_space<hbm>> -> memref<1x1x2x96xi32, #tpu.memory_space<hbm>>
        %dma_start3A_235 = tpu.memref_squeeze %dma_start3A_234 : memref<1x1x2x96xi32, #tpu.memory_space<hbm>> -> memref<2x96xi32, #tpu.memory_space<hbm>>
        tpu.enqueue_dma source(%dma_start3A_235 : memref<2x96xi32, #tpu.memory_space<hbm>>) target(%arg8 : memref<2x96xi32, #tpu.memory_space<vmem>>) target_semaphore(%arg15 : memref<!tpu.dma_semaphore, #tpu.memory_space<semaphore_mem>>)
        %add3A_236 = arith.constant 2 : i32
        %add3A_237 = arith.addi %add3A_104, %add3A_236 : i32
        %mul3A_238 = arith.constant 96 : i32
        %mul3A_239 = arith.muli %add3A_237, %mul3A_238 : i32
        %add3A_240 = arith.addi %mul3A_2, %mul3A_239 : i32
        %dma_start3A_241 = arith.constant 0 : i32
        %dma_start3A_242 = tpu.memref_slice %arg3[%add3A_240, %dma_start3A_241] : memref<322560x128xf32, #tpu.memory_space<hbm>> -> memref<96x128xf32, #tpu.memory_space<hbm>>
        %dma_start3A_243 = arith.constant 0 : i32
        %dma_start3A_244 = tpu.memref_slice %arg3[%add3A_240, %dma_start3A_243] : memref<322560x128xf32, #tpu.memory_space<hbm>> -> memref<96x128xf32, #tpu.memory_space<hbm>>
        tpu.enqueue_dma source(%dma_start3A_244 : memref<96x128xf32, #tpu.memory_space<hbm>>) target(%arg11 : memref<96x128xf32, #tpu.memory_space<vmem>>) target_semaphore(%arg18 : memref<!tpu.dma_semaphore, #tpu.memory_space<semaphore_mem>>)
      } else {
      }
      %add3A_133 = arith.constant 1 : i32
      %add3A_134 = arith.addi %add3A_104, %add3A_133 : i32
      %lt3A_135 = arith.constant 105 : i32
      %lt3A_136 = arith.cmpi slt, %add3A_134, %lt3A_135 : i32
      %convert_element_type3A_137 = arith.extui %lt3A_136 : i1 to i32
      %cond3A_138 = arith.constant 0 : i32
      %cond3A_139 = arith.cmpi ne, %convert_element_type3A_137, %cond3A_138 : i32
      scf.if %cond3A_139 {
        %dma_wait3A_226 = arith.constant 0 : i32
        %dma_wait3A_227 = arith.constant 0 : i32
        %dma_wait3A_228 = arith.constant 0 : i32
        %dma_wait3A_229 = tpu.memref_slice %arg4[%add3A, %dma_wait3A_226, %dma_wait3A_227, %dma_wait3A_228] : memref<32x105x2x96xi32, #tpu.memory_space<hbm>> -> memref<1x1x2x96xi32, #tpu.memory_space<hbm>>
        %dma_wait3A_230 = tpu.memref_squeeze %dma_wait3A_229 : memref<1x1x2x96xi32, #tpu.memory_space<hbm>> -> memref<2x96xi32, #tpu.memory_space<hbm>>
        %dma_wait3A_231 = arith.constant 0 : i32
        %dma_wait3A_232 = arith.constant 0 : i32
        %dma_wait3A_233 = tpu.memref_slice %arg4[%add3A, %dma_wait3A_226, %dma_wait3A_231, %dma_wait3A_232] : memref<32x105x2x96xi32, #tpu.memory_space<hbm>> -> memref<1x1x2x96xi32, #tpu.memory_space<hbm>>
        %dma_wait3A_234 = tpu.memref_squeeze %dma_wait3A_233 : memref<1x1x2x96xi32, #tpu.memory_space<hbm>> -> memref<2x96xi32, #tpu.memory_space<hbm>>
        tpu.wait_dma2 semaphore(%arg14 : memref<!tpu.dma_semaphore, #tpu.memory_space<semaphore_mem>>) src(%dma_wait3A_234 : memref<2x96xi32, #tpu.memory_space<hbm>>) dst(%arg7 : memref<2x96xi32, #tpu.memory_space<vmem>>)
        %dma_wait3A_235 = arith.constant 0 : i32
        %dma_wait3A_236 = tpu.memref_slice %arg3[%mul3A_2, %dma_wait3A_235] : memref<322560x128xf32, #tpu.memory_space<hbm>> -> memref<96x128xf32, #tpu.memory_space<hbm>>
        %dma_wait3A_237 = arith.constant 0 : i32
        %dma_wait3A_238 = tpu.memref_slice %arg3[%mul3A_2, %dma_wait3A_237] : memref<322560x128xf32, #tpu.memory_space<hbm>> -> memref<96x128xf32, #tpu.memory_space<hbm>>
        tpu.wait_dma2 semaphore(%arg17 : memref<!tpu.dma_semaphore, #tpu.memory_space<semaphore_mem>>) src(%dma_wait3A_238 : memref<96x128xf32, #tpu.memory_space<hbm>>) dst(%arg10 : memref<96x128xf32, #tpu.memory_space<vmem>>)
        %dma_start3A_239 = arith.constant 0 : i32
        %dma_start3A_240 = arith.constant 0 : i32
        %dma_start3A_241 = tpu.memref_slice %arg7[%dma_start3A_239, %dma_start3A_240] : memref<2x96xi32, #tpu.memory_space<vmem>> -> memref<1x96xi32, #tpu.memory_space<vmem>>
        %dma_start3A_242 = tpu.memref_squeeze %dma_start3A_241 : memref<1x96xi32, #tpu.memory_space<vmem>> -> memref<96xi32, #tpu.memory_space<vmem>>
        %dma_start3A_243 = arith.constant 0 : i32
        %dma_start3A_244 = arith.constant 0 : i32
        %dma_start3A_245 = tpu.memref_slice %arg2[%dma_start3A_243, %dma_start3A_244] : memref<10240x128xf32, #tpu.memory_space<hbm>> -> memref<10240x128xf32, #tpu.memory_space<hbm>>
        tpu.enqueue_indirect_dma source(%dma_start3A_245 : memref<10240x128xf32, #tpu.memory_space<hbm>>) target(%arg10 : memref<96x128xf32, #tpu.memory_space<vmem>>) offsets(%dma_start3A_242 : memref<96xi32, #tpu.memory_space<vmem>>) semaphore(%arg20 : memref<!tpu.dma_semaphore, #tpu.memory_space<semaphore_mem>>) {add = true}
      } else {
      }
      %mul3A_140 = arith.constant 3 : i32
      %mul3A_141 = arith.muli %mul3A_140, %scan3A_100 : i32
      %add3A_142 = arith.constant 1 : i32
      %add3A_143 = arith.addi %mul3A_141, %add3A_142 : i32
      %dma_wait3A_144 = arith.constant 0 : i32
      %dma_wait3A_145 = arith.constant 0 : i32
      %dma_wait3A_146 = tpu.memref_slice %arg7[%dma_wait3A_144, %dma_wait3A_145] : memref<2x96xi32, #tpu.memory_space<vmem>> -> memref<1x96xi32, #tpu.memory_space<vmem>>
      %dma_wait3A_147 = tpu.memref_squeeze %dma_wait3A_146 : memref<1x96xi32, #tpu.memory_space<vmem>> -> memref<96xi32, #tpu.memory_space<vmem>>
      %dma_wait3A_148 = arith.constant 0 : i32
      %dma_wait3A_149 = arith.constant 0 : i32
      %dma_wait3A_150 = tpu.memref_slice %arg2[%dma_wait3A_148, %dma_wait3A_149] : memref<10240x128xf32, #tpu.memory_space<hbm>> -> memref<10240x128xf32, #tpu.memory_space<hbm>>
      tpu.wait_indirect_dma semaphore(%arg20 : memref<!tpu.dma_semaphore, #tpu.memory_space<semaphore_mem>>) src(%dma_wait3A_150 : memref<10240x128xf32, #tpu.memory_space<hbm>>) dst(%arg10 : memref<96x128xf32, #tpu.memory_space<vmem>>)
      %scan3A_151 = arith.constant 0 : i32
      %scan3A_152 = arith.constant 0 : i32
      %scan3A_153 = arith.constant 96 : i32
      %scan3A_154 = arith.addi %scan3A_152, %scan3A_153 : i32
      %scan3A_155 = arith.constant 1 : i32
      scf.for %scan3A_226 = %scan3A_152 to %scan3A_154 step %scan3A_155  : i32 {
        %get3A = arith.index_cast %scan3A_226 : i32 to index
        %get3A_227 = arith.constant 0 : index
        %get3A_228 = tpu.vector_load %arg10[%get3A, %get3A_227] {strides = array<i32>} : memref<96x128xf32, #tpu.memory_space<vmem>>, vector<1x16xf32>,
        %get3A_229 = vector.shape_cast %get3A_228 : vector<1x16xf32> to vector<16xf32>
        %max3A = arith.constant 0.000000e+00 : f32
        %max3A_230 = vector.broadcast %max3A : f32 to vector<16xf32>
        %max3A_231 = arith.maximumf %get3A_229, %max3A_230 : vector<16xf32>
        %swap3A = arith.index_cast %scan3A_226 : i32 to index
        %swap3A_232 = arith.constant 0 : index
        %swap3A_233 = tpu.vector_load %arg10[%swap3A, %swap3A_232] {strides = array<i32>} : memref<96x128xf32, #tpu.memory_space<vmem>>, vector<1x16xf32>,
        %swap3A_234 = vector.shape_cast %swap3A_233 : vector<1x16xf32> to vector<16xf32>
        %swap3A_235 = vector.shape_cast %max3A_231 : vector<16xf32> to vector<1x16xf32>
        tpu.vector_store %arg10[%swap3A, %swap3A_232], %swap3A_235 {strides = array<i32>} : memref<96x128xf32, #tpu.memory_space<vmem>>, vector<1x16xf32>,
        %get3A_236 = arith.index_cast %scan3A_226 : i32 to index
        %get3A_237 = arith.constant 16 : index
        %get3A_238 = tpu.vector_load %arg10[%get3A_236, %get3A_237] {strides = array<i32>} : memref<96x128xf32, #tpu.memory_space<vmem>>, vector<1x16xf32>,
        %get3A_239 = vector.shape_cast %get3A_238 : vector<1x16xf32> to vector<16xf32>
        %max3A_240 = arith.constant 0.000000e+00 : f32
        %max3A_241 = vector.broadcast %max3A_240 : f32 to vector<16xf32>
        %max3A_242 = arith.maximumf %get3A_239, %max3A_241 : vector<16xf32>
        %swap3A_243 = arith.index_cast %scan3A_226 : i32 to index
        %swap3A_244 = arith.constant 16 : index
        %swap3A_245 = tpu.vector_load %arg10[%swap3A_243, %swap3A_244] {strides = array<i32>} : memref<96x128xf32, #tpu.memory_space<vmem>>, vector<1x16xf32>,
        %swap3A_246 = vector.shape_cast %swap3A_245 : vector<1x16xf32> to vector<16xf32>
        %swap3A_247 = vector.shape_cast %max3A_242 : vector<16xf32> to vector<1x16xf32>
        tpu.vector_store %arg10[%swap3A_243, %swap3A_244], %swap3A_247 {strides = array<i32>} : memref<96x128xf32, #tpu.memory_space<vmem>>, vector<1x16xf32>,
        %get3A_248 = arith.index_cast %scan3A_226 : i32 to index
        %get3A_249 = arith.constant 32 : index
        %get3A_250 = tpu.vector_load %arg10[%get3A_248, %get3A_249] {strides = array<i32>} : memref<96x128xf32, #tpu.memory_space<vmem>>, vector<1x16xf32>,
        %get3A_251 = vector.shape_cast %get3A_250 : vector<1x16xf32> to vector<16xf32>
        %max3A_252 = arith.constant 0.000000e+00 : f32
        %max3A_253 = vector.broadcast %max3A_252 : f32 to vector<16xf32>
        %max3A_254 = arith.maximumf %get3A_251, %max3A_253 : vector<16xf32>
        %swap3A_255 = arith.index_cast %scan3A_226 : i32 to index
        %swap3A_256 = arith.constant 32 : index
        %swap3A_257 = tpu.vector_load %arg10[%swap3A_255, %swap3A_256] {strides = array<i32>} : memref<96x128xf32, #tpu.memory_space<vmem>>, vector<1x16xf32>,
        %swap3A_258 = vector.shape_cast %swap3A_257 : vector<1x16xf32> to vector<16xf32>
        %swap3A_259 = vector.shape_cast %max3A_254 : vector<16xf32> to vector<1x16xf32>
        tpu.vector_store %arg10[%swap3A_255, %swap3A_256], %swap3A_259 {strides = array<i32>} : memref<96x128xf32, #tpu.memory_space<vmem>>, vector<1x16xf32>,
        %get3A_260 = arith.index_cast %scan3A_226 : i32 to index
        %get3A_261 = arith.constant 48 : index
        %get3A_262 = tpu.vector_load %arg10[%get3A_260, %get3A_261] {strides = array<i32>} : memref<96x128xf32, #tpu.memory_space<vmem>>, vector<1x16xf32>,
        %get3A_263 = vector.shape_cast %get3A_262 : vector<1x16xf32> to vector<16xf32>
        %max3A_264 = arith.constant 0.000000e+00 : f32
        %max3A_265 = vector.broadcast %max3A_264 : f32 to vector<16xf32>
        %max3A_266 = arith.maximumf %get3A_263, %max3A_265 : vector<16xf32>
        %swap3A_267 = arith.index_cast %scan3A_226 : i32 to index
        %swap3A_268 = arith.constant 48 : index
        %swap3A_269 = tpu.vector_load %arg10[%swap3A_267, %swap3A_268] {strides = array<i32>} : memref<96x128xf32, #tpu.memory_space<vmem>>, vector<1x16xf32>,
        %swap3A_270 = vector.shape_cast %swap3A_269 : vector<1x16xf32> to vector<16xf32>
        %swap3A_271 = vector.shape_cast %max3A_266 : vector<16xf32> to vector<1x16xf32>
        tpu.vector_store %arg10[%swap3A_267, %swap3A_268], %swap3A_271 {strides = array<i32>} : memref<96x128xf32, #tpu.memory_space<vmem>>, vector<1x16xf32>,
        %get3A_272 = arith.index_cast %scan3A_226 : i32 to index
        %get3A_273 = arith.constant 64 : index
        %get3A_274 = tpu.vector_load %arg10[%get3A_272, %get3A_273] {strides = array<i32>} : memref<96x128xf32, #tpu.memory_space<vmem>>, vector<1x16xf32>,
        %get3A_275 = vector.shape_cast %get3A_274 : vector<1x16xf32> to vector<16xf32>
        %max3A_276 = arith.constant 0.000000e+00 : f32
        %max3A_277 = vector.broadcast %max3A_276 : f32 to vector<16xf32>
        %max3A_278 = arith.maximumf %get3A_275, %max3A_277 : vector<16xf32>
        %swap3A_279 = arith.index_cast %scan3A_226 : i32 to index
        %swap3A_280 = arith.constant 64 : index
        %swap3A_281 = tpu.vector_load %arg10[%swap3A_279, %swap3A_280] {strides = array<i32>} : memref<96x128xf32, #tpu.memory_space<vmem>>, vector<1x16xf32>,
        %swap3A_282 = vector.shape_cast %swap3A_281 : vector<1x16xf32> to vector<16xf32>
        %swap3A_283 = vector.shape_cast %max3A_278 : vector<16xf32> to vector<1x16xf32>
        tpu.vector_store %arg10[%swap3A_279, %swap3A_280], %swap3A_283 {strides = array<i32>} : memref<96x128xf32, #tpu.memory_space<vmem>>, vector<1x16xf32>,
        %get3A_284 = arith.index_cast %scan3A_226 : i32 to index
        %get3A_285 = arith.constant 80 : index
        %get3A_286 = tpu.vector_load %arg10[%get3A_284, %get3A_285] {strides = array<i32>} : memref<96x128xf32, #tpu.memory_space<vmem>>, vector<1x16xf32>,
        %get3A_287 = vector.shape_cast %get3A_286 : vector<1x16xf32> to vector<16xf32>
        %max3A_288 = arith.constant 0.000000e+00 : f32
        %max3A_289 = vector.broadcast %max3A_288 : f32 to vector<16xf32>
        %max3A_290 = arith.maximumf %get3A_287, %max3A_289 : vector<16xf32>
        %swap3A_291 = arith.index_cast %scan3A_226 : i32 to index
        %swap3A_292 = arith.constant 80 : index
        %swap3A_293 = tpu.vector_load %arg10[%swap3A_291, %swap3A_292] {strides = array<i32>} : memref<96x128xf32, #tpu.memory_space<vmem>>, vector<1x16xf32>,
        %swap3A_294 = vector.shape_cast %swap3A_293 : vector<1x16xf32> to vector<16xf32>
        %swap3A_295 = vector.shape_cast %max3A_290 : vector<16xf32> to vector<1x16xf32>
        tpu.vector_store %arg10[%swap3A_291, %swap3A_292], %swap3A_295 {strides = array<i32>} : memref<96x128xf32, #tpu.memory_space<vmem>>, vector<1x16xf32>,
        %get3A_296 = arith.index_cast %scan3A_226 : i32 to index
        %get3A_297 = arith.constant 96 : index
        %get3A_298 = tpu.vector_load %arg10[%get3A_296, %get3A_297] {strides = array<i32>} : memref<96x128xf32, #tpu.memory_space<vmem>>, vector<1x16xf32>,
        %get3A_299 = vector.shape_cast %get3A_298 : vector<1x16xf32> to vector<16xf32>
        %max3A_300 = arith.constant 0.000000e+00 : f32
        %max3A_301 = vector.broadcast %max3A_300 : f32 to vector<16xf32>
        %max3A_302 = arith.maximumf %get3A_299, %max3A_301 : vector<16xf32>
        %swap3A_303 = arith.index_cast %scan3A_226 : i32 to index
        %swap3A_304 = arith.constant 96 : index
        %swap3A_305 = tpu.vector_load %arg10[%swap3A_303, %swap3A_304] {strides = array<i32>} : memref<96x128xf32, #tpu.memory_space<vmem>>, vector<1x16xf32>,
        %swap3A_306 = vector.shape_cast %swap3A_305 : vector<1x16xf32> to vector<16xf32>
        %swap3A_307 = vector.shape_cast %max3A_302 : vector<16xf32> to vector<1x16xf32>
        tpu.vector_store %arg10[%swap3A_303, %swap3A_304], %swap3A_307 {strides = array<i32>} : memref<96x128xf32, #tpu.memory_space<vmem>>, vector<1x16xf32>,
        %get3A_308 = arith.index_cast %scan3A_226 : i32 to index
        %get3A_309 = arith.constant 112 : index
        %get3A_310 = tpu.vector_load %arg10[%get3A_308, %get3A_309] {strides = array<i32>} : memref<96x128xf32, #tpu.memory_space<vmem>>, vector<1x16xf32>,
        %get3A_311 = vector.shape_cast %get3A_310 : vector<1x16xf32> to vector<16xf32>
        %max3A_312 = arith.constant 0.000000e+00 : f32
        %max3A_313 = vector.broadcast %max3A_312 : f32 to vector<16xf32>
        %max3A_314 = arith.maximumf %get3A_311, %max3A_313 : vector<16xf32>
        %swap3A_315 = arith.index_cast %scan3A_226 : i32 to index
        %swap3A_316 = arith.constant 112 : index
        %swap3A_317 = tpu.vector_load %arg10[%swap3A_315, %swap3A_316] {strides = array<i32>} : memref<96x128xf32, #tpu.memory_space<vmem>>, vector<1x16xf32>,
        %swap3A_318 = vector.shape_cast %swap3A_317 : vector<1x16xf32> to vector<16xf32>
        %swap3A_319 = vector.shape_cast %max3A_314 : vector<16xf32> to vector<1x16xf32>
        tpu.vector_store %arg10[%swap3A_315, %swap3A_316], %swap3A_319 {strides = array<i32>} : memref<96x128xf32, #tpu.memory_space<vmem>>, vector<1x16xf32>,
      }
      %scan3A_156 = arith.constant 96 : i32
      %dma_start3A_157 = arith.constant 1 : i32
      %dma_start3A_158 = arith.constant 0 : i32
      %dma_start3A_159 = tpu.memref_slice %arg7[%dma_start3A_157, %dma_start3A_158] : memref<2x96xi32, #tpu.memory_space<vmem>> -> memref<1x96xi32, #tpu.memory_space<vmem>>
      %dma_start3A_160 = tpu.memref_squeeze %dma_start3A_159 : memref<1x96xi32, #tpu.memory_space<vmem>> -> memref<96xi32, #tpu.memory_space<vmem>>
      %dma_start3A_161 = arith.constant 0 : i32
      %dma_start3A_162 = arith.constant 0 : i32
      %dma_start3A_163 = tpu.memref_slice %arg12[%dma_start3A_161, %dma_start3A_162] : memref<10240x128xf32, #tpu.memory_space<vmem_shared>> -> memref<10240x128xf32, #tpu.memory_space<vmem_shared>>
      tpu.enqueue_indirect_dma source(%arg10 : memref<96x128xf32, #tpu.memory_space<vmem>>) target(%dma_start3A_163 : memref<10240x128xf32, #tpu.memory_space<vmem_shared>>) offsets(%dma_start3A_160 : memref<96xi32, #tpu.memory_space<vmem>>) semaphore(%arg23 : memref<!tpu.dma_semaphore, #tpu.memory_space<semaphore_mem>>) {add = true}
      %ge3A_164 = arith.constant 1 : i32
      %ge3A_165 = arith.cmpi sge, %add3A_143, %ge3A_164 : i32
      %convert_element_type3A_166 = arith.extui %ge3A_165 : i1 to i32
      %cond3A_167 = arith.constant 0 : i32
      %cond3A_168 = arith.cmpi ne, %convert_element_type3A_166, %cond3A_167 : i32
      scf.if %cond3A_168 {
        %dma_wait3A_226 = arith.constant 1 : i32
        %dma_wait3A_227 = arith.constant 0 : i32
        %dma_wait3A_228 = tpu.memref_slice %arg6[%dma_wait3A_226, %dma_wait3A_227] : memref<2x96xi32, #tpu.memory_space<vmem>> -> memref<1x96xi32, #tpu.memory_space<vmem>>
        %dma_wait3A_229 = tpu.memref_squeeze %dma_wait3A_228 : memref<1x96xi32, #tpu.memory_space<vmem>> -> memref<96xi32, #tpu.memory_space<vmem>>
        %dma_wait3A_230 = arith.constant 0 : i32
        %dma_wait3A_231 = arith.constant 0 : i32
        %dma_wait3A_232 = tpu.memref_slice %arg12[%dma_wait3A_230, %dma_wait3A_231] : memref<10240x128xf32, #tpu.memory_space<vmem_shared>> -> memref<10240x128xf32, #tpu.memory_space<vmem_shared>>
        tpu.wait_indirect_dma semaphore(%arg22 : memref<!tpu.dma_semaphore, #tpu.memory_space<semaphore_mem>>) src(%arg9 : memref<96x128xf32, #tpu.memory_space<vmem>>) dst(%dma_wait3A_232 : memref<10240x128xf32, #tpu.memory_space<vmem_shared>>)
      } else {
      }
      %add3A_169 = arith.constant 2 : i32
      %add3A_170 = arith.addi %add3A_143, %add3A_169 : i32
      %lt3A_171 = arith.constant 105 : i32
      %lt3A_172 = arith.cmpi slt, %add3A_170, %lt3A_171 : i32
      %convert_element_type3A_173 = arith.extui %lt3A_172 : i1 to i32
      %cond3A_174 = arith.constant 0 : i32
      %cond3A_175 = arith.cmpi ne, %convert_element_type3A_173, %cond3A_174 : i32
      scf.if %cond3A_175 {
        %add3A_226 = arith.constant 2 : i32
        %add3A_227 = arith.addi %add3A_143, %add3A_226 : i32
        %dma_start3A_228 = arith.constant 0 : i32
        %dma_start3A_229 = arith.constant 0 : i32
        %dma_start3A_230 = tpu.memref_slice %arg4[%add3A, %add3A_227, %dma_start3A_228, %dma_start3A_229] : memref<32x105x2x96xi32, #tpu.memory_space<hbm>> -> memref<1x1x2x96xi32, #tpu.memory_space<hbm>>
        %dma_start3A_231 = tpu.memref_squeeze %dma_start3A_230 : memref<1x1x2x96xi32, #tpu.memory_space<hbm>> -> memref<2x96xi32, #tpu.memory_space<hbm>>
        %dma_start3A_232 = arith.constant 0 : i32
        %dma_start3A_233 = arith.constant 0 : i32
        %dma_start3A_234 = tpu.memref_slice %arg4[%add3A, %add3A_227, %dma_start3A_232, %dma_start3A_233] : memref<32x105x2x96xi32, #tpu.memory_space<hbm>> -> memref<1x1x2x96xi32, #tpu.memory_space<hbm>>
        %dma_start3A_235 = tpu.memref_squeeze %dma_start3A_234 : memref<1x1x2x96xi32, #tpu.memory_space<hbm>> -> memref<2x96xi32, #tpu.memory_space<hbm>>
        tpu.enqueue_dma source(%dma_start3A_235 : memref<2x96xi32, #tpu.memory_space<hbm>>) target(%arg6 : memref<2x96xi32, #tpu.memory_space<vmem>>) target_semaphore(%arg13 : memref<!tpu.dma_semaphore, #tpu.memory_space<semaphore_mem>>)
        %add3A_236 = arith.constant 2 : i32
        %add3A_237 = arith.addi %add3A_143, %add3A_236 : i32
        %mul3A_238 = arith.constant 96 : i32
        %mul3A_239 = arith.muli %add3A_237, %mul3A_238 : i32
        %add3A_240 = arith.addi %mul3A_2, %mul3A_239 : i32
        %dma_start3A_241 = arith.constant 0 : i32
        %dma_start3A_242 = tpu.memref_slice %arg3[%add3A_240, %dma_start3A_241] : memref<322560x128xf32, #tpu.memory_space<hbm>> -> memref<96x128xf32, #tpu.memory_space<hbm>>
        %dma_start3A_243 = arith.constant 0 : i32
        %dma_start3A_244 = tpu.memref_slice %arg3[%add3A_240, %dma_start3A_243] : memref<322560x128xf32, #tpu.memory_space<hbm>> -> memref<96x128xf32, #tpu.memory_space<hbm>>
        tpu.enqueue_dma source(%dma_start3A_244 : memref<96x128xf32, #tpu.memory_space<hbm>>) target(%arg9 : memref<96x128xf32, #tpu.memory_space<vmem>>) target_semaphore(%arg16 : memref<!tpu.dma_semaphore, #tpu.memory_space<semaphore_mem>>)
      } else {
      }
      %add3A_176 = arith.constant 1 : i32
      %add3A_177 = arith.addi %add3A_143, %add3A_176 : i32
      %lt3A_178 = arith.constant 105 : i32
      %lt3A_179 = arith.cmpi slt, %add3A_177, %lt3A_178 : i32
      %convert_element_type3A_180 = arith.extui %lt3A_179 : i1 to i32
      %cond3A_181 = arith.constant 0 : i32
      %cond3A_182 = arith.cmpi ne, %convert_element_type3A_180, %cond3A_181 : i32
      scf.if %cond3A_182 {
        %dma_wait3A_226 = arith.constant 0 : i32
        %dma_wait3A_227 = arith.constant 0 : i32
        %dma_wait3A_228 = arith.constant 0 : i32
        %dma_wait3A_229 = tpu.memref_slice %arg4[%add3A, %dma_wait3A_226, %dma_wait3A_227, %dma_wait3A_228] : memref<32x105x2x96xi32, #tpu.memory_space<hbm>> -> memref<1x1x2x96xi32, #tpu.memory_space<hbm>>
        %dma_wait3A_230 = tpu.memref_squeeze %dma_wait3A_229 : memref<1x1x2x96xi32, #tpu.memory_space<hbm>> -> memref<2x96xi32, #tpu.memory_space<hbm>>
        %dma_wait3A_231 = arith.constant 0 : i32
        %dma_wait3A_232 = arith.constant 0 : i32
        %dma_wait3A_233 = tpu.memref_slice %arg4[%add3A, %dma_wait3A_226, %dma_wait3A_231, %dma_wait3A_232] : memref<32x105x2x96xi32, #tpu.memory_space<hbm>> -> memref<1x1x2x96xi32, #tpu.memory_space<hbm>>
        %dma_wait3A_234 = tpu.memref_squeeze %dma_wait3A_233 : memref<1x1x2x96xi32, #tpu.memory_space<hbm>> -> memref<2x96xi32, #tpu.memory_space<hbm>>
        tpu.wait_dma2 semaphore(%arg15 : memref<!tpu.dma_semaphore, #tpu.memory_space<semaphore_mem>>) src(%dma_wait3A_234 : memref<2x96xi32, #tpu.memory_space<hbm>>) dst(%arg8 : memref<2x96xi32, #tpu.memory_space<vmem>>)
        %dma_wait3A_235 = arith.constant 0 : i32
        %dma_wait3A_236 = tpu.memref_slice %arg3[%mul3A_2, %dma_wait3A_235] : memref<322560x128xf32, #tpu.memory_space<hbm>> -> memref<96x128xf32, #tpu.memory_space<hbm>>
        %dma_wait3A_237 = arith.constant 0 : i32
        %dma_wait3A_238 = tpu.memref_slice %arg3[%mul3A_2, %dma_wait3A_237] : memref<322560x128xf32, #tpu.memory_space<hbm>> -> memref<96x128xf32, #tpu.memory_space<hbm>>
        tpu.wait_dma2 semaphore(%arg18 : memref<!tpu.dma_semaphore, #tpu.memory_space<semaphore_mem>>) src(%dma_wait3A_238 : memref<96x128xf32, #tpu.memory_space<hbm>>) dst(%arg11 : memref<96x128xf32, #tpu.memory_space<vmem>>)
        %dma_start3A_239 = arith.constant 0 : i32
        %dma_start3A_240 = arith.constant 0 : i32
        %dma_start3A_241 = tpu.memref_slice %arg8[%dma_start3A_239, %dma_start3A_240] : memref<2x96xi32, #tpu.memory_space<vmem>> -> memref<1x96xi32, #tpu.memory_space<vmem>>
        %dma_start3A_242 = tpu.memref_squeeze %dma_start3A_241 : memref<1x96xi32, #tpu.memory_space<vmem>> -> memref<96xi32, #tpu.memory_space<vmem>>
        %dma_start3A_243 = arith.constant 0 : i32
        %dma_start3A_244 = arith.constant 0 : i32
        %dma_start3A_245 = tpu.memref_slice %arg2[%dma_start3A_243, %dma_start3A_244] : memref<10240x128xf32, #tpu.memory_space<hbm>> -> memref<10240x128xf32, #tpu.memory_space<hbm>>
        tpu.enqueue_indirect_dma source(%dma_start3A_245 : memref<10240x128xf32, #tpu.memory_space<hbm>>) target(%arg11 : memref<96x128xf32, #tpu.memory_space<vmem>>) offsets(%dma_start3A_242 : memref<96xi32, #tpu.memory_space<vmem>>) semaphore(%arg21 : memref<!tpu.dma_semaphore, #tpu.memory_space<semaphore_mem>>) {add = true}
      } else {
      }
      %mul3A_183 = arith.constant 3 : i32
      %mul3A_184 = arith.muli %mul3A_183, %scan3A_100 : i32
      %add3A_185 = arith.constant 2 : i32
      %add3A_186 = arith.addi %mul3A_184, %add3A_185 : i32
      %dma_wait3A_187 = arith.constant 0 : i32
      %dma_wait3A_188 = arith.constant 0 : i32
      %dma_wait3A_189 = tpu.memref_slice %arg8[%dma_wait3A_187, %dma_wait3A_188] : memref<2x96xi32, #tpu.memory_space<vmem>> -> memref<1x96xi32, #tpu.memory_space<vmem>>
      %dma_wait3A_190 = tpu.memref_squeeze %dma_wait3A_189 : memref<1x96xi32, #tpu.memory_space<vmem>> -> memref<96xi32, #tpu.memory_space<vmem>>
      %dma_wait3A_191 = arith.constant 0 : i32
      %dma_wait3A_192 = arith.constant 0 : i32
      %dma_wait3A_193 = tpu.memref_slice %arg2[%dma_wait3A_191, %dma_wait3A_192] : memref<10240x128xf32, #tpu.memory_space<hbm>> -> memref<10240x128xf32, #tpu.memory_space<hbm>>
      tpu.wait_indirect_dma semaphore(%arg21 : memref<!tpu.dma_semaphore, #tpu.memory_space<semaphore_mem>>) src(%dma_wait3A_193 : memref<10240x128xf32, #tpu.memory_space<hbm>>) dst(%arg11 : memref<96x128xf32, #tpu.memory_space<vmem>>)
      %scan3A_194 = arith.constant 0 : i32
      %scan3A_195 = arith.constant 0 : i32
      %scan3A_196 = arith.constant 96 : i32
      %scan3A_197 = arith.addi %scan3A_195, %scan3A_196 : i32
      %scan3A_198 = arith.constant 1 : i32
      scf.for %scan3A_226 = %scan3A_195 to %scan3A_197 step %scan3A_198  : i32 {
        %get3A = arith.index_cast %scan3A_226 : i32 to index
        %get3A_227 = arith.constant 0 : index
        %get3A_228 = tpu.vector_load %arg11[%get3A, %get3A_227] {strides = array<i32>} : memref<96x128xf32, #tpu.memory_space<vmem>>, vector<1x16xf32>,
        %get3A_229 = vector.shape_cast %get3A_228 : vector<1x16xf32> to vector<16xf32>
        %max3A = arith.constant 0.000000e+00 : f32
        %max3A_230 = vector.broadcast %max3A : f32 to vector<16xf32>
        %max3A_231 = arith.maximumf %get3A_229, %max3A_230 : vector<16xf32>
        %swap3A = arith.index_cast %scan3A_226 : i32 to index
        %swap3A_232 = arith.constant 0 : index
        %swap3A_233 = tpu.vector_load %arg11[%swap3A, %swap3A_232] {strides = array<i32>} : memref<96x128xf32, #tpu.memory_space<vmem>>, vector<1x16xf32>,
        %swap3A_234 = vector.shape_cast %swap3A_233 : vector<1x16xf32> to vector<16xf32>
        %swap3A_235 = vector.shape_cast %max3A_231 : vector<16xf32> to vector<1x16xf32>
        tpu.vector_store %arg11[%swap3A, %swap3A_232], %swap3A_235 {strides = array<i32>} : memref<96x128xf32, #tpu.memory_space<vmem>>, vector<1x16xf32>,
        %get3A_236 = arith.index_cast %scan3A_226 : i32 to index
        %get3A_237 = arith.constant 16 : index
        %get3A_238 = tpu.vector_load %arg11[%get3A_236, %get3A_237] {strides = array<i32>} : memref<96x128xf32, #tpu.memory_space<vmem>>, vector<1x16xf32>,
        %get3A_239 = vector.shape_cast %get3A_238 : vector<1x16xf32> to vector<16xf32>
        %max3A_240 = arith.constant 0.000000e+00 : f32
        %max3A_241 = vector.broadcast %max3A_240 : f32 to vector<16xf32>
        %max3A_242 = arith.maximumf %get3A_239, %max3A_241 : vector<16xf32>
        %swap3A_243 = arith.index_cast %scan3A_226 : i32 to index
        %swap3A_244 = arith.constant 16 : index
        %swap3A_245 = tpu.vector_load %arg11[%swap3A_243, %swap3A_244] {strides = array<i32>} : memref<96x128xf32, #tpu.memory_space<vmem>>, vector<1x16xf32>,
        %swap3A_246 = vector.shape_cast %swap3A_245 : vector<1x16xf32> to vector<16xf32>
        %swap3A_247 = vector.shape_cast %max3A_242 : vector<16xf32> to vector<1x16xf32>
        tpu.vector_store %arg11[%swap3A_243, %swap3A_244], %swap3A_247 {strides = array<i32>} : memref<96x128xf32, #tpu.memory_space<vmem>>, vector<1x16xf32>,
        %get3A_248 = arith.index_cast %scan3A_226 : i32 to index
        %get3A_249 = arith.constant 32 : index
        %get3A_250 = tpu.vector_load %arg11[%get3A_248, %get3A_249] {strides = array<i32>} : memref<96x128xf32, #tpu.memory_space<vmem>>, vector<1x16xf32>,
        %get3A_251 = vector.shape_cast %get3A_250 : vector<1x16xf32> to vector<16xf32>
        %max3A_252 = arith.constant 0.000000e+00 : f32
        %max3A_253 = vector.broadcast %max3A_252 : f32 to vector<16xf32>
        %max3A_254 = arith.maximumf %get3A_251, %max3A_253 : vector<16xf32>
        %swap3A_255 = arith.index_cast %scan3A_226 : i32 to index
        %swap3A_256 = arith.constant 32 : index
        %swap3A_257 = tpu.vector_load %arg11[%swap3A_255, %swap3A_256] {strides = array<i32>} : memref<96x128xf32, #tpu.memory_space<vmem>>, vector<1x16xf32>,
        %swap3A_258 = vector.shape_cast %swap3A_257 : vector<1x16xf32> to vector<16xf32>
        %swap3A_259 = vector.shape_cast %max3A_254 : vector<16xf32> to vector<1x16xf32>
        tpu.vector_store %arg11[%swap3A_255, %swap3A_256], %swap3A_259 {strides = array<i32>} : memref<96x128xf32, #tpu.memory_space<vmem>>, vector<1x16xf32>,
        %get3A_260 = arith.index_cast %scan3A_226 : i32 to index
        %get3A_261 = arith.constant 48 : index
        %get3A_262 = tpu.vector_load %arg11[%get3A_260, %get3A_261] {strides = array<i32>} : memref<96x128xf32, #tpu.memory_space<vmem>>, vector<1x16xf32>,
        %get3A_263 = vector.shape_cast %get3A_262 : vector<1x16xf32> to vector<16xf32>
        %max3A_264 = arith.constant 0.000000e+00 : f32
        %max3A_265 = vector.broadcast %max3A_264 : f32 to vector<16xf32>
        %max3A_266 = arith.maximumf %get3A_263, %max3A_265 : vector<16xf32>
        %swap3A_267 = arith.index_cast %scan3A_226 : i32 to index
        %swap3A_268 = arith.constant 48 : index
        %swap3A_269 = tpu.vector_load %arg11[%swap3A_267, %swap3A_268] {strides = array<i32>} : memref<96x128xf32, #tpu.memory_space<vmem>>, vector<1x16xf32>,
        %swap3A_270 = vector.shape_cast %swap3A_269 : vector<1x16xf32> to vector<16xf32>
        %swap3A_271 = vector.shape_cast %max3A_266 : vector<16xf32> to vector<1x16xf32>
        tpu.vector_store %arg11[%swap3A_267, %swap3A_268], %swap3A_271 {strides = array<i32>} : memref<96x128xf32, #tpu.memory_space<vmem>>, vector<1x16xf32>,
        %get3A_272 = arith.index_cast %scan3A_226 : i32 to index
        %get3A_273 = arith.constant 64 : index
        %get3A_274 = tpu.vector_load %arg11[%get3A_272, %get3A_273] {strides = array<i32>} : memref<96x128xf32, #tpu.memory_space<vmem>>, vector<1x16xf32>,
        %get3A_275 = vector.shape_cast %get3A_274 : vector<1x16xf32> to vector<16xf32>
        %max3A_276 = arith.constant 0.000000e+00 : f32
        %max3A_277 = vector.broadcast %max3A_276 : f32 to vector<16xf32>
        %max3A_278 = arith.maximumf %get3A_275, %max3A_277 : vector<16xf32>
        %swap3A_279 = arith.index_cast %scan3A_226 : i32 to index
        %swap3A_280 = arith.constant 64 : index
        %swap3A_281 = tpu.vector_load %arg11[%swap3A_279, %swap3A_280] {strides = array<i32>} : memref<96x128xf32, #tpu.memory_space<vmem>>, vector<1x16xf32>,
        %swap3A_282 = vector.shape_cast %swap3A_281 : vector<1x16xf32> to vector<16xf32>
        %swap3A_283 = vector.shape_cast %max3A_278 : vector<16xf32> to vector<1x16xf32>
        tpu.vector_store %arg11[%swap3A_279, %swap3A_280], %swap3A_283 {strides = array<i32>} : memref<96x128xf32, #tpu.memory_space<vmem>>, vector<1x16xf32>,
        %get3A_284 = arith.index_cast %scan3A_226 : i32 to index
        %get3A_285 = arith.constant 80 : index
        %get3A_286 = tpu.vector_load %arg11[%get3A_284, %get3A_285] {strides = array<i32>} : memref<96x128xf32, #tpu.memory_space<vmem>>, vector<1x16xf32>,
        %get3A_287 = vector.shape_cast %get3A_286 : vector<1x16xf32> to vector<16xf32>
        %max3A_288 = arith.constant 0.000000e+00 : f32
        %max3A_289 = vector.broadcast %max3A_288 : f32 to vector<16xf32>
        %max3A_290 = arith.maximumf %get3A_287, %max3A_289 : vector<16xf32>
        %swap3A_291 = arith.index_cast %scan3A_226 : i32 to index
        %swap3A_292 = arith.constant 80 : index
        %swap3A_293 = tpu.vector_load %arg11[%swap3A_291, %swap3A_292] {strides = array<i32>} : memref<96x128xf32, #tpu.memory_space<vmem>>, vector<1x16xf32>,
        %swap3A_294 = vector.shape_cast %swap3A_293 : vector<1x16xf32> to vector<16xf32>
        %swap3A_295 = vector.shape_cast %max3A_290 : vector<16xf32> to vector<1x16xf32>
        tpu.vector_store %arg11[%swap3A_291, %swap3A_292], %swap3A_295 {strides = array<i32>} : memref<96x128xf32, #tpu.memory_space<vmem>>, vector<1x16xf32>,
        %get3A_296 = arith.index_cast %scan3A_226 : i32 to index
        %get3A_297 = arith.constant 96 : index
        %get3A_298 = tpu.vector_load %arg11[%get3A_296, %get3A_297] {strides = array<i32>} : memref<96x128xf32, #tpu.memory_space<vmem>>, vector<1x16xf32>,
        %get3A_299 = vector.shape_cast %get3A_298 : vector<1x16xf32> to vector<16xf32>
        %max3A_300 = arith.constant 0.000000e+00 : f32
        %max3A_301 = vector.broadcast %max3A_300 : f32 to vector<16xf32>
        %max3A_302 = arith.maximumf %get3A_299, %max3A_301 : vector<16xf32>
        %swap3A_303 = arith.index_cast %scan3A_226 : i32 to index
        %swap3A_304 = arith.constant 96 : index
        %swap3A_305 = tpu.vector_load %arg11[%swap3A_303, %swap3A_304] {strides = array<i32>} : memref<96x128xf32, #tpu.memory_space<vmem>>, vector<1x16xf32>,
        %swap3A_306 = vector.shape_cast %swap3A_305 : vector<1x16xf32> to vector<16xf32>
        %swap3A_307 = vector.shape_cast %max3A_302 : vector<16xf32> to vector<1x16xf32>
        tpu.vector_store %arg11[%swap3A_303, %swap3A_304], %swap3A_307 {strides = array<i32>} : memref<96x128xf32, #tpu.memory_space<vmem>>, vector<1x16xf32>,
        %get3A_308 = arith.index_cast %scan3A_226 : i32 to index
        %get3A_309 = arith.constant 112 : index
        %get3A_310 = tpu.vector_load %arg11[%get3A_308, %get3A_309] {strides = array<i32>} : memref<96x128xf32, #tpu.memory_space<vmem>>, vector<1x16xf32>,
        %get3A_311 = vector.shape_cast %get3A_310 : vector<1x16xf32> to vector<16xf32>
        %max3A_312 = arith.constant 0.000000e+00 : f32
        %max3A_313 = vector.broadcast %max3A_312 : f32 to vector<16xf32>
        %max3A_314 = arith.maximumf %get3A_311, %max3A_313 : vector<16xf32>
        %swap3A_315 = arith.index_cast %scan3A_226 : i32 to index
        %swap3A_316 = arith.constant 112 : index
        %swap3A_317 = tpu.vector_load %arg11[%swap3A_315, %swap3A_316] {strides = array<i32>} : memref<96x128xf32, #tpu.memory_space<vmem>>, vector<1x16xf32>,
        %swap3A_318 = vector.shape_cast %swap3A_317 : vector<1x16xf32> to vector<16xf32>
        %swap3A_319 = vector.shape_cast %max3A_314 : vector<16xf32> to vector<1x16xf32>
        tpu.vector_store %arg11[%swap3A_315, %swap3A_316], %swap3A_319 {strides = array<i32>} : memref<96x128xf32, #tpu.memory_space<vmem>>, vector<1x16xf32>,
      }
      %scan3A_199 = arith.constant 96 : i32
      %dma_start3A_200 = arith.constant 1 : i32
      %dma_start3A_201 = arith.constant 0 : i32
      %dma_start3A_202 = tpu.memref_slice %arg8[%dma_start3A_200, %dma_start3A_201] : memref<2x96xi32, #tpu.memory_space<vmem>> -> memref<1x96xi32, #tpu.memory_space<vmem>>
      %dma_start3A_203 = tpu.memref_squeeze %dma_start3A_202 : memref<1x96xi32, #tpu.memory_space<vmem>> -> memref<96xi32, #tpu.memory_space<vmem>>
      %dma_start3A_204 = arith.constant 0 : i32
      %dma_start3A_205 = arith.constant 0 : i32
      %dma_start3A_206 = tpu.memref_slice %arg12[%dma_start3A_204, %dma_start3A_205] : memref<10240x128xf32, #tpu.memory_space<vmem_shared>> -> memref<10240x128xf32, #tpu.memory_space<vmem_shared>>
      tpu.enqueue_indirect_dma source(%arg11 : memref<96x128xf32, #tpu.memory_space<vmem>>) target(%dma_start3A_206 : memref<10240x128xf32, #tpu.memory_space<vmem_shared>>) offsets(%dma_start3A_203 : memref<96xi32, #tpu.memory_space<vmem>>) semaphore(%arg24 : memref<!tpu.dma_semaphore, #tpu.memory_space<semaphore_mem>>) {add = true}
      %ge3A_207 = arith.constant 1 : i32
      %ge3A_208 = arith.cmpi sge, %add3A_186, %ge3A_207 : i32
      %convert_element_type3A_209 = arith.extui %ge3A_208 : i1 to i32
      %cond3A_210 = arith.constant 0 : i32
      %cond3A_211 = arith.cmpi ne, %convert_element_type3A_209, %cond3A_210 : i32
      scf.if %cond3A_211 {
        %dma_wait3A_226 = arith.constant 1 : i32
        %dma_wait3A_227 = arith.constant 0 : i32
        %dma_wait3A_228 = tpu.memref_slice %arg7[%dma_wait3A_226, %dma_wait3A_227] : memref<2x96xi32, #tpu.memory_space<vmem>> -> memref<1x96xi32, #tpu.memory_space<vmem>>
        %dma_wait3A_229 = tpu.memref_squeeze %dma_wait3A_228 : memref<1x96xi32, #tpu.memory_space<vmem>> -> memref<96xi32, #tpu.memory_space<vmem>>
        %dma_wait3A_230 = arith.constant 0 : i32
        %dma_wait3A_231 = arith.constant 0 : i32
        %dma_wait3A_232 = tpu.memref_slice %arg12[%dma_wait3A_230, %dma_wait3A_231] : memref<10240x128xf32, #tpu.memory_space<vmem_shared>> -> memref<10240x128xf32, #tpu.memory_space<vmem_shared>>
        tpu.wait_indirect_dma semaphore(%arg23 : memref<!tpu.dma_semaphore, #tpu.memory_space<semaphore_mem>>) src(%arg10 : memref<96x128xf32, #tpu.memory_space<vmem>>) dst(%dma_wait3A_232 : memref<10240x128xf32, #tpu.memory_space<vmem_shared>>)
      } else {
      }
      %add3A_212 = arith.constant 2 : i32
      %add3A_213 = arith.addi %add3A_186, %add3A_212 : i32
      %lt3A_214 = arith.constant 105 : i32
      %lt3A_215 = arith.cmpi slt, %add3A_213, %lt3A_214 : i32
      %convert_element_type3A_216 = arith.extui %lt3A_215 : i1 to i32
      %cond3A_217 = arith.constant 0 : i32
      %cond3A_218 = arith.cmpi ne, %convert_element_type3A_216, %cond3A_217 : i32
      scf.if %cond3A_218 {
        %add3A_226 = arith.constant 2 : i32
        %add3A_227 = arith.addi %add3A_186, %add3A_226 : i32
        %dma_start3A_228 = arith.constant 0 : i32
        %dma_start3A_229 = arith.constant 0 : i32
        %dma_start3A_230 = tpu.memref_slice %arg4[%add3A, %add3A_227, %dma_start3A_228, %dma_start3A_229] : memref<32x105x2x96xi32, #tpu.memory_space<hbm>> -> memref<1x1x2x96xi32, #tpu.memory_space<hbm>>
        %dma_start3A_231 = tpu.memref_squeeze %dma_start3A_230 : memref<1x1x2x96xi32, #tpu.memory_space<hbm>> -> memref<2x96xi32, #tpu.memory_space<hbm>>
        %dma_start3A_232 = arith.constant 0 : i32
        %dma_start3A_233 = arith.constant 0 : i32
        %dma_start3A_234 = tpu.memref_slice %arg4[%add3A, %add3A_227, %dma_start3A_232, %dma_start3A_233] : memref<32x105x2x96xi32, #tpu.memory_space<hbm>> -> memref<1x1x2x96xi32, #tpu.memory_space<hbm>>
        %dma_start3A_235 = tpu.memref_squeeze %dma_start3A_234 : memref<1x1x2x96xi32, #tpu.memory_space<hbm>> -> memref<2x96xi32, #tpu.memory_space<hbm>>
        tpu.enqueue_dma source(%dma_start3A_235 : memref<2x96xi32, #tpu.memory_space<hbm>>) target(%arg7 : memref<2x96xi32, #tpu.memory_space<vmem>>) target_semaphore(%arg14 : memref<!tpu.dma_semaphore, #tpu.memory_space<semaphore_mem>>)
        %add3A_236 = arith.constant 2 : i32
        %add3A_237 = arith.addi %add3A_186, %add3A_236 : i32
        %mul3A_238 = arith.constant 96 : i32
        %mul3A_239 = arith.muli %add3A_237, %mul3A_238 : i32
        %add3A_240 = arith.addi %mul3A_2, %mul3A_239 : i32
        %dma_start3A_241 = arith.constant 0 : i32
        %dma_start3A_242 = tpu.memref_slice %arg3[%add3A_240, %dma_start3A_241] : memref<322560x128xf32, #tpu.memory_space<hbm>> -> memref<96x128xf32, #tpu.memory_space<hbm>>
        %dma_start3A_243 = arith.constant 0 : i32
        %dma_start3A_244 = tpu.memref_slice %arg3[%add3A_240, %dma_start3A_243] : memref<322560x128xf32, #tpu.memory_space<hbm>> -> memref<96x128xf32, #tpu.memory_space<hbm>>
        tpu.enqueue_dma source(%dma_start3A_244 : memref<96x128xf32, #tpu.memory_space<hbm>>) target(%arg10 : memref<96x128xf32, #tpu.memory_space<vmem>>) target_semaphore(%arg17 : memref<!tpu.dma_semaphore, #tpu.memory_space<semaphore_mem>>)
      } else {
      }
      %add3A_219 = arith.constant 1 : i32
      %add3A_220 = arith.addi %add3A_186, %add3A_219 : i32
      %lt3A_221 = arith.constant 105 : i32
      %lt3A_222 = arith.cmpi slt, %add3A_220, %lt3A_221 : i32
      %convert_element_type3A_223 = arith.extui %lt3A_222 : i1 to i32
      %cond3A_224 = arith.constant 0 : i32
      %cond3A_225 = arith.cmpi ne, %convert_element_type3A_223, %cond3A_224 : i32
      scf.if %cond3A_225 {
        %dma_wait3A_226 = arith.constant 0 : i32
        %dma_wait3A_227 = arith.constant 0 : i32
        %dma_wait3A_228 = arith.constant 0 : i32
        %dma_wait3A_229 = tpu.memref_slice %arg4[%add3A, %dma_wait3A_226, %dma_wait3A_227, %dma_wait3A_228] : memref<32x105x2x96xi32, #tpu.memory_space<hbm>> -> memref<1x1x2x96xi32, #tpu.memory_space<hbm>>
        %dma_wait3A_230 = tpu.memref_squeeze %dma_wait3A_229 : memref<1x1x2x96xi32, #tpu.memory_space<hbm>> -> memref<2x96xi32, #tpu.memory_space<hbm>>
        %dma_wait3A_231 = arith.constant 0 : i32
        %dma_wait3A_232 = arith.constant 0 : i32
        %dma_wait3A_233 = tpu.memref_slice %arg4[%add3A, %dma_wait3A_226, %dma_wait3A_231, %dma_wait3A_232] : memref<32x105x2x96xi32, #tpu.memory_space<hbm>> -> memref<1x1x2x96xi32, #tpu.memory_space<hbm>>
        %dma_wait3A_234 = tpu.memref_squeeze %dma_wait3A_233 : memref<1x1x2x96xi32, #tpu.memory_space<hbm>> -> memref<2x96xi32, #tpu.memory_space<hbm>>
        tpu.wait_dma2 semaphore(%arg13 : memref<!tpu.dma_semaphore, #tpu.memory_space<semaphore_mem>>) src(%dma_wait3A_234 : memref<2x96xi32, #tpu.memory_space<hbm>>) dst(%arg6 : memref<2x96xi32, #tpu.memory_space<vmem>>)
        %dma_wait3A_235 = arith.constant 0 : i32
        %dma_wait3A_236 = tpu.memref_slice %arg3[%mul3A_2, %dma_wait3A_235] : memref<322560x128xf32, #tpu.memory_space<hbm>> -> memref<96x128xf32, #tpu.memory_space<hbm>>
        %dma_wait3A_237 = arith.constant 0 : i32
        %dma_wait3A_238 = tpu.memref_slice %arg3[%mul3A_2, %dma_wait3A_237] : memref<322560x128xf32, #tpu.memory_space<hbm>> -> memref<96x128xf32, #tpu.memory_space<hbm>>
        tpu.wait_dma2 semaphore(%arg16 : memref<!tpu.dma_semaphore, #tpu.memory_space<semaphore_mem>>) src(%dma_wait3A_238 : memref<96x128xf32, #tpu.memory_space<hbm>>) dst(%arg9 : memref<96x128xf32, #tpu.memory_space<vmem>>)
        %dma_start3A_239 = arith.constant 0 : i32
        %dma_start3A_240 = arith.constant 0 : i32
        %dma_start3A_241 = tpu.memref_slice %arg6[%dma_start3A_239, %dma_start3A_240] : memref<2x96xi32, #tpu.memory_space<vmem>> -> memref<1x96xi32, #tpu.memory_space<vmem>>
        %dma_start3A_242 = tpu.memref_squeeze %dma_start3A_241 : memref<1x96xi32, #tpu.memory_space<vmem>> -> memref<96xi32, #tpu.memory_space<vmem>>
        %dma_start3A_243 = arith.constant 0 : i32
        %dma_start3A_244 = arith.constant 0 : i32
        %dma_start3A_245 = tpu.memref_slice %arg2[%dma_start3A_243, %dma_start3A_244] : memref<10240x128xf32, #tpu.memory_space<hbm>> -> memref<10240x128xf32, #tpu.memory_space<hbm>>
        tpu.enqueue_indirect_dma source(%dma_start3A_245 : memref<10240x128xf32, #tpu.memory_space<hbm>>) target(%arg9 : memref<96x128xf32, #tpu.memory_space<vmem>>) offsets(%dma_start3A_242 : memref<96xi32, #tpu.memory_space<vmem>>) semaphore(%arg19 : memref<!tpu.dma_semaphore, #tpu.memory_space<semaphore_mem>>) {add = true}
      } else {
      }
    }
    %scan3A_77 = arith.constant 35 : i32
    %dma_wait3A_78 = arith.constant 1 : i32
    %dma_wait3A_79 = arith.constant 0 : i32
    %dma_wait3A_80 = tpu.memref_slice %arg8[%dma_wait3A_78, %dma_wait3A_79] : memref<2x96xi32, #tpu.memory_space<vmem>> -> memref<1x96xi32, #tpu.memory_space<vmem>>
    %dma_wait3A_81 = tpu.memref_squeeze %dma_wait3A_80 : memref<1x96xi32, #tpu.memory_space<vmem>> -> memref<96xi32, #tpu.memory_space<vmem>>
    %dma_wait3A_82 = arith.constant 0 : i32
    %dma_wait3A_83 = arith.constant 0 : i32
    %dma_wait3A_84 = tpu.memref_slice %arg12[%dma_wait3A_82, %dma_wait3A_83] : memref<10240x128xf32, #tpu.memory_space<vmem_shared>> -> memref<10240x128xf32, #tpu.memory_space<vmem_shared>>
    tpu.wait_indirect_dma semaphore(%arg24 : memref<!tpu.dma_semaphore, #tpu.memory_space<semaphore_mem>>) src(%arg11 : memref<96x128xf32, #tpu.memory_space<vmem>>) dst(%dma_wait3A_84 : memref<10240x128xf32, #tpu.memory_space<vmem_shared>>)
    %barrier3A_85 = arith.constant 0 : index
    tpu.barrier barrier_id(%barrier3A_85)
    %add3A_86 = arith.constant 0 : i32
    %add3A_87 = arith.addi %mul3A_9, %add3A_86 : i32
    "tpu.region"() ({
      %run_scoped3A = tpu.sem_alloc : memref<!tpu.dma_semaphore, #tpu.memory_space<semaphore_mem>>
      %dma_start3A_100 = arith.constant 0 : i32
      %dma_start3A_101 = tpu.memref_slice %arg12[%add3A_87, %dma_start3A_100] : memref<10240x128xf32, #tpu.memory_space<vmem_shared>> -> memref<96x128xf32, #tpu.memory_space<vmem_shared>>
      %dma_start3A_102 = arith.constant 0 : i32
      %dma_start3A_103 = tpu.memref_slice %arg12[%add3A_87, %dma_start3A_102] : memref<10240x128xf32, #tpu.memory_space<vmem_shared>> -> memref<96x128xf32, #tpu.memory_space<vmem_shared>>
      tpu.enqueue_dma source(%dma_start3A_103 : memref<96x128xf32, #tpu.memory_space<vmem_shared>>) target(%arg9 : memref<96x128xf32, #tpu.memory_space<vmem>>) target_semaphore(%run_scoped3A : memref<!tpu.dma_semaphore, #tpu.memory_space<semaphore_mem>>)
      %dma_wait3A_104 = arith.constant 0 : i32
      %dma_wait3A_105 = tpu.memref_slice %arg12[%add3A_87, %dma_wait3A_104] : memref<10240x128xf32, #tpu.memory_space<vmem_shared>> -> memref<96x128xf32, #tpu.memory_space<vmem_shared>>
      %dma_wait3A_106 = arith.constant 0 : i32
      %dma_wait3A_107 = tpu.memref_slice %arg12[%add3A_87, %dma_wait3A_106] : memref<10240x128xf32, #tpu.memory_space<vmem_shared>> -> memref<96x128xf32, #tpu.memory_space<vmem_shared>>
      tpu.wait_dma2 semaphore(%run_scoped3A : memref<!tpu.dma_semaphore, #tpu.memory_space<semaphore_mem>>) src(%dma_wait3A_107 : memref<96x128xf32, #tpu.memory_space<vmem_shared>>) dst(%arg9 : memref<96x128xf32, #tpu.memory_space<vmem>>)
      tpu.yield
    }) : () -> ()
    "tpu.region"() ({
      %run_scoped3A = tpu.sem_alloc : memref<!tpu.dma_semaphore, #tpu.memory_space<semaphore_mem>>
      %dma_start3A_100 = arith.constant 0 : i32
      %dma_start3A_101 = tpu.memref_slice %arg5[%arg0, %add3A_87, %dma_start3A_100] : memref<2x10240x128xf32, #tpu.memory_space<hbm>> -> memref<1x96x128xf32, #tpu.memory_space<hbm>>
      %dma_start3A_102 = tpu.memref_squeeze %dma_start3A_101 : memref<1x96x128xf32, #tpu.memory_space<hbm>> -> memref<96x128xf32, #tpu.memory_space<hbm>>
      %dma_start3A_103 = arith.constant 0 : i32
      %dma_start3A_104 = tpu.memref_slice %arg5[%arg0, %add3A_87, %dma_start3A_103] : memref<2x10240x128xf32, #tpu.memory_space<hbm>> -> memref<1x96x128xf32, #tpu.memory_space<hbm>>
      %dma_start3A_105 = tpu.memref_squeeze %dma_start3A_104 : memref<1x96x128xf32, #tpu.memory_space<hbm>> -> memref<96x128xf32, #tpu.memory_space<hbm>>
      tpu.enqueue_dma source(%arg9 : memref<96x128xf32, #tpu.memory_space<vmem>>) target(%dma_start3A_105 : memref<96x128xf32, #tpu.memory_space<hbm>>) target_semaphore(%run_scoped3A : memref<!tpu.dma_semaphore, #tpu.memory_space<semaphore_mem>>)
      %dma_wait3A_106 = arith.constant 0 : i32
      %dma_wait3A_107 = tpu.memref_slice %arg5[%arg0, %add3A_87, %dma_wait3A_106] : memref<2x10240x128xf32, #tpu.memory_space<hbm>> -> memref<1x96x128xf32, #tpu.memory_space<hbm>>
      %dma_wait3A_108 = tpu.memref_squeeze %dma_wait3A_107 : memref<1x96x128xf32, #tpu.memory_space<hbm>> -> memref<96x128xf32, #tpu.memory_space<hbm>>
      %dma_wait3A_109 = arith.constant 0 : i32
      %dma_wait3A_110 = tpu.memref_slice %arg5[%arg0, %add3A_87, %dma_wait3A_109] : memref<2x10240x128xf32, #tpu.memory_space<hbm>> -> memref<1x96x128xf32, #tpu.memory_space<hbm>>
      %dma_wait3A_111 = tpu.memref_squeeze %dma_wait3A_110 : memref<1x96x128xf32, #tpu.memory_space<hbm>> -> memref<96x128xf32, #tpu.memory_space<hbm>>
      tpu.wait_dma2 semaphore(%run_scoped3A : memref<!tpu.dma_semaphore, #tpu.memory_space<semaphore_mem>>) src(%arg9 : memref<96x128xf32, #tpu.memory_space<vmem>>) dst(%dma_wait3A_111 : memref<96x128xf32, #tpu.memory_space<hbm>>)
      tpu.yield
    }) : () -> ()
    %add3A_88 = arith.constant 96 : i32
    %add3A_89 = arith.addi %mul3A_9, %add3A_88 : i32
    "tpu.region"() ({
      %run_scoped3A = tpu.sem_alloc : memref<!tpu.dma_semaphore, #tpu.memory_space<semaphore_mem>>
      %dma_start3A_100 = arith.constant 0 : i32
      %dma_start3A_101 = tpu.memref_slice %arg12[%add3A_89, %dma_start3A_100] : memref<10240x128xf32, #tpu.memory_space<vmem_shared>> -> memref<96x128xf32, #tpu.memory_space<vmem_shared>>
      %dma_start3A_102 = arith.constant 0 : i32
      %dma_start3A_103 = tpu.memref_slice %arg12[%add3A_89, %dma_start3A_102] : memref<10240x128xf32, #tpu.memory_space<vmem_shared>> -> memref<96x128xf32, #tpu.memory_space<vmem_shared>>
      tpu.enqueue_dma source(%dma_start3A_103 : memref<96x128xf32, #tpu.memory_space<vmem_shared>>) target(%arg9 : memref<96x128xf32, #tpu.memory_space<vmem>>) target_semaphore(%run_scoped3A : memref<!tpu.dma_semaphore, #tpu.memory_space<semaphore_mem>>)
      %dma_wait3A_104 = arith.constant 0 : i32
      %dma_wait3A_105 = tpu.memref_slice %arg12[%add3A_89, %dma_wait3A_104] : memref<10240x128xf32, #tpu.memory_space<vmem_shared>> -> memref<96x128xf32, #tpu.memory_space<vmem_shared>>
      %dma_wait3A_106 = arith.constant 0 : i32
      %dma_wait3A_107 = tpu.memref_slice %arg12[%add3A_89, %dma_wait3A_106] : memref<10240x128xf32, #tpu.memory_space<vmem_shared>> -> memref<96x128xf32, #tpu.memory_space<vmem_shared>>
      tpu.wait_dma2 semaphore(%run_scoped3A : memref<!tpu.dma_semaphore, #tpu.memory_space<semaphore_mem>>) src(%dma_wait3A_107 : memref<96x128xf32, #tpu.memory_space<vmem_shared>>) dst(%arg9 : memref<96x128xf32, #tpu.memory_space<vmem>>)
      tpu.yield
    }) : () -> ()
    "tpu.region"() ({
      %run_scoped3A = tpu.sem_alloc : memref<!tpu.dma_semaphore, #tpu.memory_space<semaphore_mem>>
      %dma_start3A_100 = arith.constant 0 : i32
      %dma_start3A_101 = tpu.memref_slice %arg5[%arg0, %add3A_89, %dma_start3A_100] : memref<2x10240x128xf32, #tpu.memory_space<hbm>> -> memref<1x96x128xf32, #tpu.memory_space<hbm>>
      %dma_start3A_102 = tpu.memref_squeeze %dma_start3A_101 : memref<1x96x128xf32, #tpu.memory_space<hbm>> -> memref<96x128xf32, #tpu.memory_space<hbm>>
      %dma_start3A_103 = arith.constant 0 : i32
      %dma_start3A_104 = tpu.memref_slice %arg5[%arg0, %add3A_89, %dma_start3A_103] : memref<2x10240x128xf32, #tpu.memory_space<hbm>> -> memref<1x96x128xf32, #tpu.memory_space<hbm>>
      %dma_start3A_105 = tpu.memref_squeeze %dma_start3A_104 : memref<1x96x128xf32, #tpu.memory_space<hbm>> -> memref<96x128xf32, #tpu.memory_space<hbm>>
      tpu.enqueue_dma source(%arg9 : memref<96x128xf32, #tpu.memory_space<vmem>>) target(%dma_start3A_105 : memref<96x128xf32, #tpu.memory_space<hbm>>) target_semaphore(%run_scoped3A : memref<!tpu.dma_semaphore, #tpu.memory_space<semaphore_mem>>)
      %dma_wait3A_106 = arith.constant 0 : i32
      %dma_wait3A_107 = tpu.memref_slice %arg5[%arg0, %add3A_89, %dma_wait3A_106] : memref<2x10240x128xf32, #tpu.memory_space<hbm>> -> memref<1x96x128xf32, #tpu.memory_space<hbm>>
      %dma_wait3A_108 = tpu.memref_squeeze %dma_wait3A_107 : memref<1x96x128xf32, #tpu.memory_space<hbm>> -> memref<96x128xf32, #tpu.memory_space<hbm>>
      %dma_wait3A_109 = arith.constant 0 : i32
      %dma_wait3A_110 = tpu.memref_slice %arg5[%arg0, %add3A_89, %dma_wait3A_109] : memref<2x10240x128xf32, #tpu.memory_space<hbm>> -> memref<1x96x128xf32, #tpu.memory_space<hbm>>
      %dma_wait3A_111 = tpu.memref_squeeze %dma_wait3A_110 : memref<1x96x128xf32, #tpu.memory_space<hbm>> -> memref<96x128xf32, #tpu.memory_space<hbm>>
      tpu.wait_dma2 semaphore(%run_scoped3A : memref<!tpu.dma_semaphore, #tpu.memory_space<semaphore_mem>>) src(%arg9 : memref<96x128xf32, #tpu.memory_space<vmem>>) dst(%dma_wait3A_111 : memref<96x128xf32, #tpu.memory_space<hbm>>)
      tpu.yield
    }) : () -> ()
    %add3A_90 = arith.constant 192 : i32
    %add3A_91 = arith.addi %mul3A_9, %add3A_90 : i32
    "tpu.region"() ({
      %run_scoped3A = tpu.sem_alloc : memref<!tpu.dma_semaphore, #tpu.memory_space<semaphore_mem>>
      %dma_start3A_100 = arith.constant 0 : i32
      %dma_start3A_101 = tpu.memref_slice %arg12[%add3A_91, %dma_start3A_100] : memref<10240x128xf32, #tpu.memory_space<vmem_shared>> -> memref<96x128xf32, #tpu.memory_space<vmem_shared>>
      %dma_start3A_102 = arith.constant 0 : i32
      %dma_start3A_103 = tpu.memref_slice %arg12[%add3A_91, %dma_start3A_102] : memref<10240x128xf32, #tpu.memory_space<vmem_shared>> -> memref<96x128xf32, #tpu.memory_space<vmem_shared>>
      tpu.enqueue_dma source(%dma_start3A_103 : memref<96x128xf32, #tpu.memory_space<vmem_shared>>) target(%arg9 : memref<96x128xf32, #tpu.memory_space<vmem>>) target_semaphore(%run_scoped3A : memref<!tpu.dma_semaphore, #tpu.memory_space<semaphore_mem>>)
      %dma_wait3A_104 = arith.constant 0 : i32
      %dma_wait3A_105 = tpu.memref_slice %arg12[%add3A_91, %dma_wait3A_104] : memref<10240x128xf32, #tpu.memory_space<vmem_shared>> -> memref<96x128xf32, #tpu.memory_space<vmem_shared>>
      %dma_wait3A_106 = arith.constant 0 : i32
      %dma_wait3A_107 = tpu.memref_slice %arg12[%add3A_91, %dma_wait3A_106] : memref<10240x128xf32, #tpu.memory_space<vmem_shared>> -> memref<96x128xf32, #tpu.memory_space<vmem_shared>>
      tpu.wait_dma2 semaphore(%run_scoped3A : memref<!tpu.dma_semaphore, #tpu.memory_space<semaphore_mem>>) src(%dma_wait3A_107 : memref<96x128xf32, #tpu.memory_space<vmem_shared>>) dst(%arg9 : memref<96x128xf32, #tpu.memory_space<vmem>>)
      tpu.yield
    }) : () -> ()
    "tpu.region"() ({
      %run_scoped3A = tpu.sem_alloc : memref<!tpu.dma_semaphore, #tpu.memory_space<semaphore_mem>>
      %dma_start3A_100 = arith.constant 0 : i32
      %dma_start3A_101 = tpu.memref_slice %arg5[%arg0, %add3A_91, %dma_start3A_100] : memref<2x10240x128xf32, #tpu.memory_space<hbm>> -> memref<1x96x128xf32, #tpu.memory_space<hbm>>
      %dma_start3A_102 = tpu.memref_squeeze %dma_start3A_101 : memref<1x96x128xf32, #tpu.memory_space<hbm>> -> memref<96x128xf32, #tpu.memory_space<hbm>>
      %dma_start3A_103 = arith.constant 0 : i32
      %dma_start3A_104 = tpu.memref_slice %arg5[%arg0, %add3A_91, %dma_start3A_103] : memref<2x10240x128xf32, #tpu.memory_space<hbm>> -> memref<1x96x128xf32, #tpu.memory_space<hbm>>
      %dma_start3A_105 = tpu.memref_squeeze %dma_start3A_104 : memref<1x96x128xf32, #tpu.memory_space<hbm>> -> memref<96x128xf32, #tpu.memory_space<hbm>>
      tpu.enqueue_dma source(%arg9 : memref<96x128xf32, #tpu.memory_space<vmem>>) target(%dma_start3A_105 : memref<96x128xf32, #tpu.memory_space<hbm>>) target_semaphore(%run_scoped3A : memref<!tpu.dma_semaphore, #tpu.memory_space<semaphore_mem>>)
      %dma_wait3A_106 = arith.constant 0 : i32
      %dma_wait3A_107 = tpu.memref_slice %arg5[%arg0, %add3A_91, %dma_wait3A_106] : memref<2x10240x128xf32, #tpu.memory_space<hbm>> -> memref<1x96x128xf32, #tpu.memory_space<hbm>>
      %dma_wait3A_108 = tpu.memref_squeeze %dma_wait3A_107 : memref<1x96x128xf32, #tpu.memory_space<hbm>> -> memref<96x128xf32, #tpu.memory_space<hbm>>
      %dma_wait3A_109 = arith.constant 0 : i32
      %dma_wait3A_110 = tpu.memref_slice %arg5[%arg0, %add3A_91, %dma_wait3A_109] : memref<2x10240x128xf32, #tpu.memory_space<hbm>> -> memref<1x96x128xf32, #tpu.memory_space<hbm>>
      %dma_wait3A_111 = tpu.memref_squeeze %dma_wait3A_110 : memref<1x96x128xf32, #tpu.memory_space<hbm>> -> memref<96x128xf32, #tpu.memory_space<hbm>>
      tpu.wait_dma2 semaphore(%run_scoped3A : memref<!tpu.dma_semaphore, #tpu.memory_space<semaphore_mem>>) src(%arg9 : memref<96x128xf32, #tpu.memory_space<vmem>>) dst(%dma_wait3A_111 : memref<96x128xf32, #tpu.memory_space<hbm>>)
      tpu.yield
    }) : () -> ()
    %add3A_92 = arith.constant 288 : i32
    %add3A_93 = arith.addi %mul3A_9, %add3A_92 : i32
    "tpu.region"() ({
      %run_scoped3A = tpu.sem_alloc : memref<!tpu.dma_semaphore, #tpu.memory_space<semaphore_mem>>
      %dma_start3A_100 = arith.constant 0 : i32
      %dma_start3A_101 = tpu.memref_slice %arg12[%add3A_93, %dma_start3A_100] : memref<10240x128xf32, #tpu.memory_space<vmem_shared>> -> memref<96x128xf32, #tpu.memory_space<vmem_shared>>
      %dma_start3A_102 = arith.constant 0 : i32
      %dma_start3A_103 = tpu.memref_slice %arg12[%add3A_93, %dma_start3A_102] : memref<10240x128xf32, #tpu.memory_space<vmem_shared>> -> memref<96x128xf32, #tpu.memory_space<vmem_shared>>
      tpu.enqueue_dma source(%dma_start3A_103 : memref<96x128xf32, #tpu.memory_space<vmem_shared>>) target(%arg9 : memref<96x128xf32, #tpu.memory_space<vmem>>) target_semaphore(%run_scoped3A : memref<!tpu.dma_semaphore, #tpu.memory_space<semaphore_mem>>)
      %dma_wait3A_104 = arith.constant 0 : i32
      %dma_wait3A_105 = tpu.memref_slice %arg12[%add3A_93, %dma_wait3A_104] : memref<10240x128xf32, #tpu.memory_space<vmem_shared>> -> memref<96x128xf32, #tpu.memory_space<vmem_shared>>
      %dma_wait3A_106 = arith.constant 0 : i32
      %dma_wait3A_107 = tpu.memref_slice %arg12[%add3A_93, %dma_wait3A_106] : memref<10240x128xf32, #tpu.memory_space<vmem_shared>> -> memref<96x128xf32, #tpu.memory_space<vmem_shared>>
      tpu.wait_dma2 semaphore(%run_scoped3A : memref<!tpu.dma_semaphore, #tpu.memory_space<semaphore_mem>>) src(%dma_wait3A_107 : memref<96x128xf32, #tpu.memory_space<vmem_shared>>) dst(%arg9 : memref<96x128xf32, #tpu.memory_space<vmem>>)
      tpu.yield
    }) : () -> ()
    "tpu.region"() ({
      %run_scoped3A = tpu.sem_alloc : memref<!tpu.dma_semaphore, #tpu.memory_space<semaphore_mem>>
      %dma_start3A_100 = arith.constant 0 : i32
      %dma_start3A_101 = tpu.memref_slice %arg5[%arg0, %add3A_93, %dma_start3A_100] : memref<2x10240x128xf32, #tpu.memory_space<hbm>> -> memref<1x96x128xf32, #tpu.memory_space<hbm>>
      %dma_start3A_102 = tpu.memref_squeeze %dma_start3A_101 : memref<1x96x128xf32, #tpu.memory_space<hbm>> -> memref<96x128xf32, #tpu.memory_space<hbm>>
      %dma_start3A_103 = arith.constant 0 : i32
      %dma_start3A_104 = tpu.memref_slice %arg5[%arg0, %add3A_93, %dma_start3A_103] : memref<2x10240x128xf32, #tpu.memory_space<hbm>> -> memref<1x96x128xf32, #tpu.memory_space<hbm>>
      %dma_start3A_105 = tpu.memref_squeeze %dma_start3A_104 : memref<1x96x128xf32, #tpu.memory_space<hbm>> -> memref<96x128xf32, #tpu.memory_space<hbm>>
      tpu.enqueue_dma source(%arg9 : memref<96x128xf32, #tpu.memory_space<vmem>>) target(%dma_start3A_105 : memref<96x128xf32, #tpu.memory_space<hbm>>) target_semaphore(%run_scoped3A : memref<!tpu.dma_semaphore, #tpu.memory_space<semaphore_mem>>)
      %dma_wait3A_106 = arith.constant 0 : i32
      %dma_wait3A_107 = tpu.memref_slice %arg5[%arg0, %add3A_93, %dma_wait3A_106] : memref<2x10240x128xf32, #tpu.memory_space<hbm>> -> memref<1x96x128xf32, #tpu.memory_space<hbm>>
      %dma_wait3A_108 = tpu.memref_squeeze %dma_wait3A_107 : memref<1x96x128xf32, #tpu.memory_space<hbm>> -> memref<96x128xf32, #tpu.memory_space<hbm>>
      %dma_wait3A_109 = arith.constant 0 : i32
      %dma_wait3A_110 = tpu.memref_slice %arg5[%arg0, %add3A_93, %dma_wait3A_109] : memref<2x10240x128xf32, #tpu.memory_space<hbm>> -> memref<1x96x128xf32, #tpu.memory_space<hbm>>
      %dma_wait3A_111 = tpu.memref_squeeze %dma_wait3A_110 : memref<1x96x128xf32, #tpu.memory_space<hbm>> -> memref<96x128xf32, #tpu.memory_space<hbm>>
      tpu.wait_dma2 semaphore(%run_scoped3A : memref<!tpu.dma_semaphore, #tpu.memory_space<semaphore_mem>>) src(%arg9 : memref<96x128xf32, #tpu.memory_space<vmem>>) dst(%dma_wait3A_111 : memref<96x128xf32, #tpu.memory_space<hbm>>)
      tpu.yield
    }) : () -> ()
    %add3A_94 = arith.constant 384 : i32
    %add3A_95 = arith.addi %mul3A_9, %add3A_94 : i32
    "tpu.region"() ({
      %run_scoped3A = tpu.sem_alloc : memref<!tpu.dma_semaphore, #tpu.memory_space<semaphore_mem>>
      %dma_start3A_100 = arith.constant 0 : i32
      %dma_start3A_101 = tpu.memref_slice %arg12[%add3A_95, %dma_start3A_100] : memref<10240x128xf32, #tpu.memory_space<vmem_shared>> -> memref<96x128xf32, #tpu.memory_space<vmem_shared>>
      %dma_start3A_102 = arith.constant 0 : i32
      %dma_start3A_103 = tpu.memref_slice %arg12[%add3A_95, %dma_start3A_102] : memref<10240x128xf32, #tpu.memory_space<vmem_shared>> -> memref<96x128xf32, #tpu.memory_space<vmem_shared>>
      tpu.enqueue_dma source(%dma_start3A_103 : memref<96x128xf32, #tpu.memory_space<vmem_shared>>) target(%arg9 : memref<96x128xf32, #tpu.memory_space<vmem>>) target_semaphore(%run_scoped3A : memref<!tpu.dma_semaphore, #tpu.memory_space<semaphore_mem>>)
      %dma_wait3A_104 = arith.constant 0 : i32
      %dma_wait3A_105 = tpu.memref_slice %arg12[%add3A_95, %dma_wait3A_104] : memref<10240x128xf32, #tpu.memory_space<vmem_shared>> -> memref<96x128xf32, #tpu.memory_space<vmem_shared>>
      %dma_wait3A_106 = arith.constant 0 : i32
      %dma_wait3A_107 = tpu.memref_slice %arg12[%add3A_95, %dma_wait3A_106] : memref<10240x128xf32, #tpu.memory_space<vmem_shared>> -> memref<96x128xf32, #tpu.memory_space<vmem_shared>>
      tpu.wait_dma2 semaphore(%run_scoped3A : memref<!tpu.dma_semaphore, #tpu.memory_space<semaphore_mem>>) src(%dma_wait3A_107 : memref<96x128xf32, #tpu.memory_space<vmem_shared>>) dst(%arg9 : memref<96x128xf32, #tpu.memory_space<vmem>>)
      tpu.yield
    }) : () -> ()
    "tpu.region"() ({
      %run_scoped3A = tpu.sem_alloc : memref<!tpu.dma_semaphore, #tpu.memory_space<semaphore_mem>>
      %dma_start3A_100 = arith.constant 0 : i32
      %dma_start3A_101 = tpu.memref_slice %arg5[%arg0, %add3A_95, %dma_start3A_100] : memref<2x10240x128xf32, #tpu.memory_space<hbm>> -> memref<1x96x128xf32, #tpu.memory_space<hbm>>
      %dma_start3A_102 = tpu.memref_squeeze %dma_start3A_101 : memref<1x96x128xf32, #tpu.memory_space<hbm>> -> memref<96x128xf32, #tpu.memory_space<hbm>>
      %dma_start3A_103 = arith.constant 0 : i32
      %dma_start3A_104 = tpu.memref_slice %arg5[%arg0, %add3A_95, %dma_start3A_103] : memref<2x10240x128xf32, #tpu.memory_space<hbm>> -> memref<1x96x128xf32, #tpu.memory_space<hbm>>
      %dma_start3A_105 = tpu.memref_squeeze %dma_start3A_104 : memref<1x96x128xf32, #tpu.memory_space<hbm>> -> memref<96x128xf32, #tpu.memory_space<hbm>>
      tpu.enqueue_dma source(%arg9 : memref<96x128xf32, #tpu.memory_space<vmem>>) target(%dma_start3A_105 : memref<96x128xf32, #tpu.memory_space<hbm>>) target_semaphore(%run_scoped3A : memref<!tpu.dma_semaphore, #tpu.memory_space<semaphore_mem>>)
      %dma_wait3A_106 = arith.constant 0 : i32
      %dma_wait3A_107 = tpu.memref_slice %arg5[%arg0, %add3A_95, %dma_wait3A_106] : memref<2x10240x128xf32, #tpu.memory_space<hbm>> -> memref<1x96x128xf32, #tpu.memory_space<hbm>>
      %dma_wait3A_108 = tpu.memref_squeeze %dma_wait3A_107 : memref<1x96x128xf32, #tpu.memory_space<hbm>> -> memref<96x128xf32, #tpu.memory_space<hbm>>
      %dma_wait3A_109 = arith.constant 0 : i32
      %dma_wait3A_110 = tpu.memref_slice %arg5[%arg0, %add3A_95, %dma_wait3A_109] : memref<2x10240x128xf32, #tpu.memory_space<hbm>> -> memref<1x96x128xf32, #tpu.memory_space<hbm>>
      %dma_wait3A_111 = tpu.memref_squeeze %dma_wait3A_110 : memref<1x96x128xf32, #tpu.memory_space<hbm>> -> memref<96x128xf32, #tpu.memory_space<hbm>>
      tpu.wait_dma2 semaphore(%run_scoped3A : memref<!tpu.dma_semaphore, #tpu.memory_space<semaphore_mem>>) src(%arg9 : memref<96x128xf32, #tpu.memory_space<vmem>>) dst(%dma_wait3A_111 : memref<96x128xf32, #tpu.memory_space<hbm>>)
      tpu.yield
    }) : () -> ()
    %add3A_96 = arith.constant 480 : i32
    %add3A_97 = arith.addi %mul3A_9, %add3A_96 : i32
    "tpu.region"() ({
      %run_scoped3A = tpu.sem_alloc : memref<!tpu.dma_semaphore, #tpu.memory_space<semaphore_mem>>
      %dma_start3A_100 = arith.constant 0 : i32
      %dma_start3A_101 = tpu.memref_slice %arg12[%add3A_97, %dma_start3A_100] : memref<10240x128xf32, #tpu.memory_space<vmem_shared>> -> memref<96x128xf32, #tpu.memory_space<vmem_shared>>
      %dma_start3A_102 = arith.constant 0 : i32
      %dma_start3A_103 = tpu.memref_slice %arg12[%add3A_97, %dma_start3A_102] : memref<10240x128xf32, #tpu.memory_space<vmem_shared>> -> memref<96x128xf32, #tpu.memory_space<vmem_shared>>
      tpu.enqueue_dma source(%dma_start3A_103 : memref<96x128xf32, #tpu.memory_space<vmem_shared>>) target(%arg9 : memref<96x128xf32, #tpu.memory_space<vmem>>) target_semaphore(%run_scoped3A : memref<!tpu.dma_semaphore, #tpu.memory_space<semaphore_mem>>)
      %dma_wait3A_104 = arith.constant 0 : i32
      %dma_wait3A_105 = tpu.memref_slice %arg12[%add3A_97, %dma_wait3A_104] : memref<10240x128xf32, #tpu.memory_space<vmem_shared>> -> memref<96x128xf32, #tpu.memory_space<vmem_shared>>
      %dma_wait3A_106 = arith.constant 0 : i32
      %dma_wait3A_107 = tpu.memref_slice %arg12[%add3A_97, %dma_wait3A_106] : memref<10240x128xf32, #tpu.memory_space<vmem_shared>> -> memref<96x128xf32, #tpu.memory_space<vmem_shared>>
      tpu.wait_dma2 semaphore(%run_scoped3A : memref<!tpu.dma_semaphore, #tpu.memory_space<semaphore_mem>>) src(%dma_wait3A_107 : memref<96x128xf32, #tpu.memory_space<vmem_shared>>) dst(%arg9 : memref<96x128xf32, #tpu.memory_space<vmem>>)
      tpu.yield
    }) : () -> ()
    "tpu.region"() ({
      %run_scoped3A = tpu.sem_alloc : memref<!tpu.dma_semaphore, #tpu.memory_space<semaphore_mem>>
      %dma_start3A_100 = arith.constant 0 : i32
      %dma_start3A_101 = tpu.memref_slice %arg5[%arg0, %add3A_97, %dma_start3A_100] : memref<2x10240x128xf32, #tpu.memory_space<hbm>> -> memref<1x96x128xf32, #tpu.memory_space<hbm>>
      %dma_start3A_102 = tpu.memref_squeeze %dma_start3A_101 : memref<1x96x128xf32, #tpu.memory_space<hbm>> -> memref<96x128xf32, #tpu.memory_space<hbm>>
      %dma_start3A_103 = arith.constant 0 : i32
      %dma_start3A_104 = tpu.memref_slice %arg5[%arg0, %add3A_97, %dma_start3A_103] : memref<2x10240x128xf32, #tpu.memory_space<hbm>> -> memref<1x96x128xf32, #tpu.memory_space<hbm>>
      %dma_start3A_105 = tpu.memref_squeeze %dma_start3A_104 : memref<1x96x128xf32, #tpu.memory_space<hbm>> -> memref<96x128xf32, #tpu.memory_space<hbm>>
      tpu.enqueue_dma source(%arg9 : memref<96x128xf32, #tpu.memory_space<vmem>>) target(%dma_start3A_105 : memref<96x128xf32, #tpu.memory_space<hbm>>) target_semaphore(%run_scoped3A : memref<!tpu.dma_semaphore, #tpu.memory_space<semaphore_mem>>)
      %dma_wait3A_106 = arith.constant 0 : i32
      %dma_wait3A_107 = tpu.memref_slice %arg5[%arg0, %add3A_97, %dma_wait3A_106] : memref<2x10240x128xf32, #tpu.memory_space<hbm>> -> memref<1x96x128xf32, #tpu.memory_space<hbm>>
      %dma_wait3A_108 = tpu.memref_squeeze %dma_wait3A_107 : memref<1x96x128xf32, #tpu.memory_space<hbm>> -> memref<96x128xf32, #tpu.memory_space<hbm>>
      %dma_wait3A_109 = arith.constant 0 : i32
      %dma_wait3A_110 = tpu.memref_slice %arg5[%arg0, %add3A_97, %dma_wait3A_109] : memref<2x10240x128xf32, #tpu.memory_space<hbm>> -> memref<1x96x128xf32, #tpu.memory_space<hbm>>
      %dma_wait3A_111 = tpu.memref_squeeze %dma_wait3A_110 : memref<1x96x128xf32, #tpu.memory_space<hbm>> -> memref<96x128xf32, #tpu.memory_space<hbm>>
      tpu.wait_dma2 semaphore(%run_scoped3A : memref<!tpu.dma_semaphore, #tpu.memory_space<semaphore_mem>>) src(%arg9 : memref<96x128xf32, #tpu.memory_space<vmem>>) dst(%dma_wait3A_111 : memref<96x128xf32, #tpu.memory_space<hbm>>)
      tpu.yield
    }) : () -> ()
    %add3A_98 = arith.constant 576 : i32
    %add3A_99 = arith.addi %mul3A_9, %add3A_98 : i32
    "tpu.region"() ({
      %run_scoped3A = tpu.sem_alloc : memref<!tpu.dma_semaphore, #tpu.memory_space<semaphore_mem>>
      %dma_start3A_100 = arith.constant 0 : i32
      %dma_start3A_101 = arith.constant 0 : i32
      %dma_start3A_102 = tpu.memref_slice %arg9[%dma_start3A_100, %dma_start3A_101] : memref<96x128xf32, #tpu.memory_space<vmem>> -> memref<64x128xf32, #tpu.memory_space<vmem>>
      %dma_start3A_103 = arith.constant 0 : i32
      %dma_start3A_104 = tpu.memref_slice %arg12[%add3A_99, %dma_start3A_103] : memref<10240x128xf32, #tpu.memory_space<vmem_shared>> -> memref<64x128xf32, #tpu.memory_space<vmem_shared>>
      %dma_start3A_105 = arith.constant 0 : i32
      %dma_start3A_106 = arith.constant 0 : i32
      %dma_start3A_107 = tpu.memref_slice %arg9[%dma_start3A_105, %dma_start3A_106] : memref<96x128xf32, #tpu.memory_space<vmem>> -> memref<64x128xf32, #tpu.memory_space<vmem>>
      %dma_start3A_108 = arith.constant 0 : i32
      %dma_start3A_109 = tpu.memref_slice %arg12[%add3A_99, %dma_start3A_108] : memref<10240x128xf32, #tpu.memory_space<vmem_shared>> -> memref<64x128xf32, #tpu.memory_space<vmem_shared>>
      tpu.enqueue_dma source(%dma_start3A_109 : memref<64x128xf32, #tpu.memory_space<vmem_shared>>) target(%dma_start3A_107 : memref<64x128xf32, #tpu.memory_space<vmem>>) target_semaphore(%run_scoped3A : memref<!tpu.dma_semaphore, #tpu.memory_space<semaphore_mem>>)
      %dma_wait3A_110 = arith.constant 0 : i32
      %dma_wait3A_111 = arith.constant 0 : i32
      %dma_wait3A_112 = tpu.memref_slice %arg9[%dma_wait3A_110, %dma_wait3A_111] : memref<96x128xf32, #tpu.memory_space<vmem>> -> memref<64x128xf32, #tpu.memory_space<vmem>>
      %dma_wait3A_113 = arith.constant 0 : i32
      %dma_wait3A_114 = tpu.memref_slice %arg12[%add3A_99, %dma_wait3A_113] : memref<10240x128xf32, #tpu.memory_space<vmem_shared>> -> memref<64x128xf32, #tpu.memory_space<vmem_shared>>
      %dma_wait3A_115 = arith.constant 0 : i32
      %dma_wait3A_116 = arith.constant 0 : i32
      %dma_wait3A_117 = tpu.memref_slice %arg9[%dma_wait3A_115, %dma_wait3A_116] : memref<96x128xf32, #tpu.memory_space<vmem>> -> memref<64x128xf32, #tpu.memory_space<vmem>>
      %dma_wait3A_118 = arith.constant 0 : i32
      %dma_wait3A_119 = tpu.memref_slice %arg12[%add3A_99, %dma_wait3A_118] : memref<10240x128xf32, #tpu.memory_space<vmem_shared>> -> memref<64x128xf32, #tpu.memory_space<vmem_shared>>
      tpu.wait_dma2 semaphore(%run_scoped3A : memref<!tpu.dma_semaphore, #tpu.memory_space<semaphore_mem>>) src(%dma_wait3A_119 : memref<64x128xf32, #tpu.memory_space<vmem_shared>>) dst(%dma_wait3A_117 : memref<64x128xf32, #tpu.memory_space<vmem>>)
      tpu.yield
    }) : () -> ()
    "tpu.region"() ({
      %run_scoped3A = tpu.sem_alloc : memref<!tpu.dma_semaphore, #tpu.memory_space<semaphore_mem>>
      %dma_start3A_100 = arith.constant 0 : i32
      %dma_start3A_101 = arith.constant 0 : i32
      %dma_start3A_102 = tpu.memref_slice %arg9[%dma_start3A_100, %dma_start3A_101] : memref<96x128xf32, #tpu.memory_space<vmem>> -> memref<64x128xf32, #tpu.memory_space<vmem>>
      %dma_start3A_103 = arith.constant 0 : i32
      %dma_start3A_104 = tpu.memref_slice %arg5[%arg0, %add3A_99, %dma_start3A_103] : memref<2x10240x128xf32, #tpu.memory_space<hbm>> -> memref<1x64x128xf32, #tpu.memory_space<hbm>>
      %dma_start3A_105 = tpu.memref_squeeze %dma_start3A_104 : memref<1x64x128xf32, #tpu.memory_space<hbm>> -> memref<64x128xf32, #tpu.memory_space<hbm>>
      %dma_start3A_106 = arith.constant 0 : i32
      %dma_start3A_107 = tpu.memref_slice %arg5[%arg0, %add3A_99, %dma_start3A_106] : memref<2x10240x128xf32, #tpu.memory_space<hbm>> -> memref<1x64x128xf32, #tpu.memory_space<hbm>>
      %dma_start3A_108 = tpu.memref_squeeze %dma_start3A_107 : memref<1x64x128xf32, #tpu.memory_space<hbm>> -> memref<64x128xf32, #tpu.memory_space<hbm>>
      %dma_start3A_109 = arith.constant 0 : i32
      %dma_start3A_110 = arith.constant 0 : i32
      %dma_start3A_111 = tpu.memref_slice %arg9[%dma_start3A_109, %dma_start3A_110] : memref<96x128xf32, #tpu.memory_space<vmem>> -> memref<64x128xf32, #tpu.memory_space<vmem>>
      tpu.enqueue_dma source(%dma_start3A_111 : memref<64x128xf32, #tpu.memory_space<vmem>>) target(%dma_start3A_108 : memref<64x128xf32, #tpu.memory_space<hbm>>) target_semaphore(%run_scoped3A : memref<!tpu.dma_semaphore, #tpu.memory_space<semaphore_mem>>)
      %dma_wait3A_112 = arith.constant 0 : i32
      %dma_wait3A_113 = arith.constant 0 : i32
      %dma_wait3A_114 = tpu.memref_slice %arg9[%dma_wait3A_112, %dma_wait3A_113] : memref<96x128xf32, #tpu.memory_space<vmem>> -> memref<64x128xf32, #tpu.memory_space<vmem>>
      %dma_wait3A_115 = arith.constant 0 : i32
      %dma_wait3A_116 = tpu.memref_slice %arg5[%arg0, %add3A_99, %dma_wait3A_115] : memref<2x10240x128xf32, #tpu.memory_space<hbm>> -> memref<1x64x128xf32, #tpu.memory_space<hbm>>
      %dma_wait3A_117 = tpu.memref_squeeze %dma_wait3A_116 : memref<1x64x128xf32, #tpu.memory_space<hbm>> -> memref<64x128xf32, #tpu.memory_space<hbm>>
      %dma_wait3A_118 = arith.constant 0 : i32
      %dma_wait3A_119 = tpu.memref_slice %arg5[%arg0, %add3A_99, %dma_wait3A_118] : memref<2x10240x128xf32, #tpu.memory_space<hbm>> -> memref<1x64x128xf32, #tpu.memory_space<hbm>>
      %dma_wait3A_120 = tpu.memref_squeeze %dma_wait3A_119 : memref<1x64x128xf32, #tpu.memory_space<hbm>> -> memref<64x128xf32, #tpu.memory_space<hbm>>
      %dma_wait3A_121 = arith.constant 0 : i32
      %dma_wait3A_122 = arith.constant 0 : i32
      %dma_wait3A_123 = tpu.memref_slice %arg9[%dma_wait3A_121, %dma_wait3A_122] : memref<96x128xf32, #tpu.memory_space<vmem>> -> memref<64x128xf32, #tpu.memory_space<vmem>>
      tpu.wait_dma2 semaphore(%run_scoped3A : memref<!tpu.dma_semaphore, #tpu.memory_space<semaphore_mem>>) src(%dma_wait3A_123 : memref<64x128xf32, #tpu.memory_space<vmem>>) dst(%dma_wait3A_120 : memref<64x128xf32, #tpu.memory_space<hbm>>)
      tpu.yield
    }) : () -> ()
    return
  }
}

#map = affine_map<(d0, d1) -> (0, 0)>
#map1 = affine_map<(d0, d1) -> (0, 0, 0, 0)>
#map2 = affine_map<(d0, d1) -> (0, 0, 0)>
module attributes {stable_mosaic.version = 14 : i64} {
  func.func @_sc_edge_body(%arg0: i32, %arg1: i32, %arg2: memref<10240x128xf32, #tpu.memory_space<hbm>>, %arg3: memref<322560x128xf32, #tpu.memory_space<hbm>>, %arg4: memref<32x105x2x96xi32, #tpu.memory_space<hbm>>, %arg5: memref<2x10240x128xf32, #tpu.memory_space<hbm>>, %arg6: memref<2x96xi32, #tpu.memory_space<vmem>>, %arg7: memref<2x96xi32, #tpu.memory_space<vmem>>, %arg8: memref<2x96xi32, #tpu.memory_space<vmem>>, %arg9: memref<96x128xf32, #tpu.memory_space<vmem>>, %arg10: memref<96x128xf32, #tpu.memory_space<vmem>>, %arg11: memref<96x128xf32, #tpu.memory_space<vmem>>, %arg12: memref<10240x128xf32, #tpu.memory_space<vmem_shared>>, %arg13: memref<!tpu.dma_semaphore, #tpu.memory_space<semaphore_mem>>, %arg14: memref<!tpu.dma_semaphore, #tpu.memory_space<semaphore_mem>>, %arg15: memref<!tpu.dma_semaphore, #tpu.memory_space<semaphore_mem>>, %arg16: memref<!tpu.dma_semaphore, #tpu.memory_space<semaphore_mem>>, %arg17: memref<!tpu.dma_semaphore, #tpu.memory_space<semaphore_mem>>, %arg18: memref<!tpu.dma_semaphore, #tpu.memory_space<semaphore_mem>>, %arg19: memref<!tpu.dma_semaphore, #tpu.memory_space<semaphore_mem>>, %arg20: memref<!tpu.dma_semaphore, #tpu.memory_space<semaphore_mem>>, %arg21: memref<!tpu.dma_semaphore, #tpu.memory_space<semaphore_mem>>, %arg22: memref<!tpu.dma_semaphore, #tpu.memory_space<semaphore_mem>>, %arg23: memref<!tpu.dma_semaphore, #tpu.memory_space<semaphore_mem>>, %arg24: memref<!tpu.dma_semaphore, #tpu.memory_space<semaphore_mem>>) attributes {dimension_semantics = [#tpu.dimension_semantics<core_parallel>, #tpu.dimension_semantics<subcore_parallel>], iteration_bounds = array<i64: 2, 16>, scalar_prefetch = 0 : i64, scratch_operands = 19 : i64, tpu.core_type = #tpu.core_type<sc_vector_subcore>, window_params = [{transform_indices = #map}, {transform_indices = #map}, {transform_indices = #map1}, {transform_indices = #map2}]} {
    %mul3A = arith.constant 16 : i32
    %mul3A_0 = arith.muli %arg0, %mul3A : i32
    %add3A = arith.addi %mul3A_0, %arg1 : i32
    %mul3A_1 = arith.constant 10080 : i32
    %mul3A_2 = arith.muli %add3A, %mul3A_1 : i32
    %scan3A = arith.constant 0 : i32
    %scan3A_3 = arith.constant 0 : i32
    %scan3A_4 = arith.constant 96 : i32
    %scan3A_5 = arith.addi %scan3A_3, %scan3A_4 : i32
    %scan3A_6 = arith.constant 1 : i32
    scf.for %scan3A_100 = %scan3A_3 to %scan3A_5 step %scan3A_6  : i32 {
      %broadcast_in_dim3A = arith.constant 0.000000e+00 : f32
      %broadcast_in_dim3A_101 = vector.broadcast %broadcast_in_dim3A : f32 to vector<16xf32>
      %swap3A = arith.index_cast %scan3A_100 : i32 to index
      %swap3A_102 = arith.constant 0 : index
      %swap3A_103 = tpu.vector_load %arg9[%swap3A, %swap3A_102] {strides = array<i32>} : memref<96x128xf32, #tpu.memory_space<vmem>>, vector<1x16xf32>,
      %swap3A_104 = vector.shape_cast %swap3A_103 : vector<1x16xf32> to vector<16xf32>
      %swap3A_105 = vector.shape_cast %broadcast_in_dim3A_101 : vector<16xf32> to vector<1x16xf32>
      tpu.vector_store %arg9[%swap3A, %swap3A_102], %swap3A_105 {strides = array<i32>} : memref<96x128xf32, #tpu.memory_space<vmem>>, vector<1x16xf32>,
      %broadcast_in_dim3A_106 = arith.constant 0.000000e+00 : f32
      %broadcast_in_dim3A_107 = vector.broadcast %broadcast_in_dim3A_106 : f32 to vector<16xf32>
      %swap3A_108 = arith.index_cast %scan3A_100 : i32 to index
      %swap3A_109 = arith.constant 16 : index
      %swap3A_110 = tpu.vector_load %arg9[%swap3A_108, %swap3A_109] {strides = array<i32>} : memref<96x128xf32, #tpu.memory_space<vmem>>, vector<1x16xf32>,
      %swap3A_111 = vector.shape_cast %swap3A_110 : vector<1x16xf32> to vector<16xf32>
      %swap3A_112 = vector.shape_cast %broadcast_in_dim3A_107 : vector<16xf32> to vector<1x16xf32>
      tpu.vector_store %arg9[%swap3A_108, %swap3A_109], %swap3A_112 {strides = array<i32>} : memref<96x128xf32, #tpu.memory_space<vmem>>, vector<1x16xf32>,
      %broadcast_in_dim3A_113 = arith.constant 0.000000e+00 : f32
      %broadcast_in_dim3A_114 = vector.broadcast %broadcast_in_dim3A_113 : f32 to vector<16xf32>
      %swap3A_115 = arith.index_cast %scan3A_100 : i32 to index
      %swap3A_116 = arith.constant 32 : index
      %swap3A_117 = tpu.vector_load %arg9[%swap3A_115, %swap3A_116] {strides = array<i32>} : memref<96x128xf32, #tpu.memory_space<vmem>>, vector<1x16xf32>,
      %swap3A_118 = vector.shape_cast %swap3A_117 : vector<1x16xf32> to vector<16xf32>
      %swap3A_119 = vector.shape_cast %broadcast_in_dim3A_114 : vector<16xf32> to vector<1x16xf32>
      tpu.vector_store %arg9[%swap3A_115, %swap3A_116], %swap3A_119 {strides = array<i32>} : memref<96x128xf32, #tpu.memory_space<vmem>>, vector<1x16xf32>,
      %broadcast_in_dim3A_120 = arith.constant 0.000000e+00 : f32
      %broadcast_in_dim3A_121 = vector.broadcast %broadcast_in_dim3A_120 : f32 to vector<16xf32>
      %swap3A_122 = arith.index_cast %scan3A_100 : i32 to index
      %swap3A_123 = arith.constant 48 : index
      %swap3A_124 = tpu.vector_load %arg9[%swap3A_122, %swap3A_123] {strides = array<i32>} : memref<96x128xf32, #tpu.memory_space<vmem>>, vector<1x16xf32>,
      %swap3A_125 = vector.shape_cast %swap3A_124 : vector<1x16xf32> to vector<16xf32>
      %swap3A_126 = vector.shape_cast %broadcast_in_dim3A_121 : vector<16xf32> to vector<1x16xf32>
      tpu.vector_store %arg9[%swap3A_122, %swap3A_123], %swap3A_126 {strides = array<i32>} : memref<96x128xf32, #tpu.memory_space<vmem>>, vector<1x16xf32>,
      %broadcast_in_dim3A_127 = arith.constant 0.000000e+00 : f32
      %broadcast_in_dim3A_128 = vector.broadcast %broadcast_in_dim3A_127 : f32 to vector<16xf32>
      %swap3A_129 = arith.index_cast %scan3A_100 : i32 to index
      %swap3A_130 = arith.constant 64 : index
      %swap3A_131 = tpu.vector_load %arg9[%swap3A_129, %swap3A_130] {strides = array<i32>} : memref<96x128xf32, #tpu.memory_space<vmem>>, vector<1x16xf32>,
      %swap3A_132 = vector.shape_cast %swap3A_131 : vector<1x16xf32> to vector<16xf32>
      %swap3A_133 = vector.shape_cast %broadcast_in_dim3A_128 : vector<16xf32> to vector<1x16xf32>
      tpu.vector_store %arg9[%swap3A_129, %swap3A_130], %swap3A_133 {strides = array<i32>} : memref<96x128xf32, #tpu.memory_space<vmem>>, vector<1x16xf32>,
      %broadcast_in_dim3A_134 = arith.constant 0.000000e+00 : f32
      %broadcast_in_dim3A_135 = vector.broadcast %broadcast_in_dim3A_134 : f32 to vector<16xf32>
      %swap3A_136 = arith.index_cast %scan3A_100 : i32 to index
      %swap3A_137 = arith.constant 80 : index
      %swap3A_138 = tpu.vector_load %arg9[%swap3A_136, %swap3A_137] {strides = array<i32>} : memref<96x128xf32, #tpu.memory_space<vmem>>, vector<1x16xf32>,
      %swap3A_139 = vector.shape_cast %swap3A_138 : vector<1x16xf32> to vector<16xf32>
      %swap3A_140 = vector.shape_cast %broadcast_in_dim3A_135 : vector<16xf32> to vector<1x16xf32>
      tpu.vector_store %arg9[%swap3A_136, %swap3A_137], %swap3A_140 {strides = array<i32>} : memref<96x128xf32, #tpu.memory_space<vmem>>, vector<1x16xf32>,
      %broadcast_in_dim3A_141 = arith.constant 0.000000e+00 : f32
      %broadcast_in_dim3A_142 = vector.broadcast %broadcast_in_dim3A_141 : f32 to vector<16xf32>
      %swap3A_143 = arith.index_cast %scan3A_100 : i32 to index
      %swap3A_144 = arith.constant 96 : index
      %swap3A_145 = tpu.vector_load %arg9[%swap3A_143, %swap3A_144] {strides = array<i32>} : memref<96x128xf32, #tpu.memory_space<vmem>>, vector<1x16xf32>,
      %swap3A_146 = vector.shape_cast %swap3A_145 : vector<1x16xf32> to vector<16xf32>
      %swap3A_147 = vector.shape_cast %broadcast_in_dim3A_142 : vector<16xf32> to vector<1x16xf32>
      tpu.vector_store %arg9[%swap3A_143, %swap3A_144], %swap3A_147 {strides = array<i32>} : memref<96x128xf32, #tpu.memory_space<vmem>>, vector<1x16xf32>,
      %broadcast_in_dim3A_148 = arith.constant 0.000000e+00 : f32
      %broadcast_in_dim3A_149 = vector.broadcast %broadcast_in_dim3A_148 : f32 to vector<16xf32>
      %swap3A_150 = arith.index_cast %scan3A_100 : i32 to index
      %swap3A_151 = arith.constant 112 : index
      %swap3A_152 = tpu.vector_load %arg9[%swap3A_150, %swap3A_151] {strides = array<i32>} : memref<96x128xf32, #tpu.memory_space<vmem>>, vector<1x16xf32>,
      %swap3A_153 = vector.shape_cast %swap3A_152 : vector<1x16xf32> to vector<16xf32>
      %swap3A_154 = vector.shape_cast %broadcast_in_dim3A_149 : vector<16xf32> to vector<1x16xf32>
      tpu.vector_store %arg9[%swap3A_150, %swap3A_151], %swap3A_154 {strides = array<i32>} : memref<96x128xf32, #tpu.memory_space<vmem>>, vector<1x16xf32>,
    }
    %scan3A_7 = arith.constant 96 : i32
    %mul3A_8 = arith.constant 640 : i32
    %mul3A_9 = arith.muli %arg1, %mul3A_8 : i32
    %add3A_10 = arith.constant 0 : i32
    %add3A_11 = arith.addi %mul3A_9, %add3A_10 : i32
    "tpu.region"() ({
      %run_scoped3A = tpu.sem_alloc : memref<!tpu.dma_semaphore, #tpu.memory_space<semaphore_mem>>
      %dma_start3A_100 = arith.constant 0 : i32
      %dma_start3A_101 = tpu.memref_slice %arg12[%add3A_11, %dma_start3A_100] : memref<10240x128xf32, #tpu.memory_space<vmem_shared>> -> memref<96x128xf32, #tpu.memory_space<vmem_shared>>
      %dma_start3A_102 = arith.constant 0 : i32
      %dma_start3A_103 = tpu.memref_slice %arg12[%add3A_11, %dma_start3A_102] : memref<10240x128xf32, #tpu.memory_space<vmem_shared>> -> memref<96x128xf32, #tpu.memory_space<vmem_shared>>
      tpu.enqueue_dma source(%arg9 : memref<96x128xf32, #tpu.memory_space<vmem>>) target(%dma_start3A_103 : memref<96x128xf32, #tpu.memory_space<vmem_shared>>) target_semaphore(%run_scoped3A : memref<!tpu.dma_semaphore, #tpu.memory_space<semaphore_mem>>)
      %dma_wait3A_104 = arith.constant 0 : i32
      %dma_wait3A_105 = tpu.memref_slice %arg12[%add3A_11, %dma_wait3A_104] : memref<10240x128xf32, #tpu.memory_space<vmem_shared>> -> memref<96x128xf32, #tpu.memory_space<vmem_shared>>
      %dma_wait3A_106 = arith.constant 0 : i32
      %dma_wait3A_107 = tpu.memref_slice %arg12[%add3A_11, %dma_wait3A_106] : memref<10240x128xf32, #tpu.memory_space<vmem_shared>> -> memref<96x128xf32, #tpu.memory_space<vmem_shared>>
      tpu.wait_dma2 semaphore(%run_scoped3A : memref<!tpu.dma_semaphore, #tpu.memory_space<semaphore_mem>>) src(%arg9 : memref<96x128xf32, #tpu.memory_space<vmem>>) dst(%dma_wait3A_107 : memref<96x128xf32, #tpu.memory_space<vmem_shared>>)
      tpu.yield
    }) : () -> ()
    %add3A_12 = arith.constant 96 : i32
    %add3A_13 = arith.addi %mul3A_9, %add3A_12 : i32
    "tpu.region"() ({
      %run_scoped3A = tpu.sem_alloc : memref<!tpu.dma_semaphore, #tpu.memory_space<semaphore_mem>>
      %dma_start3A_100 = arith.constant 0 : i32
      %dma_start3A_101 = tpu.memref_slice %arg12[%add3A_13, %dma_start3A_100] : memref<10240x128xf32, #tpu.memory_space<vmem_shared>> -> memref<96x128xf32, #tpu.memory_space<vmem_shared>>
      %dma_start3A_102 = arith.constant 0 : i32
      %dma_start3A_103 = tpu.memref_slice %arg12[%add3A_13, %dma_start3A_102] : memref<10240x128xf32, #tpu.memory_space<vmem_shared>> -> memref<96x128xf32, #tpu.memory_space<vmem_shared>>
      tpu.enqueue_dma source(%arg9 : memref<96x128xf32, #tpu.memory_space<vmem>>) target(%dma_start3A_103 : memref<96x128xf32, #tpu.memory_space<vmem_shared>>) target_semaphore(%run_scoped3A : memref<!tpu.dma_semaphore, #tpu.memory_space<semaphore_mem>>)
      %dma_wait3A_104 = arith.constant 0 : i32
      %dma_wait3A_105 = tpu.memref_slice %arg12[%add3A_13, %dma_wait3A_104] : memref<10240x128xf32, #tpu.memory_space<vmem_shared>> -> memref<96x128xf32, #tpu.memory_space<vmem_shared>>
      %dma_wait3A_106 = arith.constant 0 : i32
      %dma_wait3A_107 = tpu.memref_slice %arg12[%add3A_13, %dma_wait3A_106] : memref<10240x128xf32, #tpu.memory_space<vmem_shared>> -> memref<96x128xf32, #tpu.memory_space<vmem_shared>>
      tpu.wait_dma2 semaphore(%run_scoped3A : memref<!tpu.dma_semaphore, #tpu.memory_space<semaphore_mem>>) src(%arg9 : memref<96x128xf32, #tpu.memory_space<vmem>>) dst(%dma_wait3A_107 : memref<96x128xf32, #tpu.memory_space<vmem_shared>>)
      tpu.yield
    }) : () -> ()
    %add3A_14 = arith.constant 192 : i32
    %add3A_15 = arith.addi %mul3A_9, %add3A_14 : i32
    "tpu.region"() ({
      %run_scoped3A = tpu.sem_alloc : memref<!tpu.dma_semaphore, #tpu.memory_space<semaphore_mem>>
      %dma_start3A_100 = arith.constant 0 : i32
      %dma_start3A_101 = tpu.memref_slice %arg12[%add3A_15, %dma_start3A_100] : memref<10240x128xf32, #tpu.memory_space<vmem_shared>> -> memref<96x128xf32, #tpu.memory_space<vmem_shared>>
      %dma_start3A_102 = arith.constant 0 : i32
      %dma_start3A_103 = tpu.memref_slice %arg12[%add3A_15, %dma_start3A_102] : memref<10240x128xf32, #tpu.memory_space<vmem_shared>> -> memref<96x128xf32, #tpu.memory_space<vmem_shared>>
      tpu.enqueue_dma source(%arg9 : memref<96x128xf32, #tpu.memory_space<vmem>>) target(%dma_start3A_103 : memref<96x128xf32, #tpu.memory_space<vmem_shared>>) target_semaphore(%run_scoped3A : memref<!tpu.dma_semaphore, #tpu.memory_space<semaphore_mem>>)
      %dma_wait3A_104 = arith.constant 0 : i32
      %dma_wait3A_105 = tpu.memref_slice %arg12[%add3A_15, %dma_wait3A_104] : memref<10240x128xf32, #tpu.memory_space<vmem_shared>> -> memref<96x128xf32, #tpu.memory_space<vmem_shared>>
      %dma_wait3A_106 = arith.constant 0 : i32
      %dma_wait3A_107 = tpu.memref_slice %arg12[%add3A_15, %dma_wait3A_106] : memref<10240x128xf32, #tpu.memory_space<vmem_shared>> -> memref<96x128xf32, #tpu.memory_space<vmem_shared>>
      tpu.wait_dma2 semaphore(%run_scoped3A : memref<!tpu.dma_semaphore, #tpu.memory_space<semaphore_mem>>) src(%arg9 : memref<96x128xf32, #tpu.memory_space<vmem>>) dst(%dma_wait3A_107 : memref<96x128xf32, #tpu.memory_space<vmem_shared>>)
      tpu.yield
    }) : () -> ()
    %add3A_16 = arith.constant 288 : i32
    %add3A_17 = arith.addi %mul3A_9, %add3A_16 : i32
    "tpu.region"() ({
      %run_scoped3A = tpu.sem_alloc : memref<!tpu.dma_semaphore, #tpu.memory_space<semaphore_mem>>
      %dma_start3A_100 = arith.constant 0 : i32
      %dma_start3A_101 = tpu.memref_slice %arg12[%add3A_17, %dma_start3A_100] : memref<10240x128xf32, #tpu.memory_space<vmem_shared>> -> memref<96x128xf32, #tpu.memory_space<vmem_shared>>
      %dma_start3A_102 = arith.constant 0 : i32
      %dma_start3A_103 = tpu.memref_slice %arg12[%add3A_17, %dma_start3A_102] : memref<10240x128xf32, #tpu.memory_space<vmem_shared>> -> memref<96x128xf32, #tpu.memory_space<vmem_shared>>
      tpu.enqueue_dma source(%arg9 : memref<96x128xf32, #tpu.memory_space<vmem>>) target(%dma_start3A_103 : memref<96x128xf32, #tpu.memory_space<vmem_shared>>) target_semaphore(%run_scoped3A : memref<!tpu.dma_semaphore, #tpu.memory_space<semaphore_mem>>)
      %dma_wait3A_104 = arith.constant 0 : i32
      %dma_wait3A_105 = tpu.memref_slice %arg12[%add3A_17, %dma_wait3A_104] : memref<10240x128xf32, #tpu.memory_space<vmem_shared>> -> memref<96x128xf32, #tpu.memory_space<vmem_shared>>
      %dma_wait3A_106 = arith.constant 0 : i32
      %dma_wait3A_107 = tpu.memref_slice %arg12[%add3A_17, %dma_wait3A_106] : memref<10240x128xf32, #tpu.memory_space<vmem_shared>> -> memref<96x128xf32, #tpu.memory_space<vmem_shared>>
      tpu.wait_dma2 semaphore(%run_scoped3A : memref<!tpu.dma_semaphore, #tpu.memory_space<semaphore_mem>>) src(%arg9 : memref<96x128xf32, #tpu.memory_space<vmem>>) dst(%dma_wait3A_107 : memref<96x128xf32, #tpu.memory_space<vmem_shared>>)
      tpu.yield
    }) : () -> ()
    %add3A_18 = arith.constant 384 : i32
    %add3A_19 = arith.addi %mul3A_9, %add3A_18 : i32
    "tpu.region"() ({
      %run_scoped3A = tpu.sem_alloc : memref<!tpu.dma_semaphore, #tpu.memory_space<semaphore_mem>>
      %dma_start3A_100 = arith.constant 0 : i32
      %dma_start3A_101 = tpu.memref_slice %arg12[%add3A_19, %dma_start3A_100] : memref<10240x128xf32, #tpu.memory_space<vmem_shared>> -> memref<96x128xf32, #tpu.memory_space<vmem_shared>>
      %dma_start3A_102 = arith.constant 0 : i32
      %dma_start3A_103 = tpu.memref_slice %arg12[%add3A_19, %dma_start3A_102] : memref<10240x128xf32, #tpu.memory_space<vmem_shared>> -> memref<96x128xf32, #tpu.memory_space<vmem_shared>>
      tpu.enqueue_dma source(%arg9 : memref<96x128xf32, #tpu.memory_space<vmem>>) target(%dma_start3A_103 : memref<96x128xf32, #tpu.memory_space<vmem_shared>>) target_semaphore(%run_scoped3A : memref<!tpu.dma_semaphore, #tpu.memory_space<semaphore_mem>>)
      %dma_wait3A_104 = arith.constant 0 : i32
      %dma_wait3A_105 = tpu.memref_slice %arg12[%add3A_19, %dma_wait3A_104] : memref<10240x128xf32, #tpu.memory_space<vmem_shared>> -> memref<96x128xf32, #tpu.memory_space<vmem_shared>>
      %dma_wait3A_106 = arith.constant 0 : i32
      %dma_wait3A_107 = tpu.memref_slice %arg12[%add3A_19, %dma_wait3A_106] : memref<10240x128xf32, #tpu.memory_space<vmem_shared>> -> memref<96x128xf32, #tpu.memory_space<vmem_shared>>
      tpu.wait_dma2 semaphore(%run_scoped3A : memref<!tpu.dma_semaphore, #tpu.memory_space<semaphore_mem>>) src(%arg9 : memref<96x128xf32, #tpu.memory_space<vmem>>) dst(%dma_wait3A_107 : memref<96x128xf32, #tpu.memory_space<vmem_shared>>)
      tpu.yield
    }) : () -> ()
    %add3A_20 = arith.constant 480 : i32
    %add3A_21 = arith.addi %mul3A_9, %add3A_20 : i32
    "tpu.region"() ({
      %run_scoped3A = tpu.sem_alloc : memref<!tpu.dma_semaphore, #tpu.memory_space<semaphore_mem>>
      %dma_start3A_100 = arith.constant 0 : i32
      %dma_start3A_101 = tpu.memref_slice %arg12[%add3A_21, %dma_start3A_100] : memref<10240x128xf32, #tpu.memory_space<vmem_shared>> -> memref<96x128xf32, #tpu.memory_space<vmem_shared>>
      %dma_start3A_102 = arith.constant 0 : i32
      %dma_start3A_103 = tpu.memref_slice %arg12[%add3A_21, %dma_start3A_102] : memref<10240x128xf32, #tpu.memory_space<vmem_shared>> -> memref<96x128xf32, #tpu.memory_space<vmem_shared>>
      tpu.enqueue_dma source(%arg9 : memref<96x128xf32, #tpu.memory_space<vmem>>) target(%dma_start3A_103 : memref<96x128xf32, #tpu.memory_space<vmem_shared>>) target_semaphore(%run_scoped3A : memref<!tpu.dma_semaphore, #tpu.memory_space<semaphore_mem>>)
      %dma_wait3A_104 = arith.constant 0 : i32
      %dma_wait3A_105 = tpu.memref_slice %arg12[%add3A_21, %dma_wait3A_104] : memref<10240x128xf32, #tpu.memory_space<vmem_shared>> -> memref<96x128xf32, #tpu.memory_space<vmem_shared>>
      %dma_wait3A_106 = arith.constant 0 : i32
      %dma_wait3A_107 = tpu.memref_slice %arg12[%add3A_21, %dma_wait3A_106] : memref<10240x128xf32, #tpu.memory_space<vmem_shared>> -> memref<96x128xf32, #tpu.memory_space<vmem_shared>>
      tpu.wait_dma2 semaphore(%run_scoped3A : memref<!tpu.dma_semaphore, #tpu.memory_space<semaphore_mem>>) src(%arg9 : memref<96x128xf32, #tpu.memory_space<vmem>>) dst(%dma_wait3A_107 : memref<96x128xf32, #tpu.memory_space<vmem_shared>>)
      tpu.yield
    }) : () -> ()
    %add3A_22 = arith.constant 576 : i32
    %add3A_23 = arith.addi %mul3A_9, %add3A_22 : i32
    "tpu.region"() ({
      %run_scoped3A = tpu.sem_alloc : memref<!tpu.dma_semaphore, #tpu.memory_space<semaphore_mem>>
      %dma_start3A_100 = arith.constant 0 : i32
      %dma_start3A_101 = arith.constant 0 : i32
      %dma_start3A_102 = tpu.memref_slice %arg9[%dma_start3A_100, %dma_start3A_101] : memref<96x128xf32, #tpu.memory_space<vmem>> -> memref<64x128xf32, #tpu.memory_space<vmem>>
      %dma_start3A_103 = arith.constant 0 : i32
      %dma_start3A_104 = tpu.memref_slice %arg12[%add3A_23, %dma_start3A_103] : memref<10240x128xf32, #tpu.memory_space<vmem_shared>> -> memref<64x128xf32, #tpu.memory_space<vmem_shared>>
      %dma_start3A_105 = arith.constant 0 : i32
      %dma_start3A_106 = tpu.memref_slice %arg12[%add3A_23, %dma_start3A_105] : memref<10240x128xf32, #tpu.memory_space<vmem_shared>> -> memref<64x128xf32, #tpu.memory_space<vmem_shared>>
      %dma_start3A_107 = arith.constant 0 : i32
      %dma_start3A_108 = arith.constant 0 : i32
      %dma_start3A_109 = tpu.memref_slice %arg9[%dma_start3A_107, %dma_start3A_108] : memref<96x128xf32, #tpu.memory_space<vmem>> -> memref<64x128xf32, #tpu.memory_space<vmem>>
      tpu.enqueue_dma source(%dma_start3A_109 : memref<64x128xf32, #tpu.memory_space<vmem>>) target(%dma_start3A_106 : memref<64x128xf32, #tpu.memory_space<vmem_shared>>) target_semaphore(%run_scoped3A : memref<!tpu.dma_semaphore, #tpu.memory_space<semaphore_mem>>)
      %dma_wait3A_110 = arith.constant 0 : i32
      %dma_wait3A_111 = arith.constant 0 : i32
      %dma_wait3A_112 = tpu.memref_slice %arg9[%dma_wait3A_110, %dma_wait3A_111] : memref<96x128xf32, #tpu.memory_space<vmem>> -> memref<64x128xf32, #tpu.memory_space<vmem>>
      %dma_wait3A_113 = arith.constant 0 : i32
      %dma_wait3A_114 = tpu.memref_slice %arg12[%add3A_23, %dma_wait3A_113] : memref<10240x128xf32, #tpu.memory_space<vmem_shared>> -> memref<64x128xf32, #tpu.memory_space<vmem_shared>>
      %dma_wait3A_115 = arith.constant 0 : i32
      %dma_wait3A_116 = tpu.memref_slice %arg12[%add3A_23, %dma_wait3A_115] : memref<10240x128xf32, #tpu.memory_space<vmem_shared>> -> memref<64x128xf32, #tpu.memory_space<vmem_shared>>
      %dma_wait3A_117 = arith.constant 0 : i32
      %dma_wait3A_118 = arith.constant 0 : i32
      %dma_wait3A_119 = tpu.memref_slice %arg9[%dma_wait3A_117, %dma_wait3A_118] : memref<96x128xf32, #tpu.memory_space<vmem>> -> memref<64x128xf32, #tpu.memory_space<vmem>>
      tpu.wait_dma2 semaphore(%run_scoped3A : memref<!tpu.dma_semaphore, #tpu.memory_space<semaphore_mem>>) src(%dma_wait3A_119 : memref<64x128xf32, #tpu.memory_space<vmem>>) dst(%dma_wait3A_116 : memref<64x128xf32, #tpu.memory_space<vmem_shared>>)
      tpu.yield
    }) : () -> ()
    %barrier3A = arith.constant 0 : index
    tpu.barrier barrier_id(%barrier3A)
    %dma_start3A = arith.constant 0 : i32
    %dma_start3A_24 = arith.constant 0 : i32
    %dma_start3A_25 = arith.constant 0 : i32
    %dma_start3A_26 = tpu.memref_slice %arg4[%add3A, %dma_start3A, %dma_start3A_24, %dma_start3A_25] : memref<32x105x2x96xi32, #tpu.memory_space<hbm>> -> memref<1x1x2x96xi32, #tpu.memory_space<hbm>>
    %dma_start3A_27 = tpu.memref_squeeze %dma_start3A_26 : memref<1x1x2x96xi32, #tpu.memory_space<hbm>> -> memref<2x96xi32, #tpu.memory_space<hbm>>
    %dma_start3A_28 = arith.constant 0 : i32
    %dma_start3A_29 = arith.constant 0 : i32
    %dma_start3A_30 = tpu.memref_slice %arg4[%add3A, %dma_start3A, %dma_start3A_28, %dma_start3A_29] : memref<32x105x2x96xi32, #tpu.memory_space<hbm>> -> memref<1x1x2x96xi32, #tpu.memory_space<hbm>>
    %dma_start3A_31 = tpu.memref_squeeze %dma_start3A_30 : memref<1x1x2x96xi32, #tpu.memory_space<hbm>> -> memref<2x96xi32, #tpu.memory_space<hbm>>
    tpu.enqueue_dma source(%dma_start3A_31 : memref<2x96xi32, #tpu.memory_space<hbm>>) target(%arg6 : memref<2x96xi32, #tpu.memory_space<vmem>>) target_semaphore(%arg13 : memref<!tpu.dma_semaphore, #tpu.memory_space<semaphore_mem>>)
    %add3A_32 = arith.constant 0 : i32
    %add3A_33 = arith.addi %mul3A_2, %add3A_32 : i32
    %dma_start3A_34 = arith.constant 0 : i32
    %dma_start3A_35 = tpu.memref_slice %arg3[%add3A_33, %dma_start3A_34] : memref<322560x128xf32, #tpu.memory_space<hbm>> -> memref<96x128xf32, #tpu.memory_space<hbm>>
    %dma_start3A_36 = arith.constant 0 : i32
    %dma_start3A_37 = tpu.memref_slice %arg3[%add3A_33, %dma_start3A_36] : memref<322560x128xf32, #tpu.memory_space<hbm>> -> memref<96x128xf32, #tpu.memory_space<hbm>>
    tpu.enqueue_dma source(%dma_start3A_37 : memref<96x128xf32, #tpu.memory_space<hbm>>) target(%arg9 : memref<96x128xf32, #tpu.memory_space<vmem>>) target_semaphore(%arg16 : memref<!tpu.dma_semaphore, #tpu.memory_space<semaphore_mem>>)
    %dma_start3A_38 = arith.constant 1 : i32
    %dma_start3A_39 = arith.constant 0 : i32
    %dma_start3A_40 = arith.constant 0 : i32
    %dma_start3A_41 = tpu.memref_slice %arg4[%add3A, %dma_start3A_38, %dma_start3A_39, %dma_start3A_40] : memref<32x105x2x96xi32, #tpu.memory_space<hbm>> -> memref<1x1x2x96xi32, #tpu.memory_space<hbm>>
    %dma_start3A_42 = tpu.memref_squeeze %dma_start3A_41 : memref<1x1x2x96xi32, #tpu.memory_space<hbm>> -> memref<2x96xi32, #tpu.memory_space<hbm>>
    %dma_start3A_43 = arith.constant 0 : i32
    %dma_start3A_44 = arith.constant 0 : i32
    %dma_start3A_45 = tpu.memref_slice %arg4[%add3A, %dma_start3A_38, %dma_start3A_43, %dma_start3A_44] : memref<32x105x2x96xi32, #tpu.memory_space<hbm>> -> memref<1x1x2x96xi32, #tpu.memory_space<hbm>>
    %dma_start3A_46 = tpu.memref_squeeze %dma_start3A_45 : memref<1x1x2x96xi32, #tpu.memory_space<hbm>> -> memref<2x96xi32, #tpu.memory_space<hbm>>
    tpu.enqueue_dma source(%dma_start3A_46 : memref<2x96xi32, #tpu.memory_space<hbm>>) target(%arg7 : memref<2x96xi32, #tpu.memory_space<vmem>>) target_semaphore(%arg14 : memref<!tpu.dma_semaphore, #tpu.memory_space<semaphore_mem>>)
    %add3A_47 = arith.constant 96 : i32
    %add3A_48 = arith.addi %mul3A_2, %add3A_47 : i32
    %dma_start3A_49 = arith.constant 0 : i32
    %dma_start3A_50 = tpu.memref_slice %arg3[%add3A_48, %dma_start3A_49] : memref<322560x128xf32, #tpu.memory_space<hbm>> -> memref<96x128xf32, #tpu.memory_space<hbm>>
    %dma_start3A_51 = arith.constant 0 : i32
    %dma_start3A_52 = tpu.memref_slice %arg3[%add3A_48, %dma_start3A_51] : memref<322560x128xf32, #tpu.memory_space<hbm>> -> memref<96x128xf32, #tpu.memory_space<hbm>>
    tpu.enqueue_dma source(%dma_start3A_52 : memref<96x128xf32, #tpu.memory_space<hbm>>) target(%arg10 : memref<96x128xf32, #tpu.memory_space<vmem>>) target_semaphore(%arg17 : memref<!tpu.dma_semaphore, #tpu.memory_space<semaphore_mem>>)
    %dma_wait3A = arith.constant 0 : i32
    %dma_wait3A_53 = arith.constant 0 : i32
    %dma_wait3A_54 = arith.constant 0 : i32
    %dma_wait3A_55 = tpu.memref_slice %arg4[%add3A, %dma_wait3A, %dma_wait3A_53, %dma_wait3A_54] : memref<32x105x2x96xi32, #tpu.memory_space<hbm>> -> memref<1x1x2x96xi32, #tpu.memory_space<hbm>>
    %dma_wait3A_56 = tpu.memref_squeeze %dma_wait3A_55 : memref<1x1x2x96xi32, #tpu.memory_space<hbm>> -> memref<2x96xi32, #tpu.memory_space<hbm>>
    %dma_wait3A_57 = arith.constant 0 : i32
    %dma_wait3A_58 = arith.constant 0 : i32
    %dma_wait3A_59 = tpu.memref_slice %arg4[%add3A, %dma_wait3A, %dma_wait3A_57, %dma_wait3A_58] : memref<32x105x2x96xi32, #tpu.memory_space<hbm>> -> memref<1x1x2x96xi32, #tpu.memory_space<hbm>>
    %dma_wait3A_60 = tpu.memref_squeeze %dma_wait3A_59 : memref<1x1x2x96xi32, #tpu.memory_space<hbm>> -> memref<2x96xi32, #tpu.memory_space<hbm>>
    tpu.wait_dma2 semaphore(%arg13 : memref<!tpu.dma_semaphore, #tpu.memory_space<semaphore_mem>>) src(%dma_wait3A_60 : memref<2x96xi32, #tpu.memory_space<hbm>>) dst(%arg6 : memref<2x96xi32, #tpu.memory_space<vmem>>)
    %dma_wait3A_61 = arith.constant 0 : i32
    %dma_wait3A_62 = tpu.memref_slice %arg3[%mul3A_2, %dma_wait3A_61] : memref<322560x128xf32, #tpu.memory_space<hbm>> -> memref<96x128xf32, #tpu.memory_space<hbm>>
    %dma_wait3A_63 = arith.constant 0 : i32
    %dma_wait3A_64 = tpu.memref_slice %arg3[%mul3A_2, %dma_wait3A_63] : memref<322560x128xf32, #tpu.memory_space<hbm>> -> memref<96x128xf32, #tpu.memory_space<hbm>>
    tpu.wait_dma2 semaphore(%arg16 : memref<!tpu.dma_semaphore, #tpu.memory_space<semaphore_mem>>) src(%dma_wait3A_64 : memref<96x128xf32, #tpu.memory_space<hbm>>) dst(%arg9 : memref<96x128xf32, #tpu.memory_space<vmem>>)
    %dma_start3A_65 = arith.constant 0 : i32
    %dma_start3A_66 = arith.constant 0 : i32
    %dma_start3A_67 = tpu.memref_slice %arg6[%dma_start3A_65, %dma_start3A_66] : memref<2x96xi32, #tpu.memory_space<vmem>> -> memref<1x96xi32, #tpu.memory_space<vmem>>
    %dma_start3A_68 = tpu.memref_squeeze %dma_start3A_67 : memref<1x96xi32, #tpu.memory_space<vmem>> -> memref<96xi32, #tpu.memory_space<vmem>>
    %dma_start3A_69 = arith.constant 0 : i32
    %dma_start3A_70 = arith.constant 0 : i32
    %dma_start3A_71 = tpu.memref_slice %arg2[%dma_start3A_69, %dma_start3A_70] : memref<10240x128xf32, #tpu.memory_space<hbm>> -> memref<10240x128xf32, #tpu.memory_space<hbm>>
    tpu.enqueue_indirect_dma source(%dma_start3A_71 : memref<10240x128xf32, #tpu.memory_space<hbm>>) target(%arg9 : memref<96x128xf32, #tpu.memory_space<vmem>>) offsets(%dma_start3A_68 : memref<96xi32, #tpu.memory_space<vmem>>) semaphore(%arg19 : memref<!tpu.dma_semaphore, #tpu.memory_space<semaphore_mem>>) {add = true}
    %scan3A_72 = arith.constant 0 : i32
    %scan3A_73 = arith.constant 0 : i32
    %scan3A_74 = arith.constant 35 : i32
    %scan3A_75 = arith.addi %scan3A_73, %scan3A_74 : i32
    %scan3A_76 = arith.constant 1 : i32
    scf.for %scan3A_100 = %scan3A_73 to %scan3A_75 step %scan3A_76  : i32 {
      %mul3A_101 = arith.constant 3 : i32
      %mul3A_102 = arith.muli %mul3A_101, %scan3A_100 : i32
      %add3A_103 = arith.constant 0 : i32
      %add3A_104 = arith.addi %mul3A_102, %add3A_103 : i32
      %dma_wait3A_105 = arith.constant 0 : i32
      %dma_wait3A_106 = arith.constant 0 : i32
      %dma_wait3A_107 = tpu.memref_slice %arg6[%dma_wait3A_105, %dma_wait3A_106] : memref<2x96xi32, #tpu.memory_space<vmem>> -> memref<1x96xi32, #tpu.memory_space<vmem>>
      %dma_wait3A_108 = tpu.memref_squeeze %dma_wait3A_107 : memref<1x96xi32, #tpu.memory_space<vmem>> -> memref<96xi32, #tpu.memory_space<vmem>>
      %dma_wait3A_109 = arith.constant 0 : i32
      %dma_wait3A_110 = arith.constant 0 : i32
      %dma_wait3A_111 = tpu.memref_slice %arg2[%dma_wait3A_109, %dma_wait3A_110] : memref<10240x128xf32, #tpu.memory_space<hbm>> -> memref<10240x128xf32, #tpu.memory_space<hbm>>
      tpu.wait_indirect_dma semaphore(%arg19 : memref<!tpu.dma_semaphore, #tpu.memory_space<semaphore_mem>>) src(%dma_wait3A_111 : memref<10240x128xf32, #tpu.memory_space<hbm>>) dst(%arg9 : memref<96x128xf32, #tpu.memory_space<vmem>>)
      %scan3A_112 = arith.constant 0 : i32
      %scan3A_113 = arith.constant 0 : i32
      %scan3A_114 = arith.constant 96 : i32
      %scan3A_115 = arith.addi %scan3A_113, %scan3A_114 : i32
      %scan3A_116 = arith.constant 1 : i32
      scf.for %scan3A_226 = %scan3A_113 to %scan3A_115 step %scan3A_116  : i32 {
        %get3A = arith.index_cast %scan3A_226 : i32 to index
        %get3A_227 = arith.constant 0 : index
        %get3A_228 = tpu.vector_load %arg9[%get3A, %get3A_227] {strides = array<i32>} : memref<96x128xf32, #tpu.memory_space<vmem>>, vector<1x16xf32>,
        %get3A_229 = vector.shape_cast %get3A_228 : vector<1x16xf32> to vector<16xf32>
        %max3A = arith.constant 0.000000e+00 : f32
        %max3A_230 = vector.broadcast %max3A : f32 to vector<16xf32>
        %max3A_231 = arith.maximumf %get3A_229, %max3A_230 : vector<16xf32>
        %swap3A = arith.index_cast %scan3A_226 : i32 to index
        %swap3A_232 = arith.constant 0 : index
        %swap3A_233 = tpu.vector_load %arg9[%swap3A, %swap3A_232] {strides = array<i32>} : memref<96x128xf32, #tpu.memory_space<vmem>>, vector<1x16xf32>,
        %swap3A_234 = vector.shape_cast %swap3A_233 : vector<1x16xf32> to vector<16xf32>
        %swap3A_235 = vector.shape_cast %max3A_231 : vector<16xf32> to vector<1x16xf32>
        tpu.vector_store %arg9[%swap3A, %swap3A_232], %swap3A_235 {strides = array<i32>} : memref<96x128xf32, #tpu.memory_space<vmem>>, vector<1x16xf32>,
        %get3A_236 = arith.index_cast %scan3A_226 : i32 to index
        %get3A_237 = arith.constant 16 : index
        %get3A_238 = tpu.vector_load %arg9[%get3A_236, %get3A_237] {strides = array<i32>} : memref<96x128xf32, #tpu.memory_space<vmem>>, vector<1x16xf32>,
        %get3A_239 = vector.shape_cast %get3A_238 : vector<1x16xf32> to vector<16xf32>
        %max3A_240 = arith.constant 0.000000e+00 : f32
        %max3A_241 = vector.broadcast %max3A_240 : f32 to vector<16xf32>
        %max3A_242 = arith.maximumf %get3A_239, %max3A_241 : vector<16xf32>
        %swap3A_243 = arith.index_cast %scan3A_226 : i32 to index
        %swap3A_244 = arith.constant 16 : index
        %swap3A_245 = tpu.vector_load %arg9[%swap3A_243, %swap3A_244] {strides = array<i32>} : memref<96x128xf32, #tpu.memory_space<vmem>>, vector<1x16xf32>,
        %swap3A_246 = vector.shape_cast %swap3A_245 : vector<1x16xf32> to vector<16xf32>
        %swap3A_247 = vector.shape_cast %max3A_242 : vector<16xf32> to vector<1x16xf32>
        tpu.vector_store %arg9[%swap3A_243, %swap3A_244], %swap3A_247 {strides = array<i32>} : memref<96x128xf32, #tpu.memory_space<vmem>>, vector<1x16xf32>,
        %get3A_248 = arith.index_cast %scan3A_226 : i32 to index
        %get3A_249 = arith.constant 32 : index
        %get3A_250 = tpu.vector_load %arg9[%get3A_248, %get3A_249] {strides = array<i32>} : memref<96x128xf32, #tpu.memory_space<vmem>>, vector<1x16xf32>,
        %get3A_251 = vector.shape_cast %get3A_250 : vector<1x16xf32> to vector<16xf32>
        %max3A_252 = arith.constant 0.000000e+00 : f32
        %max3A_253 = vector.broadcast %max3A_252 : f32 to vector<16xf32>
        %max3A_254 = arith.maximumf %get3A_251, %max3A_253 : vector<16xf32>
        %swap3A_255 = arith.index_cast %scan3A_226 : i32 to index
        %swap3A_256 = arith.constant 32 : index
        %swap3A_257 = tpu.vector_load %arg9[%swap3A_255, %swap3A_256] {strides = array<i32>} : memref<96x128xf32, #tpu.memory_space<vmem>>, vector<1x16xf32>,
        %swap3A_258 = vector.shape_cast %swap3A_257 : vector<1x16xf32> to vector<16xf32>
        %swap3A_259 = vector.shape_cast %max3A_254 : vector<16xf32> to vector<1x16xf32>
        tpu.vector_store %arg9[%swap3A_255, %swap3A_256], %swap3A_259 {strides = array<i32>} : memref<96x128xf32, #tpu.memory_space<vmem>>, vector<1x16xf32>,
        %get3A_260 = arith.index_cast %scan3A_226 : i32 to index
        %get3A_261 = arith.constant 48 : index
        %get3A_262 = tpu.vector_load %arg9[%get3A_260, %get3A_261] {strides = array<i32>} : memref<96x128xf32, #tpu.memory_space<vmem>>, vector<1x16xf32>,
        %get3A_263 = vector.shape_cast %get3A_262 : vector<1x16xf32> to vector<16xf32>
        %max3A_264 = arith.constant 0.000000e+00 : f32
        %max3A_265 = vector.broadcast %max3A_264 : f32 to vector<16xf32>
        %max3A_266 = arith.maximumf %get3A_263, %max3A_265 : vector<16xf32>
        %swap3A_267 = arith.index_cast %scan3A_226 : i32 to index
        %swap3A_268 = arith.constant 48 : index
        %swap3A_269 = tpu.vector_load %arg9[%swap3A_267, %swap3A_268] {strides = array<i32>} : memref<96x128xf32, #tpu.memory_space<vmem>>, vector<1x16xf32>,
        %swap3A_270 = vector.shape_cast %swap3A_269 : vector<1x16xf32> to vector<16xf32>
        %swap3A_271 = vector.shape_cast %max3A_266 : vector<16xf32> to vector<1x16xf32>
        tpu.vector_store %arg9[%swap3A_267, %swap3A_268], %swap3A_271 {strides = array<i32>} : memref<96x128xf32, #tpu.memory_space<vmem>>, vector<1x16xf32>,
        %get3A_272 = arith.index_cast %scan3A_226 : i32 to index
        %get3A_273 = arith.constant 64 : index
        %get3A_274 = tpu.vector_load %arg9[%get3A_272, %get3A_273] {strides = array<i32>} : memref<96x128xf32, #tpu.memory_space<vmem>>, vector<1x16xf32>,
        %get3A_275 = vector.shape_cast %get3A_274 : vector<1x16xf32> to vector<16xf32>
        %max3A_276 = arith.constant 0.000000e+00 : f32
        %max3A_277 = vector.broadcast %max3A_276 : f32 to vector<16xf32>
        %max3A_278 = arith.maximumf %get3A_275, %max3A_277 : vector<16xf32>
        %swap3A_279 = arith.index_cast %scan3A_226 : i32 to index
        %swap3A_280 = arith.constant 64 : index
        %swap3A_281 = tpu.vector_load %arg9[%swap3A_279, %swap3A_280] {strides = array<i32>} : memref<96x128xf32, #tpu.memory_space<vmem>>, vector<1x16xf32>,
        %swap3A_282 = vector.shape_cast %swap3A_281 : vector<1x16xf32> to vector<16xf32>
        %swap3A_283 = vector.shape_cast %max3A_278 : vector<16xf32> to vector<1x16xf32>
        tpu.vector_store %arg9[%swap3A_279, %swap3A_280], %swap3A_283 {strides = array<i32>} : memref<96x128xf32, #tpu.memory_space<vmem>>, vector<1x16xf32>,
        %get3A_284 = arith.index_cast %scan3A_226 : i32 to index
        %get3A_285 = arith.constant 80 : index
        %get3A_286 = tpu.vector_load %arg9[%get3A_284, %get3A_285] {strides = array<i32>} : memref<96x128xf32, #tpu.memory_space<vmem>>, vector<1x16xf32>,
        %get3A_287 = vector.shape_cast %get3A_286 : vector<1x16xf32> to vector<16xf32>
        %max3A_288 = arith.constant 0.000000e+00 : f32
        %max3A_289 = vector.broadcast %max3A_288 : f32 to vector<16xf32>
        %max3A_290 = arith.maximumf %get3A_287, %max3A_289 : vector<16xf32>
        %swap3A_291 = arith.index_cast %scan3A_226 : i32 to index
        %swap3A_292 = arith.constant 80 : index
        %swap3A_293 = tpu.vector_load %arg9[%swap3A_291, %swap3A_292] {strides = array<i32>} : memref<96x128xf32, #tpu.memory_space<vmem>>, vector<1x16xf32>,
        %swap3A_294 = vector.shape_cast %swap3A_293 : vector<1x16xf32> to vector<16xf32>
        %swap3A_295 = vector.shape_cast %max3A_290 : vector<16xf32> to vector<1x16xf32>
        tpu.vector_store %arg9[%swap3A_291, %swap3A_292], %swap3A_295 {strides = array<i32>} : memref<96x128xf32, #tpu.memory_space<vmem>>, vector<1x16xf32>,
        %get3A_296 = arith.index_cast %scan3A_226 : i32 to index
        %get3A_297 = arith.constant 96 : index
        %get3A_298 = tpu.vector_load %arg9[%get3A_296, %get3A_297] {strides = array<i32>} : memref<96x128xf32, #tpu.memory_space<vmem>>, vector<1x16xf32>,
        %get3A_299 = vector.shape_cast %get3A_298 : vector<1x16xf32> to vector<16xf32>
        %max3A_300 = arith.constant 0.000000e+00 : f32
        %max3A_301 = vector.broadcast %max3A_300 : f32 to vector<16xf32>
        %max3A_302 = arith.maximumf %get3A_299, %max3A_301 : vector<16xf32>
        %swap3A_303 = arith.index_cast %scan3A_226 : i32 to index
        %swap3A_304 = arith.constant 96 : index
        %swap3A_305 = tpu.vector_load %arg9[%swap3A_303, %swap3A_304] {strides = array<i32>} : memref<96x128xf32, #tpu.memory_space<vmem>>, vector<1x16xf32>,
        %swap3A_306 = vector.shape_cast %swap3A_305 : vector<1x16xf32> to vector<16xf32>
        %swap3A_307 = vector.shape_cast %max3A_302 : vector<16xf32> to vector<1x16xf32>
        tpu.vector_store %arg9[%swap3A_303, %swap3A_304], %swap3A_307 {strides = array<i32>} : memref<96x128xf32, #tpu.memory_space<vmem>>, vector<1x16xf32>,
        %get3A_308 = arith.index_cast %scan3A_226 : i32 to index
        %get3A_309 = arith.constant 112 : index
        %get3A_310 = tpu.vector_load %arg9[%get3A_308, %get3A_309] {strides = array<i32>} : memref<96x128xf32, #tpu.memory_space<vmem>>, vector<1x16xf32>,
        %get3A_311 = vector.shape_cast %get3A_310 : vector<1x16xf32> to vector<16xf32>
        %max3A_312 = arith.constant 0.000000e+00 : f32
        %max3A_313 = vector.broadcast %max3A_312 : f32 to vector<16xf32>
        %max3A_314 = arith.maximumf %get3A_311, %max3A_313 : vector<16xf32>
        %swap3A_315 = arith.index_cast %scan3A_226 : i32 to index
        %swap3A_316 = arith.constant 112 : index
        %swap3A_317 = tpu.vector_load %arg9[%swap3A_315, %swap3A_316] {strides = array<i32>} : memref<96x128xf32, #tpu.memory_space<vmem>>, vector<1x16xf32>,
        %swap3A_318 = vector.shape_cast %swap3A_317 : vector<1x16xf32> to vector<16xf32>
        %swap3A_319 = vector.shape_cast %max3A_314 : vector<16xf32> to vector<1x16xf32>
        tpu.vector_store %arg9[%swap3A_315, %swap3A_316], %swap3A_319 {strides = array<i32>} : memref<96x128xf32, #tpu.memory_space<vmem>>, vector<1x16xf32>,
      }
      %scan3A_117 = arith.constant 96 : i32
      %dma_start3A_118 = arith.constant 1 : i32
      %dma_start3A_119 = arith.constant 0 : i32
      %dma_start3A_120 = tpu.memref_slice %arg6[%dma_start3A_118, %dma_start3A_119] : memref<2x96xi32, #tpu.memory_space<vmem>> -> memref<1x96xi32, #tpu.memory_space<vmem>>
      %dma_start3A_121 = tpu.memref_squeeze %dma_start3A_120 : memref<1x96xi32, #tpu.memory_space<vmem>> -> memref<96xi32, #tpu.memory_space<vmem>>
      %dma_start3A_122 = arith.constant 0 : i32
      %dma_start3A_123 = arith.constant 0 : i32
      %dma_start3A_124 = tpu.memref_slice %arg12[%dma_start3A_122, %dma_start3A_123] : memref<10240x128xf32, #tpu.memory_space<vmem_shared>> -> memref<10240x128xf32, #tpu.memory_space<vmem_shared>>
      tpu.enqueue_indirect_dma source(%arg9 : memref<96x128xf32, #tpu.memory_space<vmem>>) target(%dma_start3A_124 : memref<10240x128xf32, #tpu.memory_space<vmem_shared>>) offsets(%dma_start3A_121 : memref<96xi32, #tpu.memory_space<vmem>>) semaphore(%arg22 : memref<!tpu.dma_semaphore, #tpu.memory_space<semaphore_mem>>) {add = true}
      %ge3A = arith.constant 1 : i32
      %ge3A_125 = arith.cmpi sge, %add3A_104, %ge3A : i32
      %convert_element_type3A = arith.extui %ge3A_125 : i1 to i32
      %cond3A = arith.constant 0 : i32
      %cond3A_126 = arith.cmpi ne, %convert_element_type3A, %cond3A : i32
      scf.if %cond3A_126 {
        %dma_wait3A_226 = arith.constant 1 : i32
        %dma_wait3A_227 = arith.constant 0 : i32
        %dma_wait3A_228 = tpu.memref_slice %arg8[%dma_wait3A_226, %dma_wait3A_227] : memref<2x96xi32, #tpu.memory_space<vmem>> -> memref<1x96xi32, #tpu.memory_space<vmem>>
        %dma_wait3A_229 = tpu.memref_squeeze %dma_wait3A_228 : memref<1x96xi32, #tpu.memory_space<vmem>> -> memref<96xi32, #tpu.memory_space<vmem>>
        %dma_wait3A_230 = arith.constant 0 : i32
        %dma_wait3A_231 = arith.constant 0 : i32
        %dma_wait3A_232 = tpu.memref_slice %arg12[%dma_wait3A_230, %dma_wait3A_231] : memref<10240x128xf32, #tpu.memory_space<vmem_shared>> -> memref<10240x128xf32, #tpu.memory_space<vmem_shared>>
        tpu.wait_indirect_dma semaphore(%arg24 : memref<!tpu.dma_semaphore, #tpu.memory_space<semaphore_mem>>) src(%arg11 : memref<96x128xf32, #tpu.memory_space<vmem>>) dst(%dma_wait3A_232 : memref<10240x128xf32, #tpu.memory_space<vmem_shared>>)
      } else {
      }
      %add3A_127 = arith.constant 2 : i32
      %add3A_128 = arith.addi %add3A_104, %add3A_127 : i32
      %lt3A = arith.constant 105 : i32
      %lt3A_129 = arith.cmpi slt, %add3A_128, %lt3A : i32
      %convert_element_type3A_130 = arith.extui %lt3A_129 : i1 to i32
      %cond3A_131 = arith.constant 0 : i32
      %cond3A_132 = arith.cmpi ne, %convert_element_type3A_130, %cond3A_131 : i32
      scf.if %cond3A_132 {
        %add3A_226 = arith.constant 2 : i32
        %add3A_227 = arith.addi %add3A_104, %add3A_226 : i32
        %dma_start3A_228 = arith.constant 0 : i32
        %dma_start3A_229 = arith.constant 0 : i32
        %dma_start3A_230 = tpu.memref_slice %arg4[%add3A, %add3A_227, %dma_start3A_228, %dma_start3A_229] : memref<32x105x2x96xi32, #tpu.memory_space<hbm>> -> memref<1x1x2x96xi32, #tpu.memory_space<hbm>>
        %dma_start3A_231 = tpu.memref_squeeze %dma_start3A_230 : memref<1x1x2x96xi32, #tpu.memory_space<hbm>> -> memref<2x96xi32, #tpu.memory_space<hbm>>
        %dma_start3A_232 = arith.constant 0 : i32
        %dma_start3A_233 = arith.constant 0 : i32
        %dma_start3A_234 = tpu.memref_slice %arg4[%add3A, %add3A_227, %dma_start3A_232, %dma_start3A_233] : memref<32x105x2x96xi32, #tpu.memory_space<hbm>> -> memref<1x1x2x96xi32, #tpu.memory_space<hbm>>
        %dma_start3A_235 = tpu.memref_squeeze %dma_start3A_234 : memref<1x1x2x96xi32, #tpu.memory_space<hbm>> -> memref<2x96xi32, #tpu.memory_space<hbm>>
        tpu.enqueue_dma source(%dma_start3A_235 : memref<2x96xi32, #tpu.memory_space<hbm>>) target(%arg8 : memref<2x96xi32, #tpu.memory_space<vmem>>) target_semaphore(%arg15 : memref<!tpu.dma_semaphore, #tpu.memory_space<semaphore_mem>>)
        %add3A_236 = arith.constant 2 : i32
        %add3A_237 = arith.addi %add3A_104, %add3A_236 : i32
        %mul3A_238 = arith.constant 96 : i32
        %mul3A_239 = arith.muli %add3A_237, %mul3A_238 : i32
        %add3A_240 = arith.addi %mul3A_2, %mul3A_239 : i32
        %dma_start3A_241 = arith.constant 0 : i32
        %dma_start3A_242 = tpu.memref_slice %arg3[%add3A_240, %dma_start3A_241] : memref<322560x128xf32, #tpu.memory_space<hbm>> -> memref<96x128xf32, #tpu.memory_space<hbm>>
        %dma_start3A_243 = arith.constant 0 : i32
        %dma_start3A_244 = tpu.memref_slice %arg3[%add3A_240, %dma_start3A_243] : memref<322560x128xf32, #tpu.memory_space<hbm>> -> memref<96x128xf32, #tpu.memory_space<hbm>>
        tpu.enqueue_dma source(%dma_start3A_244 : memref<96x128xf32, #tpu.memory_space<hbm>>) target(%arg11 : memref<96x128xf32, #tpu.memory_space<vmem>>) target_semaphore(%arg18 : memref<!tpu.dma_semaphore, #tpu.memory_space<semaphore_mem>>)
      } else {
      }
      %add3A_133 = arith.constant 1 : i32
      %add3A_134 = arith.addi %add3A_104, %add3A_133 : i32
      %lt3A_135 = arith.constant 105 : i32
      %lt3A_136 = arith.cmpi slt, %add3A_134, %lt3A_135 : i32
      %convert_element_type3A_137 = arith.extui %lt3A_136 : i1 to i32
      %cond3A_138 = arith.constant 0 : i32
      %cond3A_139 = arith.cmpi ne, %convert_element_type3A_137, %cond3A_138 : i32
      scf.if %cond3A_139 {
        %dma_wait3A_226 = arith.constant 0 : i32
        %dma_wait3A_227 = arith.constant 0 : i32
        %dma_wait3A_228 = arith.constant 0 : i32
        %dma_wait3A_229 = tpu.memref_slice %arg4[%add3A, %dma_wait3A_226, %dma_wait3A_227, %dma_wait3A_228] : memref<32x105x2x96xi32, #tpu.memory_space<hbm>> -> memref<1x1x2x96xi32, #tpu.memory_space<hbm>>
        %dma_wait3A_230 = tpu.memref_squeeze %dma_wait3A_229 : memref<1x1x2x96xi32, #tpu.memory_space<hbm>> -> memref<2x96xi32, #tpu.memory_space<hbm>>
        %dma_wait3A_231 = arith.constant 0 : i32
        %dma_wait3A_232 = arith.constant 0 : i32
        %dma_wait3A_233 = tpu.memref_slice %arg4[%add3A, %dma_wait3A_226, %dma_wait3A_231, %dma_wait3A_232] : memref<32x105x2x96xi32, #tpu.memory_space<hbm>> -> memref<1x1x2x96xi32, #tpu.memory_space<hbm>>
        %dma_wait3A_234 = tpu.memref_squeeze %dma_wait3A_233 : memref<1x1x2x96xi32, #tpu.memory_space<hbm>> -> memref<2x96xi32, #tpu.memory_space<hbm>>
        tpu.wait_dma2 semaphore(%arg14 : memref<!tpu.dma_semaphore, #tpu.memory_space<semaphore_mem>>) src(%dma_wait3A_234 : memref<2x96xi32, #tpu.memory_space<hbm>>) dst(%arg7 : memref<2x96xi32, #tpu.memory_space<vmem>>)
        %dma_wait3A_235 = arith.constant 0 : i32
        %dma_wait3A_236 = tpu.memref_slice %arg3[%mul3A_2, %dma_wait3A_235] : memref<322560x128xf32, #tpu.memory_space<hbm>> -> memref<96x128xf32, #tpu.memory_space<hbm>>
        %dma_wait3A_237 = arith.constant 0 : i32
        %dma_wait3A_238 = tpu.memref_slice %arg3[%mul3A_2, %dma_wait3A_237] : memref<322560x128xf32, #tpu.memory_space<hbm>> -> memref<96x128xf32, #tpu.memory_space<hbm>>
        tpu.wait_dma2 semaphore(%arg17 : memref<!tpu.dma_semaphore, #tpu.memory_space<semaphore_mem>>) src(%dma_wait3A_238 : memref<96x128xf32, #tpu.memory_space<hbm>>) dst(%arg10 : memref<96x128xf32, #tpu.memory_space<vmem>>)
        %dma_start3A_239 = arith.constant 0 : i32
        %dma_start3A_240 = arith.constant 0 : i32
        %dma_start3A_241 = tpu.memref_slice %arg7[%dma_start3A_239, %dma_start3A_240] : memref<2x96xi32, #tpu.memory_space<vmem>> -> memref<1x96xi32, #tpu.memory_space<vmem>>
        %dma_start3A_242 = tpu.memref_squeeze %dma_start3A_241 : memref<1x96xi32, #tpu.memory_space<vmem>> -> memref<96xi32, #tpu.memory_space<vmem>>
        %dma_start3A_243 = arith.constant 0 : i32
        %dma_start3A_244 = arith.constant 0 : i32
        %dma_start3A_245 = tpu.memref_slice %arg2[%dma_start3A_243, %dma_start3A_244] : memref<10240x128xf32, #tpu.memory_space<hbm>> -> memref<10240x128xf32, #tpu.memory_space<hbm>>
        tpu.enqueue_indirect_dma source(%dma_start3A_245 : memref<10240x128xf32, #tpu.memory_space<hbm>>) target(%arg10 : memref<96x128xf32, #tpu.memory_space<vmem>>) offsets(%dma_start3A_242 : memref<96xi32, #tpu.memory_space<vmem>>) semaphore(%arg20 : memref<!tpu.dma_semaphore, #tpu.memory_space<semaphore_mem>>) {add = true}
      } else {
      }
      %mul3A_140 = arith.constant 3 : i32
      %mul3A_141 = arith.muli %mul3A_140, %scan3A_100 : i32
      %add3A_142 = arith.constant 1 : i32
      %add3A_143 = arith.addi %mul3A_141, %add3A_142 : i32
      %dma_wait3A_144 = arith.constant 0 : i32
      %dma_wait3A_145 = arith.constant 0 : i32
      %dma_wait3A_146 = tpu.memref_slice %arg7[%dma_wait3A_144, %dma_wait3A_145] : memref<2x96xi32, #tpu.memory_space<vmem>> -> memref<1x96xi32, #tpu.memory_space<vmem>>
      %dma_wait3A_147 = tpu.memref_squeeze %dma_wait3A_146 : memref<1x96xi32, #tpu.memory_space<vmem>> -> memref<96xi32, #tpu.memory_space<vmem>>
      %dma_wait3A_148 = arith.constant 0 : i32
      %dma_wait3A_149 = arith.constant 0 : i32
      %dma_wait3A_150 = tpu.memref_slice %arg2[%dma_wait3A_148, %dma_wait3A_149] : memref<10240x128xf32, #tpu.memory_space<hbm>> -> memref<10240x128xf32, #tpu.memory_space<hbm>>
      tpu.wait_indirect_dma semaphore(%arg20 : memref<!tpu.dma_semaphore, #tpu.memory_space<semaphore_mem>>) src(%dma_wait3A_150 : memref<10240x128xf32, #tpu.memory_space<hbm>>) dst(%arg10 : memref<96x128xf32, #tpu.memory_space<vmem>>)
      %scan3A_151 = arith.constant 0 : i32
      %scan3A_152 = arith.constant 0 : i32
      %scan3A_153 = arith.constant 96 : i32
      %scan3A_154 = arith.addi %scan3A_152, %scan3A_153 : i32
      %scan3A_155 = arith.constant 1 : i32
      scf.for %scan3A_226 = %scan3A_152 to %scan3A_154 step %scan3A_155  : i32 {
        %get3A = arith.index_cast %scan3A_226 : i32 to index
        %get3A_227 = arith.constant 0 : index
        %get3A_228 = tpu.vector_load %arg10[%get3A, %get3A_227] {strides = array<i32>} : memref<96x128xf32, #tpu.memory_space<vmem>>, vector<1x16xf32>,
        %get3A_229 = vector.shape_cast %get3A_228 : vector<1x16xf32> to vector<16xf32>
        %max3A = arith.constant 0.000000e+00 : f32
        %max3A_230 = vector.broadcast %max3A : f32 to vector<16xf32>
        %max3A_231 = arith.maximumf %get3A_229, %max3A_230 : vector<16xf32>
        %swap3A = arith.index_cast %scan3A_226 : i32 to index
        %swap3A_232 = arith.constant 0 : index
        %swap3A_233 = tpu.vector_load %arg10[%swap3A, %swap3A_232] {strides = array<i32>} : memref<96x128xf32, #tpu.memory_space<vmem>>, vector<1x16xf32>,
        %swap3A_234 = vector.shape_cast %swap3A_233 : vector<1x16xf32> to vector<16xf32>
        %swap3A_235 = vector.shape_cast %max3A_231 : vector<16xf32> to vector<1x16xf32>
        tpu.vector_store %arg10[%swap3A, %swap3A_232], %swap3A_235 {strides = array<i32>} : memref<96x128xf32, #tpu.memory_space<vmem>>, vector<1x16xf32>,
        %get3A_236 = arith.index_cast %scan3A_226 : i32 to index
        %get3A_237 = arith.constant 16 : index
        %get3A_238 = tpu.vector_load %arg10[%get3A_236, %get3A_237] {strides = array<i32>} : memref<96x128xf32, #tpu.memory_space<vmem>>, vector<1x16xf32>,
        %get3A_239 = vector.shape_cast %get3A_238 : vector<1x16xf32> to vector<16xf32>
        %max3A_240 = arith.constant 0.000000e+00 : f32
        %max3A_241 = vector.broadcast %max3A_240 : f32 to vector<16xf32>
        %max3A_242 = arith.maximumf %get3A_239, %max3A_241 : vector<16xf32>
        %swap3A_243 = arith.index_cast %scan3A_226 : i32 to index
        %swap3A_244 = arith.constant 16 : index
        %swap3A_245 = tpu.vector_load %arg10[%swap3A_243, %swap3A_244] {strides = array<i32>} : memref<96x128xf32, #tpu.memory_space<vmem>>, vector<1x16xf32>,
        %swap3A_246 = vector.shape_cast %swap3A_245 : vector<1x16xf32> to vector<16xf32>
        %swap3A_247 = vector.shape_cast %max3A_242 : vector<16xf32> to vector<1x16xf32>
        tpu.vector_store %arg10[%swap3A_243, %swap3A_244], %swap3A_247 {strides = array<i32>} : memref<96x128xf32, #tpu.memory_space<vmem>>, vector<1x16xf32>,
        %get3A_248 = arith.index_cast %scan3A_226 : i32 to index
        %get3A_249 = arith.constant 32 : index
        %get3A_250 = tpu.vector_load %arg10[%get3A_248, %get3A_249] {strides = array<i32>} : memref<96x128xf32, #tpu.memory_space<vmem>>, vector<1x16xf32>,
        %get3A_251 = vector.shape_cast %get3A_250 : vector<1x16xf32> to vector<16xf32>
        %max3A_252 = arith.constant 0.000000e+00 : f32
        %max3A_253 = vector.broadcast %max3A_252 : f32 to vector<16xf32>
        %max3A_254 = arith.maximumf %get3A_251, %max3A_253 : vector<16xf32>
        %swap3A_255 = arith.index_cast %scan3A_226 : i32 to index
        %swap3A_256 = arith.constant 32 : index
        %swap3A_257 = tpu.vector_load %arg10[%swap3A_255, %swap3A_256] {strides = array<i32>} : memref<96x128xf32, #tpu.memory_space<vmem>>, vector<1x16xf32>,
        %swap3A_258 = vector.shape_cast %swap3A_257 : vector<1x16xf32> to vector<16xf32>
        %swap3A_259 = vector.shape_cast %max3A_254 : vector<16xf32> to vector<1x16xf32>
        tpu.vector_store %arg10[%swap3A_255, %swap3A_256], %swap3A_259 {strides = array<i32>} : memref<96x128xf32, #tpu.memory_space<vmem>>, vector<1x16xf32>,
        %get3A_260 = arith.index_cast %scan3A_226 : i32 to index
        %get3A_261 = arith.constant 48 : index
        %get3A_262 = tpu.vector_load %arg10[%get3A_260, %get3A_261] {strides = array<i32>} : memref<96x128xf32, #tpu.memory_space<vmem>>, vector<1x16xf32>,
        %get3A_263 = vector.shape_cast %get3A_262 : vector<1x16xf32> to vector<16xf32>
        %max3A_264 = arith.constant 0.000000e+00 : f32
        %max3A_265 = vector.broadcast %max3A_264 : f32 to vector<16xf32>
        %max3A_266 = arith.maximumf %get3A_263, %max3A_265 : vector<16xf32>
        %swap3A_267 = arith.index_cast %scan3A_226 : i32 to index
        %swap3A_268 = arith.constant 48 : index
        %swap3A_269 = tpu.vector_load %arg10[%swap3A_267, %swap3A_268] {strides = array<i32>} : memref<96x128xf32, #tpu.memory_space<vmem>>, vector<1x16xf32>,
        %swap3A_270 = vector.shape_cast %swap3A_269 : vector<1x16xf32> to vector<16xf32>
        %swap3A_271 = vector.shape_cast %max3A_266 : vector<16xf32> to vector<1x16xf32>
        tpu.vector_store %arg10[%swap3A_267, %swap3A_268], %swap3A_271 {strides = array<i32>} : memref<96x128xf32, #tpu.memory_space<vmem>>, vector<1x16xf32>,
        %get3A_272 = arith.index_cast %scan3A_226 : i32 to index
        %get3A_273 = arith.constant 64 : index
        %get3A_274 = tpu.vector_load %arg10[%get3A_272, %get3A_273] {strides = array<i32>} : memref<96x128xf32, #tpu.memory_space<vmem>>, vector<1x16xf32>,
        %get3A_275 = vector.shape_cast %get3A_274 : vector<1x16xf32> to vector<16xf32>
        %max3A_276 = arith.constant 0.000000e+00 : f32
        %max3A_277 = vector.broadcast %max3A_276 : f32 to vector<16xf32>
        %max3A_278 = arith.maximumf %get3A_275, %max3A_277 : vector<16xf32>
        %swap3A_279 = arith.index_cast %scan3A_226 : i32 to index
        %swap3A_280 = arith.constant 64 : index
        %swap3A_281 = tpu.vector_load %arg10[%swap3A_279, %swap3A_280] {strides = array<i32>} : memref<96x128xf32, #tpu.memory_space<vmem>>, vector<1x16xf32>,
        %swap3A_282 = vector.shape_cast %swap3A_281 : vector<1x16xf32> to vector<16xf32>
        %swap3A_283 = vector.shape_cast %max3A_278 : vector<16xf32> to vector<1x16xf32>
        tpu.vector_store %arg10[%swap3A_279, %swap3A_280], %swap3A_283 {strides = array<i32>} : memref<96x128xf32, #tpu.memory_space<vmem>>, vector<1x16xf32>,
        %get3A_284 = arith.index_cast %scan3A_226 : i32 to index
        %get3A_285 = arith.constant 80 : index
        %get3A_286 = tpu.vector_load %arg10[%get3A_284, %get3A_285] {strides = array<i32>} : memref<96x128xf32, #tpu.memory_space<vmem>>, vector<1x16xf32>,
        %get3A_287 = vector.shape_cast %get3A_286 : vector<1x16xf32> to vector<16xf32>
        %max3A_288 = arith.constant 0.000000e+00 : f32
        %max3A_289 = vector.broadcast %max3A_288 : f32 to vector<16xf32>
        %max3A_290 = arith.maximumf %get3A_287, %max3A_289 : vector<16xf32>
        %swap3A_291 = arith.index_cast %scan3A_226 : i32 to index
        %swap3A_292 = arith.constant 80 : index
        %swap3A_293 = tpu.vector_load %arg10[%swap3A_291, %swap3A_292] {strides = array<i32>} : memref<96x128xf32, #tpu.memory_space<vmem>>, vector<1x16xf32>,
        %swap3A_294 = vector.shape_cast %swap3A_293 : vector<1x16xf32> to vector<16xf32>
        %swap3A_295 = vector.shape_cast %max3A_290 : vector<16xf32> to vector<1x16xf32>
        tpu.vector_store %arg10[%swap3A_291, %swap3A_292], %swap3A_295 {strides = array<i32>} : memref<96x128xf32, #tpu.memory_space<vmem>>, vector<1x16xf32>,
        %get3A_296 = arith.index_cast %scan3A_226 : i32 to index
        %get3A_297 = arith.constant 96 : index
        %get3A_298 = tpu.vector_load %arg10[%get3A_296, %get3A_297] {strides = array<i32>} : memref<96x128xf32, #tpu.memory_space<vmem>>, vector<1x16xf32>,
        %get3A_299 = vector.shape_cast %get3A_298 : vector<1x16xf32> to vector<16xf32>
        %max3A_300 = arith.constant 0.000000e+00 : f32
        %max3A_301 = vector.broadcast %max3A_300 : f32 to vector<16xf32>
        %max3A_302 = arith.maximumf %get3A_299, %max3A_301 : vector<16xf32>
        %swap3A_303 = arith.index_cast %scan3A_226 : i32 to index
        %swap3A_304 = arith.constant 96 : index
        %swap3A_305 = tpu.vector_load %arg10[%swap3A_303, %swap3A_304] {strides = array<i32>} : memref<96x128xf32, #tpu.memory_space<vmem>>, vector<1x16xf32>,
        %swap3A_306 = vector.shape_cast %swap3A_305 : vector<1x16xf32> to vector<16xf32>
        %swap3A_307 = vector.shape_cast %max3A_302 : vector<16xf32> to vector<1x16xf32>
        tpu.vector_store %arg10[%swap3A_303, %swap3A_304], %swap3A_307 {strides = array<i32>} : memref<96x128xf32, #tpu.memory_space<vmem>>, vector<1x16xf32>,
        %get3A_308 = arith.index_cast %scan3A_226 : i32 to index
        %get3A_309 = arith.constant 112 : index
        %get3A_310 = tpu.vector_load %arg10[%get3A_308, %get3A_309] {strides = array<i32>} : memref<96x128xf32, #tpu.memory_space<vmem>>, vector<1x16xf32>,
        %get3A_311 = vector.shape_cast %get3A_310 : vector<1x16xf32> to vector<16xf32>
        %max3A_312 = arith.constant 0.000000e+00 : f32
        %max3A_313 = vector.broadcast %max3A_312 : f32 to vector<16xf32>
        %max3A_314 = arith.maximumf %get3A_311, %max3A_313 : vector<16xf32>
        %swap3A_315 = arith.index_cast %scan3A_226 : i32 to index
        %swap3A_316 = arith.constant 112 : index
        %swap3A_317 = tpu.vector_load %arg10[%swap3A_315, %swap3A_316] {strides = array<i32>} : memref<96x128xf32, #tpu.memory_space<vmem>>, vector<1x16xf32>,
        %swap3A_318 = vector.shape_cast %swap3A_317 : vector<1x16xf32> to vector<16xf32>
        %swap3A_319 = vector.shape_cast %max3A_314 : vector<16xf32> to vector<1x16xf32>
        tpu.vector_store %arg10[%swap3A_315, %swap3A_316], %swap3A_319 {strides = array<i32>} : memref<96x128xf32, #tpu.memory_space<vmem>>, vector<1x16xf32>,
      }
      %scan3A_156 = arith.constant 96 : i32
      %dma_start3A_157 = arith.constant 1 : i32
      %dma_start3A_158 = arith.constant 0 : i32
      %dma_start3A_159 = tpu.memref_slice %arg7[%dma_start3A_157, %dma_start3A_158] : memref<2x96xi32, #tpu.memory_space<vmem>> -> memref<1x96xi32, #tpu.memory_space<vmem>>
      %dma_start3A_160 = tpu.memref_squeeze %dma_start3A_159 : memref<1x96xi32, #tpu.memory_space<vmem>> -> memref<96xi32, #tpu.memory_space<vmem>>
      %dma_start3A_161 = arith.constant 0 : i32
      %dma_start3A_162 = arith.constant 0 : i32
      %dma_start3A_163 = tpu.memref_slice %arg12[%dma_start3A_161, %dma_start3A_162] : memref<10240x128xf32, #tpu.memory_space<vmem_shared>> -> memref<10240x128xf32, #tpu.memory_space<vmem_shared>>
      tpu.enqueue_indirect_dma source(%arg10 : memref<96x128xf32, #tpu.memory_space<vmem>>) target(%dma_start3A_163 : memref<10240x128xf32, #tpu.memory_space<vmem_shared>>) offsets(%dma_start3A_160 : memref<96xi32, #tpu.memory_space<vmem>>) semaphore(%arg23 : memref<!tpu.dma_semaphore, #tpu.memory_space<semaphore_mem>>) {add = true}
      %ge3A_164 = arith.constant 1 : i32
      %ge3A_165 = arith.cmpi sge, %add3A_143, %ge3A_164 : i32
      %convert_element_type3A_166 = arith.extui %ge3A_165 : i1 to i32
      %cond3A_167 = arith.constant 0 : i32
      %cond3A_168 = arith.cmpi ne, %convert_element_type3A_166, %cond3A_167 : i32
      scf.if %cond3A_168 {
        %dma_wait3A_226 = arith.constant 1 : i32
        %dma_wait3A_227 = arith.constant 0 : i32
        %dma_wait3A_228 = tpu.memref_slice %arg6[%dma_wait3A_226, %dma_wait3A_227] : memref<2x96xi32, #tpu.memory_space<vmem>> -> memref<1x96xi32, #tpu.memory_space<vmem>>
        %dma_wait3A_229 = tpu.memref_squeeze %dma_wait3A_228 : memref<1x96xi32, #tpu.memory_space<vmem>> -> memref<96xi32, #tpu.memory_space<vmem>>
        %dma_wait3A_230 = arith.constant 0 : i32
        %dma_wait3A_231 = arith.constant 0 : i32
        %dma_wait3A_232 = tpu.memref_slice %arg12[%dma_wait3A_230, %dma_wait3A_231] : memref<10240x128xf32, #tpu.memory_space<vmem_shared>> -> memref<10240x128xf32, #tpu.memory_space<vmem_shared>>
        tpu.wait_indirect_dma semaphore(%arg22 : memref<!tpu.dma_semaphore, #tpu.memory_space<semaphore_mem>>) src(%arg9 : memref<96x128xf32, #tpu.memory_space<vmem>>) dst(%dma_wait3A_232 : memref<10240x128xf32, #tpu.memory_space<vmem_shared>>)
      } else {
      }
      %add3A_169 = arith.constant 2 : i32
      %add3A_170 = arith.addi %add3A_143, %add3A_169 : i32
      %lt3A_171 = arith.constant 105 : i32
      %lt3A_172 = arith.cmpi slt, %add3A_170, %lt3A_171 : i32
      %convert_element_type3A_173 = arith.extui %lt3A_172 : i1 to i32
      %cond3A_174 = arith.constant 0 : i32
      %cond3A_175 = arith.cmpi ne, %convert_element_type3A_173, %cond3A_174 : i32
      scf.if %cond3A_175 {
        %add3A_226 = arith.constant 2 : i32
        %add3A_227 = arith.addi %add3A_143, %add3A_226 : i32
        %dma_start3A_228 = arith.constant 0 : i32
        %dma_start3A_229 = arith.constant 0 : i32
        %dma_start3A_230 = tpu.memref_slice %arg4[%add3A, %add3A_227, %dma_start3A_228, %dma_start3A_229] : memref<32x105x2x96xi32, #tpu.memory_space<hbm>> -> memref<1x1x2x96xi32, #tpu.memory_space<hbm>>
        %dma_start3A_231 = tpu.memref_squeeze %dma_start3A_230 : memref<1x1x2x96xi32, #tpu.memory_space<hbm>> -> memref<2x96xi32, #tpu.memory_space<hbm>>
        %dma_start3A_232 = arith.constant 0 : i32
        %dma_start3A_233 = arith.constant 0 : i32
        %dma_start3A_234 = tpu.memref_slice %arg4[%add3A, %add3A_227, %dma_start3A_232, %dma_start3A_233] : memref<32x105x2x96xi32, #tpu.memory_space<hbm>> -> memref<1x1x2x96xi32, #tpu.memory_space<hbm>>
        %dma_start3A_235 = tpu.memref_squeeze %dma_start3A_234 : memref<1x1x2x96xi32, #tpu.memory_space<hbm>> -> memref<2x96xi32, #tpu.memory_space<hbm>>
        tpu.enqueue_dma source(%dma_start3A_235 : memref<2x96xi32, #tpu.memory_space<hbm>>) target(%arg6 : memref<2x96xi32, #tpu.memory_space<vmem>>) target_semaphore(%arg13 : memref<!tpu.dma_semaphore, #tpu.memory_space<semaphore_mem>>)
        %add3A_236 = arith.constant 2 : i32
        %add3A_237 = arith.addi %add3A_143, %add3A_236 : i32
        %mul3A_238 = arith.constant 96 : i32
        %mul3A_239 = arith.muli %add3A_237, %mul3A_238 : i32
        %add3A_240 = arith.addi %mul3A_2, %mul3A_239 : i32
        %dma_start3A_241 = arith.constant 0 : i32
        %dma_start3A_242 = tpu.memref_slice %arg3[%add3A_240, %dma_start3A_241] : memref<322560x128xf32, #tpu.memory_space<hbm>> -> memref<96x128xf32, #tpu.memory_space<hbm>>
        %dma_start3A_243 = arith.constant 0 : i32
        %dma_start3A_244 = tpu.memref_slice %arg3[%add3A_240, %dma_start3A_243] : memref<322560x128xf32, #tpu.memory_space<hbm>> -> memref<96x128xf32, #tpu.memory_space<hbm>>
        tpu.enqueue_dma source(%dma_start3A_244 : memref<96x128xf32, #tpu.memory_space<hbm>>) target(%arg9 : memref<96x128xf32, #tpu.memory_space<vmem>>) target_semaphore(%arg16 : memref<!tpu.dma_semaphore, #tpu.memory_space<semaphore_mem>>)
      } else {
      }
      %add3A_176 = arith.constant 1 : i32
      %add3A_177 = arith.addi %add3A_143, %add3A_176 : i32
      %lt3A_178 = arith.constant 105 : i32
      %lt3A_179 = arith.cmpi slt, %add3A_177, %lt3A_178 : i32
      %convert_element_type3A_180 = arith.extui %lt3A_179 : i1 to i32
      %cond3A_181 = arith.constant 0 : i32
      %cond3A_182 = arith.cmpi ne, %convert_element_type3A_180, %cond3A_181 : i32
      scf.if %cond3A_182 {
        %dma_wait3A_226 = arith.constant 0 : i32
        %dma_wait3A_227 = arith.constant 0 : i32
        %dma_wait3A_228 = arith.constant 0 : i32
        %dma_wait3A_229 = tpu.memref_slice %arg4[%add3A, %dma_wait3A_226, %dma_wait3A_227, %dma_wait3A_228] : memref<32x105x2x96xi32, #tpu.memory_space<hbm>> -> memref<1x1x2x96xi32, #tpu.memory_space<hbm>>
        %dma_wait3A_230 = tpu.memref_squeeze %dma_wait3A_229 : memref<1x1x2x96xi32, #tpu.memory_space<hbm>> -> memref<2x96xi32, #tpu.memory_space<hbm>>
        %dma_wait3A_231 = arith.constant 0 : i32
        %dma_wait3A_232 = arith.constant 0 : i32
        %dma_wait3A_233 = tpu.memref_slice %arg4[%add3A, %dma_wait3A_226, %dma_wait3A_231, %dma_wait3A_232] : memref<32x105x2x96xi32, #tpu.memory_space<hbm>> -> memref<1x1x2x96xi32, #tpu.memory_space<hbm>>
        %dma_wait3A_234 = tpu.memref_squeeze %dma_wait3A_233 : memref<1x1x2x96xi32, #tpu.memory_space<hbm>> -> memref<2x96xi32, #tpu.memory_space<hbm>>
        tpu.wait_dma2 semaphore(%arg15 : memref<!tpu.dma_semaphore, #tpu.memory_space<semaphore_mem>>) src(%dma_wait3A_234 : memref<2x96xi32, #tpu.memory_space<hbm>>) dst(%arg8 : memref<2x96xi32, #tpu.memory_space<vmem>>)
        %dma_wait3A_235 = arith.constant 0 : i32
        %dma_wait3A_236 = tpu.memref_slice %arg3[%mul3A_2, %dma_wait3A_235] : memref<322560x128xf32, #tpu.memory_space<hbm>> -> memref<96x128xf32, #tpu.memory_space<hbm>>
        %dma_wait3A_237 = arith.constant 0 : i32
        %dma_wait3A_238 = tpu.memref_slice %arg3[%mul3A_2, %dma_wait3A_237] : memref<322560x128xf32, #tpu.memory_space<hbm>> -> memref<96x128xf32, #tpu.memory_space<hbm>>
        tpu.wait_dma2 semaphore(%arg18 : memref<!tpu.dma_semaphore, #tpu.memory_space<semaphore_mem>>) src(%dma_wait3A_238 : memref<96x128xf32, #tpu.memory_space<hbm>>) dst(%arg11 : memref<96x128xf32, #tpu.memory_space<vmem>>)
        %dma_start3A_239 = arith.constant 0 : i32
        %dma_start3A_240 = arith.constant 0 : i32
        %dma_start3A_241 = tpu.memref_slice %arg8[%dma_start3A_239, %dma_start3A_240] : memref<2x96xi32, #tpu.memory_space<vmem>> -> memref<1x96xi32, #tpu.memory_space<vmem>>
        %dma_start3A_242 = tpu.memref_squeeze %dma_start3A_241 : memref<1x96xi32, #tpu.memory_space<vmem>> -> memref<96xi32, #tpu.memory_space<vmem>>
        %dma_start3A_243 = arith.constant 0 : i32
        %dma_start3A_244 = arith.constant 0 : i32
        %dma_start3A_245 = tpu.memref_slice %arg2[%dma_start3A_243, %dma_start3A_244] : memref<10240x128xf32, #tpu.memory_space<hbm>> -> memref<10240x128xf32, #tpu.memory_space<hbm>>
        tpu.enqueue_indirect_dma source(%dma_start3A_245 : memref<10240x128xf32, #tpu.memory_space<hbm>>) target(%arg11 : memref<96x128xf32, #tpu.memory_space<vmem>>) offsets(%dma_start3A_242 : memref<96xi32, #tpu.memory_space<vmem>>) semaphore(%arg21 : memref<!tpu.dma_semaphore, #tpu.memory_space<semaphore_mem>>) {add = true}
      } else {
      }
      %mul3A_183 = arith.constant 3 : i32
      %mul3A_184 = arith.muli %mul3A_183, %scan3A_100 : i32
      %add3A_185 = arith.constant 2 : i32
      %add3A_186 = arith.addi %mul3A_184, %add3A_185 : i32
      %dma_wait3A_187 = arith.constant 0 : i32
      %dma_wait3A_188 = arith.constant 0 : i32
      %dma_wait3A_189 = tpu.memref_slice %arg8[%dma_wait3A_187, %dma_wait3A_188] : memref<2x96xi32, #tpu.memory_space<vmem>> -> memref<1x96xi32, #tpu.memory_space<vmem>>
      %dma_wait3A_190 = tpu.memref_squeeze %dma_wait3A_189 : memref<1x96xi32, #tpu.memory_space<vmem>> -> memref<96xi32, #tpu.memory_space<vmem>>
      %dma_wait3A_191 = arith.constant 0 : i32
      %dma_wait3A_192 = arith.constant 0 : i32
      %dma_wait3A_193 = tpu.memref_slice %arg2[%dma_wait3A_191, %dma_wait3A_192] : memref<10240x128xf32, #tpu.memory_space<hbm>> -> memref<10240x128xf32, #tpu.memory_space<hbm>>
      tpu.wait_indirect_dma semaphore(%arg21 : memref<!tpu.dma_semaphore, #tpu.memory_space<semaphore_mem>>) src(%dma_wait3A_193 : memref<10240x128xf32, #tpu.memory_space<hbm>>) dst(%arg11 : memref<96x128xf32, #tpu.memory_space<vmem>>)
      %scan3A_194 = arith.constant 0 : i32
      %scan3A_195 = arith.constant 0 : i32
      %scan3A_196 = arith.constant 96 : i32
      %scan3A_197 = arith.addi %scan3A_195, %scan3A_196 : i32
      %scan3A_198 = arith.constant 1 : i32
      scf.for %scan3A_226 = %scan3A_195 to %scan3A_197 step %scan3A_198  : i32 {
        %get3A = arith.index_cast %scan3A_226 : i32 to index
        %get3A_227 = arith.constant 0 : index
        %get3A_228 = tpu.vector_load %arg11[%get3A, %get3A_227] {strides = array<i32>} : memref<96x128xf32, #tpu.memory_space<vmem>>, vector<1x16xf32>,
        %get3A_229 = vector.shape_cast %get3A_228 : vector<1x16xf32> to vector<16xf32>
        %max3A = arith.constant 0.000000e+00 : f32
        %max3A_230 = vector.broadcast %max3A : f32 to vector<16xf32>
        %max3A_231 = arith.maximumf %get3A_229, %max3A_230 : vector<16xf32>
        %swap3A = arith.index_cast %scan3A_226 : i32 to index
        %swap3A_232 = arith.constant 0 : index
        %swap3A_233 = tpu.vector_load %arg11[%swap3A, %swap3A_232] {strides = array<i32>} : memref<96x128xf32, #tpu.memory_space<vmem>>, vector<1x16xf32>,
        %swap3A_234 = vector.shape_cast %swap3A_233 : vector<1x16xf32> to vector<16xf32>
        %swap3A_235 = vector.shape_cast %max3A_231 : vector<16xf32> to vector<1x16xf32>
        tpu.vector_store %arg11[%swap3A, %swap3A_232], %swap3A_235 {strides = array<i32>} : memref<96x128xf32, #tpu.memory_space<vmem>>, vector<1x16xf32>,
        %get3A_236 = arith.index_cast %scan3A_226 : i32 to index
        %get3A_237 = arith.constant 16 : index
        %get3A_238 = tpu.vector_load %arg11[%get3A_236, %get3A_237] {strides = array<i32>} : memref<96x128xf32, #tpu.memory_space<vmem>>, vector<1x16xf32>,
        %get3A_239 = vector.shape_cast %get3A_238 : vector<1x16xf32> to vector<16xf32>
        %max3A_240 = arith.constant 0.000000e+00 : f32
        %max3A_241 = vector.broadcast %max3A_240 : f32 to vector<16xf32>
        %max3A_242 = arith.maximumf %get3A_239, %max3A_241 : vector<16xf32>
        %swap3A_243 = arith.index_cast %scan3A_226 : i32 to index
        %swap3A_244 = arith.constant 16 : index
        %swap3A_245 = tpu.vector_load %arg11[%swap3A_243, %swap3A_244] {strides = array<i32>} : memref<96x128xf32, #tpu.memory_space<vmem>>, vector<1x16xf32>,
        %swap3A_246 = vector.shape_cast %swap3A_245 : vector<1x16xf32> to vector<16xf32>
        %swap3A_247 = vector.shape_cast %max3A_242 : vector<16xf32> to vector<1x16xf32>
        tpu.vector_store %arg11[%swap3A_243, %swap3A_244], %swap3A_247 {strides = array<i32>} : memref<96x128xf32, #tpu.memory_space<vmem>>, vector<1x16xf32>,
        %get3A_248 = arith.index_cast %scan3A_226 : i32 to index
        %get3A_249 = arith.constant 32 : index
        %get3A_250 = tpu.vector_load %arg11[%get3A_248, %get3A_249] {strides = array<i32>} : memref<96x128xf32, #tpu.memory_space<vmem>>, vector<1x16xf32>,
        %get3A_251 = vector.shape_cast %get3A_250 : vector<1x16xf32> to vector<16xf32>
        %max3A_252 = arith.constant 0.000000e+00 : f32
        %max3A_253 = vector.broadcast %max3A_252 : f32 to vector<16xf32>
        %max3A_254 = arith.maximumf %get3A_251, %max3A_253 : vector<16xf32>
        %swap3A_255 = arith.index_cast %scan3A_226 : i32 to index
        %swap3A_256 = arith.constant 32 : index
        %swap3A_257 = tpu.vector_load %arg11[%swap3A_255, %swap3A_256] {strides = array<i32>} : memref<96x128xf32, #tpu.memory_space<vmem>>, vector<1x16xf32>,
        %swap3A_258 = vector.shape_cast %swap3A_257 : vector<1x16xf32> to vector<16xf32>
        %swap3A_259 = vector.shape_cast %max3A_254 : vector<16xf32> to vector<1x16xf32>
        tpu.vector_store %arg11[%swap3A_255, %swap3A_256], %swap3A_259 {strides = array<i32>} : memref<96x128xf32, #tpu.memory_space<vmem>>, vector<1x16xf32>,
        %get3A_260 = arith.index_cast %scan3A_226 : i32 to index
        %get3A_261 = arith.constant 48 : index
        %get3A_262 = tpu.vector_load %arg11[%get3A_260, %get3A_261] {strides = array<i32>} : memref<96x128xf32, #tpu.memory_space<vmem>>, vector<1x16xf32>,
        %get3A_263 = vector.shape_cast %get3A_262 : vector<1x16xf32> to vector<16xf32>
        %max3A_264 = arith.constant 0.000000e+00 : f32
        %max3A_265 = vector.broadcast %max3A_264 : f32 to vector<16xf32>
        %max3A_266 = arith.maximumf %get3A_263, %max3A_265 : vector<16xf32>
        %swap3A_267 = arith.index_cast %scan3A_226 : i32 to index
        %swap3A_268 = arith.constant 48 : index
        %swap3A_269 = tpu.vector_load %arg11[%swap3A_267, %swap3A_268] {strides = array<i32>} : memref<96x128xf32, #tpu.memory_space<vmem>>, vector<1x16xf32>,
        %swap3A_270 = vector.shape_cast %swap3A_269 : vector<1x16xf32> to vector<16xf32>
        %swap3A_271 = vector.shape_cast %max3A_266 : vector<16xf32> to vector<1x16xf32>
        tpu.vector_store %arg11[%swap3A_267, %swap3A_268], %swap3A_271 {strides = array<i32>} : memref<96x128xf32, #tpu.memory_space<vmem>>, vector<1x16xf32>,
        %get3A_272 = arith.index_cast %scan3A_226 : i32 to index
        %get3A_273 = arith.constant 64 : index
        %get3A_274 = tpu.vector_load %arg11[%get3A_272, %get3A_273] {strides = array<i32>} : memref<96x128xf32, #tpu.memory_space<vmem>>, vector<1x16xf32>,
        %get3A_275 = vector.shape_cast %get3A_274 : vector<1x16xf32> to vector<16xf32>
        %max3A_276 = arith.constant 0.000000e+00 : f32
        %max3A_277 = vector.broadcast %max3A_276 : f32 to vector<16xf32>
        %max3A_278 = arith.maximumf %get3A_275, %max3A_277 : vector<16xf32>
        %swap3A_279 = arith.index_cast %scan3A_226 : i32 to index
        %swap3A_280 = arith.constant 64 : index
        %swap3A_281 = tpu.vector_load %arg11[%swap3A_279, %swap3A_280] {strides = array<i32>} : memref<96x128xf32, #tpu.memory_space<vmem>>, vector<1x16xf32>,
        %swap3A_282 = vector.shape_cast %swap3A_281 : vector<1x16xf32> to vector<16xf32>
        %swap3A_283 = vector.shape_cast %max3A_278 : vector<16xf32> to vector<1x16xf32>
        tpu.vector_store %arg11[%swap3A_279, %swap3A_280], %swap3A_283 {strides = array<i32>} : memref<96x128xf32, #tpu.memory_space<vmem>>, vector<1x16xf32>,
        %get3A_284 = arith.index_cast %scan3A_226 : i32 to index
        %get3A_285 = arith.constant 80 : index
        %get3A_286 = tpu.vector_load %arg11[%get3A_284, %get3A_285] {strides = array<i32>} : memref<96x128xf32, #tpu.memory_space<vmem>>, vector<1x16xf32>,
        %get3A_287 = vector.shape_cast %get3A_286 : vector<1x16xf32> to vector<16xf32>
        %max3A_288 = arith.constant 0.000000e+00 : f32
        %max3A_289 = vector.broadcast %max3A_288 : f32 to vector<16xf32>
        %max3A_290 = arith.maximumf %get3A_287, %max3A_289 : vector<16xf32>
        %swap3A_291 = arith.index_cast %scan3A_226 : i32 to index
        %swap3A_292 = arith.constant 80 : index
        %swap3A_293 = tpu.vector_load %arg11[%swap3A_291, %swap3A_292] {strides = array<i32>} : memref<96x128xf32, #tpu.memory_space<vmem>>, vector<1x16xf32>,
        %swap3A_294 = vector.shape_cast %swap3A_293 : vector<1x16xf32> to vector<16xf32>
        %swap3A_295 = vector.shape_cast %max3A_290 : vector<16xf32> to vector<1x16xf32>
        tpu.vector_store %arg11[%swap3A_291, %swap3A_292], %swap3A_295 {strides = array<i32>} : memref<96x128xf32, #tpu.memory_space<vmem>>, vector<1x16xf32>,
        %get3A_296 = arith.index_cast %scan3A_226 : i32 to index
        %get3A_297 = arith.constant 96 : index
        %get3A_298 = tpu.vector_load %arg11[%get3A_296, %get3A_297] {strides = array<i32>} : memref<96x128xf32, #tpu.memory_space<vmem>>, vector<1x16xf32>,
        %get3A_299 = vector.shape_cast %get3A_298 : vector<1x16xf32> to vector<16xf32>
        %max3A_300 = arith.constant 0.000000e+00 : f32
        %max3A_301 = vector.broadcast %max3A_300 : f32 to vector<16xf32>
        %max3A_302 = arith.maximumf %get3A_299, %max3A_301 : vector<16xf32>
        %swap3A_303 = arith.index_cast %scan3A_226 : i32 to index
        %swap3A_304 = arith.constant 96 : index
        %swap3A_305 = tpu.vector_load %arg11[%swap3A_303, %swap3A_304] {strides = array<i32>} : memref<96x128xf32, #tpu.memory_space<vmem>>, vector<1x16xf32>,
        %swap3A_306 = vector.shape_cast %swap3A_305 : vector<1x16xf32> to vector<16xf32>
        %swap3A_307 = vector.shape_cast %max3A_302 : vector<16xf32> to vector<1x16xf32>
        tpu.vector_store %arg11[%swap3A_303, %swap3A_304], %swap3A_307 {strides = array<i32>} : memref<96x128xf32, #tpu.memory_space<vmem>>, vector<1x16xf32>,
        %get3A_308 = arith.index_cast %scan3A_226 : i32 to index
        %get3A_309 = arith.constant 112 : index
        %get3A_310 = tpu.vector_load %arg11[%get3A_308, %get3A_309] {strides = array<i32>} : memref<96x128xf32, #tpu.memory_space<vmem>>, vector<1x16xf32>,
        %get3A_311 = vector.shape_cast %get3A_310 : vector<1x16xf32> to vector<16xf32>
        %max3A_312 = arith.constant 0.000000e+00 : f32
        %max3A_313 = vector.broadcast %max3A_312 : f32 to vector<16xf32>
        %max3A_314 = arith.maximumf %get3A_311, %max3A_313 : vector<16xf32>
        %swap3A_315 = arith.index_cast %scan3A_226 : i32 to index
        %swap3A_316 = arith.constant 112 : index
        %swap3A_317 = tpu.vector_load %arg11[%swap3A_315, %swap3A_316] {strides = array<i32>} : memref<96x128xf32, #tpu.memory_space<vmem>>, vector<1x16xf32>,
        %swap3A_318 = vector.shape_cast %swap3A_317 : vector<1x16xf32> to vector<16xf32>
        %swap3A_319 = vector.shape_cast %max3A_314 : vector<16xf32> to vector<1x16xf32>
        tpu.vector_store %arg11[%swap3A_315, %swap3A_316], %swap3A_319 {strides = array<i32>} : memref<96x128xf32, #tpu.memory_space<vmem>>, vector<1x16xf32>,
      }
      %scan3A_199 = arith.constant 96 : i32
      %dma_start3A_200 = arith.constant 1 : i32
      %dma_start3A_201 = arith.constant 0 : i32
      %dma_start3A_202 = tpu.memref_slice %arg8[%dma_start3A_200, %dma_start3A_201] : memref<2x96xi32, #tpu.memory_space<vmem>> -> memref<1x96xi32, #tpu.memory_space<vmem>>
      %dma_start3A_203 = tpu.memref_squeeze %dma_start3A_202 : memref<1x96xi32, #tpu.memory_space<vmem>> -> memref<96xi32, #tpu.memory_space<vmem>>
      %dma_start3A_204 = arith.constant 0 : i32
      %dma_start3A_205 = arith.constant 0 : i32
      %dma_start3A_206 = tpu.memref_slice %arg12[%dma_start3A_204, %dma_start3A_205] : memref<10240x128xf32, #tpu.memory_space<vmem_shared>> -> memref<10240x128xf32, #tpu.memory_space<vmem_shared>>
      tpu.enqueue_indirect_dma source(%arg11 : memref<96x128xf32, #tpu.memory_space<vmem>>) target(%dma_start3A_206 : memref<10240x128xf32, #tpu.memory_space<vmem_shared>>) offsets(%dma_start3A_203 : memref<96xi32, #tpu.memory_space<vmem>>) semaphore(%arg24 : memref<!tpu.dma_semaphore, #tpu.memory_space<semaphore_mem>>) {add = true}
      %ge3A_207 = arith.constant 1 : i32
      %ge3A_208 = arith.cmpi sge, %add3A_186, %ge3A_207 : i32
      %convert_element_type3A_209 = arith.extui %ge3A_208 : i1 to i32
      %cond3A_210 = arith.constant 0 : i32
      %cond3A_211 = arith.cmpi ne, %convert_element_type3A_209, %cond3A_210 : i32
      scf.if %cond3A_211 {
        %dma_wait3A_226 = arith.constant 1 : i32
        %dma_wait3A_227 = arith.constant 0 : i32
        %dma_wait3A_228 = tpu.memref_slice %arg7[%dma_wait3A_226, %dma_wait3A_227] : memref<2x96xi32, #tpu.memory_space<vmem>> -> memref<1x96xi32, #tpu.memory_space<vmem>>
        %dma_wait3A_229 = tpu.memref_squeeze %dma_wait3A_228 : memref<1x96xi32, #tpu.memory_space<vmem>> -> memref<96xi32, #tpu.memory_space<vmem>>
        %dma_wait3A_230 = arith.constant 0 : i32
        %dma_wait3A_231 = arith.constant 0 : i32
        %dma_wait3A_232 = tpu.memref_slice %arg12[%dma_wait3A_230, %dma_wait3A_231] : memref<10240x128xf32, #tpu.memory_space<vmem_shared>> -> memref<10240x128xf32, #tpu.memory_space<vmem_shared>>
        tpu.wait_indirect_dma semaphore(%arg23 : memref<!tpu.dma_semaphore, #tpu.memory_space<semaphore_mem>>) src(%arg10 : memref<96x128xf32, #tpu.memory_space<vmem>>) dst(%dma_wait3A_232 : memref<10240x128xf32, #tpu.memory_space<vmem_shared>>)
      } else {
      }
      %add3A_212 = arith.constant 2 : i32
      %add3A_213 = arith.addi %add3A_186, %add3A_212 : i32
      %lt3A_214 = arith.constant 105 : i32
      %lt3A_215 = arith.cmpi slt, %add3A_213, %lt3A_214 : i32
      %convert_element_type3A_216 = arith.extui %lt3A_215 : i1 to i32
      %cond3A_217 = arith.constant 0 : i32
      %cond3A_218 = arith.cmpi ne, %convert_element_type3A_216, %cond3A_217 : i32
      scf.if %cond3A_218 {
        %add3A_226 = arith.constant 2 : i32
        %add3A_227 = arith.addi %add3A_186, %add3A_226 : i32
        %dma_start3A_228 = arith.constant 0 : i32
        %dma_start3A_229 = arith.constant 0 : i32
        %dma_start3A_230 = tpu.memref_slice %arg4[%add3A, %add3A_227, %dma_start3A_228, %dma_start3A_229] : memref<32x105x2x96xi32, #tpu.memory_space<hbm>> -> memref<1x1x2x96xi32, #tpu.memory_space<hbm>>
        %dma_start3A_231 = tpu.memref_squeeze %dma_start3A_230 : memref<1x1x2x96xi32, #tpu.memory_space<hbm>> -> memref<2x96xi32, #tpu.memory_space<hbm>>
        %dma_start3A_232 = arith.constant 0 : i32
        %dma_start3A_233 = arith.constant 0 : i32
        %dma_start3A_234 = tpu.memref_slice %arg4[%add3A, %add3A_227, %dma_start3A_232, %dma_start3A_233] : memref<32x105x2x96xi32, #tpu.memory_space<hbm>> -> memref<1x1x2x96xi32, #tpu.memory_space<hbm>>
        %dma_start3A_235 = tpu.memref_squeeze %dma_start3A_234 : memref<1x1x2x96xi32, #tpu.memory_space<hbm>> -> memref<2x96xi32, #tpu.memory_space<hbm>>
        tpu.enqueue_dma source(%dma_start3A_235 : memref<2x96xi32, #tpu.memory_space<hbm>>) target(%arg7 : memref<2x96xi32, #tpu.memory_space<vmem>>) target_semaphore(%arg14 : memref<!tpu.dma_semaphore, #tpu.memory_space<semaphore_mem>>)
        %add3A_236 = arith.constant 2 : i32
        %add3A_237 = arith.addi %add3A_186, %add3A_236 : i32
        %mul3A_238 = arith.constant 96 : i32
        %mul3A_239 = arith.muli %add3A_237, %mul3A_238 : i32
        %add3A_240 = arith.addi %mul3A_2, %mul3A_239 : i32
        %dma_start3A_241 = arith.constant 0 : i32
        %dma_start3A_242 = tpu.memref_slice %arg3[%add3A_240, %dma_start3A_241] : memref<322560x128xf32, #tpu.memory_space<hbm>> -> memref<96x128xf32, #tpu.memory_space<hbm>>
        %dma_start3A_243 = arith.constant 0 : i32
        %dma_start3A_244 = tpu.memref_slice %arg3[%add3A_240, %dma_start3A_243] : memref<322560x128xf32, #tpu.memory_space<hbm>> -> memref<96x128xf32, #tpu.memory_space<hbm>>
        tpu.enqueue_dma source(%dma_start3A_244 : memref<96x128xf32, #tpu.memory_space<hbm>>) target(%arg10 : memref<96x128xf32, #tpu.memory_space<vmem>>) target_semaphore(%arg17 : memref<!tpu.dma_semaphore, #tpu.memory_space<semaphore_mem>>)
      } else {
      }
      %add3A_219 = arith.constant 1 : i32
      %add3A_220 = arith.addi %add3A_186, %add3A_219 : i32
      %lt3A_221 = arith.constant 105 : i32
      %lt3A_222 = arith.cmpi slt, %add3A_220, %lt3A_221 : i32
      %convert_element_type3A_223 = arith.extui %lt3A_222 : i1 to i32
      %cond3A_224 = arith.constant 0 : i32
      %cond3A_225 = arith.cmpi ne, %convert_element_type3A_223, %cond3A_224 : i32
      scf.if %cond3A_225 {
        %dma_wait3A_226 = arith.constant 0 : i32
        %dma_wait3A_227 = arith.constant 0 : i32
        %dma_wait3A_228 = arith.constant 0 : i32
        %dma_wait3A_229 = tpu.memref_slice %arg4[%add3A, %dma_wait3A_226, %dma_wait3A_227, %dma_wait3A_228] : memref<32x105x2x96xi32, #tpu.memory_space<hbm>> -> memref<1x1x2x96xi32, #tpu.memory_space<hbm>>
        %dma_wait3A_230 = tpu.memref_squeeze %dma_wait3A_229 : memref<1x1x2x96xi32, #tpu.memory_space<hbm>> -> memref<2x96xi32, #tpu.memory_space<hbm>>
        %dma_wait3A_231 = arith.constant 0 : i32
        %dma_wait3A_232 = arith.constant 0 : i32
        %dma_wait3A_233 = tpu.memref_slice %arg4[%add3A, %dma_wait3A_226, %dma_wait3A_231, %dma_wait3A_232] : memref<32x105x2x96xi32, #tpu.memory_space<hbm>> -> memref<1x1x2x96xi32, #tpu.memory_space<hbm>>
        %dma_wait3A_234 = tpu.memref_squeeze %dma_wait3A_233 : memref<1x1x2x96xi32, #tpu.memory_space<hbm>> -> memref<2x96xi32, #tpu.memory_space<hbm>>
        tpu.wait_dma2 semaphore(%arg13 : memref<!tpu.dma_semaphore, #tpu.memory_space<semaphore_mem>>) src(%dma_wait3A_234 : memref<2x96xi32, #tpu.memory_space<hbm>>) dst(%arg6 : memref<2x96xi32, #tpu.memory_space<vmem>>)
        %dma_wait3A_235 = arith.constant 0 : i32
        %dma_wait3A_236 = tpu.memref_slice %arg3[%mul3A_2, %dma_wait3A_235] : memref<322560x128xf32, #tpu.memory_space<hbm>> -> memref<96x128xf32, #tpu.memory_space<hbm>>
        %dma_wait3A_237 = arith.constant 0 : i32
        %dma_wait3A_238 = tpu.memref_slice %arg3[%mul3A_2, %dma_wait3A_237] : memref<322560x128xf32, #tpu.memory_space<hbm>> -> memref<96x128xf32, #tpu.memory_space<hbm>>
        tpu.wait_dma2 semaphore(%arg16 : memref<!tpu.dma_semaphore, #tpu.memory_space<semaphore_mem>>) src(%dma_wait3A_238 : memref<96x128xf32, #tpu.memory_space<hbm>>) dst(%arg9 : memref<96x128xf32, #tpu.memory_space<vmem>>)
        %dma_start3A_239 = arith.constant 0 : i32
        %dma_start3A_240 = arith.constant 0 : i32
        %dma_start3A_241 = tpu.memref_slice %arg6[%dma_start3A_239, %dma_start3A_240] : memref<2x96xi32, #tpu.memory_space<vmem>> -> memref<1x96xi32, #tpu.memory_space<vmem>>
        %dma_start3A_242 = tpu.memref_squeeze %dma_start3A_241 : memref<1x96xi32, #tpu.memory_space<vmem>> -> memref<96xi32, #tpu.memory_space<vmem>>
        %dma_start3A_243 = arith.constant 0 : i32
        %dma_start3A_244 = arith.constant 0 : i32
        %dma_start3A_245 = tpu.memref_slice %arg2[%dma_start3A_243, %dma_start3A_244] : memref<10240x128xf32, #tpu.memory_space<hbm>> -> memref<10240x128xf32, #tpu.memory_space<hbm>>
        tpu.enqueue_indirect_dma source(%dma_start3A_245 : memref<10240x128xf32, #tpu.memory_space<hbm>>) target(%arg9 : memref<96x128xf32, #tpu.memory_space<vmem>>) offsets(%dma_start3A_242 : memref<96xi32, #tpu.memory_space<vmem>>) semaphore(%arg19 : memref<!tpu.dma_semaphore, #tpu.memory_space<semaphore_mem>>) {add = true}
      } else {
      }
    }
    %scan3A_77 = arith.constant 35 : i32
    %dma_wait3A_78 = arith.constant 1 : i32
    %dma_wait3A_79 = arith.constant 0 : i32
    %dma_wait3A_80 = tpu.memref_slice %arg8[%dma_wait3A_78, %dma_wait3A_79] : memref<2x96xi32, #tpu.memory_space<vmem>> -> memref<1x96xi32, #tpu.memory_space<vmem>>
    %dma_wait3A_81 = tpu.memref_squeeze %dma_wait3A_80 : memref<1x96xi32, #tpu.memory_space<vmem>> -> memref<96xi32, #tpu.memory_space<vmem>>
    %dma_wait3A_82 = arith.constant 0 : i32
    %dma_wait3A_83 = arith.constant 0 : i32
    %dma_wait3A_84 = tpu.memref_slice %arg12[%dma_wait3A_82, %dma_wait3A_83] : memref<10240x128xf32, #tpu.memory_space<vmem_shared>> -> memref<10240x128xf32, #tpu.memory_space<vmem_shared>>
    tpu.wait_indirect_dma semaphore(%arg24 : memref<!tpu.dma_semaphore, #tpu.memory_space<semaphore_mem>>) src(%arg11 : memref<96x128xf32, #tpu.memory_space<vmem>>) dst(%dma_wait3A_84 : memref<10240x128xf32, #tpu.memory_space<vmem_shared>>)
    %barrier3A_85 = arith.constant 0 : index
    tpu.barrier barrier_id(%barrier3A_85)
    %add3A_86 = arith.constant 0 : i32
    %add3A_87 = arith.addi %mul3A_9, %add3A_86 : i32
    "tpu.region"() ({
      %run_scoped3A = tpu.sem_alloc : memref<!tpu.dma_semaphore, #tpu.memory_space<semaphore_mem>>
      %dma_start3A_100 = arith.constant 0 : i32
      %dma_start3A_101 = tpu.memref_slice %arg12[%add3A_87, %dma_start3A_100] : memref<10240x128xf32, #tpu.memory_space<vmem_shared>> -> memref<96x128xf32, #tpu.memory_space<vmem_shared>>
      %dma_start3A_102 = arith.constant 0 : i32
      %dma_start3A_103 = tpu.memref_slice %arg12[%add3A_87, %dma_start3A_102] : memref<10240x128xf32, #tpu.memory_space<vmem_shared>> -> memref<96x128xf32, #tpu.memory_space<vmem_shared>>
      tpu.enqueue_dma source(%dma_start3A_103 : memref<96x128xf32, #tpu.memory_space<vmem_shared>>) target(%arg9 : memref<96x128xf32, #tpu.memory_space<vmem>>) target_semaphore(%run_scoped3A : memref<!tpu.dma_semaphore, #tpu.memory_space<semaphore_mem>>)
      %dma_wait3A_104 = arith.constant 0 : i32
      %dma_wait3A_105 = tpu.memref_slice %arg12[%add3A_87, %dma_wait3A_104] : memref<10240x128xf32, #tpu.memory_space<vmem_shared>> -> memref<96x128xf32, #tpu.memory_space<vmem_shared>>
      %dma_wait3A_106 = arith.constant 0 : i32
      %dma_wait3A_107 = tpu.memref_slice %arg12[%add3A_87, %dma_wait3A_106] : memref<10240x128xf32, #tpu.memory_space<vmem_shared>> -> memref<96x128xf32, #tpu.memory_space<vmem_shared>>
      tpu.wait_dma2 semaphore(%run_scoped3A : memref<!tpu.dma_semaphore, #tpu.memory_space<semaphore_mem>>) src(%dma_wait3A_107 : memref<96x128xf32, #tpu.memory_space<vmem_shared>>) dst(%arg9 : memref<96x128xf32, #tpu.memory_space<vmem>>)
      tpu.yield
    }) : () -> ()
    "tpu.region"() ({
      %run_scoped3A = tpu.sem_alloc : memref<!tpu.dma_semaphore, #tpu.memory_space<semaphore_mem>>
      %dma_start3A_100 = arith.constant 0 : i32
      %dma_start3A_101 = tpu.memref_slice %arg5[%arg0, %add3A_87, %dma_start3A_100] : memref<2x10240x128xf32, #tpu.memory_space<hbm>> -> memref<1x96x128xf32, #tpu.memory_space<hbm>>
      %dma_start3A_102 = tpu.memref_squeeze %dma_start3A_101 : memref<1x96x128xf32, #tpu.memory_space<hbm>> -> memref<96x128xf32, #tpu.memory_space<hbm>>
      %dma_start3A_103 = arith.constant 0 : i32
      %dma_start3A_104 = tpu.memref_slice %arg5[%arg0, %add3A_87, %dma_start3A_103] : memref<2x10240x128xf32, #tpu.memory_space<hbm>> -> memref<1x96x128xf32, #tpu.memory_space<hbm>>
      %dma_start3A_105 = tpu.memref_squeeze %dma_start3A_104 : memref<1x96x128xf32, #tpu.memory_space<hbm>> -> memref<96x128xf32, #tpu.memory_space<hbm>>
      tpu.enqueue_dma source(%arg9 : memref<96x128xf32, #tpu.memory_space<vmem>>) target(%dma_start3A_105 : memref<96x128xf32, #tpu.memory_space<hbm>>) target_semaphore(%run_scoped3A : memref<!tpu.dma_semaphore, #tpu.memory_space<semaphore_mem>>)
      %dma_wait3A_106 = arith.constant 0 : i32
      %dma_wait3A_107 = tpu.memref_slice %arg5[%arg0, %add3A_87, %dma_wait3A_106] : memref<2x10240x128xf32, #tpu.memory_space<hbm>> -> memref<1x96x128xf32, #tpu.memory_space<hbm>>
      %dma_wait3A_108 = tpu.memref_squeeze %dma_wait3A_107 : memref<1x96x128xf32, #tpu.memory_space<hbm>> -> memref<96x128xf32, #tpu.memory_space<hbm>>
      %dma_wait3A_109 = arith.constant 0 : i32
      %dma_wait3A_110 = tpu.memref_slice %arg5[%arg0, %add3A_87, %dma_wait3A_109] : memref<2x10240x128xf32, #tpu.memory_space<hbm>> -> memref<1x96x128xf32, #tpu.memory_space<hbm>>
      %dma_wait3A_111 = tpu.memref_squeeze %dma_wait3A_110 : memref<1x96x128xf32, #tpu.memory_space<hbm>> -> memref<96x128xf32, #tpu.memory_space<hbm>>
      tpu.wait_dma2 semaphore(%run_scoped3A : memref<!tpu.dma_semaphore, #tpu.memory_space<semaphore_mem>>) src(%arg9 : memref<96x128xf32, #tpu.memory_space<vmem>>) dst(%dma_wait3A_111 : memref<96x128xf32, #tpu.memory_space<hbm>>)
      tpu.yield
    }) : () -> ()
    %add3A_88 = arith.constant 96 : i32
    %add3A_89 = arith.addi %mul3A_9, %add3A_88 : i32
    "tpu.region"() ({
      %run_scoped3A = tpu.sem_alloc : memref<!tpu.dma_semaphore, #tpu.memory_space<semaphore_mem>>
      %dma_start3A_100 = arith.constant 0 : i32
      %dma_start3A_101 = tpu.memref_slice %arg12[%add3A_89, %dma_start3A_100] : memref<10240x128xf32, #tpu.memory_space<vmem_shared>> -> memref<96x128xf32, #tpu.memory_space<vmem_shared>>
      %dma_start3A_102 = arith.constant 0 : i32
      %dma_start3A_103 = tpu.memref_slice %arg12[%add3A_89, %dma_start3A_102] : memref<10240x128xf32, #tpu.memory_space<vmem_shared>> -> memref<96x128xf32, #tpu.memory_space<vmem_shared>>
      tpu.enqueue_dma source(%dma_start3A_103 : memref<96x128xf32, #tpu.memory_space<vmem_shared>>) target(%arg9 : memref<96x128xf32, #tpu.memory_space<vmem>>) target_semaphore(%run_scoped3A : memref<!tpu.dma_semaphore, #tpu.memory_space<semaphore_mem>>)
      %dma_wait3A_104 = arith.constant 0 : i32
      %dma_wait3A_105 = tpu.memref_slice %arg12[%add3A_89, %dma_wait3A_104] : memref<10240x128xf32, #tpu.memory_space<vmem_shared>> -> memref<96x128xf32, #tpu.memory_space<vmem_shared>>
      %dma_wait3A_106 = arith.constant 0 : i32
      %dma_wait3A_107 = tpu.memref_slice %arg12[%add3A_89, %dma_wait3A_106] : memref<10240x128xf32, #tpu.memory_space<vmem_shared>> -> memref<96x128xf32, #tpu.memory_space<vmem_shared>>
      tpu.wait_dma2 semaphore(%run_scoped3A : memref<!tpu.dma_semaphore, #tpu.memory_space<semaphore_mem>>) src(%dma_wait3A_107 : memref<96x128xf32, #tpu.memory_space<vmem_shared>>) dst(%arg9 : memref<96x128xf32, #tpu.memory_space<vmem>>)
      tpu.yield
    }) : () -> ()
    "tpu.region"() ({
      %run_scoped3A = tpu.sem_alloc : memref<!tpu.dma_semaphore, #tpu.memory_space<semaphore_mem>>
      %dma_start3A_100 = arith.constant 0 : i32
      %dma_start3A_101 = tpu.memref_slice %arg5[%arg0, %add3A_89, %dma_start3A_100] : memref<2x10240x128xf32, #tpu.memory_space<hbm>> -> memref<1x96x128xf32, #tpu.memory_space<hbm>>
      %dma_start3A_102 = tpu.memref_squeeze %dma_start3A_101 : memref<1x96x128xf32, #tpu.memory_space<hbm>> -> memref<96x128xf32, #tpu.memory_space<hbm>>
      %dma_start3A_103 = arith.constant 0 : i32
      %dma_start3A_104 = tpu.memref_slice %arg5[%arg0, %add3A_89, %dma_start3A_103] : memref<2x10240x128xf32, #tpu.memory_space<hbm>> -> memref<1x96x128xf32, #tpu.memory_space<hbm>>
      %dma_start3A_105 = tpu.memref_squeeze %dma_start3A_104 : memref<1x96x128xf32, #tpu.memory_space<hbm>> -> memref<96x128xf32, #tpu.memory_space<hbm>>
      tpu.enqueue_dma source(%arg9 : memref<96x128xf32, #tpu.memory_space<vmem>>) target(%dma_start3A_105 : memref<96x128xf32, #tpu.memory_space<hbm>>) target_semaphore(%run_scoped3A : memref<!tpu.dma_semaphore, #tpu.memory_space<semaphore_mem>>)
      %dma_wait3A_106 = arith.constant 0 : i32
      %dma_wait3A_107 = tpu.memref_slice %arg5[%arg0, %add3A_89, %dma_wait3A_106] : memref<2x10240x128xf32, #tpu.memory_space<hbm>> -> memref<1x96x128xf32, #tpu.memory_space<hbm>>
      %dma_wait3A_108 = tpu.memref_squeeze %dma_wait3A_107 : memref<1x96x128xf32, #tpu.memory_space<hbm>> -> memref<96x128xf32, #tpu.memory_space<hbm>>
      %dma_wait3A_109 = arith.constant 0 : i32
      %dma_wait3A_110 = tpu.memref_slice %arg5[%arg0, %add3A_89, %dma_wait3A_109] : memref<2x10240x128xf32, #tpu.memory_space<hbm>> -> memref<1x96x128xf32, #tpu.memory_space<hbm>>
      %dma_wait3A_111 = tpu.memref_squeeze %dma_wait3A_110 : memref<1x96x128xf32, #tpu.memory_space<hbm>> -> memref<96x128xf32, #tpu.memory_space<hbm>>
      tpu.wait_dma2 semaphore(%run_scoped3A : memref<!tpu.dma_semaphore, #tpu.memory_space<semaphore_mem>>) src(%arg9 : memref<96x128xf32, #tpu.memory_space<vmem>>) dst(%dma_wait3A_111 : memref<96x128xf32, #tpu.memory_space<hbm>>)
      tpu.yield
    }) : () -> ()
    %add3A_90 = arith.constant 192 : i32
    %add3A_91 = arith.addi %mul3A_9, %add3A_90 : i32
    "tpu.region"() ({
      %run_scoped3A = tpu.sem_alloc : memref<!tpu.dma_semaphore, #tpu.memory_space<semaphore_mem>>
      %dma_start3A_100 = arith.constant 0 : i32
      %dma_start3A_101 = tpu.memref_slice %arg12[%add3A_91, %dma_start3A_100] : memref<10240x128xf32, #tpu.memory_space<vmem_shared>> -> memref<96x128xf32, #tpu.memory_space<vmem_shared>>
      %dma_start3A_102 = arith.constant 0 : i32
      %dma_start3A_103 = tpu.memref_slice %arg12[%add3A_91, %dma_start3A_102] : memref<10240x128xf32, #tpu.memory_space<vmem_shared>> -> memref<96x128xf32, #tpu.memory_space<vmem_shared>>
      tpu.enqueue_dma source(%dma_start3A_103 : memref<96x128xf32, #tpu.memory_space<vmem_shared>>) target(%arg9 : memref<96x128xf32, #tpu.memory_space<vmem>>) target_semaphore(%run_scoped3A : memref<!tpu.dma_semaphore, #tpu.memory_space<semaphore_mem>>)
      %dma_wait3A_104 = arith.constant 0 : i32
      %dma_wait3A_105 = tpu.memref_slice %arg12[%add3A_91, %dma_wait3A_104] : memref<10240x128xf32, #tpu.memory_space<vmem_shared>> -> memref<96x128xf32, #tpu.memory_space<vmem_shared>>
      %dma_wait3A_106 = arith.constant 0 : i32
      %dma_wait3A_107 = tpu.memref_slice %arg12[%add3A_91, %dma_wait3A_106] : memref<10240x128xf32, #tpu.memory_space<vmem_shared>> -> memref<96x128xf32, #tpu.memory_space<vmem_shared>>
      tpu.wait_dma2 semaphore(%run_scoped3A : memref<!tpu.dma_semaphore, #tpu.memory_space<semaphore_mem>>) src(%dma_wait3A_107 : memref<96x128xf32, #tpu.memory_space<vmem_shared>>) dst(%arg9 : memref<96x128xf32, #tpu.memory_space<vmem>>)
      tpu.yield
    }) : () -> ()
    "tpu.region"() ({
      %run_scoped3A = tpu.sem_alloc : memref<!tpu.dma_semaphore, #tpu.memory_space<semaphore_mem>>
      %dma_start3A_100 = arith.constant 0 : i32
      %dma_start3A_101 = tpu.memref_slice %arg5[%arg0, %add3A_91, %dma_start3A_100] : memref<2x10240x128xf32, #tpu.memory_space<hbm>> -> memref<1x96x128xf32, #tpu.memory_space<hbm>>
      %dma_start3A_102 = tpu.memref_squeeze %dma_start3A_101 : memref<1x96x128xf32, #tpu.memory_space<hbm>> -> memref<96x128xf32, #tpu.memory_space<hbm>>
      %dma_start3A_103 = arith.constant 0 : i32
      %dma_start3A_104 = tpu.memref_slice %arg5[%arg0, %add3A_91, %dma_start3A_103] : memref<2x10240x128xf32, #tpu.memory_space<hbm>> -> memref<1x96x128xf32, #tpu.memory_space<hbm>>
      %dma_start3A_105 = tpu.memref_squeeze %dma_start3A_104 : memref<1x96x128xf32, #tpu.memory_space<hbm>> -> memref<96x128xf32, #tpu.memory_space<hbm>>
      tpu.enqueue_dma source(%arg9 : memref<96x128xf32, #tpu.memory_space<vmem>>) target(%dma_start3A_105 : memref<96x128xf32, #tpu.memory_space<hbm>>) target_semaphore(%run_scoped3A : memref<!tpu.dma_semaphore, #tpu.memory_space<semaphore_mem>>)
      %dma_wait3A_106 = arith.constant 0 : i32
      %dma_wait3A_107 = tpu.memref_slice %arg5[%arg0, %add3A_91, %dma_wait3A_106] : memref<2x10240x128xf32, #tpu.memory_space<hbm>> -> memref<1x96x128xf32, #tpu.memory_space<hbm>>
      %dma_wait3A_108 = tpu.memref_squeeze %dma_wait3A_107 : memref<1x96x128xf32, #tpu.memory_space<hbm>> -> memref<96x128xf32, #tpu.memory_space<hbm>>
      %dma_wait3A_109 = arith.constant 0 : i32
      %dma_wait3A_110 = tpu.memref_slice %arg5[%arg0, %add3A_91, %dma_wait3A_109] : memref<2x10240x128xf32, #tpu.memory_space<hbm>> -> memref<1x96x128xf32, #tpu.memory_space<hbm>>
      %dma_wait3A_111 = tpu.memref_squeeze %dma_wait3A_110 : memref<1x96x128xf32, #tpu.memory_space<hbm>> -> memref<96x128xf32, #tpu.memory_space<hbm>>
      tpu.wait_dma2 semaphore(%run_scoped3A : memref<!tpu.dma_semaphore, #tpu.memory_space<semaphore_mem>>) src(%arg9 : memref<96x128xf32, #tpu.memory_space<vmem>>) dst(%dma_wait3A_111 : memref<96x128xf32, #tpu.memory_space<hbm>>)
      tpu.yield
    }) : () -> ()
    %add3A_92 = arith.constant 288 : i32
    %add3A_93 = arith.addi %mul3A_9, %add3A_92 : i32
    "tpu.region"() ({
      %run_scoped3A = tpu.sem_alloc : memref<!tpu.dma_semaphore, #tpu.memory_space<semaphore_mem>>
      %dma_start3A_100 = arith.constant 0 : i32
      %dma_start3A_101 = tpu.memref_slice %arg12[%add3A_93, %dma_start3A_100] : memref<10240x128xf32, #tpu.memory_space<vmem_shared>> -> memref<96x128xf32, #tpu.memory_space<vmem_shared>>
      %dma_start3A_102 = arith.constant 0 : i32
      %dma_start3A_103 = tpu.memref_slice %arg12[%add3A_93, %dma_start3A_102] : memref<10240x128xf32, #tpu.memory_space<vmem_shared>> -> memref<96x128xf32, #tpu.memory_space<vmem_shared>>
      tpu.enqueue_dma source(%dma_start3A_103 : memref<96x128xf32, #tpu.memory_space<vmem_shared>>) target(%arg9 : memref<96x128xf32, #tpu.memory_space<vmem>>) target_semaphore(%run_scoped3A : memref<!tpu.dma_semaphore, #tpu.memory_space<semaphore_mem>>)
      %dma_wait3A_104 = arith.constant 0 : i32
      %dma_wait3A_105 = tpu.memref_slice %arg12[%add3A_93, %dma_wait3A_104] : memref<10240x128xf32, #tpu.memory_space<vmem_shared>> -> memref<96x128xf32, #tpu.memory_space<vmem_shared>>
      %dma_wait3A_106 = arith.constant 0 : i32
      %dma_wait3A_107 = tpu.memref_slice %arg12[%add3A_93, %dma_wait3A_106] : memref<10240x128xf32, #tpu.memory_space<vmem_shared>> -> memref<96x128xf32, #tpu.memory_space<vmem_shared>>
      tpu.wait_dma2 semaphore(%run_scoped3A : memref<!tpu.dma_semaphore, #tpu.memory_space<semaphore_mem>>) src(%dma_wait3A_107 : memref<96x128xf32, #tpu.memory_space<vmem_shared>>) dst(%arg9 : memref<96x128xf32, #tpu.memory_space<vmem>>)
      tpu.yield
    }) : () -> ()
    "tpu.region"() ({
      %run_scoped3A = tpu.sem_alloc : memref<!tpu.dma_semaphore, #tpu.memory_space<semaphore_mem>>
      %dma_start3A_100 = arith.constant 0 : i32
      %dma_start3A_101 = tpu.memref_slice %arg5[%arg0, %add3A_93, %dma_start3A_100] : memref<2x10240x128xf32, #tpu.memory_space<hbm>> -> memref<1x96x128xf32, #tpu.memory_space<hbm>>
      %dma_start3A_102 = tpu.memref_squeeze %dma_start3A_101 : memref<1x96x128xf32, #tpu.memory_space<hbm>> -> memref<96x128xf32, #tpu.memory_space<hbm>>
      %dma_start3A_103 = arith.constant 0 : i32
      %dma_start3A_104 = tpu.memref_slice %arg5[%arg0, %add3A_93, %dma_start3A_103] : memref<2x10240x128xf32, #tpu.memory_space<hbm>> -> memref<1x96x128xf32, #tpu.memory_space<hbm>>
      %dma_start3A_105 = tpu.memref_squeeze %dma_start3A_104 : memref<1x96x128xf32, #tpu.memory_space<hbm>> -> memref<96x128xf32, #tpu.memory_space<hbm>>
      tpu.enqueue_dma source(%arg9 : memref<96x128xf32, #tpu.memory_space<vmem>>) target(%dma_start3A_105 : memref<96x128xf32, #tpu.memory_space<hbm>>) target_semaphore(%run_scoped3A : memref<!tpu.dma_semaphore, #tpu.memory_space<semaphore_mem>>)
      %dma_wait3A_106 = arith.constant 0 : i32
      %dma_wait3A_107 = tpu.memref_slice %arg5[%arg0, %add3A_93, %dma_wait3A_106] : memref<2x10240x128xf32, #tpu.memory_space<hbm>> -> memref<1x96x128xf32, #tpu.memory_space<hbm>>
      %dma_wait3A_108 = tpu.memref_squeeze %dma_wait3A_107 : memref<1x96x128xf32, #tpu.memory_space<hbm>> -> memref<96x128xf32, #tpu.memory_space<hbm>>
      %dma_wait3A_109 = arith.constant 0 : i32
      %dma_wait3A_110 = tpu.memref_slice %arg5[%arg0, %add3A_93, %dma_wait3A_109] : memref<2x10240x128xf32, #tpu.memory_space<hbm>> -> memref<1x96x128xf32, #tpu.memory_space<hbm>>
      %dma_wait3A_111 = tpu.memref_squeeze %dma_wait3A_110 : memref<1x96x128xf32, #tpu.memory_space<hbm>> -> memref<96x128xf32, #tpu.memory_space<hbm>>
      tpu.wait_dma2 semaphore(%run_scoped3A : memref<!tpu.dma_semaphore, #tpu.memory_space<semaphore_mem>>) src(%arg9 : memref<96x128xf32, #tpu.memory_space<vmem>>) dst(%dma_wait3A_111 : memref<96x128xf32, #tpu.memory_space<hbm>>)
      tpu.yield
    }) : () -> ()
    %add3A_94 = arith.constant 384 : i32
    %add3A_95 = arith.addi %mul3A_9, %add3A_94 : i32
    "tpu.region"() ({
      %run_scoped3A = tpu.sem_alloc : memref<!tpu.dma_semaphore, #tpu.memory_space<semaphore_mem>>
      %dma_start3A_100 = arith.constant 0 : i32
      %dma_start3A_101 = tpu.memref_slice %arg12[%add3A_95, %dma_start3A_100] : memref<10240x128xf32, #tpu.memory_space<vmem_shared>> -> memref<96x128xf32, #tpu.memory_space<vmem_shared>>
      %dma_start3A_102 = arith.constant 0 : i32
      %dma_start3A_103 = tpu.memref_slice %arg12[%add3A_95, %dma_start3A_102] : memref<10240x128xf32, #tpu.memory_space<vmem_shared>> -> memref<96x128xf32, #tpu.memory_space<vmem_shared>>
      tpu.enqueue_dma source(%dma_start3A_103 : memref<96x128xf32, #tpu.memory_space<vmem_shared>>) target(%arg9 : memref<96x128xf32, #tpu.memory_space<vmem>>) target_semaphore(%run_scoped3A : memref<!tpu.dma_semaphore, #tpu.memory_space<semaphore_mem>>)
      %dma_wait3A_104 = arith.constant 0 : i32
      %dma_wait3A_105 = tpu.memref_slice %arg12[%add3A_95, %dma_wait3A_104] : memref<10240x128xf32, #tpu.memory_space<vmem_shared>> -> memref<96x128xf32, #tpu.memory_space<vmem_shared>>
      %dma_wait3A_106 = arith.constant 0 : i32
      %dma_wait3A_107 = tpu.memref_slice %arg12[%add3A_95, %dma_wait3A_106] : memref<10240x128xf32, #tpu.memory_space<vmem_shared>> -> memref<96x128xf32, #tpu.memory_space<vmem_shared>>
      tpu.wait_dma2 semaphore(%run_scoped3A : memref<!tpu.dma_semaphore, #tpu.memory_space<semaphore_mem>>) src(%dma_wait3A_107 : memref<96x128xf32, #tpu.memory_space<vmem_shared>>) dst(%arg9 : memref<96x128xf32, #tpu.memory_space<vmem>>)
      tpu.yield
    }) : () -> ()
    "tpu.region"() ({
      %run_scoped3A = tpu.sem_alloc : memref<!tpu.dma_semaphore, #tpu.memory_space<semaphore_mem>>
      %dma_start3A_100 = arith.constant 0 : i32
      %dma_start3A_101 = tpu.memref_slice %arg5[%arg0, %add3A_95, %dma_start3A_100] : memref<2x10240x128xf32, #tpu.memory_space<hbm>> -> memref<1x96x128xf32, #tpu.memory_space<hbm>>
      %dma_start3A_102 = tpu.memref_squeeze %dma_start3A_101 : memref<1x96x128xf32, #tpu.memory_space<hbm>> -> memref<96x128xf32, #tpu.memory_space<hbm>>
      %dma_start3A_103 = arith.constant 0 : i32
      %dma_start3A_104 = tpu.memref_slice %arg5[%arg0, %add3A_95, %dma_start3A_103] : memref<2x10240x128xf32, #tpu.memory_space<hbm>> -> memref<1x96x128xf32, #tpu.memory_space<hbm>>
      %dma_start3A_105 = tpu.memref_squeeze %dma_start3A_104 : memref<1x96x128xf32, #tpu.memory_space<hbm>> -> memref<96x128xf32, #tpu.memory_space<hbm>>
      tpu.enqueue_dma source(%arg9 : memref<96x128xf32, #tpu.memory_space<vmem>>) target(%dma_start3A_105 : memref<96x128xf32, #tpu.memory_space<hbm>>) target_semaphore(%run_scoped3A : memref<!tpu.dma_semaphore, #tpu.memory_space<semaphore_mem>>)
      %dma_wait3A_106 = arith.constant 0 : i32
      %dma_wait3A_107 = tpu.memref_slice %arg5[%arg0, %add3A_95, %dma_wait3A_106] : memref<2x10240x128xf32, #tpu.memory_space<hbm>> -> memref<1x96x128xf32, #tpu.memory_space<hbm>>
      %dma_wait3A_108 = tpu.memref_squeeze %dma_wait3A_107 : memref<1x96x128xf32, #tpu.memory_space<hbm>> -> memref<96x128xf32, #tpu.memory_space<hbm>>
      %dma_wait3A_109 = arith.constant 0 : i32
      %dma_wait3A_110 = tpu.memref_slice %arg5[%arg0, %add3A_95, %dma_wait3A_109] : memref<2x10240x128xf32, #tpu.memory_space<hbm>> -> memref<1x96x128xf32, #tpu.memory_space<hbm>>
      %dma_wait3A_111 = tpu.memref_squeeze %dma_wait3A_110 : memref<1x96x128xf32, #tpu.memory_space<hbm>> -> memref<96x128xf32, #tpu.memory_space<hbm>>
      tpu.wait_dma2 semaphore(%run_scoped3A : memref<!tpu.dma_semaphore, #tpu.memory_space<semaphore_mem>>) src(%arg9 : memref<96x128xf32, #tpu.memory_space<vmem>>) dst(%dma_wait3A_111 : memref<96x128xf32, #tpu.memory_space<hbm>>)
      tpu.yield
    }) : () -> ()
    %add3A_96 = arith.constant 480 : i32
    %add3A_97 = arith.addi %mul3A_9, %add3A_96 : i32
    "tpu.region"() ({
      %run_scoped3A = tpu.sem_alloc : memref<!tpu.dma_semaphore, #tpu.memory_space<semaphore_mem>>
      %dma_start3A_100 = arith.constant 0 : i32
      %dma_start3A_101 = tpu.memref_slice %arg12[%add3A_97, %dma_start3A_100] : memref<10240x128xf32, #tpu.memory_space<vmem_shared>> -> memref<96x128xf32, #tpu.memory_space<vmem_shared>>
      %dma_start3A_102 = arith.constant 0 : i32
      %dma_start3A_103 = tpu.memref_slice %arg12[%add3A_97, %dma_start3A_102] : memref<10240x128xf32, #tpu.memory_space<vmem_shared>> -> memref<96x128xf32, #tpu.memory_space<vmem_shared>>
      tpu.enqueue_dma source(%dma_start3A_103 : memref<96x128xf32, #tpu.memory_space<vmem_shared>>) target(%arg9 : memref<96x128xf32, #tpu.memory_space<vmem>>) target_semaphore(%run_scoped3A : memref<!tpu.dma_semaphore, #tpu.memory_space<semaphore_mem>>)
      %dma_wait3A_104 = arith.constant 0 : i32
      %dma_wait3A_105 = tpu.memref_slice %arg12[%add3A_97, %dma_wait3A_104] : memref<10240x128xf32, #tpu.memory_space<vmem_shared>> -> memref<96x128xf32, #tpu.memory_space<vmem_shared>>
      %dma_wait3A_106 = arith.constant 0 : i32
      %dma_wait3A_107 = tpu.memref_slice %arg12[%add3A_97, %dma_wait3A_106] : memref<10240x128xf32, #tpu.memory_space<vmem_shared>> -> memref<96x128xf32, #tpu.memory_space<vmem_shared>>
      tpu.wait_dma2 semaphore(%run_scoped3A : memref<!tpu.dma_semaphore, #tpu.memory_space<semaphore_mem>>) src(%dma_wait3A_107 : memref<96x128xf32, #tpu.memory_space<vmem_shared>>) dst(%arg9 : memref<96x128xf32, #tpu.memory_space<vmem>>)
      tpu.yield
    }) : () -> ()
    "tpu.region"() ({
      %run_scoped3A = tpu.sem_alloc : memref<!tpu.dma_semaphore, #tpu.memory_space<semaphore_mem>>
      %dma_start3A_100 = arith.constant 0 : i32
      %dma_start3A_101 = tpu.memref_slice %arg5[%arg0, %add3A_97, %dma_start3A_100] : memref<2x10240x128xf32, #tpu.memory_space<hbm>> -> memref<1x96x128xf32, #tpu.memory_space<hbm>>
      %dma_start3A_102 = tpu.memref_squeeze %dma_start3A_101 : memref<1x96x128xf32, #tpu.memory_space<hbm>> -> memref<96x128xf32, #tpu.memory_space<hbm>>
      %dma_start3A_103 = arith.constant 0 : i32
      %dma_start3A_104 = tpu.memref_slice %arg5[%arg0, %add3A_97, %dma_start3A_103] : memref<2x10240x128xf32, #tpu.memory_space<hbm>> -> memref<1x96x128xf32, #tpu.memory_space<hbm>>
      %dma_start3A_105 = tpu.memref_squeeze %dma_start3A_104 : memref<1x96x128xf32, #tpu.memory_space<hbm>> -> memref<96x128xf32, #tpu.memory_space<hbm>>
      tpu.enqueue_dma source(%arg9 : memref<96x128xf32, #tpu.memory_space<vmem>>) target(%dma_start3A_105 : memref<96x128xf32, #tpu.memory_space<hbm>>) target_semaphore(%run_scoped3A : memref<!tpu.dma_semaphore, #tpu.memory_space<semaphore_mem>>)
      %dma_wait3A_106 = arith.constant 0 : i32
      %dma_wait3A_107 = tpu.memref_slice %arg5[%arg0, %add3A_97, %dma_wait3A_106] : memref<2x10240x128xf32, #tpu.memory_space<hbm>> -> memref<1x96x128xf32, #tpu.memory_space<hbm>>
      %dma_wait3A_108 = tpu.memref_squeeze %dma_wait3A_107 : memref<1x96x128xf32, #tpu.memory_space<hbm>> -> memref<96x128xf32, #tpu.memory_space<hbm>>
      %dma_wait3A_109 = arith.constant 0 : i32
      %dma_wait3A_110 = tpu.memref_slice %arg5[%arg0, %add3A_97, %dma_wait3A_109] : memref<2x10240x128xf32, #tpu.memory_space<hbm>> -> memref<1x96x128xf32, #tpu.memory_space<hbm>>
      %dma_wait3A_111 = tpu.memref_squeeze %dma_wait3A_110 : memref<1x96x128xf32, #tpu.memory_space<hbm>> -> memref<96x128xf32, #tpu.memory_space<hbm>>
      tpu.wait_dma2 semaphore(%run_scoped3A : memref<!tpu.dma_semaphore, #tpu.memory_space<semaphore_mem>>) src(%arg9 : memref<96x128xf32, #tpu.memory_space<vmem>>) dst(%dma_wait3A_111 : memref<96x128xf32, #tpu.memory_space<hbm>>)
      tpu.yield
    }) : () -> ()
    %add3A_98 = arith.constant 576 : i32
    %add3A_99 = arith.addi %mul3A_9, %add3A_98 : i32
    "tpu.region"() ({
      %run_scoped3A = tpu.sem_alloc : memref<!tpu.dma_semaphore, #tpu.memory_space<semaphore_mem>>
      %dma_start3A_100 = arith.constant 0 : i32
      %dma_start3A_101 = arith.constant 0 : i32
      %dma_start3A_102 = tpu.memref_slice %arg9[%dma_start3A_100, %dma_start3A_101] : memref<96x128xf32, #tpu.memory_space<vmem>> -> memref<64x128xf32, #tpu.memory_space<vmem>>
      %dma_start3A_103 = arith.constant 0 : i32
      %dma_start3A_104 = tpu.memref_slice %arg12[%add3A_99, %dma_start3A_103] : memref<10240x128xf32, #tpu.memory_space<vmem_shared>> -> memref<64x128xf32, #tpu.memory_space<vmem_shared>>
      %dma_start3A_105 = arith.constant 0 : i32
      %dma_start3A_106 = arith.constant 0 : i32
      %dma_start3A_107 = tpu.memref_slice %arg9[%dma_start3A_105, %dma_start3A_106] : memref<96x128xf32, #tpu.memory_space<vmem>> -> memref<64x128xf32, #tpu.memory_space<vmem>>
      %dma_start3A_108 = arith.constant 0 : i32
      %dma_start3A_109 = tpu.memref_slice %arg12[%add3A_99, %dma_start3A_108] : memref<10240x128xf32, #tpu.memory_space<vmem_shared>> -> memref<64x128xf32, #tpu.memory_space<vmem_shared>>
      tpu.enqueue_dma source(%dma_start3A_109 : memref<64x128xf32, #tpu.memory_space<vmem_shared>>) target(%dma_start3A_107 : memref<64x128xf32, #tpu.memory_space<vmem>>) target_semaphore(%run_scoped3A : memref<!tpu.dma_semaphore, #tpu.memory_space<semaphore_mem>>)
      %dma_wait3A_110 = arith.constant 0 : i32
      %dma_wait3A_111 = arith.constant 0 : i32
      %dma_wait3A_112 = tpu.memref_slice %arg9[%dma_wait3A_110, %dma_wait3A_111] : memref<96x128xf32, #tpu.memory_space<vmem>> -> memref<64x128xf32, #tpu.memory_space<vmem>>
      %dma_wait3A_113 = arith.constant 0 : i32
      %dma_wait3A_114 = tpu.memref_slice %arg12[%add3A_99, %dma_wait3A_113] : memref<10240x128xf32, #tpu.memory_space<vmem_shared>> -> memref<64x128xf32, #tpu.memory_space<vmem_shared>>
      %dma_wait3A_115 = arith.constant 0 : i32
      %dma_wait3A_116 = arith.constant 0 : i32
      %dma_wait3A_117 = tpu.memref_slice %arg9[%dma_wait3A_115, %dma_wait3A_116] : memref<96x128xf32, #tpu.memory_space<vmem>> -> memref<64x128xf32, #tpu.memory_space<vmem>>
      %dma_wait3A_118 = arith.constant 0 : i32
      %dma_wait3A_119 = tpu.memref_slice %arg12[%add3A_99, %dma_wait3A_118] : memref<10240x128xf32, #tpu.memory_space<vmem_shared>> -> memref<64x128xf32, #tpu.memory_space<vmem_shared>>
      tpu.wait_dma2 semaphore(%run_scoped3A : memref<!tpu.dma_semaphore, #tpu.memory_space<semaphore_mem>>) src(%dma_wait3A_119 : memref<64x128xf32, #tpu.memory_space<vmem_shared>>) dst(%dma_wait3A_117 : memref<64x128xf32, #tpu.memory_space<vmem>>)
      tpu.yield
    }) : () -> ()
    "tpu.region"() ({
      %run_scoped3A = tpu.sem_alloc : memref<!tpu.dma_semaphore, #tpu.memory_space<semaphore_mem>>
      %dma_start3A_100 = arith.constant 0 : i32
      %dma_start3A_101 = arith.constant 0 : i32
      %dma_start3A_102 = tpu.memref_slice %arg9[%dma_start3A_100, %dma_start3A_101] : memref<96x128xf32, #tpu.memory_space<vmem>> -> memref<64x128xf32, #tpu.memory_space<vmem>>
      %dma_start3A_103 = arith.constant 0 : i32
      %dma_start3A_104 = tpu.memref_slice %arg5[%arg0, %add3A_99, %dma_start3A_103] : memref<2x10240x128xf32, #tpu.memory_space<hbm>> -> memref<1x64x128xf32, #tpu.memory_space<hbm>>
      %dma_start3A_105 = tpu.memref_squeeze %dma_start3A_104 : memref<1x64x128xf32, #tpu.memory_space<hbm>> -> memref<64x128xf32, #tpu.memory_space<hbm>>
      %dma_start3A_106 = arith.constant 0 : i32
      %dma_start3A_107 = tpu.memref_slice %arg5[%arg0, %add3A_99, %dma_start3A_106] : memref<2x10240x128xf32, #tpu.memory_space<hbm>> -> memref<1x64x128xf32, #tpu.memory_space<hbm>>
      %dma_start3A_108 = tpu.memref_squeeze %dma_start3A_107 : memref<1x64x128xf32, #tpu.memory_space<hbm>> -> memref<64x128xf32, #tpu.memory_space<hbm>>
      %dma_start3A_109 = arith.constant 0 : i32
      %dma_start3A_110 = arith.constant 0 : i32
      %dma_start3A_111 = tpu.memref_slice %arg9[%dma_start3A_109, %dma_start3A_110] : memref<96x128xf32, #tpu.memory_space<vmem>> -> memref<64x128xf32, #tpu.memory_space<vmem>>
      tpu.enqueue_dma source(%dma_start3A_111 : memref<64x128xf32, #tpu.memory_space<vmem>>) target(%dma_start3A_108 : memref<64x128xf32, #tpu.memory_space<hbm>>) target_semaphore(%run_scoped3A : memref<!tpu.dma_semaphore, #tpu.memory_space<semaphore_mem>>)
      %dma_wait3A_112 = arith.constant 0 : i32
      %dma_wait3A_113 = arith.constant 0 : i32
      %dma_wait3A_114 = tpu.memref_slice %arg9[%dma_wait3A_112, %dma_wait3A_113] : memref<96x128xf32, #tpu.memory_space<vmem>> -> memref<64x128xf32, #tpu.memory_space<vmem>>
      %dma_wait3A_115 = arith.constant 0 : i32
      %dma_wait3A_116 = tpu.memref_slice %arg5[%arg0, %add3A_99, %dma_wait3A_115] : memref<2x10240x128xf32, #tpu.memory_space<hbm>> -> memref<1x64x128xf32, #tpu.memory_space<hbm>>
      %dma_wait3A_117 = tpu.memref_squeeze %dma_wait3A_116 : memref<1x64x128xf32, #tpu.memory_space<hbm>> -> memref<64x128xf32, #tpu.memory_space<hbm>>
      %dma_wait3A_118 = arith.constant 0 : i32
      %dma_wait3A_119 = tpu.memref_slice %arg5[%arg0, %add3A_99, %dma_wait3A_118] : memref<2x10240x128xf32, #tpu.memory_space<hbm>> -> memref<1x64x128xf32, #tpu.memory_space<hbm>>
      %dma_wait3A_120 = tpu.memref_squeeze %dma_wait3A_119 : memref<1x64x128xf32, #tpu.memory_space<hbm>> -> memref<64x128xf32, #tpu.memory_space<hbm>>
      %dma_wait3A_121 = arith.constant 0 : i32
      %dma_wait3A_122 = arith.constant 0 : i32
      %dma_wait3A_123 = tpu.memref_slice %arg9[%dma_wait3A_121, %dma_wait3A_122] : memref<96x128xf32, #tpu.memory_space<vmem>> -> memref<64x128xf32, #tpu.memory_space<vmem>>
      tpu.wait_dma2 semaphore(%run_scoped3A : memref<!tpu.dma_semaphore, #tpu.memory_space<semaphore_mem>>) src(%dma_wait3A_123 : memref<64x128xf32, #tpu.memory_space<vmem>>) dst(%dma_wait3A_120 : memref<64x128xf32, #tpu.memory_space<hbm>>)
      tpu.yield
    }) : () -> ()
    return
  }
}

#map = affine_map<(d0, d1) -> (0, 0)>
#map1 = affine_map<(d0, d1) -> (0, 0, 0, 0)>
#map2 = affine_map<(d0, d1) -> (0, 0, 0)>
module attributes {stable_mosaic.version = 14 : i64} {
  func.func @_sc_edge_body(%arg0: i32, %arg1: i32, %arg2: memref<10240x128xf32, #tpu.memory_space<hbm>>, %arg3: memref<322560x128xf32, #tpu.memory_space<hbm>>, %arg4: memref<32x105x2x96xi32, #tpu.memory_space<hbm>>, %arg5: memref<2x10240x128xf32, #tpu.memory_space<hbm>>, %arg6: memref<2x96xi32, #tpu.memory_space<vmem>>, %arg7: memref<2x96xi32, #tpu.memory_space<vmem>>, %arg8: memref<2x96xi32, #tpu.memory_space<vmem>>, %arg9: memref<96x128xf32, #tpu.memory_space<vmem>>, %arg10: memref<96x128xf32, #tpu.memory_space<vmem>>, %arg11: memref<96x128xf32, #tpu.memory_space<vmem>>, %arg12: memref<10240x128xf32, #tpu.memory_space<vmem_shared>>, %arg13: memref<!tpu.dma_semaphore, #tpu.memory_space<semaphore_mem>>, %arg14: memref<!tpu.dma_semaphore, #tpu.memory_space<semaphore_mem>>, %arg15: memref<!tpu.dma_semaphore, #tpu.memory_space<semaphore_mem>>, %arg16: memref<!tpu.dma_semaphore, #tpu.memory_space<semaphore_mem>>, %arg17: memref<!tpu.dma_semaphore, #tpu.memory_space<semaphore_mem>>, %arg18: memref<!tpu.dma_semaphore, #tpu.memory_space<semaphore_mem>>, %arg19: memref<!tpu.dma_semaphore, #tpu.memory_space<semaphore_mem>>, %arg20: memref<!tpu.dma_semaphore, #tpu.memory_space<semaphore_mem>>, %arg21: memref<!tpu.dma_semaphore, #tpu.memory_space<semaphore_mem>>, %arg22: memref<!tpu.dma_semaphore, #tpu.memory_space<semaphore_mem>>, %arg23: memref<!tpu.dma_semaphore, #tpu.memory_space<semaphore_mem>>, %arg24: memref<!tpu.dma_semaphore, #tpu.memory_space<semaphore_mem>>) attributes {dimension_semantics = [#tpu.dimension_semantics<core_parallel>, #tpu.dimension_semantics<subcore_parallel>], iteration_bounds = array<i64: 2, 16>, scalar_prefetch = 0 : i64, scratch_operands = 19 : i64, tpu.core_type = #tpu.core_type<sc_vector_subcore>, window_params = [{transform_indices = #map}, {transform_indices = #map}, {transform_indices = #map1}, {transform_indices = #map2}]} {
    %mul3A = arith.constant 16 : i32
    %mul3A_0 = arith.muli %arg0, %mul3A : i32
    %add3A = arith.addi %mul3A_0, %arg1 : i32
    %mul3A_1 = arith.constant 10080 : i32
    %mul3A_2 = arith.muli %add3A, %mul3A_1 : i32
    %scan3A = arith.constant 0 : i32
    %scan3A_3 = arith.constant 0 : i32
    %scan3A_4 = arith.constant 96 : i32
    %scan3A_5 = arith.addi %scan3A_3, %scan3A_4 : i32
    %scan3A_6 = arith.constant 1 : i32
    scf.for %scan3A_100 = %scan3A_3 to %scan3A_5 step %scan3A_6  : i32 {
      %broadcast_in_dim3A = arith.constant 0.000000e+00 : f32
      %broadcast_in_dim3A_101 = vector.broadcast %broadcast_in_dim3A : f32 to vector<16xf32>
      %swap3A = arith.index_cast %scan3A_100 : i32 to index
      %swap3A_102 = arith.constant 0 : index
      %swap3A_103 = tpu.vector_load %arg9[%swap3A, %swap3A_102] {strides = array<i32>} : memref<96x128xf32, #tpu.memory_space<vmem>>, vector<1x16xf32>,
      %swap3A_104 = vector.shape_cast %swap3A_103 : vector<1x16xf32> to vector<16xf32>
      %swap3A_105 = vector.shape_cast %broadcast_in_dim3A_101 : vector<16xf32> to vector<1x16xf32>
      tpu.vector_store %arg9[%swap3A, %swap3A_102], %swap3A_105 {strides = array<i32>} : memref<96x128xf32, #tpu.memory_space<vmem>>, vector<1x16xf32>,
      %broadcast_in_dim3A_106 = arith.constant 0.000000e+00 : f32
      %broadcast_in_dim3A_107 = vector.broadcast %broadcast_in_dim3A_106 : f32 to vector<16xf32>
      %swap3A_108 = arith.index_cast %scan3A_100 : i32 to index
      %swap3A_109 = arith.constant 16 : index
      %swap3A_110 = tpu.vector_load %arg9[%swap3A_108, %swap3A_109] {strides = array<i32>} : memref<96x128xf32, #tpu.memory_space<vmem>>, vector<1x16xf32>,
      %swap3A_111 = vector.shape_cast %swap3A_110 : vector<1x16xf32> to vector<16xf32>
      %swap3A_112 = vector.shape_cast %broadcast_in_dim3A_107 : vector<16xf32> to vector<1x16xf32>
      tpu.vector_store %arg9[%swap3A_108, %swap3A_109], %swap3A_112 {strides = array<i32>} : memref<96x128xf32, #tpu.memory_space<vmem>>, vector<1x16xf32>,
      %broadcast_in_dim3A_113 = arith.constant 0.000000e+00 : f32
      %broadcast_in_dim3A_114 = vector.broadcast %broadcast_in_dim3A_113 : f32 to vector<16xf32>
      %swap3A_115 = arith.index_cast %scan3A_100 : i32 to index
      %swap3A_116 = arith.constant 32 : index
      %swap3A_117 = tpu.vector_load %arg9[%swap3A_115, %swap3A_116] {strides = array<i32>} : memref<96x128xf32, #tpu.memory_space<vmem>>, vector<1x16xf32>,
      %swap3A_118 = vector.shape_cast %swap3A_117 : vector<1x16xf32> to vector<16xf32>
      %swap3A_119 = vector.shape_cast %broadcast_in_dim3A_114 : vector<16xf32> to vector<1x16xf32>
      tpu.vector_store %arg9[%swap3A_115, %swap3A_116], %swap3A_119 {strides = array<i32>} : memref<96x128xf32, #tpu.memory_space<vmem>>, vector<1x16xf32>,
      %broadcast_in_dim3A_120 = arith.constant 0.000000e+00 : f32
      %broadcast_in_dim3A_121 = vector.broadcast %broadcast_in_dim3A_120 : f32 to vector<16xf32>
      %swap3A_122 = arith.index_cast %scan3A_100 : i32 to index
      %swap3A_123 = arith.constant 48 : index
      %swap3A_124 = tpu.vector_load %arg9[%swap3A_122, %swap3A_123] {strides = array<i32>} : memref<96x128xf32, #tpu.memory_space<vmem>>, vector<1x16xf32>,
      %swap3A_125 = vector.shape_cast %swap3A_124 : vector<1x16xf32> to vector<16xf32>
      %swap3A_126 = vector.shape_cast %broadcast_in_dim3A_121 : vector<16xf32> to vector<1x16xf32>
      tpu.vector_store %arg9[%swap3A_122, %swap3A_123], %swap3A_126 {strides = array<i32>} : memref<96x128xf32, #tpu.memory_space<vmem>>, vector<1x16xf32>,
      %broadcast_in_dim3A_127 = arith.constant 0.000000e+00 : f32
      %broadcast_in_dim3A_128 = vector.broadcast %broadcast_in_dim3A_127 : f32 to vector<16xf32>
      %swap3A_129 = arith.index_cast %scan3A_100 : i32 to index
      %swap3A_130 = arith.constant 64 : index
      %swap3A_131 = tpu.vector_load %arg9[%swap3A_129, %swap3A_130] {strides = array<i32>} : memref<96x128xf32, #tpu.memory_space<vmem>>, vector<1x16xf32>,
      %swap3A_132 = vector.shape_cast %swap3A_131 : vector<1x16xf32> to vector<16xf32>
      %swap3A_133 = vector.shape_cast %broadcast_in_dim3A_128 : vector<16xf32> to vector<1x16xf32>
      tpu.vector_store %arg9[%swap3A_129, %swap3A_130], %swap3A_133 {strides = array<i32>} : memref<96x128xf32, #tpu.memory_space<vmem>>, vector<1x16xf32>,
      %broadcast_in_dim3A_134 = arith.constant 0.000000e+00 : f32
      %broadcast_in_dim3A_135 = vector.broadcast %broadcast_in_dim3A_134 : f32 to vector<16xf32>
      %swap3A_136 = arith.index_cast %scan3A_100 : i32 to index
      %swap3A_137 = arith.constant 80 : index
      %swap3A_138 = tpu.vector_load %arg9[%swap3A_136, %swap3A_137] {strides = array<i32>} : memref<96x128xf32, #tpu.memory_space<vmem>>, vector<1x16xf32>,
      %swap3A_139 = vector.shape_cast %swap3A_138 : vector<1x16xf32> to vector<16xf32>
      %swap3A_140 = vector.shape_cast %broadcast_in_dim3A_135 : vector<16xf32> to vector<1x16xf32>
      tpu.vector_store %arg9[%swap3A_136, %swap3A_137], %swap3A_140 {strides = array<i32>} : memref<96x128xf32, #tpu.memory_space<vmem>>, vector<1x16xf32>,
      %broadcast_in_dim3A_141 = arith.constant 0.000000e+00 : f32
      %broadcast_in_dim3A_142 = vector.broadcast %broadcast_in_dim3A_141 : f32 to vector<16xf32>
      %swap3A_143 = arith.index_cast %scan3A_100 : i32 to index
      %swap3A_144 = arith.constant 96 : index
      %swap3A_145 = tpu.vector_load %arg9[%swap3A_143, %swap3A_144] {strides = array<i32>} : memref<96x128xf32, #tpu.memory_space<vmem>>, vector<1x16xf32>,
      %swap3A_146 = vector.shape_cast %swap3A_145 : vector<1x16xf32> to vector<16xf32>
      %swap3A_147 = vector.shape_cast %broadcast_in_dim3A_142 : vector<16xf32> to vector<1x16xf32>
      tpu.vector_store %arg9[%swap3A_143, %swap3A_144], %swap3A_147 {strides = array<i32>} : memref<96x128xf32, #tpu.memory_space<vmem>>, vector<1x16xf32>,
      %broadcast_in_dim3A_148 = arith.constant 0.000000e+00 : f32
      %broadcast_in_dim3A_149 = vector.broadcast %broadcast_in_dim3A_148 : f32 to vector<16xf32>
      %swap3A_150 = arith.index_cast %scan3A_100 : i32 to index
      %swap3A_151 = arith.constant 112 : index
      %swap3A_152 = tpu.vector_load %arg9[%swap3A_150, %swap3A_151] {strides = array<i32>} : memref<96x128xf32, #tpu.memory_space<vmem>>, vector<1x16xf32>,
      %swap3A_153 = vector.shape_cast %swap3A_152 : vector<1x16xf32> to vector<16xf32>
      %swap3A_154 = vector.shape_cast %broadcast_in_dim3A_149 : vector<16xf32> to vector<1x16xf32>
      tpu.vector_store %arg9[%swap3A_150, %swap3A_151], %swap3A_154 {strides = array<i32>} : memref<96x128xf32, #tpu.memory_space<vmem>>, vector<1x16xf32>,
    }
    %scan3A_7 = arith.constant 96 : i32
    %mul3A_8 = arith.constant 640 : i32
    %mul3A_9 = arith.muli %arg1, %mul3A_8 : i32
    %add3A_10 = arith.constant 0 : i32
    %add3A_11 = arith.addi %mul3A_9, %add3A_10 : i32
    "tpu.region"() ({
      %run_scoped3A = tpu.sem_alloc : memref<!tpu.dma_semaphore, #tpu.memory_space<semaphore_mem>>
      %dma_start3A_100 = arith.constant 0 : i32
      %dma_start3A_101 = tpu.memref_slice %arg12[%add3A_11, %dma_start3A_100] : memref<10240x128xf32, #tpu.memory_space<vmem_shared>> -> memref<96x128xf32, #tpu.memory_space<vmem_shared>>
      %dma_start3A_102 = arith.constant 0 : i32
      %dma_start3A_103 = tpu.memref_slice %arg12[%add3A_11, %dma_start3A_102] : memref<10240x128xf32, #tpu.memory_space<vmem_shared>> -> memref<96x128xf32, #tpu.memory_space<vmem_shared>>
      tpu.enqueue_dma source(%arg9 : memref<96x128xf32, #tpu.memory_space<vmem>>) target(%dma_start3A_103 : memref<96x128xf32, #tpu.memory_space<vmem_shared>>) target_semaphore(%run_scoped3A : memref<!tpu.dma_semaphore, #tpu.memory_space<semaphore_mem>>)
      %dma_wait3A_104 = arith.constant 0 : i32
      %dma_wait3A_105 = tpu.memref_slice %arg12[%add3A_11, %dma_wait3A_104] : memref<10240x128xf32, #tpu.memory_space<vmem_shared>> -> memref<96x128xf32, #tpu.memory_space<vmem_shared>>
      %dma_wait3A_106 = arith.constant 0 : i32
      %dma_wait3A_107 = tpu.memref_slice %arg12[%add3A_11, %dma_wait3A_106] : memref<10240x128xf32, #tpu.memory_space<vmem_shared>> -> memref<96x128xf32, #tpu.memory_space<vmem_shared>>
      tpu.wait_dma2 semaphore(%run_scoped3A : memref<!tpu.dma_semaphore, #tpu.memory_space<semaphore_mem>>) src(%arg9 : memref<96x128xf32, #tpu.memory_space<vmem>>) dst(%dma_wait3A_107 : memref<96x128xf32, #tpu.memory_space<vmem_shared>>)
      tpu.yield
    }) : () -> ()
    %add3A_12 = arith.constant 96 : i32
    %add3A_13 = arith.addi %mul3A_9, %add3A_12 : i32
    "tpu.region"() ({
      %run_scoped3A = tpu.sem_alloc : memref<!tpu.dma_semaphore, #tpu.memory_space<semaphore_mem>>
      %dma_start3A_100 = arith.constant 0 : i32
      %dma_start3A_101 = tpu.memref_slice %arg12[%add3A_13, %dma_start3A_100] : memref<10240x128xf32, #tpu.memory_space<vmem_shared>> -> memref<96x128xf32, #tpu.memory_space<vmem_shared>>
      %dma_start3A_102 = arith.constant 0 : i32
      %dma_start3A_103 = tpu.memref_slice %arg12[%add3A_13, %dma_start3A_102] : memref<10240x128xf32, #tpu.memory_space<vmem_shared>> -> memref<96x128xf32, #tpu.memory_space<vmem_shared>>
      tpu.enqueue_dma source(%arg9 : memref<96x128xf32, #tpu.memory_space<vmem>>) target(%dma_start3A_103 : memref<96x128xf32, #tpu.memory_space<vmem_shared>>) target_semaphore(%run_scoped3A : memref<!tpu.dma_semaphore, #tpu.memory_space<semaphore_mem>>)
      %dma_wait3A_104 = arith.constant 0 : i32
      %dma_wait3A_105 = tpu.memref_slice %arg12[%add3A_13, %dma_wait3A_104] : memref<10240x128xf32, #tpu.memory_space<vmem_shared>> -> memref<96x128xf32, #tpu.memory_space<vmem_shared>>
      %dma_wait3A_106 = arith.constant 0 : i32
      %dma_wait3A_107 = tpu.memref_slice %arg12[%add3A_13, %dma_wait3A_106] : memref<10240x128xf32, #tpu.memory_space<vmem_shared>> -> memref<96x128xf32, #tpu.memory_space<vmem_shared>>
      tpu.wait_dma2 semaphore(%run_scoped3A : memref<!tpu.dma_semaphore, #tpu.memory_space<semaphore_mem>>) src(%arg9 : memref<96x128xf32, #tpu.memory_space<vmem>>) dst(%dma_wait3A_107 : memref<96x128xf32, #tpu.memory_space<vmem_shared>>)
      tpu.yield
    }) : () -> ()
    %add3A_14 = arith.constant 192 : i32
    %add3A_15 = arith.addi %mul3A_9, %add3A_14 : i32
    "tpu.region"() ({
      %run_scoped3A = tpu.sem_alloc : memref<!tpu.dma_semaphore, #tpu.memory_space<semaphore_mem>>
      %dma_start3A_100 = arith.constant 0 : i32
      %dma_start3A_101 = tpu.memref_slice %arg12[%add3A_15, %dma_start3A_100] : memref<10240x128xf32, #tpu.memory_space<vmem_shared>> -> memref<96x128xf32, #tpu.memory_space<vmem_shared>>
      %dma_start3A_102 = arith.constant 0 : i32
      %dma_start3A_103 = tpu.memref_slice %arg12[%add3A_15, %dma_start3A_102] : memref<10240x128xf32, #tpu.memory_space<vmem_shared>> -> memref<96x128xf32, #tpu.memory_space<vmem_shared>>
      tpu.enqueue_dma source(%arg9 : memref<96x128xf32, #tpu.memory_space<vmem>>) target(%dma_start3A_103 : memref<96x128xf32, #tpu.memory_space<vmem_shared>>) target_semaphore(%run_scoped3A : memref<!tpu.dma_semaphore, #tpu.memory_space<semaphore_mem>>)
      %dma_wait3A_104 = arith.constant 0 : i32
      %dma_wait3A_105 = tpu.memref_slice %arg12[%add3A_15, %dma_wait3A_104] : memref<10240x128xf32, #tpu.memory_space<vmem_shared>> -> memref<96x128xf32, #tpu.memory_space<vmem_shared>>
      %dma_wait3A_106 = arith.constant 0 : i32
      %dma_wait3A_107 = tpu.memref_slice %arg12[%add3A_15, %dma_wait3A_106] : memref<10240x128xf32, #tpu.memory_space<vmem_shared>> -> memref<96x128xf32, #tpu.memory_space<vmem_shared>>
      tpu.wait_dma2 semaphore(%run_scoped3A : memref<!tpu.dma_semaphore, #tpu.memory_space<semaphore_mem>>) src(%arg9 : memref<96x128xf32, #tpu.memory_space<vmem>>) dst(%dma_wait3A_107 : memref<96x128xf32, #tpu.memory_space<vmem_shared>>)
      tpu.yield
    }) : () -> ()
    %add3A_16 = arith.constant 288 : i32
    %add3A_17 = arith.addi %mul3A_9, %add3A_16 : i32
    "tpu.region"() ({
      %run_scoped3A = tpu.sem_alloc : memref<!tpu.dma_semaphore, #tpu.memory_space<semaphore_mem>>
      %dma_start3A_100 = arith.constant 0 : i32
      %dma_start3A_101 = tpu.memref_slice %arg12[%add3A_17, %dma_start3A_100] : memref<10240x128xf32, #tpu.memory_space<vmem_shared>> -> memref<96x128xf32, #tpu.memory_space<vmem_shared>>
      %dma_start3A_102 = arith.constant 0 : i32
      %dma_start3A_103 = tpu.memref_slice %arg12[%add3A_17, %dma_start3A_102] : memref<10240x128xf32, #tpu.memory_space<vmem_shared>> -> memref<96x128xf32, #tpu.memory_space<vmem_shared>>
      tpu.enqueue_dma source(%arg9 : memref<96x128xf32, #tpu.memory_space<vmem>>) target(%dma_start3A_103 : memref<96x128xf32, #tpu.memory_space<vmem_shared>>) target_semaphore(%run_scoped3A : memref<!tpu.dma_semaphore, #tpu.memory_space<semaphore_mem>>)
      %dma_wait3A_104 = arith.constant 0 : i32
      %dma_wait3A_105 = tpu.memref_slice %arg12[%add3A_17, %dma_wait3A_104] : memref<10240x128xf32, #tpu.memory_space<vmem_shared>> -> memref<96x128xf32, #tpu.memory_space<vmem_shared>>
      %dma_wait3A_106 = arith.constant 0 : i32
      %dma_wait3A_107 = tpu.memref_slice %arg12[%add3A_17, %dma_wait3A_106] : memref<10240x128xf32, #tpu.memory_space<vmem_shared>> -> memref<96x128xf32, #tpu.memory_space<vmem_shared>>
      tpu.wait_dma2 semaphore(%run_scoped3A : memref<!tpu.dma_semaphore, #tpu.memory_space<semaphore_mem>>) src(%arg9 : memref<96x128xf32, #tpu.memory_space<vmem>>) dst(%dma_wait3A_107 : memref<96x128xf32, #tpu.memory_space<vmem_shared>>)
      tpu.yield
    }) : () -> ()
    %add3A_18 = arith.constant 384 : i32
    %add3A_19 = arith.addi %mul3A_9, %add3A_18 : i32
    "tpu.region"() ({
      %run_scoped3A = tpu.sem_alloc : memref<!tpu.dma_semaphore, #tpu.memory_space<semaphore_mem>>
      %dma_start3A_100 = arith.constant 0 : i32
      %dma_start3A_101 = tpu.memref_slice %arg12[%add3A_19, %dma_start3A_100] : memref<10240x128xf32, #tpu.memory_space<vmem_shared>> -> memref<96x128xf32, #tpu.memory_space<vmem_shared>>
      %dma_start3A_102 = arith.constant 0 : i32
      %dma_start3A_103 = tpu.memref_slice %arg12[%add3A_19, %dma_start3A_102] : memref<10240x128xf32, #tpu.memory_space<vmem_shared>> -> memref<96x128xf32, #tpu.memory_space<vmem_shared>>
      tpu.enqueue_dma source(%arg9 : memref<96x128xf32, #tpu.memory_space<vmem>>) target(%dma_start3A_103 : memref<96x128xf32, #tpu.memory_space<vmem_shared>>) target_semaphore(%run_scoped3A : memref<!tpu.dma_semaphore, #tpu.memory_space<semaphore_mem>>)
      %dma_wait3A_104 = arith.constant 0 : i32
      %dma_wait3A_105 = tpu.memref_slice %arg12[%add3A_19, %dma_wait3A_104] : memref<10240x128xf32, #tpu.memory_space<vmem_shared>> -> memref<96x128xf32, #tpu.memory_space<vmem_shared>>
      %dma_wait3A_106 = arith.constant 0 : i32
      %dma_wait3A_107 = tpu.memref_slice %arg12[%add3A_19, %dma_wait3A_106] : memref<10240x128xf32, #tpu.memory_space<vmem_shared>> -> memref<96x128xf32, #tpu.memory_space<vmem_shared>>
      tpu.wait_dma2 semaphore(%run_scoped3A : memref<!tpu.dma_semaphore, #tpu.memory_space<semaphore_mem>>) src(%arg9 : memref<96x128xf32, #tpu.memory_space<vmem>>) dst(%dma_wait3A_107 : memref<96x128xf32, #tpu.memory_space<vmem_shared>>)
      tpu.yield
    }) : () -> ()
    %add3A_20 = arith.constant 480 : i32
    %add3A_21 = arith.addi %mul3A_9, %add3A_20 : i32
    "tpu.region"() ({
      %run_scoped3A = tpu.sem_alloc : memref<!tpu.dma_semaphore, #tpu.memory_space<semaphore_mem>>
      %dma_start3A_100 = arith.constant 0 : i32
      %dma_start3A_101 = tpu.memref_slice %arg12[%add3A_21, %dma_start3A_100] : memref<10240x128xf32, #tpu.memory_space<vmem_shared>> -> memref<96x128xf32, #tpu.memory_space<vmem_shared>>
      %dma_start3A_102 = arith.constant 0 : i32
      %dma_start3A_103 = tpu.memref_slice %arg12[%add3A_21, %dma_start3A_102] : memref<10240x128xf32, #tpu.memory_space<vmem_shared>> -> memref<96x128xf32, #tpu.memory_space<vmem_shared>>
      tpu.enqueue_dma source(%arg9 : memref<96x128xf32, #tpu.memory_space<vmem>>) target(%dma_start3A_103 : memref<96x128xf32, #tpu.memory_space<vmem_shared>>) target_semaphore(%run_scoped3A : memref<!tpu.dma_semaphore, #tpu.memory_space<semaphore_mem>>)
      %dma_wait3A_104 = arith.constant 0 : i32
      %dma_wait3A_105 = tpu.memref_slice %arg12[%add3A_21, %dma_wait3A_104] : memref<10240x128xf32, #tpu.memory_space<vmem_shared>> -> memref<96x128xf32, #tpu.memory_space<vmem_shared>>
      %dma_wait3A_106 = arith.constant 0 : i32
      %dma_wait3A_107 = tpu.memref_slice %arg12[%add3A_21, %dma_wait3A_106] : memref<10240x128xf32, #tpu.memory_space<vmem_shared>> -> memref<96x128xf32, #tpu.memory_space<vmem_shared>>
      tpu.wait_dma2 semaphore(%run_scoped3A : memref<!tpu.dma_semaphore, #tpu.memory_space<semaphore_mem>>) src(%arg9 : memref<96x128xf32, #tpu.memory_space<vmem>>) dst(%dma_wait3A_107 : memref<96x128xf32, #tpu.memory_space<vmem_shared>>)
      tpu.yield
    }) : () -> ()
    %add3A_22 = arith.constant 576 : i32
    %add3A_23 = arith.addi %mul3A_9, %add3A_22 : i32
    "tpu.region"() ({
      %run_scoped3A = tpu.sem_alloc : memref<!tpu.dma_semaphore, #tpu.memory_space<semaphore_mem>>
      %dma_start3A_100 = arith.constant 0 : i32
      %dma_start3A_101 = arith.constant 0 : i32
      %dma_start3A_102 = tpu.memref_slice %arg9[%dma_start3A_100, %dma_start3A_101] : memref<96x128xf32, #tpu.memory_space<vmem>> -> memref<64x128xf32, #tpu.memory_space<vmem>>
      %dma_start3A_103 = arith.constant 0 : i32
      %dma_start3A_104 = tpu.memref_slice %arg12[%add3A_23, %dma_start3A_103] : memref<10240x128xf32, #tpu.memory_space<vmem_shared>> -> memref<64x128xf32, #tpu.memory_space<vmem_shared>>
      %dma_start3A_105 = arith.constant 0 : i32
      %dma_start3A_106 = tpu.memref_slice %arg12[%add3A_23, %dma_start3A_105] : memref<10240x128xf32, #tpu.memory_space<vmem_shared>> -> memref<64x128xf32, #tpu.memory_space<vmem_shared>>
      %dma_start3A_107 = arith.constant 0 : i32
      %dma_start3A_108 = arith.constant 0 : i32
      %dma_start3A_109 = tpu.memref_slice %arg9[%dma_start3A_107, %dma_start3A_108] : memref<96x128xf32, #tpu.memory_space<vmem>> -> memref<64x128xf32, #tpu.memory_space<vmem>>
      tpu.enqueue_dma source(%dma_start3A_109 : memref<64x128xf32, #tpu.memory_space<vmem>>) target(%dma_start3A_106 : memref<64x128xf32, #tpu.memory_space<vmem_shared>>) target_semaphore(%run_scoped3A : memref<!tpu.dma_semaphore, #tpu.memory_space<semaphore_mem>>)
      %dma_wait3A_110 = arith.constant 0 : i32
      %dma_wait3A_111 = arith.constant 0 : i32
      %dma_wait3A_112 = tpu.memref_slice %arg9[%dma_wait3A_110, %dma_wait3A_111] : memref<96x128xf32, #tpu.memory_space<vmem>> -> memref<64x128xf32, #tpu.memory_space<vmem>>
      %dma_wait3A_113 = arith.constant 0 : i32
      %dma_wait3A_114 = tpu.memref_slice %arg12[%add3A_23, %dma_wait3A_113] : memref<10240x128xf32, #tpu.memory_space<vmem_shared>> -> memref<64x128xf32, #tpu.memory_space<vmem_shared>>
      %dma_wait3A_115 = arith.constant 0 : i32
      %dma_wait3A_116 = tpu.memref_slice %arg12[%add3A_23, %dma_wait3A_115] : memref<10240x128xf32, #tpu.memory_space<vmem_shared>> -> memref<64x128xf32, #tpu.memory_space<vmem_shared>>
      %dma_wait3A_117 = arith.constant 0 : i32
      %dma_wait3A_118 = arith.constant 0 : i32
      %dma_wait3A_119 = tpu.memref_slice %arg9[%dma_wait3A_117, %dma_wait3A_118] : memref<96x128xf32, #tpu.memory_space<vmem>> -> memref<64x128xf32, #tpu.memory_space<vmem>>
      tpu.wait_dma2 semaphore(%run_scoped3A : memref<!tpu.dma_semaphore, #tpu.memory_space<semaphore_mem>>) src(%dma_wait3A_119 : memref<64x128xf32, #tpu.memory_space<vmem>>) dst(%dma_wait3A_116 : memref<64x128xf32, #tpu.memory_space<vmem_shared>>)
      tpu.yield
    }) : () -> ()
    %barrier3A = arith.constant 0 : index
    tpu.barrier barrier_id(%barrier3A)
    %dma_start3A = arith.constant 0 : i32
    %dma_start3A_24 = arith.constant 0 : i32
    %dma_start3A_25 = arith.constant 0 : i32
    %dma_start3A_26 = tpu.memref_slice %arg4[%add3A, %dma_start3A, %dma_start3A_24, %dma_start3A_25] : memref<32x105x2x96xi32, #tpu.memory_space<hbm>> -> memref<1x1x2x96xi32, #tpu.memory_space<hbm>>
    %dma_start3A_27 = tpu.memref_squeeze %dma_start3A_26 : memref<1x1x2x96xi32, #tpu.memory_space<hbm>> -> memref<2x96xi32, #tpu.memory_space<hbm>>
    %dma_start3A_28 = arith.constant 0 : i32
    %dma_start3A_29 = arith.constant 0 : i32
    %dma_start3A_30 = tpu.memref_slice %arg4[%add3A, %dma_start3A, %dma_start3A_28, %dma_start3A_29] : memref<32x105x2x96xi32, #tpu.memory_space<hbm>> -> memref<1x1x2x96xi32, #tpu.memory_space<hbm>>
    %dma_start3A_31 = tpu.memref_squeeze %dma_start3A_30 : memref<1x1x2x96xi32, #tpu.memory_space<hbm>> -> memref<2x96xi32, #tpu.memory_space<hbm>>
    tpu.enqueue_dma source(%dma_start3A_31 : memref<2x96xi32, #tpu.memory_space<hbm>>) target(%arg6 : memref<2x96xi32, #tpu.memory_space<vmem>>) target_semaphore(%arg13 : memref<!tpu.dma_semaphore, #tpu.memory_space<semaphore_mem>>)
    %add3A_32 = arith.constant 0 : i32
    %add3A_33 = arith.addi %mul3A_2, %add3A_32 : i32
    %dma_start3A_34 = arith.constant 0 : i32
    %dma_start3A_35 = tpu.memref_slice %arg3[%add3A_33, %dma_start3A_34] : memref<322560x128xf32, #tpu.memory_space<hbm>> -> memref<96x128xf32, #tpu.memory_space<hbm>>
    %dma_start3A_36 = arith.constant 0 : i32
    %dma_start3A_37 = tpu.memref_slice %arg3[%add3A_33, %dma_start3A_36] : memref<322560x128xf32, #tpu.memory_space<hbm>> -> memref<96x128xf32, #tpu.memory_space<hbm>>
    tpu.enqueue_dma source(%dma_start3A_37 : memref<96x128xf32, #tpu.memory_space<hbm>>) target(%arg9 : memref<96x128xf32, #tpu.memory_space<vmem>>) target_semaphore(%arg16 : memref<!tpu.dma_semaphore, #tpu.memory_space<semaphore_mem>>)
    %dma_start3A_38 = arith.constant 1 : i32
    %dma_start3A_39 = arith.constant 0 : i32
    %dma_start3A_40 = arith.constant 0 : i32
    %dma_start3A_41 = tpu.memref_slice %arg4[%add3A, %dma_start3A_38, %dma_start3A_39, %dma_start3A_40] : memref<32x105x2x96xi32, #tpu.memory_space<hbm>> -> memref<1x1x2x96xi32, #tpu.memory_space<hbm>>
    %dma_start3A_42 = tpu.memref_squeeze %dma_start3A_41 : memref<1x1x2x96xi32, #tpu.memory_space<hbm>> -> memref<2x96xi32, #tpu.memory_space<hbm>>
    %dma_start3A_43 = arith.constant 0 : i32
    %dma_start3A_44 = arith.constant 0 : i32
    %dma_start3A_45 = tpu.memref_slice %arg4[%add3A, %dma_start3A_38, %dma_start3A_43, %dma_start3A_44] : memref<32x105x2x96xi32, #tpu.memory_space<hbm>> -> memref<1x1x2x96xi32, #tpu.memory_space<hbm>>
    %dma_start3A_46 = tpu.memref_squeeze %dma_start3A_45 : memref<1x1x2x96xi32, #tpu.memory_space<hbm>> -> memref<2x96xi32, #tpu.memory_space<hbm>>
    tpu.enqueue_dma source(%dma_start3A_46 : memref<2x96xi32, #tpu.memory_space<hbm>>) target(%arg7 : memref<2x96xi32, #tpu.memory_space<vmem>>) target_semaphore(%arg14 : memref<!tpu.dma_semaphore, #tpu.memory_space<semaphore_mem>>)
    %add3A_47 = arith.constant 96 : i32
    %add3A_48 = arith.addi %mul3A_2, %add3A_47 : i32
    %dma_start3A_49 = arith.constant 0 : i32
    %dma_start3A_50 = tpu.memref_slice %arg3[%add3A_48, %dma_start3A_49] : memref<322560x128xf32, #tpu.memory_space<hbm>> -> memref<96x128xf32, #tpu.memory_space<hbm>>
    %dma_start3A_51 = arith.constant 0 : i32
    %dma_start3A_52 = tpu.memref_slice %arg3[%add3A_48, %dma_start3A_51] : memref<322560x128xf32, #tpu.memory_space<hbm>> -> memref<96x128xf32, #tpu.memory_space<hbm>>
    tpu.enqueue_dma source(%dma_start3A_52 : memref<96x128xf32, #tpu.memory_space<hbm>>) target(%arg10 : memref<96x128xf32, #tpu.memory_space<vmem>>) target_semaphore(%arg17 : memref<!tpu.dma_semaphore, #tpu.memory_space<semaphore_mem>>)
    %dma_wait3A = arith.constant 0 : i32
    %dma_wait3A_53 = arith.constant 0 : i32
    %dma_wait3A_54 = arith.constant 0 : i32
    %dma_wait3A_55 = tpu.memref_slice %arg4[%add3A, %dma_wait3A, %dma_wait3A_53, %dma_wait3A_54] : memref<32x105x2x96xi32, #tpu.memory_space<hbm>> -> memref<1x1x2x96xi32, #tpu.memory_space<hbm>>
    %dma_wait3A_56 = tpu.memref_squeeze %dma_wait3A_55 : memref<1x1x2x96xi32, #tpu.memory_space<hbm>> -> memref<2x96xi32, #tpu.memory_space<hbm>>
    %dma_wait3A_57 = arith.constant 0 : i32
    %dma_wait3A_58 = arith.constant 0 : i32
    %dma_wait3A_59 = tpu.memref_slice %arg4[%add3A, %dma_wait3A, %dma_wait3A_57, %dma_wait3A_58] : memref<32x105x2x96xi32, #tpu.memory_space<hbm>> -> memref<1x1x2x96xi32, #tpu.memory_space<hbm>>
    %dma_wait3A_60 = tpu.memref_squeeze %dma_wait3A_59 : memref<1x1x2x96xi32, #tpu.memory_space<hbm>> -> memref<2x96xi32, #tpu.memory_space<hbm>>
    tpu.wait_dma2 semaphore(%arg13 : memref<!tpu.dma_semaphore, #tpu.memory_space<semaphore_mem>>) src(%dma_wait3A_60 : memref<2x96xi32, #tpu.memory_space<hbm>>) dst(%arg6 : memref<2x96xi32, #tpu.memory_space<vmem>>)
    %dma_wait3A_61 = arith.constant 0 : i32
    %dma_wait3A_62 = tpu.memref_slice %arg3[%mul3A_2, %dma_wait3A_61] : memref<322560x128xf32, #tpu.memory_space<hbm>> -> memref<96x128xf32, #tpu.memory_space<hbm>>
    %dma_wait3A_63 = arith.constant 0 : i32
    %dma_wait3A_64 = tpu.memref_slice %arg3[%mul3A_2, %dma_wait3A_63] : memref<322560x128xf32, #tpu.memory_space<hbm>> -> memref<96x128xf32, #tpu.memory_space<hbm>>
    tpu.wait_dma2 semaphore(%arg16 : memref<!tpu.dma_semaphore, #tpu.memory_space<semaphore_mem>>) src(%dma_wait3A_64 : memref<96x128xf32, #tpu.memory_space<hbm>>) dst(%arg9 : memref<96x128xf32, #tpu.memory_space<vmem>>)
    %dma_start3A_65 = arith.constant 0 : i32
    %dma_start3A_66 = arith.constant 0 : i32
    %dma_start3A_67 = tpu.memref_slice %arg6[%dma_start3A_65, %dma_start3A_66] : memref<2x96xi32, #tpu.memory_space<vmem>> -> memref<1x96xi32, #tpu.memory_space<vmem>>
    %dma_start3A_68 = tpu.memref_squeeze %dma_start3A_67 : memref<1x96xi32, #tpu.memory_space<vmem>> -> memref<96xi32, #tpu.memory_space<vmem>>
    %dma_start3A_69 = arith.constant 0 : i32
    %dma_start3A_70 = arith.constant 0 : i32
    %dma_start3A_71 = tpu.memref_slice %arg2[%dma_start3A_69, %dma_start3A_70] : memref<10240x128xf32, #tpu.memory_space<hbm>> -> memref<10240x128xf32, #tpu.memory_space<hbm>>
    tpu.enqueue_indirect_dma source(%dma_start3A_71 : memref<10240x128xf32, #tpu.memory_space<hbm>>) target(%arg9 : memref<96x128xf32, #tpu.memory_space<vmem>>) offsets(%dma_start3A_68 : memref<96xi32, #tpu.memory_space<vmem>>) semaphore(%arg19 : memref<!tpu.dma_semaphore, #tpu.memory_space<semaphore_mem>>) {add = true}
    %scan3A_72 = arith.constant 0 : i32
    %scan3A_73 = arith.constant 0 : i32
    %scan3A_74 = arith.constant 35 : i32
    %scan3A_75 = arith.addi %scan3A_73, %scan3A_74 : i32
    %scan3A_76 = arith.constant 1 : i32
    scf.for %scan3A_100 = %scan3A_73 to %scan3A_75 step %scan3A_76  : i32 {
      %mul3A_101 = arith.constant 3 : i32
      %mul3A_102 = arith.muli %mul3A_101, %scan3A_100 : i32
      %add3A_103 = arith.constant 0 : i32
      %add3A_104 = arith.addi %mul3A_102, %add3A_103 : i32
      %dma_wait3A_105 = arith.constant 0 : i32
      %dma_wait3A_106 = arith.constant 0 : i32
      %dma_wait3A_107 = tpu.memref_slice %arg6[%dma_wait3A_105, %dma_wait3A_106] : memref<2x96xi32, #tpu.memory_space<vmem>> -> memref<1x96xi32, #tpu.memory_space<vmem>>
      %dma_wait3A_108 = tpu.memref_squeeze %dma_wait3A_107 : memref<1x96xi32, #tpu.memory_space<vmem>> -> memref<96xi32, #tpu.memory_space<vmem>>
      %dma_wait3A_109 = arith.constant 0 : i32
      %dma_wait3A_110 = arith.constant 0 : i32
      %dma_wait3A_111 = tpu.memref_slice %arg2[%dma_wait3A_109, %dma_wait3A_110] : memref<10240x128xf32, #tpu.memory_space<hbm>> -> memref<10240x128xf32, #tpu.memory_space<hbm>>
      tpu.wait_indirect_dma semaphore(%arg19 : memref<!tpu.dma_semaphore, #tpu.memory_space<semaphore_mem>>) src(%dma_wait3A_111 : memref<10240x128xf32, #tpu.memory_space<hbm>>) dst(%arg9 : memref<96x128xf32, #tpu.memory_space<vmem>>)
      %scan3A_112 = arith.constant 0 : i32
      %scan3A_113 = arith.constant 0 : i32
      %scan3A_114 = arith.constant 96 : i32
      %scan3A_115 = arith.addi %scan3A_113, %scan3A_114 : i32
      %scan3A_116 = arith.constant 1 : i32
      scf.for %scan3A_226 = %scan3A_113 to %scan3A_115 step %scan3A_116  : i32 {
        %get3A = arith.index_cast %scan3A_226 : i32 to index
        %get3A_227 = arith.constant 0 : index
        %get3A_228 = tpu.vector_load %arg9[%get3A, %get3A_227] {strides = array<i32>} : memref<96x128xf32, #tpu.memory_space<vmem>>, vector<1x16xf32>,
        %get3A_229 = vector.shape_cast %get3A_228 : vector<1x16xf32> to vector<16xf32>
        %max3A = arith.constant 0.000000e+00 : f32
        %max3A_230 = vector.broadcast %max3A : f32 to vector<16xf32>
        %max3A_231 = arith.maximumf %get3A_229, %max3A_230 : vector<16xf32>
        %swap3A = arith.index_cast %scan3A_226 : i32 to index
        %swap3A_232 = arith.constant 0 : index
        %swap3A_233 = tpu.vector_load %arg9[%swap3A, %swap3A_232] {strides = array<i32>} : memref<96x128xf32, #tpu.memory_space<vmem>>, vector<1x16xf32>,
        %swap3A_234 = vector.shape_cast %swap3A_233 : vector<1x16xf32> to vector<16xf32>
        %swap3A_235 = vector.shape_cast %max3A_231 : vector<16xf32> to vector<1x16xf32>
        tpu.vector_store %arg9[%swap3A, %swap3A_232], %swap3A_235 {strides = array<i32>} : memref<96x128xf32, #tpu.memory_space<vmem>>, vector<1x16xf32>,
        %get3A_236 = arith.index_cast %scan3A_226 : i32 to index
        %get3A_237 = arith.constant 16 : index
        %get3A_238 = tpu.vector_load %arg9[%get3A_236, %get3A_237] {strides = array<i32>} : memref<96x128xf32, #tpu.memory_space<vmem>>, vector<1x16xf32>,
        %get3A_239 = vector.shape_cast %get3A_238 : vector<1x16xf32> to vector<16xf32>
        %max3A_240 = arith.constant 0.000000e+00 : f32
        %max3A_241 = vector.broadcast %max3A_240 : f32 to vector<16xf32>
        %max3A_242 = arith.maximumf %get3A_239, %max3A_241 : vector<16xf32>
        %swap3A_243 = arith.index_cast %scan3A_226 : i32 to index
        %swap3A_244 = arith.constant 16 : index
        %swap3A_245 = tpu.vector_load %arg9[%swap3A_243, %swap3A_244] {strides = array<i32>} : memref<96x128xf32, #tpu.memory_space<vmem>>, vector<1x16xf32>,
        %swap3A_246 = vector.shape_cast %swap3A_245 : vector<1x16xf32> to vector<16xf32>
        %swap3A_247 = vector.shape_cast %max3A_242 : vector<16xf32> to vector<1x16xf32>
        tpu.vector_store %arg9[%swap3A_243, %swap3A_244], %swap3A_247 {strides = array<i32>} : memref<96x128xf32, #tpu.memory_space<vmem>>, vector<1x16xf32>,
        %get3A_248 = arith.index_cast %scan3A_226 : i32 to index
        %get3A_249 = arith.constant 32 : index
        %get3A_250 = tpu.vector_load %arg9[%get3A_248, %get3A_249] {strides = array<i32>} : memref<96x128xf32, #tpu.memory_space<vmem>>, vector<1x16xf32>,
        %get3A_251 = vector.shape_cast %get3A_250 : vector<1x16xf32> to vector<16xf32>
        %max3A_252 = arith.constant 0.000000e+00 : f32
        %max3A_253 = vector.broadcast %max3A_252 : f32 to vector<16xf32>
        %max3A_254 = arith.maximumf %get3A_251, %max3A_253 : vector<16xf32>
        %swap3A_255 = arith.index_cast %scan3A_226 : i32 to index
        %swap3A_256 = arith.constant 32 : index
        %swap3A_257 = tpu.vector_load %arg9[%swap3A_255, %swap3A_256] {strides = array<i32>} : memref<96x128xf32, #tpu.memory_space<vmem>>, vector<1x16xf32>,
        %swap3A_258 = vector.shape_cast %swap3A_257 : vector<1x16xf32> to vector<16xf32>
        %swap3A_259 = vector.shape_cast %max3A_254 : vector<16xf32> to vector<1x16xf32>
        tpu.vector_store %arg9[%swap3A_255, %swap3A_256], %swap3A_259 {strides = array<i32>} : memref<96x128xf32, #tpu.memory_space<vmem>>, vector<1x16xf32>,
        %get3A_260 = arith.index_cast %scan3A_226 : i32 to index
        %get3A_261 = arith.constant 48 : index
        %get3A_262 = tpu.vector_load %arg9[%get3A_260, %get3A_261] {strides = array<i32>} : memref<96x128xf32, #tpu.memory_space<vmem>>, vector<1x16xf32>,
        %get3A_263 = vector.shape_cast %get3A_262 : vector<1x16xf32> to vector<16xf32>
        %max3A_264 = arith.constant 0.000000e+00 : f32
        %max3A_265 = vector.broadcast %max3A_264 : f32 to vector<16xf32>
        %max3A_266 = arith.maximumf %get3A_263, %max3A_265 : vector<16xf32>
        %swap3A_267 = arith.index_cast %scan3A_226 : i32 to index
        %swap3A_268 = arith.constant 48 : index
        %swap3A_269 = tpu.vector_load %arg9[%swap3A_267, %swap3A_268] {strides = array<i32>} : memref<96x128xf32, #tpu.memory_space<vmem>>, vector<1x16xf32>,
        %swap3A_270 = vector.shape_cast %swap3A_269 : vector<1x16xf32> to vector<16xf32>
        %swap3A_271 = vector.shape_cast %max3A_266 : vector<16xf32> to vector<1x16xf32>
        tpu.vector_store %arg9[%swap3A_267, %swap3A_268], %swap3A_271 {strides = array<i32>} : memref<96x128xf32, #tpu.memory_space<vmem>>, vector<1x16xf32>,
        %get3A_272 = arith.index_cast %scan3A_226 : i32 to index
        %get3A_273 = arith.constant 64 : index
        %get3A_274 = tpu.vector_load %arg9[%get3A_272, %get3A_273] {strides = array<i32>} : memref<96x128xf32, #tpu.memory_space<vmem>>, vector<1x16xf32>,
        %get3A_275 = vector.shape_cast %get3A_274 : vector<1x16xf32> to vector<16xf32>
        %max3A_276 = arith.constant 0.000000e+00 : f32
        %max3A_277 = vector.broadcast %max3A_276 : f32 to vector<16xf32>
        %max3A_278 = arith.maximumf %get3A_275, %max3A_277 : vector<16xf32>
        %swap3A_279 = arith.index_cast %scan3A_226 : i32 to index
        %swap3A_280 = arith.constant 64 : index
        %swap3A_281 = tpu.vector_load %arg9[%swap3A_279, %swap3A_280] {strides = array<i32>} : memref<96x128xf32, #tpu.memory_space<vmem>>, vector<1x16xf32>,
        %swap3A_282 = vector.shape_cast %swap3A_281 : vector<1x16xf32> to vector<16xf32>
        %swap3A_283 = vector.shape_cast %max3A_278 : vector<16xf32> to vector<1x16xf32>
        tpu.vector_store %arg9[%swap3A_279, %swap3A_280], %swap3A_283 {strides = array<i32>} : memref<96x128xf32, #tpu.memory_space<vmem>>, vector<1x16xf32>,
        %get3A_284 = arith.index_cast %scan3A_226 : i32 to index
        %get3A_285 = arith.constant 80 : index
        %get3A_286 = tpu.vector_load %arg9[%get3A_284, %get3A_285] {strides = array<i32>} : memref<96x128xf32, #tpu.memory_space<vmem>>, vector<1x16xf32>,
        %get3A_287 = vector.shape_cast %get3A_286 : vector<1x16xf32> to vector<16xf32>
        %max3A_288 = arith.constant 0.000000e+00 : f32
        %max3A_289 = vector.broadcast %max3A_288 : f32 to vector<16xf32>
        %max3A_290 = arith.maximumf %get3A_287, %max3A_289 : vector<16xf32>
        %swap3A_291 = arith.index_cast %scan3A_226 : i32 to index
        %swap3A_292 = arith.constant 80 : index
        %swap3A_293 = tpu.vector_load %arg9[%swap3A_291, %swap3A_292] {strides = array<i32>} : memref<96x128xf32, #tpu.memory_space<vmem>>, vector<1x16xf32>,
        %swap3A_294 = vector.shape_cast %swap3A_293 : vector<1x16xf32> to vector<16xf32>
        %swap3A_295 = vector.shape_cast %max3A_290 : vector<16xf32> to vector<1x16xf32>
        tpu.vector_store %arg9[%swap3A_291, %swap3A_292], %swap3A_295 {strides = array<i32>} : memref<96x128xf32, #tpu.memory_space<vmem>>, vector<1x16xf32>,
        %get3A_296 = arith.index_cast %scan3A_226 : i32 to index
        %get3A_297 = arith.constant 96 : index
        %get3A_298 = tpu.vector_load %arg9[%get3A_296, %get3A_297] {strides = array<i32>} : memref<96x128xf32, #tpu.memory_space<vmem>>, vector<1x16xf32>,
        %get3A_299 = vector.shape_cast %get3A_298 : vector<1x16xf32> to vector<16xf32>
        %max3A_300 = arith.constant 0.000000e+00 : f32
        %max3A_301 = vector.broadcast %max3A_300 : f32 to vector<16xf32>
        %max3A_302 = arith.maximumf %get3A_299, %max3A_301 : vector<16xf32>
        %swap3A_303 = arith.index_cast %scan3A_226 : i32 to index
        %swap3A_304 = arith.constant 96 : index
        %swap3A_305 = tpu.vector_load %arg9[%swap3A_303, %swap3A_304] {strides = array<i32>} : memref<96x128xf32, #tpu.memory_space<vmem>>, vector<1x16xf32>,
        %swap3A_306 = vector.shape_cast %swap3A_305 : vector<1x16xf32> to vector<16xf32>
        %swap3A_307 = vector.shape_cast %max3A_302 : vector<16xf32> to vector<1x16xf32>
        tpu.vector_store %arg9[%swap3A_303, %swap3A_304], %swap3A_307 {strides = array<i32>} : memref<96x128xf32, #tpu.memory_space<vmem>>, vector<1x16xf32>,
        %get3A_308 = arith.index_cast %scan3A_226 : i32 to index
        %get3A_309 = arith.constant 112 : index
        %get3A_310 = tpu.vector_load %arg9[%get3A_308, %get3A_309] {strides = array<i32>} : memref<96x128xf32, #tpu.memory_space<vmem>>, vector<1x16xf32>,
        %get3A_311 = vector.shape_cast %get3A_310 : vector<1x16xf32> to vector<16xf32>
        %max3A_312 = arith.constant 0.000000e+00 : f32
        %max3A_313 = vector.broadcast %max3A_312 : f32 to vector<16xf32>
        %max3A_314 = arith.maximumf %get3A_311, %max3A_313 : vector<16xf32>
        %swap3A_315 = arith.index_cast %scan3A_226 : i32 to index
        %swap3A_316 = arith.constant 112 : index
        %swap3A_317 = tpu.vector_load %arg9[%swap3A_315, %swap3A_316] {strides = array<i32>} : memref<96x128xf32, #tpu.memory_space<vmem>>, vector<1x16xf32>,
        %swap3A_318 = vector.shape_cast %swap3A_317 : vector<1x16xf32> to vector<16xf32>
        %swap3A_319 = vector.shape_cast %max3A_314 : vector<16xf32> to vector<1x16xf32>
        tpu.vector_store %arg9[%swap3A_315, %swap3A_316], %swap3A_319 {strides = array<i32>} : memref<96x128xf32, #tpu.memory_space<vmem>>, vector<1x16xf32>,
      }
      %scan3A_117 = arith.constant 96 : i32
      %dma_start3A_118 = arith.constant 1 : i32
      %dma_start3A_119 = arith.constant 0 : i32
      %dma_start3A_120 = tpu.memref_slice %arg6[%dma_start3A_118, %dma_start3A_119] : memref<2x96xi32, #tpu.memory_space<vmem>> -> memref<1x96xi32, #tpu.memory_space<vmem>>
      %dma_start3A_121 = tpu.memref_squeeze %dma_start3A_120 : memref<1x96xi32, #tpu.memory_space<vmem>> -> memref<96xi32, #tpu.memory_space<vmem>>
      %dma_start3A_122 = arith.constant 0 : i32
      %dma_start3A_123 = arith.constant 0 : i32
      %dma_start3A_124 = tpu.memref_slice %arg12[%dma_start3A_122, %dma_start3A_123] : memref<10240x128xf32, #tpu.memory_space<vmem_shared>> -> memref<10240x128xf32, #tpu.memory_space<vmem_shared>>
      tpu.enqueue_indirect_dma source(%arg9 : memref<96x128xf32, #tpu.memory_space<vmem>>) target(%dma_start3A_124 : memref<10240x128xf32, #tpu.memory_space<vmem_shared>>) offsets(%dma_start3A_121 : memref<96xi32, #tpu.memory_space<vmem>>) semaphore(%arg22 : memref<!tpu.dma_semaphore, #tpu.memory_space<semaphore_mem>>) {add = true}
      %ge3A = arith.constant 1 : i32
      %ge3A_125 = arith.cmpi sge, %add3A_104, %ge3A : i32
      %convert_element_type3A = arith.extui %ge3A_125 : i1 to i32
      %cond3A = arith.constant 0 : i32
      %cond3A_126 = arith.cmpi ne, %convert_element_type3A, %cond3A : i32
      scf.if %cond3A_126 {
        %dma_wait3A_226 = arith.constant 1 : i32
        %dma_wait3A_227 = arith.constant 0 : i32
        %dma_wait3A_228 = tpu.memref_slice %arg8[%dma_wait3A_226, %dma_wait3A_227] : memref<2x96xi32, #tpu.memory_space<vmem>> -> memref<1x96xi32, #tpu.memory_space<vmem>>
        %dma_wait3A_229 = tpu.memref_squeeze %dma_wait3A_228 : memref<1x96xi32, #tpu.memory_space<vmem>> -> memref<96xi32, #tpu.memory_space<vmem>>
        %dma_wait3A_230 = arith.constant 0 : i32
        %dma_wait3A_231 = arith.constant 0 : i32
        %dma_wait3A_232 = tpu.memref_slice %arg12[%dma_wait3A_230, %dma_wait3A_231] : memref<10240x128xf32, #tpu.memory_space<vmem_shared>> -> memref<10240x128xf32, #tpu.memory_space<vmem_shared>>
        tpu.wait_indirect_dma semaphore(%arg24 : memref<!tpu.dma_semaphore, #tpu.memory_space<semaphore_mem>>) src(%arg11 : memref<96x128xf32, #tpu.memory_space<vmem>>) dst(%dma_wait3A_232 : memref<10240x128xf32, #tpu.memory_space<vmem_shared>>)
      } else {
      }
      %add3A_127 = arith.constant 2 : i32
      %add3A_128 = arith.addi %add3A_104, %add3A_127 : i32
      %lt3A = arith.constant 105 : i32
      %lt3A_129 = arith.cmpi slt, %add3A_128, %lt3A : i32
      %convert_element_type3A_130 = arith.extui %lt3A_129 : i1 to i32
      %cond3A_131 = arith.constant 0 : i32
      %cond3A_132 = arith.cmpi ne, %convert_element_type3A_130, %cond3A_131 : i32
      scf.if %cond3A_132 {
        %add3A_226 = arith.constant 2 : i32
        %add3A_227 = arith.addi %add3A_104, %add3A_226 : i32
        %dma_start3A_228 = arith.constant 0 : i32
        %dma_start3A_229 = arith.constant 0 : i32
        %dma_start3A_230 = tpu.memref_slice %arg4[%add3A, %add3A_227, %dma_start3A_228, %dma_start3A_229] : memref<32x105x2x96xi32, #tpu.memory_space<hbm>> -> memref<1x1x2x96xi32, #tpu.memory_space<hbm>>
        %dma_start3A_231 = tpu.memref_squeeze %dma_start3A_230 : memref<1x1x2x96xi32, #tpu.memory_space<hbm>> -> memref<2x96xi32, #tpu.memory_space<hbm>>
        %dma_start3A_232 = arith.constant 0 : i32
        %dma_start3A_233 = arith.constant 0 : i32
        %dma_start3A_234 = tpu.memref_slice %arg4[%add3A, %add3A_227, %dma_start3A_232, %dma_start3A_233] : memref<32x105x2x96xi32, #tpu.memory_space<hbm>> -> memref<1x1x2x96xi32, #tpu.memory_space<hbm>>
        %dma_start3A_235 = tpu.memref_squeeze %dma_start3A_234 : memref<1x1x2x96xi32, #tpu.memory_space<hbm>> -> memref<2x96xi32, #tpu.memory_space<hbm>>
        tpu.enqueue_dma source(%dma_start3A_235 : memref<2x96xi32, #tpu.memory_space<hbm>>) target(%arg8 : memref<2x96xi32, #tpu.memory_space<vmem>>) target_semaphore(%arg15 : memref<!tpu.dma_semaphore, #tpu.memory_space<semaphore_mem>>)
        %add3A_236 = arith.constant 2 : i32
        %add3A_237 = arith.addi %add3A_104, %add3A_236 : i32
        %mul3A_238 = arith.constant 96 : i32
        %mul3A_239 = arith.muli %add3A_237, %mul3A_238 : i32
        %add3A_240 = arith.addi %mul3A_2, %mul3A_239 : i32
        %dma_start3A_241 = arith.constant 0 : i32
        %dma_start3A_242 = tpu.memref_slice %arg3[%add3A_240, %dma_start3A_241] : memref<322560x128xf32, #tpu.memory_space<hbm>> -> memref<96x128xf32, #tpu.memory_space<hbm>>
        %dma_start3A_243 = arith.constant 0 : i32
        %dma_start3A_244 = tpu.memref_slice %arg3[%add3A_240, %dma_start3A_243] : memref<322560x128xf32, #tpu.memory_space<hbm>> -> memref<96x128xf32, #tpu.memory_space<hbm>>
        tpu.enqueue_dma source(%dma_start3A_244 : memref<96x128xf32, #tpu.memory_space<hbm>>) target(%arg11 : memref<96x128xf32, #tpu.memory_space<vmem>>) target_semaphore(%arg18 : memref<!tpu.dma_semaphore, #tpu.memory_space<semaphore_mem>>)
      } else {
      }
      %add3A_133 = arith.constant 1 : i32
      %add3A_134 = arith.addi %add3A_104, %add3A_133 : i32
      %lt3A_135 = arith.constant 105 : i32
      %lt3A_136 = arith.cmpi slt, %add3A_134, %lt3A_135 : i32
      %convert_element_type3A_137 = arith.extui %lt3A_136 : i1 to i32
      %cond3A_138 = arith.constant 0 : i32
      %cond3A_139 = arith.cmpi ne, %convert_element_type3A_137, %cond3A_138 : i32
      scf.if %cond3A_139 {
        %dma_wait3A_226 = arith.constant 0 : i32
        %dma_wait3A_227 = arith.constant 0 : i32
        %dma_wait3A_228 = arith.constant 0 : i32
        %dma_wait3A_229 = tpu.memref_slice %arg4[%add3A, %dma_wait3A_226, %dma_wait3A_227, %dma_wait3A_228] : memref<32x105x2x96xi32, #tpu.memory_space<hbm>> -> memref<1x1x2x96xi32, #tpu.memory_space<hbm>>
        %dma_wait3A_230 = tpu.memref_squeeze %dma_wait3A_229 : memref<1x1x2x96xi32, #tpu.memory_space<hbm>> -> memref<2x96xi32, #tpu.memory_space<hbm>>
        %dma_wait3A_231 = arith.constant 0 : i32
        %dma_wait3A_232 = arith.constant 0 : i32
        %dma_wait3A_233 = tpu.memref_slice %arg4[%add3A, %dma_wait3A_226, %dma_wait3A_231, %dma_wait3A_232] : memref<32x105x2x96xi32, #tpu.memory_space<hbm>> -> memref<1x1x2x96xi32, #tpu.memory_space<hbm>>
        %dma_wait3A_234 = tpu.memref_squeeze %dma_wait3A_233 : memref<1x1x2x96xi32, #tpu.memory_space<hbm>> -> memref<2x96xi32, #tpu.memory_space<hbm>>
        tpu.wait_dma2 semaphore(%arg14 : memref<!tpu.dma_semaphore, #tpu.memory_space<semaphore_mem>>) src(%dma_wait3A_234 : memref<2x96xi32, #tpu.memory_space<hbm>>) dst(%arg7 : memref<2x96xi32, #tpu.memory_space<vmem>>)
        %dma_wait3A_235 = arith.constant 0 : i32
        %dma_wait3A_236 = tpu.memref_slice %arg3[%mul3A_2, %dma_wait3A_235] : memref<322560x128xf32, #tpu.memory_space<hbm>> -> memref<96x128xf32, #tpu.memory_space<hbm>>
        %dma_wait3A_237 = arith.constant 0 : i32
        %dma_wait3A_238 = tpu.memref_slice %arg3[%mul3A_2, %dma_wait3A_237] : memref<322560x128xf32, #tpu.memory_space<hbm>> -> memref<96x128xf32, #tpu.memory_space<hbm>>
        tpu.wait_dma2 semaphore(%arg17 : memref<!tpu.dma_semaphore, #tpu.memory_space<semaphore_mem>>) src(%dma_wait3A_238 : memref<96x128xf32, #tpu.memory_space<hbm>>) dst(%arg10 : memref<96x128xf32, #tpu.memory_space<vmem>>)
        %dma_start3A_239 = arith.constant 0 : i32
        %dma_start3A_240 = arith.constant 0 : i32
        %dma_start3A_241 = tpu.memref_slice %arg7[%dma_start3A_239, %dma_start3A_240] : memref<2x96xi32, #tpu.memory_space<vmem>> -> memref<1x96xi32, #tpu.memory_space<vmem>>
        %dma_start3A_242 = tpu.memref_squeeze %dma_start3A_241 : memref<1x96xi32, #tpu.memory_space<vmem>> -> memref<96xi32, #tpu.memory_space<vmem>>
        %dma_start3A_243 = arith.constant 0 : i32
        %dma_start3A_244 = arith.constant 0 : i32
        %dma_start3A_245 = tpu.memref_slice %arg2[%dma_start3A_243, %dma_start3A_244] : memref<10240x128xf32, #tpu.memory_space<hbm>> -> memref<10240x128xf32, #tpu.memory_space<hbm>>
        tpu.enqueue_indirect_dma source(%dma_start3A_245 : memref<10240x128xf32, #tpu.memory_space<hbm>>) target(%arg10 : memref<96x128xf32, #tpu.memory_space<vmem>>) offsets(%dma_start3A_242 : memref<96xi32, #tpu.memory_space<vmem>>) semaphore(%arg20 : memref<!tpu.dma_semaphore, #tpu.memory_space<semaphore_mem>>) {add = true}
      } else {
      }
      %mul3A_140 = arith.constant 3 : i32
      %mul3A_141 = arith.muli %mul3A_140, %scan3A_100 : i32
      %add3A_142 = arith.constant 1 : i32
      %add3A_143 = arith.addi %mul3A_141, %add3A_142 : i32
      %dma_wait3A_144 = arith.constant 0 : i32
      %dma_wait3A_145 = arith.constant 0 : i32
      %dma_wait3A_146 = tpu.memref_slice %arg7[%dma_wait3A_144, %dma_wait3A_145] : memref<2x96xi32, #tpu.memory_space<vmem>> -> memref<1x96xi32, #tpu.memory_space<vmem>>
      %dma_wait3A_147 = tpu.memref_squeeze %dma_wait3A_146 : memref<1x96xi32, #tpu.memory_space<vmem>> -> memref<96xi32, #tpu.memory_space<vmem>>
      %dma_wait3A_148 = arith.constant 0 : i32
      %dma_wait3A_149 = arith.constant 0 : i32
      %dma_wait3A_150 = tpu.memref_slice %arg2[%dma_wait3A_148, %dma_wait3A_149] : memref<10240x128xf32, #tpu.memory_space<hbm>> -> memref<10240x128xf32, #tpu.memory_space<hbm>>
      tpu.wait_indirect_dma semaphore(%arg20 : memref<!tpu.dma_semaphore, #tpu.memory_space<semaphore_mem>>) src(%dma_wait3A_150 : memref<10240x128xf32, #tpu.memory_space<hbm>>) dst(%arg10 : memref<96x128xf32, #tpu.memory_space<vmem>>)
      %scan3A_151 = arith.constant 0 : i32
      %scan3A_152 = arith.constant 0 : i32
      %scan3A_153 = arith.constant 96 : i32
      %scan3A_154 = arith.addi %scan3A_152, %scan3A_153 : i32
      %scan3A_155 = arith.constant 1 : i32
      scf.for %scan3A_226 = %scan3A_152 to %scan3A_154 step %scan3A_155  : i32 {
        %get3A = arith.index_cast %scan3A_226 : i32 to index
        %get3A_227 = arith.constant 0 : index
        %get3A_228 = tpu.vector_load %arg10[%get3A, %get3A_227] {strides = array<i32>} : memref<96x128xf32, #tpu.memory_space<vmem>>, vector<1x16xf32>,
        %get3A_229 = vector.shape_cast %get3A_228 : vector<1x16xf32> to vector<16xf32>
        %max3A = arith.constant 0.000000e+00 : f32
        %max3A_230 = vector.broadcast %max3A : f32 to vector<16xf32>
        %max3A_231 = arith.maximumf %get3A_229, %max3A_230 : vector<16xf32>
        %swap3A = arith.index_cast %scan3A_226 : i32 to index
        %swap3A_232 = arith.constant 0 : index
        %swap3A_233 = tpu.vector_load %arg10[%swap3A, %swap3A_232] {strides = array<i32>} : memref<96x128xf32, #tpu.memory_space<vmem>>, vector<1x16xf32>,
        %swap3A_234 = vector.shape_cast %swap3A_233 : vector<1x16xf32> to vector<16xf32>
        %swap3A_235 = vector.shape_cast %max3A_231 : vector<16xf32> to vector<1x16xf32>
        tpu.vector_store %arg10[%swap3A, %swap3A_232], %swap3A_235 {strides = array<i32>} : memref<96x128xf32, #tpu.memory_space<vmem>>, vector<1x16xf32>,
        %get3A_236 = arith.index_cast %scan3A_226 : i32 to index
        %get3A_237 = arith.constant 16 : index
        %get3A_238 = tpu.vector_load %arg10[%get3A_236, %get3A_237] {strides = array<i32>} : memref<96x128xf32, #tpu.memory_space<vmem>>, vector<1x16xf32>,
        %get3A_239 = vector.shape_cast %get3A_238 : vector<1x16xf32> to vector<16xf32>
        %max3A_240 = arith.constant 0.000000e+00 : f32
        %max3A_241 = vector.broadcast %max3A_240 : f32 to vector<16xf32>
        %max3A_242 = arith.maximumf %get3A_239, %max3A_241 : vector<16xf32>
        %swap3A_243 = arith.index_cast %scan3A_226 : i32 to index
        %swap3A_244 = arith.constant 16 : index
        %swap3A_245 = tpu.vector_load %arg10[%swap3A_243, %swap3A_244] {strides = array<i32>} : memref<96x128xf32, #tpu.memory_space<vmem>>, vector<1x16xf32>,
        %swap3A_246 = vector.shape_cast %swap3A_245 : vector<1x16xf32> to vector<16xf32>
        %swap3A_247 = vector.shape_cast %max3A_242 : vector<16xf32> to vector<1x16xf32>
        tpu.vector_store %arg10[%swap3A_243, %swap3A_244], %swap3A_247 {strides = array<i32>} : memref<96x128xf32, #tpu.memory_space<vmem>>, vector<1x16xf32>,
        %get3A_248 = arith.index_cast %scan3A_226 : i32 to index
        %get3A_249 = arith.constant 32 : index
        %get3A_250 = tpu.vector_load %arg10[%get3A_248, %get3A_249] {strides = array<i32>} : memref<96x128xf32, #tpu.memory_space<vmem>>, vector<1x16xf32>,
        %get3A_251 = vector.shape_cast %get3A_250 : vector<1x16xf32> to vector<16xf32>
        %max3A_252 = arith.constant 0.000000e+00 : f32
        %max3A_253 = vector.broadcast %max3A_252 : f32 to vector<16xf32>
        %max3A_254 = arith.maximumf %get3A_251, %max3A_253 : vector<16xf32>
        %swap3A_255 = arith.index_cast %scan3A_226 : i32 to index
        %swap3A_256 = arith.constant 32 : index
        %swap3A_257 = tpu.vector_load %arg10[%swap3A_255, %swap3A_256] {strides = array<i32>} : memref<96x128xf32, #tpu.memory_space<vmem>>, vector<1x16xf32>,
        %swap3A_258 = vector.shape_cast %swap3A_257 : vector<1x16xf32> to vector<16xf32>
        %swap3A_259 = vector.shape_cast %max3A_254 : vector<16xf32> to vector<1x16xf32>
        tpu.vector_store %arg10[%swap3A_255, %swap3A_256], %swap3A_259 {strides = array<i32>} : memref<96x128xf32, #tpu.memory_space<vmem>>, vector<1x16xf32>,
        %get3A_260 = arith.index_cast %scan3A_226 : i32 to index
        %get3A_261 = arith.constant 48 : index
        %get3A_262 = tpu.vector_load %arg10[%get3A_260, %get3A_261] {strides = array<i32>} : memref<96x128xf32, #tpu.memory_space<vmem>>, vector<1x16xf32>,
        %get3A_263 = vector.shape_cast %get3A_262 : vector<1x16xf32> to vector<16xf32>
        %max3A_264 = arith.constant 0.000000e+00 : f32
        %max3A_265 = vector.broadcast %max3A_264 : f32 to vector<16xf32>
        %max3A_266 = arith.maximumf %get3A_263, %max3A_265 : vector<16xf32>
        %swap3A_267 = arith.index_cast %scan3A_226 : i32 to index
        %swap3A_268 = arith.constant 48 : index
        %swap3A_269 = tpu.vector_load %arg10[%swap3A_267, %swap3A_268] {strides = array<i32>} : memref<96x128xf32, #tpu.memory_space<vmem>>, vector<1x16xf32>,
        %swap3A_270 = vector.shape_cast %swap3A_269 : vector<1x16xf32> to vector<16xf32>
        %swap3A_271 = vector.shape_cast %max3A_266 : vector<16xf32> to vector<1x16xf32>
        tpu.vector_store %arg10[%swap3A_267, %swap3A_268], %swap3A_271 {strides = array<i32>} : memref<96x128xf32, #tpu.memory_space<vmem>>, vector<1x16xf32>,
        %get3A_272 = arith.index_cast %scan3A_226 : i32 to index
        %get3A_273 = arith.constant 64 : index
        %get3A_274 = tpu.vector_load %arg10[%get3A_272, %get3A_273] {strides = array<i32>} : memref<96x128xf32, #tpu.memory_space<vmem>>, vector<1x16xf32>,
        %get3A_275 = vector.shape_cast %get3A_274 : vector<1x16xf32> to vector<16xf32>
        %max3A_276 = arith.constant 0.000000e+00 : f32
        %max3A_277 = vector.broadcast %max3A_276 : f32 to vector<16xf32>
        %max3A_278 = arith.maximumf %get3A_275, %max3A_277 : vector<16xf32>
        %swap3A_279 = arith.index_cast %scan3A_226 : i32 to index
        %swap3A_280 = arith.constant 64 : index
        %swap3A_281 = tpu.vector_load %arg10[%swap3A_279, %swap3A_280] {strides = array<i32>} : memref<96x128xf32, #tpu.memory_space<vmem>>, vector<1x16xf32>,
        %swap3A_282 = vector.shape_cast %swap3A_281 : vector<1x16xf32> to vector<16xf32>
        %swap3A_283 = vector.shape_cast %max3A_278 : vector<16xf32> to vector<1x16xf32>
        tpu.vector_store %arg10[%swap3A_279, %swap3A_280], %swap3A_283 {strides = array<i32>} : memref<96x128xf32, #tpu.memory_space<vmem>>, vector<1x16xf32>,
        %get3A_284 = arith.index_cast %scan3A_226 : i32 to index
        %get3A_285 = arith.constant 80 : index
        %get3A_286 = tpu.vector_load %arg10[%get3A_284, %get3A_285] {strides = array<i32>} : memref<96x128xf32, #tpu.memory_space<vmem>>, vector<1x16xf32>,
        %get3A_287 = vector.shape_cast %get3A_286 : vector<1x16xf32> to vector<16xf32>
        %max3A_288 = arith.constant 0.000000e+00 : f32
        %max3A_289 = vector.broadcast %max3A_288 : f32 to vector<16xf32>
        %max3A_290 = arith.maximumf %get3A_287, %max3A_289 : vector<16xf32>
        %swap3A_291 = arith.index_cast %scan3A_226 : i32 to index
        %swap3A_292 = arith.constant 80 : index
        %swap3A_293 = tpu.vector_load %arg10[%swap3A_291, %swap3A_292] {strides = array<i32>} : memref<96x128xf32, #tpu.memory_space<vmem>>, vector<1x16xf32>,
        %swap3A_294 = vector.shape_cast %swap3A_293 : vector<1x16xf32> to vector<16xf32>
        %swap3A_295 = vector.shape_cast %max3A_290 : vector<16xf32> to vector<1x16xf32>
        tpu.vector_store %arg10[%swap3A_291, %swap3A_292], %swap3A_295 {strides = array<i32>} : memref<96x128xf32, #tpu.memory_space<vmem>>, vector<1x16xf32>,
        %get3A_296 = arith.index_cast %scan3A_226 : i32 to index
        %get3A_297 = arith.constant 96 : index
        %get3A_298 = tpu.vector_load %arg10[%get3A_296, %get3A_297] {strides = array<i32>} : memref<96x128xf32, #tpu.memory_space<vmem>>, vector<1x16xf32>,
        %get3A_299 = vector.shape_cast %get3A_298 : vector<1x16xf32> to vector<16xf32>
        %max3A_300 = arith.constant 0.000000e+00 : f32
        %max3A_301 = vector.broadcast %max3A_300 : f32 to vector<16xf32>
        %max3A_302 = arith.maximumf %get3A_299, %max3A_301 : vector<16xf32>
        %swap3A_303 = arith.index_cast %scan3A_226 : i32 to index
        %swap3A_304 = arith.constant 96 : index
        %swap3A_305 = tpu.vector_load %arg10[%swap3A_303, %swap3A_304] {strides = array<i32>} : memref<96x128xf32, #tpu.memory_space<vmem>>, vector<1x16xf32>,
        %swap3A_306 = vector.shape_cast %swap3A_305 : vector<1x16xf32> to vector<16xf32>
        %swap3A_307 = vector.shape_cast %max3A_302 : vector<16xf32> to vector<1x16xf32>
        tpu.vector_store %arg10[%swap3A_303, %swap3A_304], %swap3A_307 {strides = array<i32>} : memref<96x128xf32, #tpu.memory_space<vmem>>, vector<1x16xf32>,
        %get3A_308 = arith.index_cast %scan3A_226 : i32 to index
        %get3A_309 = arith.constant 112 : index
        %get3A_310 = tpu.vector_load %arg10[%get3A_308, %get3A_309] {strides = array<i32>} : memref<96x128xf32, #tpu.memory_space<vmem>>, vector<1x16xf32>,
        %get3A_311 = vector.shape_cast %get3A_310 : vector<1x16xf32> to vector<16xf32>
        %max3A_312 = arith.constant 0.000000e+00 : f32
        %max3A_313 = vector.broadcast %max3A_312 : f32 to vector<16xf32>
        %max3A_314 = arith.maximumf %get3A_311, %max3A_313 : vector<16xf32>
        %swap3A_315 = arith.index_cast %scan3A_226 : i32 to index
        %swap3A_316 = arith.constant 112 : index
        %swap3A_317 = tpu.vector_load %arg10[%swap3A_315, %swap3A_316] {strides = array<i32>} : memref<96x128xf32, #tpu.memory_space<vmem>>, vector<1x16xf32>,
        %swap3A_318 = vector.shape_cast %swap3A_317 : vector<1x16xf32> to vector<16xf32>
        %swap3A_319 = vector.shape_cast %max3A_314 : vector<16xf32> to vector<1x16xf32>
        tpu.vector_store %arg10[%swap3A_315, %swap3A_316], %swap3A_319 {strides = array<i32>} : memref<96x128xf32, #tpu.memory_space<vmem>>, vector<1x16xf32>,
      }
      %scan3A_156 = arith.constant 96 : i32
      %dma_start3A_157 = arith.constant 1 : i32
      %dma_start3A_158 = arith.constant 0 : i32
      %dma_start3A_159 = tpu.memref_slice %arg7[%dma_start3A_157, %dma_start3A_158] : memref<2x96xi32, #tpu.memory_space<vmem>> -> memref<1x96xi32, #tpu.memory_space<vmem>>
      %dma_start3A_160 = tpu.memref_squeeze %dma_start3A_159 : memref<1x96xi32, #tpu.memory_space<vmem>> -> memref<96xi32, #tpu.memory_space<vmem>>
      %dma_start3A_161 = arith.constant 0 : i32
      %dma_start3A_162 = arith.constant 0 : i32
      %dma_start3A_163 = tpu.memref_slice %arg12[%dma_start3A_161, %dma_start3A_162] : memref<10240x128xf32, #tpu.memory_space<vmem_shared>> -> memref<10240x128xf32, #tpu.memory_space<vmem_shared>>
      tpu.enqueue_indirect_dma source(%arg10 : memref<96x128xf32, #tpu.memory_space<vmem>>) target(%dma_start3A_163 : memref<10240x128xf32, #tpu.memory_space<vmem_shared>>) offsets(%dma_start3A_160 : memref<96xi32, #tpu.memory_space<vmem>>) semaphore(%arg23 : memref<!tpu.dma_semaphore, #tpu.memory_space<semaphore_mem>>) {add = true}
      %ge3A_164 = arith.constant 1 : i32
      %ge3A_165 = arith.cmpi sge, %add3A_143, %ge3A_164 : i32
      %convert_element_type3A_166 = arith.extui %ge3A_165 : i1 to i32
      %cond3A_167 = arith.constant 0 : i32
      %cond3A_168 = arith.cmpi ne, %convert_element_type3A_166, %cond3A_167 : i32
      scf.if %cond3A_168 {
        %dma_wait3A_226 = arith.constant 1 : i32
        %dma_wait3A_227 = arith.constant 0 : i32
        %dma_wait3A_228 = tpu.memref_slice %arg6[%dma_wait3A_226, %dma_wait3A_227] : memref<2x96xi32, #tpu.memory_space<vmem>> -> memref<1x96xi32, #tpu.memory_space<vmem>>
        %dma_wait3A_229 = tpu.memref_squeeze %dma_wait3A_228 : memref<1x96xi32, #tpu.memory_space<vmem>> -> memref<96xi32, #tpu.memory_space<vmem>>
        %dma_wait3A_230 = arith.constant 0 : i32
        %dma_wait3A_231 = arith.constant 0 : i32
        %dma_wait3A_232 = tpu.memref_slice %arg12[%dma_wait3A_230, %dma_wait3A_231] : memref<10240x128xf32, #tpu.memory_space<vmem_shared>> -> memref<10240x128xf32, #tpu.memory_space<vmem_shared>>
        tpu.wait_indirect_dma semaphore(%arg22 : memref<!tpu.dma_semaphore, #tpu.memory_space<semaphore_mem>>) src(%arg9 : memref<96x128xf32, #tpu.memory_space<vmem>>) dst(%dma_wait3A_232 : memref<10240x128xf32, #tpu.memory_space<vmem_shared>>)
      } else {
      }
      %add3A_169 = arith.constant 2 : i32
      %add3A_170 = arith.addi %add3A_143, %add3A_169 : i32
      %lt3A_171 = arith.constant 105 : i32
      %lt3A_172 = arith.cmpi slt, %add3A_170, %lt3A_171 : i32
      %convert_element_type3A_173 = arith.extui %lt3A_172 : i1 to i32
      %cond3A_174 = arith.constant 0 : i32
      %cond3A_175 = arith.cmpi ne, %convert_element_type3A_173, %cond3A_174 : i32
      scf.if %cond3A_175 {
        %add3A_226 = arith.constant 2 : i32
        %add3A_227 = arith.addi %add3A_143, %add3A_226 : i32
        %dma_start3A_228 = arith.constant 0 : i32
        %dma_start3A_229 = arith.constant 0 : i32
        %dma_start3A_230 = tpu.memref_slice %arg4[%add3A, %add3A_227, %dma_start3A_228, %dma_start3A_229] : memref<32x105x2x96xi32, #tpu.memory_space<hbm>> -> memref<1x1x2x96xi32, #tpu.memory_space<hbm>>
        %dma_start3A_231 = tpu.memref_squeeze %dma_start3A_230 : memref<1x1x2x96xi32, #tpu.memory_space<hbm>> -> memref<2x96xi32, #tpu.memory_space<hbm>>
        %dma_start3A_232 = arith.constant 0 : i32
        %dma_start3A_233 = arith.constant 0 : i32
        %dma_start3A_234 = tpu.memref_slice %arg4[%add3A, %add3A_227, %dma_start3A_232, %dma_start3A_233] : memref<32x105x2x96xi32, #tpu.memory_space<hbm>> -> memref<1x1x2x96xi32, #tpu.memory_space<hbm>>
        %dma_start3A_235 = tpu.memref_squeeze %dma_start3A_234 : memref<1x1x2x96xi32, #tpu.memory_space<hbm>> -> memref<2x96xi32, #tpu.memory_space<hbm>>
        tpu.enqueue_dma source(%dma_start3A_235 : memref<2x96xi32, #tpu.memory_space<hbm>>) target(%arg6 : memref<2x96xi32, #tpu.memory_space<vmem>>) target_semaphore(%arg13 : memref<!tpu.dma_semaphore, #tpu.memory_space<semaphore_mem>>)
        %add3A_236 = arith.constant 2 : i32
        %add3A_237 = arith.addi %add3A_143, %add3A_236 : i32
        %mul3A_238 = arith.constant 96 : i32
        %mul3A_239 = arith.muli %add3A_237, %mul3A_238 : i32
        %add3A_240 = arith.addi %mul3A_2, %mul3A_239 : i32
        %dma_start3A_241 = arith.constant 0 : i32
        %dma_start3A_242 = tpu.memref_slice %arg3[%add3A_240, %dma_start3A_241] : memref<322560x128xf32, #tpu.memory_space<hbm>> -> memref<96x128xf32, #tpu.memory_space<hbm>>
        %dma_start3A_243 = arith.constant 0 : i32
        %dma_start3A_244 = tpu.memref_slice %arg3[%add3A_240, %dma_start3A_243] : memref<322560x128xf32, #tpu.memory_space<hbm>> -> memref<96x128xf32, #tpu.memory_space<hbm>>
        tpu.enqueue_dma source(%dma_start3A_244 : memref<96x128xf32, #tpu.memory_space<hbm>>) target(%arg9 : memref<96x128xf32, #tpu.memory_space<vmem>>) target_semaphore(%arg16 : memref<!tpu.dma_semaphore, #tpu.memory_space<semaphore_mem>>)
      } else {
      }
      %add3A_176 = arith.constant 1 : i32
      %add3A_177 = arith.addi %add3A_143, %add3A_176 : i32
      %lt3A_178 = arith.constant 105 : i32
      %lt3A_179 = arith.cmpi slt, %add3A_177, %lt3A_178 : i32
      %convert_element_type3A_180 = arith.extui %lt3A_179 : i1 to i32
      %cond3A_181 = arith.constant 0 : i32
      %cond3A_182 = arith.cmpi ne, %convert_element_type3A_180, %cond3A_181 : i32
      scf.if %cond3A_182 {
        %dma_wait3A_226 = arith.constant 0 : i32
        %dma_wait3A_227 = arith.constant 0 : i32
        %dma_wait3A_228 = arith.constant 0 : i32
        %dma_wait3A_229 = tpu.memref_slice %arg4[%add3A, %dma_wait3A_226, %dma_wait3A_227, %dma_wait3A_228] : memref<32x105x2x96xi32, #tpu.memory_space<hbm>> -> memref<1x1x2x96xi32, #tpu.memory_space<hbm>>
        %dma_wait3A_230 = tpu.memref_squeeze %dma_wait3A_229 : memref<1x1x2x96xi32, #tpu.memory_space<hbm>> -> memref<2x96xi32, #tpu.memory_space<hbm>>
        %dma_wait3A_231 = arith.constant 0 : i32
        %dma_wait3A_232 = arith.constant 0 : i32
        %dma_wait3A_233 = tpu.memref_slice %arg4[%add3A, %dma_wait3A_226, %dma_wait3A_231, %dma_wait3A_232] : memref<32x105x2x96xi32, #tpu.memory_space<hbm>> -> memref<1x1x2x96xi32, #tpu.memory_space<hbm>>
        %dma_wait3A_234 = tpu.memref_squeeze %dma_wait3A_233 : memref<1x1x2x96xi32, #tpu.memory_space<hbm>> -> memref<2x96xi32, #tpu.memory_space<hbm>>
        tpu.wait_dma2 semaphore(%arg15 : memref<!tpu.dma_semaphore, #tpu.memory_space<semaphore_mem>>) src(%dma_wait3A_234 : memref<2x96xi32, #tpu.memory_space<hbm>>) dst(%arg8 : memref<2x96xi32, #tpu.memory_space<vmem>>)
        %dma_wait3A_235 = arith.constant 0 : i32
        %dma_wait3A_236 = tpu.memref_slice %arg3[%mul3A_2, %dma_wait3A_235] : memref<322560x128xf32, #tpu.memory_space<hbm>> -> memref<96x128xf32, #tpu.memory_space<hbm>>
        %dma_wait3A_237 = arith.constant 0 : i32
        %dma_wait3A_238 = tpu.memref_slice %arg3[%mul3A_2, %dma_wait3A_237] : memref<322560x128xf32, #tpu.memory_space<hbm>> -> memref<96x128xf32, #tpu.memory_space<hbm>>
        tpu.wait_dma2 semaphore(%arg18 : memref<!tpu.dma_semaphore, #tpu.memory_space<semaphore_mem>>) src(%dma_wait3A_238 : memref<96x128xf32, #tpu.memory_space<hbm>>) dst(%arg11 : memref<96x128xf32, #tpu.memory_space<vmem>>)
        %dma_start3A_239 = arith.constant 0 : i32
        %dma_start3A_240 = arith.constant 0 : i32
        %dma_start3A_241 = tpu.memref_slice %arg8[%dma_start3A_239, %dma_start3A_240] : memref<2x96xi32, #tpu.memory_space<vmem>> -> memref<1x96xi32, #tpu.memory_space<vmem>>
        %dma_start3A_242 = tpu.memref_squeeze %dma_start3A_241 : memref<1x96xi32, #tpu.memory_space<vmem>> -> memref<96xi32, #tpu.memory_space<vmem>>
        %dma_start3A_243 = arith.constant 0 : i32
        %dma_start3A_244 = arith.constant 0 : i32
        %dma_start3A_245 = tpu.memref_slice %arg2[%dma_start3A_243, %dma_start3A_244] : memref<10240x128xf32, #tpu.memory_space<hbm>> -> memref<10240x128xf32, #tpu.memory_space<hbm>>
        tpu.enqueue_indirect_dma source(%dma_start3A_245 : memref<10240x128xf32, #tpu.memory_space<hbm>>) target(%arg11 : memref<96x128xf32, #tpu.memory_space<vmem>>) offsets(%dma_start3A_242 : memref<96xi32, #tpu.memory_space<vmem>>) semaphore(%arg21 : memref<!tpu.dma_semaphore, #tpu.memory_space<semaphore_mem>>) {add = true}
      } else {
      }
      %mul3A_183 = arith.constant 3 : i32
      %mul3A_184 = arith.muli %mul3A_183, %scan3A_100 : i32
      %add3A_185 = arith.constant 2 : i32
      %add3A_186 = arith.addi %mul3A_184, %add3A_185 : i32
      %dma_wait3A_187 = arith.constant 0 : i32
      %dma_wait3A_188 = arith.constant 0 : i32
      %dma_wait3A_189 = tpu.memref_slice %arg8[%dma_wait3A_187, %dma_wait3A_188] : memref<2x96xi32, #tpu.memory_space<vmem>> -> memref<1x96xi32, #tpu.memory_space<vmem>>
      %dma_wait3A_190 = tpu.memref_squeeze %dma_wait3A_189 : memref<1x96xi32, #tpu.memory_space<vmem>> -> memref<96xi32, #tpu.memory_space<vmem>>
      %dma_wait3A_191 = arith.constant 0 : i32
      %dma_wait3A_192 = arith.constant 0 : i32
      %dma_wait3A_193 = tpu.memref_slice %arg2[%dma_wait3A_191, %dma_wait3A_192] : memref<10240x128xf32, #tpu.memory_space<hbm>> -> memref<10240x128xf32, #tpu.memory_space<hbm>>
      tpu.wait_indirect_dma semaphore(%arg21 : memref<!tpu.dma_semaphore, #tpu.memory_space<semaphore_mem>>) src(%dma_wait3A_193 : memref<10240x128xf32, #tpu.memory_space<hbm>>) dst(%arg11 : memref<96x128xf32, #tpu.memory_space<vmem>>)
      %scan3A_194 = arith.constant 0 : i32
      %scan3A_195 = arith.constant 0 : i32
      %scan3A_196 = arith.constant 96 : i32
      %scan3A_197 = arith.addi %scan3A_195, %scan3A_196 : i32
      %scan3A_198 = arith.constant 1 : i32
      scf.for %scan3A_226 = %scan3A_195 to %scan3A_197 step %scan3A_198  : i32 {
        %get3A = arith.index_cast %scan3A_226 : i32 to index
        %get3A_227 = arith.constant 0 : index
        %get3A_228 = tpu.vector_load %arg11[%get3A, %get3A_227] {strides = array<i32>} : memref<96x128xf32, #tpu.memory_space<vmem>>, vector<1x16xf32>,
        %get3A_229 = vector.shape_cast %get3A_228 : vector<1x16xf32> to vector<16xf32>
        %max3A = arith.constant 0.000000e+00 : f32
        %max3A_230 = vector.broadcast %max3A : f32 to vector<16xf32>
        %max3A_231 = arith.maximumf %get3A_229, %max3A_230 : vector<16xf32>
        %swap3A = arith.index_cast %scan3A_226 : i32 to index
        %swap3A_232 = arith.constant 0 : index
        %swap3A_233 = tpu.vector_load %arg11[%swap3A, %swap3A_232] {strides = array<i32>} : memref<96x128xf32, #tpu.memory_space<vmem>>, vector<1x16xf32>,
        %swap3A_234 = vector.shape_cast %swap3A_233 : vector<1x16xf32> to vector<16xf32>
        %swap3A_235 = vector.shape_cast %max3A_231 : vector<16xf32> to vector<1x16xf32>
        tpu.vector_store %arg11[%swap3A, %swap3A_232], %swap3A_235 {strides = array<i32>} : memref<96x128xf32, #tpu.memory_space<vmem>>, vector<1x16xf32>,
        %get3A_236 = arith.index_cast %scan3A_226 : i32 to index
        %get3A_237 = arith.constant 16 : index
        %get3A_238 = tpu.vector_load %arg11[%get3A_236, %get3A_237] {strides = array<i32>} : memref<96x128xf32, #tpu.memory_space<vmem>>, vector<1x16xf32>,
        %get3A_239 = vector.shape_cast %get3A_238 : vector<1x16xf32> to vector<16xf32>
        %max3A_240 = arith.constant 0.000000e+00 : f32
        %max3A_241 = vector.broadcast %max3A_240 : f32 to vector<16xf32>
        %max3A_242 = arith.maximumf %get3A_239, %max3A_241 : vector<16xf32>
        %swap3A_243 = arith.index_cast %scan3A_226 : i32 to index
        %swap3A_244 = arith.constant 16 : index
        %swap3A_245 = tpu.vector_load %arg11[%swap3A_243, %swap3A_244] {strides = array<i32>} : memref<96x128xf32, #tpu.memory_space<vmem>>, vector<1x16xf32>,
        %swap3A_246 = vector.shape_cast %swap3A_245 : vector<1x16xf32> to vector<16xf32>
        %swap3A_247 = vector.shape_cast %max3A_242 : vector<16xf32> to vector<1x16xf32>
        tpu.vector_store %arg11[%swap3A_243, %swap3A_244], %swap3A_247 {strides = array<i32>} : memref<96x128xf32, #tpu.memory_space<vmem>>, vector<1x16xf32>,
        %get3A_248 = arith.index_cast %scan3A_226 : i32 to index
        %get3A_249 = arith.constant 32 : index
        %get3A_250 = tpu.vector_load %arg11[%get3A_248, %get3A_249] {strides = array<i32>} : memref<96x128xf32, #tpu.memory_space<vmem>>, vector<1x16xf32>,
        %get3A_251 = vector.shape_cast %get3A_250 : vector<1x16xf32> to vector<16xf32>
        %max3A_252 = arith.constant 0.000000e+00 : f32
        %max3A_253 = vector.broadcast %max3A_252 : f32 to vector<16xf32>
        %max3A_254 = arith.maximumf %get3A_251, %max3A_253 : vector<16xf32>
        %swap3A_255 = arith.index_cast %scan3A_226 : i32 to index
        %swap3A_256 = arith.constant 32 : index
        %swap3A_257 = tpu.vector_load %arg11[%swap3A_255, %swap3A_256] {strides = array<i32>} : memref<96x128xf32, #tpu.memory_space<vmem>>, vector<1x16xf32>,
        %swap3A_258 = vector.shape_cast %swap3A_257 : vector<1x16xf32> to vector<16xf32>
        %swap3A_259 = vector.shape_cast %max3A_254 : vector<16xf32> to vector<1x16xf32>
        tpu.vector_store %arg11[%swap3A_255, %swap3A_256], %swap3A_259 {strides = array<i32>} : memref<96x128xf32, #tpu.memory_space<vmem>>, vector<1x16xf32>,
        %get3A_260 = arith.index_cast %scan3A_226 : i32 to index
        %get3A_261 = arith.constant 48 : index
        %get3A_262 = tpu.vector_load %arg11[%get3A_260, %get3A_261] {strides = array<i32>} : memref<96x128xf32, #tpu.memory_space<vmem>>, vector<1x16xf32>,
        %get3A_263 = vector.shape_cast %get3A_262 : vector<1x16xf32> to vector<16xf32>
        %max3A_264 = arith.constant 0.000000e+00 : f32
        %max3A_265 = vector.broadcast %max3A_264 : f32 to vector<16xf32>
        %max3A_266 = arith.maximumf %get3A_263, %max3A_265 : vector<16xf32>
        %swap3A_267 = arith.index_cast %scan3A_226 : i32 to index
        %swap3A_268 = arith.constant 48 : index
        %swap3A_269 = tpu.vector_load %arg11[%swap3A_267, %swap3A_268] {strides = array<i32>} : memref<96x128xf32, #tpu.memory_space<vmem>>, vector<1x16xf32>,
        %swap3A_270 = vector.shape_cast %swap3A_269 : vector<1x16xf32> to vector<16xf32>
        %swap3A_271 = vector.shape_cast %max3A_266 : vector<16xf32> to vector<1x16xf32>
        tpu.vector_store %arg11[%swap3A_267, %swap3A_268], %swap3A_271 {strides = array<i32>} : memref<96x128xf32, #tpu.memory_space<vmem>>, vector<1x16xf32>,
        %get3A_272 = arith.index_cast %scan3A_226 : i32 to index
        %get3A_273 = arith.constant 64 : index
        %get3A_274 = tpu.vector_load %arg11[%get3A_272, %get3A_273] {strides = array<i32>} : memref<96x128xf32, #tpu.memory_space<vmem>>, vector<1x16xf32>,
        %get3A_275 = vector.shape_cast %get3A_274 : vector<1x16xf32> to vector<16xf32>
        %max3A_276 = arith.constant 0.000000e+00 : f32
        %max3A_277 = vector.broadcast %max3A_276 : f32 to vector<16xf32>
        %max3A_278 = arith.maximumf %get3A_275, %max3A_277 : vector<16xf32>
        %swap3A_279 = arith.index_cast %scan3A_226 : i32 to index
        %swap3A_280 = arith.constant 64 : index
        %swap3A_281 = tpu.vector_load %arg11[%swap3A_279, %swap3A_280] {strides = array<i32>} : memref<96x128xf32, #tpu.memory_space<vmem>>, vector<1x16xf32>,
        %swap3A_282 = vector.shape_cast %swap3A_281 : vector<1x16xf32> to vector<16xf32>
        %swap3A_283 = vector.shape_cast %max3A_278 : vector<16xf32> to vector<1x16xf32>
        tpu.vector_store %arg11[%swap3A_279, %swap3A_280], %swap3A_283 {strides = array<i32>} : memref<96x128xf32, #tpu.memory_space<vmem>>, vector<1x16xf32>,
        %get3A_284 = arith.index_cast %scan3A_226 : i32 to index
        %get3A_285 = arith.constant 80 : index
        %get3A_286 = tpu.vector_load %arg11[%get3A_284, %get3A_285] {strides = array<i32>} : memref<96x128xf32, #tpu.memory_space<vmem>>, vector<1x16xf32>,
        %get3A_287 = vector.shape_cast %get3A_286 : vector<1x16xf32> to vector<16xf32>
        %max3A_288 = arith.constant 0.000000e+00 : f32
        %max3A_289 = vector.broadcast %max3A_288 : f32 to vector<16xf32>
        %max3A_290 = arith.maximumf %get3A_287, %max3A_289 : vector<16xf32>
        %swap3A_291 = arith.index_cast %scan3A_226 : i32 to index
        %swap3A_292 = arith.constant 80 : index
        %swap3A_293 = tpu.vector_load %arg11[%swap3A_291, %swap3A_292] {strides = array<i32>} : memref<96x128xf32, #tpu.memory_space<vmem>>, vector<1x16xf32>,
        %swap3A_294 = vector.shape_cast %swap3A_293 : vector<1x16xf32> to vector<16xf32>
        %swap3A_295 = vector.shape_cast %max3A_290 : vector<16xf32> to vector<1x16xf32>
        tpu.vector_store %arg11[%swap3A_291, %swap3A_292], %swap3A_295 {strides = array<i32>} : memref<96x128xf32, #tpu.memory_space<vmem>>, vector<1x16xf32>,
        %get3A_296 = arith.index_cast %scan3A_226 : i32 to index
        %get3A_297 = arith.constant 96 : index
        %get3A_298 = tpu.vector_load %arg11[%get3A_296, %get3A_297] {strides = array<i32>} : memref<96x128xf32, #tpu.memory_space<vmem>>, vector<1x16xf32>,
        %get3A_299 = vector.shape_cast %get3A_298 : vector<1x16xf32> to vector<16xf32>
        %max3A_300 = arith.constant 0.000000e+00 : f32
        %max3A_301 = vector.broadcast %max3A_300 : f32 to vector<16xf32>
        %max3A_302 = arith.maximumf %get3A_299, %max3A_301 : vector<16xf32>
        %swap3A_303 = arith.index_cast %scan3A_226 : i32 to index
        %swap3A_304 = arith.constant 96 : index
        %swap3A_305 = tpu.vector_load %arg11[%swap3A_303, %swap3A_304] {strides = array<i32>} : memref<96x128xf32, #tpu.memory_space<vmem>>, vector<1x16xf32>,
        %swap3A_306 = vector.shape_cast %swap3A_305 : vector<1x16xf32> to vector<16xf32>
        %swap3A_307 = vector.shape_cast %max3A_302 : vector<16xf32> to vector<1x16xf32>
        tpu.vector_store %arg11[%swap3A_303, %swap3A_304], %swap3A_307 {strides = array<i32>} : memref<96x128xf32, #tpu.memory_space<vmem>>, vector<1x16xf32>,
        %get3A_308 = arith.index_cast %scan3A_226 : i32 to index
        %get3A_309 = arith.constant 112 : index
        %get3A_310 = tpu.vector_load %arg11[%get3A_308, %get3A_309] {strides = array<i32>} : memref<96x128xf32, #tpu.memory_space<vmem>>, vector<1x16xf32>,
        %get3A_311 = vector.shape_cast %get3A_310 : vector<1x16xf32> to vector<16xf32>
        %max3A_312 = arith.constant 0.000000e+00 : f32
        %max3A_313 = vector.broadcast %max3A_312 : f32 to vector<16xf32>
        %max3A_314 = arith.maximumf %get3A_311, %max3A_313 : vector<16xf32>
        %swap3A_315 = arith.index_cast %scan3A_226 : i32 to index
        %swap3A_316 = arith.constant 112 : index
        %swap3A_317 = tpu.vector_load %arg11[%swap3A_315, %swap3A_316] {strides = array<i32>} : memref<96x128xf32, #tpu.memory_space<vmem>>, vector<1x16xf32>,
        %swap3A_318 = vector.shape_cast %swap3A_317 : vector<1x16xf32> to vector<16xf32>
        %swap3A_319 = vector.shape_cast %max3A_314 : vector<16xf32> to vector<1x16xf32>
        tpu.vector_store %arg11[%swap3A_315, %swap3A_316], %swap3A_319 {strides = array<i32>} : memref<96x128xf32, #tpu.memory_space<vmem>>, vector<1x16xf32>,
      }
      %scan3A_199 = arith.constant 96 : i32
      %dma_start3A_200 = arith.constant 1 : i32
      %dma_start3A_201 = arith.constant 0 : i32
      %dma_start3A_202 = tpu.memref_slice %arg8[%dma_start3A_200, %dma_start3A_201] : memref<2x96xi32, #tpu.memory_space<vmem>> -> memref<1x96xi32, #tpu.memory_space<vmem>>
      %dma_start3A_203 = tpu.memref_squeeze %dma_start3A_202 : memref<1x96xi32, #tpu.memory_space<vmem>> -> memref<96xi32, #tpu.memory_space<vmem>>
      %dma_start3A_204 = arith.constant 0 : i32
      %dma_start3A_205 = arith.constant 0 : i32
      %dma_start3A_206 = tpu.memref_slice %arg12[%dma_start3A_204, %dma_start3A_205] : memref<10240x128xf32, #tpu.memory_space<vmem_shared>> -> memref<10240x128xf32, #tpu.memory_space<vmem_shared>>
      tpu.enqueue_indirect_dma source(%arg11 : memref<96x128xf32, #tpu.memory_space<vmem>>) target(%dma_start3A_206 : memref<10240x128xf32, #tpu.memory_space<vmem_shared>>) offsets(%dma_start3A_203 : memref<96xi32, #tpu.memory_space<vmem>>) semaphore(%arg24 : memref<!tpu.dma_semaphore, #tpu.memory_space<semaphore_mem>>) {add = true}
      %ge3A_207 = arith.constant 1 : i32
      %ge3A_208 = arith.cmpi sge, %add3A_186, %ge3A_207 : i32
      %convert_element_type3A_209 = arith.extui %ge3A_208 : i1 to i32
      %cond3A_210 = arith.constant 0 : i32
      %cond3A_211 = arith.cmpi ne, %convert_element_type3A_209, %cond3A_210 : i32
      scf.if %cond3A_211 {
        %dma_wait3A_226 = arith.constant 1 : i32
        %dma_wait3A_227 = arith.constant 0 : i32
        %dma_wait3A_228 = tpu.memref_slice %arg7[%dma_wait3A_226, %dma_wait3A_227] : memref<2x96xi32, #tpu.memory_space<vmem>> -> memref<1x96xi32, #tpu.memory_space<vmem>>
        %dma_wait3A_229 = tpu.memref_squeeze %dma_wait3A_228 : memref<1x96xi32, #tpu.memory_space<vmem>> -> memref<96xi32, #tpu.memory_space<vmem>>
        %dma_wait3A_230 = arith.constant 0 : i32
        %dma_wait3A_231 = arith.constant 0 : i32
        %dma_wait3A_232 = tpu.memref_slice %arg12[%dma_wait3A_230, %dma_wait3A_231] : memref<10240x128xf32, #tpu.memory_space<vmem_shared>> -> memref<10240x128xf32, #tpu.memory_space<vmem_shared>>
        tpu.wait_indirect_dma semaphore(%arg23 : memref<!tpu.dma_semaphore, #tpu.memory_space<semaphore_mem>>) src(%arg10 : memref<96x128xf32, #tpu.memory_space<vmem>>) dst(%dma_wait3A_232 : memref<10240x128xf32, #tpu.memory_space<vmem_shared>>)
      } else {
      }
      %add3A_212 = arith.constant 2 : i32
      %add3A_213 = arith.addi %add3A_186, %add3A_212 : i32
      %lt3A_214 = arith.constant 105 : i32
      %lt3A_215 = arith.cmpi slt, %add3A_213, %lt3A_214 : i32
      %convert_element_type3A_216 = arith.extui %lt3A_215 : i1 to i32
      %cond3A_217 = arith.constant 0 : i32
      %cond3A_218 = arith.cmpi ne, %convert_element_type3A_216, %cond3A_217 : i32
      scf.if %cond3A_218 {
        %add3A_226 = arith.constant 2 : i32
        %add3A_227 = arith.addi %add3A_186, %add3A_226 : i32
        %dma_start3A_228 = arith.constant 0 : i32
        %dma_start3A_229 = arith.constant 0 : i32
        %dma_start3A_230 = tpu.memref_slice %arg4[%add3A, %add3A_227, %dma_start3A_228, %dma_start3A_229] : memref<32x105x2x96xi32, #tpu.memory_space<hbm>> -> memref<1x1x2x96xi32, #tpu.memory_space<hbm>>
        %dma_start3A_231 = tpu.memref_squeeze %dma_start3A_230 : memref<1x1x2x96xi32, #tpu.memory_space<hbm>> -> memref<2x96xi32, #tpu.memory_space<hbm>>
        %dma_start3A_232 = arith.constant 0 : i32
        %dma_start3A_233 = arith.constant 0 : i32
        %dma_start3A_234 = tpu.memref_slice %arg4[%add3A, %add3A_227, %dma_start3A_232, %dma_start3A_233] : memref<32x105x2x96xi32, #tpu.memory_space<hbm>> -> memref<1x1x2x96xi32, #tpu.memory_space<hbm>>
        %dma_start3A_235 = tpu.memref_squeeze %dma_start3A_234 : memref<1x1x2x96xi32, #tpu.memory_space<hbm>> -> memref<2x96xi32, #tpu.memory_space<hbm>>
        tpu.enqueue_dma source(%dma_start3A_235 : memref<2x96xi32, #tpu.memory_space<hbm>>) target(%arg7 : memref<2x96xi32, #tpu.memory_space<vmem>>) target_semaphore(%arg14 : memref<!tpu.dma_semaphore, #tpu.memory_space<semaphore_mem>>)
        %add3A_236 = arith.constant 2 : i32
        %add3A_237 = arith.addi %add3A_186, %add3A_236 : i32
        %mul3A_238 = arith.constant 96 : i32
        %mul3A_239 = arith.muli %add3A_237, %mul3A_238 : i32
        %add3A_240 = arith.addi %mul3A_2, %mul3A_239 : i32
        %dma_start3A_241 = arith.constant 0 : i32
        %dma_start3A_242 = tpu.memref_slice %arg3[%add3A_240, %dma_start3A_241] : memref<322560x128xf32, #tpu.memory_space<hbm>> -> memref<96x128xf32, #tpu.memory_space<hbm>>
        %dma_start3A_243 = arith.constant 0 : i32
        %dma_start3A_244 = tpu.memref_slice %arg3[%add3A_240, %dma_start3A_243] : memref<322560x128xf32, #tpu.memory_space<hbm>> -> memref<96x128xf32, #tpu.memory_space<hbm>>
        tpu.enqueue_dma source(%dma_start3A_244 : memref<96x128xf32, #tpu.memory_space<hbm>>) target(%arg10 : memref<96x128xf32, #tpu.memory_space<vmem>>) target_semaphore(%arg17 : memref<!tpu.dma_semaphore, #tpu.memory_space<semaphore_mem>>)
      } else {
      }
      %add3A_219 = arith.constant 1 : i32
      %add3A_220 = arith.addi %add3A_186, %add3A_219 : i32
      %lt3A_221 = arith.constant 105 : i32
      %lt3A_222 = arith.cmpi slt, %add3A_220, %lt3A_221 : i32
      %convert_element_type3A_223 = arith.extui %lt3A_222 : i1 to i32
      %cond3A_224 = arith.constant 0 : i32
      %cond3A_225 = arith.cmpi ne, %convert_element_type3A_223, %cond3A_224 : i32
      scf.if %cond3A_225 {
        %dma_wait3A_226 = arith.constant 0 : i32
        %dma_wait3A_227 = arith.constant 0 : i32
        %dma_wait3A_228 = arith.constant 0 : i32
        %dma_wait3A_229 = tpu.memref_slice %arg4[%add3A, %dma_wait3A_226, %dma_wait3A_227, %dma_wait3A_228] : memref<32x105x2x96xi32, #tpu.memory_space<hbm>> -> memref<1x1x2x96xi32, #tpu.memory_space<hbm>>
        %dma_wait3A_230 = tpu.memref_squeeze %dma_wait3A_229 : memref<1x1x2x96xi32, #tpu.memory_space<hbm>> -> memref<2x96xi32, #tpu.memory_space<hbm>>
        %dma_wait3A_231 = arith.constant 0 : i32
        %dma_wait3A_232 = arith.constant 0 : i32
        %dma_wait3A_233 = tpu.memref_slice %arg4[%add3A, %dma_wait3A_226, %dma_wait3A_231, %dma_wait3A_232] : memref<32x105x2x96xi32, #tpu.memory_space<hbm>> -> memref<1x1x2x96xi32, #tpu.memory_space<hbm>>
        %dma_wait3A_234 = tpu.memref_squeeze %dma_wait3A_233 : memref<1x1x2x96xi32, #tpu.memory_space<hbm>> -> memref<2x96xi32, #tpu.memory_space<hbm>>
        tpu.wait_dma2 semaphore(%arg13 : memref<!tpu.dma_semaphore, #tpu.memory_space<semaphore_mem>>) src(%dma_wait3A_234 : memref<2x96xi32, #tpu.memory_space<hbm>>) dst(%arg6 : memref<2x96xi32, #tpu.memory_space<vmem>>)
        %dma_wait3A_235 = arith.constant 0 : i32
        %dma_wait3A_236 = tpu.memref_slice %arg3[%mul3A_2, %dma_wait3A_235] : memref<322560x128xf32, #tpu.memory_space<hbm>> -> memref<96x128xf32, #tpu.memory_space<hbm>>
        %dma_wait3A_237 = arith.constant 0 : i32
        %dma_wait3A_238 = tpu.memref_slice %arg3[%mul3A_2, %dma_wait3A_237] : memref<322560x128xf32, #tpu.memory_space<hbm>> -> memref<96x128xf32, #tpu.memory_space<hbm>>
        tpu.wait_dma2 semaphore(%arg16 : memref<!tpu.dma_semaphore, #tpu.memory_space<semaphore_mem>>) src(%dma_wait3A_238 : memref<96x128xf32, #tpu.memory_space<hbm>>) dst(%arg9 : memref<96x128xf32, #tpu.memory_space<vmem>>)
        %dma_start3A_239 = arith.constant 0 : i32
        %dma_start3A_240 = arith.constant 0 : i32
        %dma_start3A_241 = tpu.memref_slice %arg6[%dma_start3A_239, %dma_start3A_240] : memref<2x96xi32, #tpu.memory_space<vmem>> -> memref<1x96xi32, #tpu.memory_space<vmem>>
        %dma_start3A_242 = tpu.memref_squeeze %dma_start3A_241 : memref<1x96xi32, #tpu.memory_space<vmem>> -> memref<96xi32, #tpu.memory_space<vmem>>
        %dma_start3A_243 = arith.constant 0 : i32
        %dma_start3A_244 = arith.constant 0 : i32
        %dma_start3A_245 = tpu.memref_slice %arg2[%dma_start3A_243, %dma_start3A_244] : memref<10240x128xf32, #tpu.memory_space<hbm>> -> memref<10240x128xf32, #tpu.memory_space<hbm>>
        tpu.enqueue_indirect_dma source(%dma_start3A_245 : memref<10240x128xf32, #tpu.memory_space<hbm>>) target(%arg9 : memref<96x128xf32, #tpu.memory_space<vmem>>) offsets(%dma_start3A_242 : memref<96xi32, #tpu.memory_space<vmem>>) semaphore(%arg19 : memref<!tpu.dma_semaphore, #tpu.memory_space<semaphore_mem>>) {add = true}
      } else {
      }
    }
    %scan3A_77 = arith.constant 35 : i32
    %dma_wait3A_78 = arith.constant 1 : i32
    %dma_wait3A_79 = arith.constant 0 : i32
    %dma_wait3A_80 = tpu.memref_slice %arg8[%dma_wait3A_78, %dma_wait3A_79] : memref<2x96xi32, #tpu.memory_space<vmem>> -> memref<1x96xi32, #tpu.memory_space<vmem>>
    %dma_wait3A_81 = tpu.memref_squeeze %dma_wait3A_80 : memref<1x96xi32, #tpu.memory_space<vmem>> -> memref<96xi32, #tpu.memory_space<vmem>>
    %dma_wait3A_82 = arith.constant 0 : i32
    %dma_wait3A_83 = arith.constant 0 : i32
    %dma_wait3A_84 = tpu.memref_slice %arg12[%dma_wait3A_82, %dma_wait3A_83] : memref<10240x128xf32, #tpu.memory_space<vmem_shared>> -> memref<10240x128xf32, #tpu.memory_space<vmem_shared>>
    tpu.wait_indirect_dma semaphore(%arg24 : memref<!tpu.dma_semaphore, #tpu.memory_space<semaphore_mem>>) src(%arg11 : memref<96x128xf32, #tpu.memory_space<vmem>>) dst(%dma_wait3A_84 : memref<10240x128xf32, #tpu.memory_space<vmem_shared>>)
    %barrier3A_85 = arith.constant 0 : index
    tpu.barrier barrier_id(%barrier3A_85)
    %add3A_86 = arith.constant 0 : i32
    %add3A_87 = arith.addi %mul3A_9, %add3A_86 : i32
    "tpu.region"() ({
      %run_scoped3A = tpu.sem_alloc : memref<!tpu.dma_semaphore, #tpu.memory_space<semaphore_mem>>
      %dma_start3A_100 = arith.constant 0 : i32
      %dma_start3A_101 = tpu.memref_slice %arg12[%add3A_87, %dma_start3A_100] : memref<10240x128xf32, #tpu.memory_space<vmem_shared>> -> memref<96x128xf32, #tpu.memory_space<vmem_shared>>
      %dma_start3A_102 = arith.constant 0 : i32
      %dma_start3A_103 = tpu.memref_slice %arg12[%add3A_87, %dma_start3A_102] : memref<10240x128xf32, #tpu.memory_space<vmem_shared>> -> memref<96x128xf32, #tpu.memory_space<vmem_shared>>
      tpu.enqueue_dma source(%dma_start3A_103 : memref<96x128xf32, #tpu.memory_space<vmem_shared>>) target(%arg9 : memref<96x128xf32, #tpu.memory_space<vmem>>) target_semaphore(%run_scoped3A : memref<!tpu.dma_semaphore, #tpu.memory_space<semaphore_mem>>)
      %dma_wait3A_104 = arith.constant 0 : i32
      %dma_wait3A_105 = tpu.memref_slice %arg12[%add3A_87, %dma_wait3A_104] : memref<10240x128xf32, #tpu.memory_space<vmem_shared>> -> memref<96x128xf32, #tpu.memory_space<vmem_shared>>
      %dma_wait3A_106 = arith.constant 0 : i32
      %dma_wait3A_107 = tpu.memref_slice %arg12[%add3A_87, %dma_wait3A_106] : memref<10240x128xf32, #tpu.memory_space<vmem_shared>> -> memref<96x128xf32, #tpu.memory_space<vmem_shared>>
      tpu.wait_dma2 semaphore(%run_scoped3A : memref<!tpu.dma_semaphore, #tpu.memory_space<semaphore_mem>>) src(%dma_wait3A_107 : memref<96x128xf32, #tpu.memory_space<vmem_shared>>) dst(%arg9 : memref<96x128xf32, #tpu.memory_space<vmem>>)
      tpu.yield
    }) : () -> ()
    "tpu.region"() ({
      %run_scoped3A = tpu.sem_alloc : memref<!tpu.dma_semaphore, #tpu.memory_space<semaphore_mem>>
      %dma_start3A_100 = arith.constant 0 : i32
      %dma_start3A_101 = tpu.memref_slice %arg5[%arg0, %add3A_87, %dma_start3A_100] : memref<2x10240x128xf32, #tpu.memory_space<hbm>> -> memref<1x96x128xf32, #tpu.memory_space<hbm>>
      %dma_start3A_102 = tpu.memref_squeeze %dma_start3A_101 : memref<1x96x128xf32, #tpu.memory_space<hbm>> -> memref<96x128xf32, #tpu.memory_space<hbm>>
      %dma_start3A_103 = arith.constant 0 : i32
      %dma_start3A_104 = tpu.memref_slice %arg5[%arg0, %add3A_87, %dma_start3A_103] : memref<2x10240x128xf32, #tpu.memory_space<hbm>> -> memref<1x96x128xf32, #tpu.memory_space<hbm>>
      %dma_start3A_105 = tpu.memref_squeeze %dma_start3A_104 : memref<1x96x128xf32, #tpu.memory_space<hbm>> -> memref<96x128xf32, #tpu.memory_space<hbm>>
      tpu.enqueue_dma source(%arg9 : memref<96x128xf32, #tpu.memory_space<vmem>>) target(%dma_start3A_105 : memref<96x128xf32, #tpu.memory_space<hbm>>) target_semaphore(%run_scoped3A : memref<!tpu.dma_semaphore, #tpu.memory_space<semaphore_mem>>)
      %dma_wait3A_106 = arith.constant 0 : i32
      %dma_wait3A_107 = tpu.memref_slice %arg5[%arg0, %add3A_87, %dma_wait3A_106] : memref<2x10240x128xf32, #tpu.memory_space<hbm>> -> memref<1x96x128xf32, #tpu.memory_space<hbm>>
      %dma_wait3A_108 = tpu.memref_squeeze %dma_wait3A_107 : memref<1x96x128xf32, #tpu.memory_space<hbm>> -> memref<96x128xf32, #tpu.memory_space<hbm>>
      %dma_wait3A_109 = arith.constant 0 : i32
      %dma_wait3A_110 = tpu.memref_slice %arg5[%arg0, %add3A_87, %dma_wait3A_109] : memref<2x10240x128xf32, #tpu.memory_space<hbm>> -> memref<1x96x128xf32, #tpu.memory_space<hbm>>
      %dma_wait3A_111 = tpu.memref_squeeze %dma_wait3A_110 : memref<1x96x128xf32, #tpu.memory_space<hbm>> -> memref<96x128xf32, #tpu.memory_space<hbm>>
      tpu.wait_dma2 semaphore(%run_scoped3A : memref<!tpu.dma_semaphore, #tpu.memory_space<semaphore_mem>>) src(%arg9 : memref<96x128xf32, #tpu.memory_space<vmem>>) dst(%dma_wait3A_111 : memref<96x128xf32, #tpu.memory_space<hbm>>)
      tpu.yield
    }) : () -> ()
    %add3A_88 = arith.constant 96 : i32
    %add3A_89 = arith.addi %mul3A_9, %add3A_88 : i32
    "tpu.region"() ({
      %run_scoped3A = tpu.sem_alloc : memref<!tpu.dma_semaphore, #tpu.memory_space<semaphore_mem>>
      %dma_start3A_100 = arith.constant 0 : i32
      %dma_start3A_101 = tpu.memref_slice %arg12[%add3A_89, %dma_start3A_100] : memref<10240x128xf32, #tpu.memory_space<vmem_shared>> -> memref<96x128xf32, #tpu.memory_space<vmem_shared>>
      %dma_start3A_102 = arith.constant 0 : i32
      %dma_start3A_103 = tpu.memref_slice %arg12[%add3A_89, %dma_start3A_102] : memref<10240x128xf32, #tpu.memory_space<vmem_shared>> -> memref<96x128xf32, #tpu.memory_space<vmem_shared>>
      tpu.enqueue_dma source(%dma_start3A_103 : memref<96x128xf32, #tpu.memory_space<vmem_shared>>) target(%arg9 : memref<96x128xf32, #tpu.memory_space<vmem>>) target_semaphore(%run_scoped3A : memref<!tpu.dma_semaphore, #tpu.memory_space<semaphore_mem>>)
      %dma_wait3A_104 = arith.constant 0 : i32
      %dma_wait3A_105 = tpu.memref_slice %arg12[%add3A_89, %dma_wait3A_104] : memref<10240x128xf32, #tpu.memory_space<vmem_shared>> -> memref<96x128xf32, #tpu.memory_space<vmem_shared>>
      %dma_wait3A_106 = arith.constant 0 : i32
      %dma_wait3A_107 = tpu.memref_slice %arg12[%add3A_89, %dma_wait3A_106] : memref<10240x128xf32, #tpu.memory_space<vmem_shared>> -> memref<96x128xf32, #tpu.memory_space<vmem_shared>>
      tpu.wait_dma2 semaphore(%run_scoped3A : memref<!tpu.dma_semaphore, #tpu.memory_space<semaphore_mem>>) src(%dma_wait3A_107 : memref<96x128xf32, #tpu.memory_space<vmem_shared>>) dst(%arg9 : memref<96x128xf32, #tpu.memory_space<vmem>>)
      tpu.yield
    }) : () -> ()
    "tpu.region"() ({
      %run_scoped3A = tpu.sem_alloc : memref<!tpu.dma_semaphore, #tpu.memory_space<semaphore_mem>>
      %dma_start3A_100 = arith.constant 0 : i32
      %dma_start3A_101 = tpu.memref_slice %arg5[%arg0, %add3A_89, %dma_start3A_100] : memref<2x10240x128xf32, #tpu.memory_space<hbm>> -> memref<1x96x128xf32, #tpu.memory_space<hbm>>
      %dma_start3A_102 = tpu.memref_squeeze %dma_start3A_101 : memref<1x96x128xf32, #tpu.memory_space<hbm>> -> memref<96x128xf32, #tpu.memory_space<hbm>>
      %dma_start3A_103 = arith.constant 0 : i32
      %dma_start3A_104 = tpu.memref_slice %arg5[%arg0, %add3A_89, %dma_start3A_103] : memref<2x10240x128xf32, #tpu.memory_space<hbm>> -> memref<1x96x128xf32, #tpu.memory_space<hbm>>
      %dma_start3A_105 = tpu.memref_squeeze %dma_start3A_104 : memref<1x96x128xf32, #tpu.memory_space<hbm>> -> memref<96x128xf32, #tpu.memory_space<hbm>>
      tpu.enqueue_dma source(%arg9 : memref<96x128xf32, #tpu.memory_space<vmem>>) target(%dma_start3A_105 : memref<96x128xf32, #tpu.memory_space<hbm>>) target_semaphore(%run_scoped3A : memref<!tpu.dma_semaphore, #tpu.memory_space<semaphore_mem>>)
      %dma_wait3A_106 = arith.constant 0 : i32
      %dma_wait3A_107 = tpu.memref_slice %arg5[%arg0, %add3A_89, %dma_wait3A_106] : memref<2x10240x128xf32, #tpu.memory_space<hbm>> -> memref<1x96x128xf32, #tpu.memory_space<hbm>>
      %dma_wait3A_108 = tpu.memref_squeeze %dma_wait3A_107 : memref<1x96x128xf32, #tpu.memory_space<hbm>> -> memref<96x128xf32, #tpu.memory_space<hbm>>
      %dma_wait3A_109 = arith.constant 0 : i32
      %dma_wait3A_110 = tpu.memref_slice %arg5[%arg0, %add3A_89, %dma_wait3A_109] : memref<2x10240x128xf32, #tpu.memory_space<hbm>> -> memref<1x96x128xf32, #tpu.memory_space<hbm>>
      %dma_wait3A_111 = tpu.memref_squeeze %dma_wait3A_110 : memref<1x96x128xf32, #tpu.memory_space<hbm>> -> memref<96x128xf32, #tpu.memory_space<hbm>>
      tpu.wait_dma2 semaphore(%run_scoped3A : memref<!tpu.dma_semaphore, #tpu.memory_space<semaphore_mem>>) src(%arg9 : memref<96x128xf32, #tpu.memory_space<vmem>>) dst(%dma_wait3A_111 : memref<96x128xf32, #tpu.memory_space<hbm>>)
      tpu.yield
    }) : () -> ()
    %add3A_90 = arith.constant 192 : i32
    %add3A_91 = arith.addi %mul3A_9, %add3A_90 : i32
    "tpu.region"() ({
      %run_scoped3A = tpu.sem_alloc : memref<!tpu.dma_semaphore, #tpu.memory_space<semaphore_mem>>
      %dma_start3A_100 = arith.constant 0 : i32
      %dma_start3A_101 = tpu.memref_slice %arg12[%add3A_91, %dma_start3A_100] : memref<10240x128xf32, #tpu.memory_space<vmem_shared>> -> memref<96x128xf32, #tpu.memory_space<vmem_shared>>
      %dma_start3A_102 = arith.constant 0 : i32
      %dma_start3A_103 = tpu.memref_slice %arg12[%add3A_91, %dma_start3A_102] : memref<10240x128xf32, #tpu.memory_space<vmem_shared>> -> memref<96x128xf32, #tpu.memory_space<vmem_shared>>
      tpu.enqueue_dma source(%dma_start3A_103 : memref<96x128xf32, #tpu.memory_space<vmem_shared>>) target(%arg9 : memref<96x128xf32, #tpu.memory_space<vmem>>) target_semaphore(%run_scoped3A : memref<!tpu.dma_semaphore, #tpu.memory_space<semaphore_mem>>)
      %dma_wait3A_104 = arith.constant 0 : i32
      %dma_wait3A_105 = tpu.memref_slice %arg12[%add3A_91, %dma_wait3A_104] : memref<10240x128xf32, #tpu.memory_space<vmem_shared>> -> memref<96x128xf32, #tpu.memory_space<vmem_shared>>
      %dma_wait3A_106 = arith.constant 0 : i32
      %dma_wait3A_107 = tpu.memref_slice %arg12[%add3A_91, %dma_wait3A_106] : memref<10240x128xf32, #tpu.memory_space<vmem_shared>> -> memref<96x128xf32, #tpu.memory_space<vmem_shared>>
      tpu.wait_dma2 semaphore(%run_scoped3A : memref<!tpu.dma_semaphore, #tpu.memory_space<semaphore_mem>>) src(%dma_wait3A_107 : memref<96x128xf32, #tpu.memory_space<vmem_shared>>) dst(%arg9 : memref<96x128xf32, #tpu.memory_space<vmem>>)
      tpu.yield
    }) : () -> ()
    "tpu.region"() ({
      %run_scoped3A = tpu.sem_alloc : memref<!tpu.dma_semaphore, #tpu.memory_space<semaphore_mem>>
      %dma_start3A_100 = arith.constant 0 : i32
      %dma_start3A_101 = tpu.memref_slice %arg5[%arg0, %add3A_91, %dma_start3A_100] : memref<2x10240x128xf32, #tpu.memory_space<hbm>> -> memref<1x96x128xf32, #tpu.memory_space<hbm>>
      %dma_start3A_102 = tpu.memref_squeeze %dma_start3A_101 : memref<1x96x128xf32, #tpu.memory_space<hbm>> -> memref<96x128xf32, #tpu.memory_space<hbm>>
      %dma_start3A_103 = arith.constant 0 : i32
      %dma_start3A_104 = tpu.memref_slice %arg5[%arg0, %add3A_91, %dma_start3A_103] : memref<2x10240x128xf32, #tpu.memory_space<hbm>> -> memref<1x96x128xf32, #tpu.memory_space<hbm>>
      %dma_start3A_105 = tpu.memref_squeeze %dma_start3A_104 : memref<1x96x128xf32, #tpu.memory_space<hbm>> -> memref<96x128xf32, #tpu.memory_space<hbm>>
      tpu.enqueue_dma source(%arg9 : memref<96x128xf32, #tpu.memory_space<vmem>>) target(%dma_start3A_105 : memref<96x128xf32, #tpu.memory_space<hbm>>) target_semaphore(%run_scoped3A : memref<!tpu.dma_semaphore, #tpu.memory_space<semaphore_mem>>)
      %dma_wait3A_106 = arith.constant 0 : i32
      %dma_wait3A_107 = tpu.memref_slice %arg5[%arg0, %add3A_91, %dma_wait3A_106] : memref<2x10240x128xf32, #tpu.memory_space<hbm>> -> memref<1x96x128xf32, #tpu.memory_space<hbm>>
      %dma_wait3A_108 = tpu.memref_squeeze %dma_wait3A_107 : memref<1x96x128xf32, #tpu.memory_space<hbm>> -> memref<96x128xf32, #tpu.memory_space<hbm>>
      %dma_wait3A_109 = arith.constant 0 : i32
      %dma_wait3A_110 = tpu.memref_slice %arg5[%arg0, %add3A_91, %dma_wait3A_109] : memref<2x10240x128xf32, #tpu.memory_space<hbm>> -> memref<1x96x128xf32, #tpu.memory_space<hbm>>
      %dma_wait3A_111 = tpu.memref_squeeze %dma_wait3A_110 : memref<1x96x128xf32, #tpu.memory_space<hbm>> -> memref<96x128xf32, #tpu.memory_space<hbm>>
      tpu.wait_dma2 semaphore(%run_scoped3A : memref<!tpu.dma_semaphore, #tpu.memory_space<semaphore_mem>>) src(%arg9 : memref<96x128xf32, #tpu.memory_space<vmem>>) dst(%dma_wait3A_111 : memref<96x128xf32, #tpu.memory_space<hbm>>)
      tpu.yield
    }) : () -> ()
    %add3A_92 = arith.constant 288 : i32
    %add3A_93 = arith.addi %mul3A_9, %add3A_92 : i32
    "tpu.region"() ({
      %run_scoped3A = tpu.sem_alloc : memref<!tpu.dma_semaphore, #tpu.memory_space<semaphore_mem>>
      %dma_start3A_100 = arith.constant 0 : i32
      %dma_start3A_101 = tpu.memref_slice %arg12[%add3A_93, %dma_start3A_100] : memref<10240x128xf32, #tpu.memory_space<vmem_shared>> -> memref<96x128xf32, #tpu.memory_space<vmem_shared>>
      %dma_start3A_102 = arith.constant 0 : i32
      %dma_start3A_103 = tpu.memref_slice %arg12[%add3A_93, %dma_start3A_102] : memref<10240x128xf32, #tpu.memory_space<vmem_shared>> -> memref<96x128xf32, #tpu.memory_space<vmem_shared>>
      tpu.enqueue_dma source(%dma_start3A_103 : memref<96x128xf32, #tpu.memory_space<vmem_shared>>) target(%arg9 : memref<96x128xf32, #tpu.memory_space<vmem>>) target_semaphore(%run_scoped3A : memref<!tpu.dma_semaphore, #tpu.memory_space<semaphore_mem>>)
      %dma_wait3A_104 = arith.constant 0 : i32
      %dma_wait3A_105 = tpu.memref_slice %arg12[%add3A_93, %dma_wait3A_104] : memref<10240x128xf32, #tpu.memory_space<vmem_shared>> -> memref<96x128xf32, #tpu.memory_space<vmem_shared>>
      %dma_wait3A_106 = arith.constant 0 : i32
      %dma_wait3A_107 = tpu.memref_slice %arg12[%add3A_93, %dma_wait3A_106] : memref<10240x128xf32, #tpu.memory_space<vmem_shared>> -> memref<96x128xf32, #tpu.memory_space<vmem_shared>>
      tpu.wait_dma2 semaphore(%run_scoped3A : memref<!tpu.dma_semaphore, #tpu.memory_space<semaphore_mem>>) src(%dma_wait3A_107 : memref<96x128xf32, #tpu.memory_space<vmem_shared>>) dst(%arg9 : memref<96x128xf32, #tpu.memory_space<vmem>>)
      tpu.yield
    }) : () -> ()
    "tpu.region"() ({
      %run_scoped3A = tpu.sem_alloc : memref<!tpu.dma_semaphore, #tpu.memory_space<semaphore_mem>>
      %dma_start3A_100 = arith.constant 0 : i32
      %dma_start3A_101 = tpu.memref_slice %arg5[%arg0, %add3A_93, %dma_start3A_100] : memref<2x10240x128xf32, #tpu.memory_space<hbm>> -> memref<1x96x128xf32, #tpu.memory_space<hbm>>
      %dma_start3A_102 = tpu.memref_squeeze %dma_start3A_101 : memref<1x96x128xf32, #tpu.memory_space<hbm>> -> memref<96x128xf32, #tpu.memory_space<hbm>>
      %dma_start3A_103 = arith.constant 0 : i32
      %dma_start3A_104 = tpu.memref_slice %arg5[%arg0, %add3A_93, %dma_start3A_103] : memref<2x10240x128xf32, #tpu.memory_space<hbm>> -> memref<1x96x128xf32, #tpu.memory_space<hbm>>
      %dma_start3A_105 = tpu.memref_squeeze %dma_start3A_104 : memref<1x96x128xf32, #tpu.memory_space<hbm>> -> memref<96x128xf32, #tpu.memory_space<hbm>>
      tpu.enqueue_dma source(%arg9 : memref<96x128xf32, #tpu.memory_space<vmem>>) target(%dma_start3A_105 : memref<96x128xf32, #tpu.memory_space<hbm>>) target_semaphore(%run_scoped3A : memref<!tpu.dma_semaphore, #tpu.memory_space<semaphore_mem>>)
      %dma_wait3A_106 = arith.constant 0 : i32
      %dma_wait3A_107 = tpu.memref_slice %arg5[%arg0, %add3A_93, %dma_wait3A_106] : memref<2x10240x128xf32, #tpu.memory_space<hbm>> -> memref<1x96x128xf32, #tpu.memory_space<hbm>>
      %dma_wait3A_108 = tpu.memref_squeeze %dma_wait3A_107 : memref<1x96x128xf32, #tpu.memory_space<hbm>> -> memref<96x128xf32, #tpu.memory_space<hbm>>
      %dma_wait3A_109 = arith.constant 0 : i32
      %dma_wait3A_110 = tpu.memref_slice %arg5[%arg0, %add3A_93, %dma_wait3A_109] : memref<2x10240x128xf32, #tpu.memory_space<hbm>> -> memref<1x96x128xf32, #tpu.memory_space<hbm>>
      %dma_wait3A_111 = tpu.memref_squeeze %dma_wait3A_110 : memref<1x96x128xf32, #tpu.memory_space<hbm>> -> memref<96x128xf32, #tpu.memory_space<hbm>>
      tpu.wait_dma2 semaphore(%run_scoped3A : memref<!tpu.dma_semaphore, #tpu.memory_space<semaphore_mem>>) src(%arg9 : memref<96x128xf32, #tpu.memory_space<vmem>>) dst(%dma_wait3A_111 : memref<96x128xf32, #tpu.memory_space<hbm>>)
      tpu.yield
    }) : () -> ()
    %add3A_94 = arith.constant 384 : i32
    %add3A_95 = arith.addi %mul3A_9, %add3A_94 : i32
    "tpu.region"() ({
      %run_scoped3A = tpu.sem_alloc : memref<!tpu.dma_semaphore, #tpu.memory_space<semaphore_mem>>
      %dma_start3A_100 = arith.constant 0 : i32
      %dma_start3A_101 = tpu.memref_slice %arg12[%add3A_95, %dma_start3A_100] : memref<10240x128xf32, #tpu.memory_space<vmem_shared>> -> memref<96x128xf32, #tpu.memory_space<vmem_shared>>
      %dma_start3A_102 = arith.constant 0 : i32
      %dma_start3A_103 = tpu.memref_slice %arg12[%add3A_95, %dma_start3A_102] : memref<10240x128xf32, #tpu.memory_space<vmem_shared>> -> memref<96x128xf32, #tpu.memory_space<vmem_shared>>
      tpu.enqueue_dma source(%dma_start3A_103 : memref<96x128xf32, #tpu.memory_space<vmem_shared>>) target(%arg9 : memref<96x128xf32, #tpu.memory_space<vmem>>) target_semaphore(%run_scoped3A : memref<!tpu.dma_semaphore, #tpu.memory_space<semaphore_mem>>)
      %dma_wait3A_104 = arith.constant 0 : i32
      %dma_wait3A_105 = tpu.memref_slice %arg12[%add3A_95, %dma_wait3A_104] : memref<10240x128xf32, #tpu.memory_space<vmem_shared>> -> memref<96x128xf32, #tpu.memory_space<vmem_shared>>
      %dma_wait3A_106 = arith.constant 0 : i32
      %dma_wait3A_107 = tpu.memref_slice %arg12[%add3A_95, %dma_wait3A_106] : memref<10240x128xf32, #tpu.memory_space<vmem_shared>> -> memref<96x128xf32, #tpu.memory_space<vmem_shared>>
      tpu.wait_dma2 semaphore(%run_scoped3A : memref<!tpu.dma_semaphore, #tpu.memory_space<semaphore_mem>>) src(%dma_wait3A_107 : memref<96x128xf32, #tpu.memory_space<vmem_shared>>) dst(%arg9 : memref<96x128xf32, #tpu.memory_space<vmem>>)
      tpu.yield
    }) : () -> ()
    "tpu.region"() ({
      %run_scoped3A = tpu.sem_alloc : memref<!tpu.dma_semaphore, #tpu.memory_space<semaphore_mem>>
      %dma_start3A_100 = arith.constant 0 : i32
      %dma_start3A_101 = tpu.memref_slice %arg5[%arg0, %add3A_95, %dma_start3A_100] : memref<2x10240x128xf32, #tpu.memory_space<hbm>> -> memref<1x96x128xf32, #tpu.memory_space<hbm>>
      %dma_start3A_102 = tpu.memref_squeeze %dma_start3A_101 : memref<1x96x128xf32, #tpu.memory_space<hbm>> -> memref<96x128xf32, #tpu.memory_space<hbm>>
      %dma_start3A_103 = arith.constant 0 : i32
      %dma_start3A_104 = tpu.memref_slice %arg5[%arg0, %add3A_95, %dma_start3A_103] : memref<2x10240x128xf32, #tpu.memory_space<hbm>> -> memref<1x96x128xf32, #tpu.memory_space<hbm>>
      %dma_start3A_105 = tpu.memref_squeeze %dma_start3A_104 : memref<1x96x128xf32, #tpu.memory_space<hbm>> -> memref<96x128xf32, #tpu.memory_space<hbm>>
      tpu.enqueue_dma source(%arg9 : memref<96x128xf32, #tpu.memory_space<vmem>>) target(%dma_start3A_105 : memref<96x128xf32, #tpu.memory_space<hbm>>) target_semaphore(%run_scoped3A : memref<!tpu.dma_semaphore, #tpu.memory_space<semaphore_mem>>)
      %dma_wait3A_106 = arith.constant 0 : i32
      %dma_wait3A_107 = tpu.memref_slice %arg5[%arg0, %add3A_95, %dma_wait3A_106] : memref<2x10240x128xf32, #tpu.memory_space<hbm>> -> memref<1x96x128xf32, #tpu.memory_space<hbm>>
      %dma_wait3A_108 = tpu.memref_squeeze %dma_wait3A_107 : memref<1x96x128xf32, #tpu.memory_space<hbm>> -> memref<96x128xf32, #tpu.memory_space<hbm>>
      %dma_wait3A_109 = arith.constant 0 : i32
      %dma_wait3A_110 = tpu.memref_slice %arg5[%arg0, %add3A_95, %dma_wait3A_109] : memref<2x10240x128xf32, #tpu.memory_space<hbm>> -> memref<1x96x128xf32, #tpu.memory_space<hbm>>
      %dma_wait3A_111 = tpu.memref_squeeze %dma_wait3A_110 : memref<1x96x128xf32, #tpu.memory_space<hbm>> -> memref<96x128xf32, #tpu.memory_space<hbm>>
      tpu.wait_dma2 semaphore(%run_scoped3A : memref<!tpu.dma_semaphore, #tpu.memory_space<semaphore_mem>>) src(%arg9 : memref<96x128xf32, #tpu.memory_space<vmem>>) dst(%dma_wait3A_111 : memref<96x128xf32, #tpu.memory_space<hbm>>)
      tpu.yield
    }) : () -> ()
    %add3A_96 = arith.constant 480 : i32
    %add3A_97 = arith.addi %mul3A_9, %add3A_96 : i32
    "tpu.region"() ({
      %run_scoped3A = tpu.sem_alloc : memref<!tpu.dma_semaphore, #tpu.memory_space<semaphore_mem>>
      %dma_start3A_100 = arith.constant 0 : i32
      %dma_start3A_101 = tpu.memref_slice %arg12[%add3A_97, %dma_start3A_100] : memref<10240x128xf32, #tpu.memory_space<vmem_shared>> -> memref<96x128xf32, #tpu.memory_space<vmem_shared>>
      %dma_start3A_102 = arith.constant 0 : i32
      %dma_start3A_103 = tpu.memref_slice %arg12[%add3A_97, %dma_start3A_102] : memref<10240x128xf32, #tpu.memory_space<vmem_shared>> -> memref<96x128xf32, #tpu.memory_space<vmem_shared>>
      tpu.enqueue_dma source(%dma_start3A_103 : memref<96x128xf32, #tpu.memory_space<vmem_shared>>) target(%arg9 : memref<96x128xf32, #tpu.memory_space<vmem>>) target_semaphore(%run_scoped3A : memref<!tpu.dma_semaphore, #tpu.memory_space<semaphore_mem>>)
      %dma_wait3A_104 = arith.constant 0 : i32
      %dma_wait3A_105 = tpu.memref_slice %arg12[%add3A_97, %dma_wait3A_104] : memref<10240x128xf32, #tpu.memory_space<vmem_shared>> -> memref<96x128xf32, #tpu.memory_space<vmem_shared>>
      %dma_wait3A_106 = arith.constant 0 : i32
      %dma_wait3A_107 = tpu.memref_slice %arg12[%add3A_97, %dma_wait3A_106] : memref<10240x128xf32, #tpu.memory_space<vmem_shared>> -> memref<96x128xf32, #tpu.memory_space<vmem_shared>>
      tpu.wait_dma2 semaphore(%run_scoped3A : memref<!tpu.dma_semaphore, #tpu.memory_space<semaphore_mem>>) src(%dma_wait3A_107 : memref<96x128xf32, #tpu.memory_space<vmem_shared>>) dst(%arg9 : memref<96x128xf32, #tpu.memory_space<vmem>>)
      tpu.yield
    }) : () -> ()
    "tpu.region"() ({
      %run_scoped3A = tpu.sem_alloc : memref<!tpu.dma_semaphore, #tpu.memory_space<semaphore_mem>>
      %dma_start3A_100 = arith.constant 0 : i32
      %dma_start3A_101 = tpu.memref_slice %arg5[%arg0, %add3A_97, %dma_start3A_100] : memref<2x10240x128xf32, #tpu.memory_space<hbm>> -> memref<1x96x128xf32, #tpu.memory_space<hbm>>
      %dma_start3A_102 = tpu.memref_squeeze %dma_start3A_101 : memref<1x96x128xf32, #tpu.memory_space<hbm>> -> memref<96x128xf32, #tpu.memory_space<hbm>>
      %dma_start3A_103 = arith.constant 0 : i32
      %dma_start3A_104 = tpu.memref_slice %arg5[%arg0, %add3A_97, %dma_start3A_103] : memref<2x10240x128xf32, #tpu.memory_space<hbm>> -> memref<1x96x128xf32, #tpu.memory_space<hbm>>
      %dma_start3A_105 = tpu.memref_squeeze %dma_start3A_104 : memref<1x96x128xf32, #tpu.memory_space<hbm>> -> memref<96x128xf32, #tpu.memory_space<hbm>>
      tpu.enqueue_dma source(%arg9 : memref<96x128xf32, #tpu.memory_space<vmem>>) target(%dma_start3A_105 : memref<96x128xf32, #tpu.memory_space<hbm>>) target_semaphore(%run_scoped3A : memref<!tpu.dma_semaphore, #tpu.memory_space<semaphore_mem>>)
      %dma_wait3A_106 = arith.constant 0 : i32
      %dma_wait3A_107 = tpu.memref_slice %arg5[%arg0, %add3A_97, %dma_wait3A_106] : memref<2x10240x128xf32, #tpu.memory_space<hbm>> -> memref<1x96x128xf32, #tpu.memory_space<hbm>>
      %dma_wait3A_108 = tpu.memref_squeeze %dma_wait3A_107 : memref<1x96x128xf32, #tpu.memory_space<hbm>> -> memref<96x128xf32, #tpu.memory_space<hbm>>
      %dma_wait3A_109 = arith.constant 0 : i32
      %dma_wait3A_110 = tpu.memref_slice %arg5[%arg0, %add3A_97, %dma_wait3A_109] : memref<2x10240x128xf32, #tpu.memory_space<hbm>> -> memref<1x96x128xf32, #tpu.memory_space<hbm>>
      %dma_wait3A_111 = tpu.memref_squeeze %dma_wait3A_110 : memref<1x96x128xf32, #tpu.memory_space<hbm>> -> memref<96x128xf32, #tpu.memory_space<hbm>>
      tpu.wait_dma2 semaphore(%run_scoped3A : memref<!tpu.dma_semaphore, #tpu.memory_space<semaphore_mem>>) src(%arg9 : memref<96x128xf32, #tpu.memory_space<vmem>>) dst(%dma_wait3A_111 : memref<96x128xf32, #tpu.memory_space<hbm>>)
      tpu.yield
    }) : () -> ()
    %add3A_98 = arith.constant 576 : i32
    %add3A_99 = arith.addi %mul3A_9, %add3A_98 : i32
    "tpu.region"() ({
      %run_scoped3A = tpu.sem_alloc : memref<!tpu.dma_semaphore, #tpu.memory_space<semaphore_mem>>
      %dma_start3A_100 = arith.constant 0 : i32
      %dma_start3A_101 = arith.constant 0 : i32
      %dma_start3A_102 = tpu.memref_slice %arg9[%dma_start3A_100, %dma_start3A_101] : memref<96x128xf32, #tpu.memory_space<vmem>> -> memref<64x128xf32, #tpu.memory_space<vmem>>
      %dma_start3A_103 = arith.constant 0 : i32
      %dma_start3A_104 = tpu.memref_slice %arg12[%add3A_99, %dma_start3A_103] : memref<10240x128xf32, #tpu.memory_space<vmem_shared>> -> memref<64x128xf32, #tpu.memory_space<vmem_shared>>
      %dma_start3A_105 = arith.constant 0 : i32
      %dma_start3A_106 = arith.constant 0 : i32
      %dma_start3A_107 = tpu.memref_slice %arg9[%dma_start3A_105, %dma_start3A_106] : memref<96x128xf32, #tpu.memory_space<vmem>> -> memref<64x128xf32, #tpu.memory_space<vmem>>
      %dma_start3A_108 = arith.constant 0 : i32
      %dma_start3A_109 = tpu.memref_slice %arg12[%add3A_99, %dma_start3A_108] : memref<10240x128xf32, #tpu.memory_space<vmem_shared>> -> memref<64x128xf32, #tpu.memory_space<vmem_shared>>
      tpu.enqueue_dma source(%dma_start3A_109 : memref<64x128xf32, #tpu.memory_space<vmem_shared>>) target(%dma_start3A_107 : memref<64x128xf32, #tpu.memory_space<vmem>>) target_semaphore(%run_scoped3A : memref<!tpu.dma_semaphore, #tpu.memory_space<semaphore_mem>>)
      %dma_wait3A_110 = arith.constant 0 : i32
      %dma_wait3A_111 = arith.constant 0 : i32
      %dma_wait3A_112 = tpu.memref_slice %arg9[%dma_wait3A_110, %dma_wait3A_111] : memref<96x128xf32, #tpu.memory_space<vmem>> -> memref<64x128xf32, #tpu.memory_space<vmem>>
      %dma_wait3A_113 = arith.constant 0 : i32
      %dma_wait3A_114 = tpu.memref_slice %arg12[%add3A_99, %dma_wait3A_113] : memref<10240x128xf32, #tpu.memory_space<vmem_shared>> -> memref<64x128xf32, #tpu.memory_space<vmem_shared>>
      %dma_wait3A_115 = arith.constant 0 : i32
      %dma_wait3A_116 = arith.constant 0 : i32
      %dma_wait3A_117 = tpu.memref_slice %arg9[%dma_wait3A_115, %dma_wait3A_116] : memref<96x128xf32, #tpu.memory_space<vmem>> -> memref<64x128xf32, #tpu.memory_space<vmem>>
      %dma_wait3A_118 = arith.constant 0 : i32
      %dma_wait3A_119 = tpu.memref_slice %arg12[%add3A_99, %dma_wait3A_118] : memref<10240x128xf32, #tpu.memory_space<vmem_shared>> -> memref<64x128xf32, #tpu.memory_space<vmem_shared>>
      tpu.wait_dma2 semaphore(%run_scoped3A : memref<!tpu.dma_semaphore, #tpu.memory_space<semaphore_mem>>) src(%dma_wait3A_119 : memref<64x128xf32, #tpu.memory_space<vmem_shared>>) dst(%dma_wait3A_117 : memref<64x128xf32, #tpu.memory_space<vmem>>)
      tpu.yield
    }) : () -> ()
    "tpu.region"() ({
      %run_scoped3A = tpu.sem_alloc : memref<!tpu.dma_semaphore, #tpu.memory_space<semaphore_mem>>
      %dma_start3A_100 = arith.constant 0 : i32
      %dma_start3A_101 = arith.constant 0 : i32
      %dma_start3A_102 = tpu.memref_slice %arg9[%dma_start3A_100, %dma_start3A_101] : memref<96x128xf32, #tpu.memory_space<vmem>> -> memref<64x128xf32, #tpu.memory_space<vmem>>
      %dma_start3A_103 = arith.constant 0 : i32
      %dma_start3A_104 = tpu.memref_slice %arg5[%arg0, %add3A_99, %dma_start3A_103] : memref<2x10240x128xf32, #tpu.memory_space<hbm>> -> memref<1x64x128xf32, #tpu.memory_space<hbm>>
      %dma_start3A_105 = tpu.memref_squeeze %dma_start3A_104 : memref<1x64x128xf32, #tpu.memory_space<hbm>> -> memref<64x128xf32, #tpu.memory_space<hbm>>
      %dma_start3A_106 = arith.constant 0 : i32
      %dma_start3A_107 = tpu.memref_slice %arg5[%arg0, %add3A_99, %dma_start3A_106] : memref<2x10240x128xf32, #tpu.memory_space<hbm>> -> memref<1x64x128xf32, #tpu.memory_space<hbm>>
      %dma_start3A_108 = tpu.memref_squeeze %dma_start3A_107 : memref<1x64x128xf32, #tpu.memory_space<hbm>> -> memref<64x128xf32, #tpu.memory_space<hbm>>
      %dma_start3A_109 = arith.constant 0 : i32
      %dma_start3A_110 = arith.constant 0 : i32
      %dma_start3A_111 = tpu.memref_slice %arg9[%dma_start3A_109, %dma_start3A_110] : memref<96x128xf32, #tpu.memory_space<vmem>> -> memref<64x128xf32, #tpu.memory_space<vmem>>
      tpu.enqueue_dma source(%dma_start3A_111 : memref<64x128xf32, #tpu.memory_space<vmem>>) target(%dma_start3A_108 : memref<64x128xf32, #tpu.memory_space<hbm>>) target_semaphore(%run_scoped3A : memref<!tpu.dma_semaphore, #tpu.memory_space<semaphore_mem>>)
      %dma_wait3A_112 = arith.constant 0 : i32
      %dma_wait3A_113 = arith.constant 0 : i32
      %dma_wait3A_114 = tpu.memref_slice %arg9[%dma_wait3A_112, %dma_wait3A_113] : memref<96x128xf32, #tpu.memory_space<vmem>> -> memref<64x128xf32, #tpu.memory_space<vmem>>
      %dma_wait3A_115 = arith.constant 0 : i32
      %dma_wait3A_116 = tpu.memref_slice %arg5[%arg0, %add3A_99, %dma_wait3A_115] : memref<2x10240x128xf32, #tpu.memory_space<hbm>> -> memref<1x64x128xf32, #tpu.memory_space<hbm>>
      %dma_wait3A_117 = tpu.memref_squeeze %dma_wait3A_116 : memref<1x64x128xf32, #tpu.memory_space<hbm>> -> memref<64x128xf32, #tpu.memory_space<hbm>>
      %dma_wait3A_118 = arith.constant 0 : i32
      %dma_wait3A_119 = tpu.memref_slice %arg5[%arg0, %add3A_99, %dma_wait3A_118] : memref<2x10240x128xf32, #tpu.memory_space<hbm>> -> memref<1x64x128xf32, #tpu.memory_space<hbm>>
      %dma_wait3A_120 = tpu.memref_squeeze %dma_wait3A_119 : memref<1x64x128xf32, #tpu.memory_space<hbm>> -> memref<64x128xf32, #tpu.memory_space<hbm>>
      %dma_wait3A_121 = arith.constant 0 : i32
      %dma_wait3A_122 = arith.constant 0 : i32
      %dma_wait3A_123 = tpu.memref_slice %arg9[%dma_wait3A_121, %dma_wait3A_122] : memref<96x128xf32, #tpu.memory_space<vmem>> -> memref<64x128xf32, #tpu.memory_space<vmem>>
      tpu.wait_dma2 semaphore(%run_scoped3A : memref<!tpu.dma_semaphore, #tpu.memory_space<semaphore_mem>>) src(%dma_wait3A_123 : memref<64x128xf32, #tpu.memory_space<vmem>>) dst(%dma_wait3A_120 : memref<64x128xf32, #tpu.memory_space<hbm>>)
      tpu.yield
    }) : () -> ()
    return
  }
}

module attributes {stable_mosaic.version = 14 : i64} {
  func.func @_mm_bias_body(%arg0: i32, %arg1: memref<2520x16xf32, #tpu.memory_space<vmem>>, %arg2: memref<16x128xf32, #tpu.memory_space<vmem>>, %arg3: memref<1x128xf32, #tpu.memory_space<vmem>>, %arg4: memref<2520x128xf32, #tpu.memory_space<vmem>>) attributes {dimension_semantics = [#tpu.dimension_semantics<arbitrary>], iteration_bounds = array<i64: 128>, scalar_prefetch = 0 : i64, scratch_operands = 0 : i64, tpu.core_type = #tpu.core_type<tc>, window_params = [{transform_indices = @transform_0, window_bounds = array<i64: 2520, 16>}, {pipeline_mode = #tpu.pipeline_mode<synchronous>, transform_indices = @transform_1, window_bounds = array<i64: 16, 128>}, {pipeline_mode = #tpu.pipeline_mode<synchronous>, transform_indices = @transform_2, window_bounds = array<i64: 1, 128>}, {transform_indices = @transform_3, window_bounds = array<i64: 2520, 128>}]} {
    %get3A = arith.constant 0 : index
    %get3A_0 = arith.constant 0 : index
    %get3A_1 = vector.load %arg1[%get3A, %get3A_0] : memref<2520x16xf32, #tpu.memory_space<vmem>>, vector<2520x16xf32>
    %get3A_2 = arith.constant 0 : index
    %get3A_3 = arith.constant 0 : index
    %get3A_4 = vector.load %arg2[%get3A_2, %get3A_3] : memref<16x128xf32, #tpu.memory_space<vmem>>, vector<16x128xf32>
    %dot_general3A = arith.constant dense<0.000000e+00> : vector<2520x128xf32>
    %dot_general3A_5 = tpu.matmul %get3A_1, %get3A_4, %dot_general3A {dimension_numbers = #tpu.dot_dimension_numbers<[1], [0], [0], [1], [0, 0, 1, 1], [], []>, transpose_lhs_hint = false} : vector<2520x16xf32>, vector<16x128xf32>, vector<2520x128xf32> -> vector<2520x128xf32>
    %get3A_6 = arith.constant 0 : index
    %get3A_7 = arith.constant 0 : index
    %get3A_8 = vector.load %arg3[%get3A_6, %get3A_7] : memref<1x128xf32, #tpu.memory_space<vmem>>, vector<1x128xf32>
    %add3A = vector.broadcast %get3A_8 : vector<1x128xf32> to vector<2520x128xf32>
    %add3A_9 = arith.addf %dot_general3A_5, %add3A : vector<2520x128xf32>
    %swap3A = arith.constant 0 : index
    %swap3A_10 = arith.constant 0 : index
    %swap3A_11 = vector.load %arg4[%swap3A, %swap3A_10] : memref<2520x128xf32, #tpu.memory_space<vmem>>, vector<2520x128xf32>
    tpu.vector_store %arg4[%swap3A, %swap3A_10], %add3A_9 {strides = array<i32>} : memref<2520x128xf32, #tpu.memory_space<vmem>>, vector<2520x128xf32>,
    return
  }
  func.func @transform_0(%arg0: i32) -> (i32, i32) {
    %c0_i32 = arith.constant 0 : i32
    %c0_i32_0 = arith.constant 0 : i32
    return %arg0, %c0_i32 : i32, i32
  }
  func.func @transform_1(%arg0: i32) -> (i32, i32) {
    %c0_i32 = arith.constant 0 : i32
    %c0_i32_0 = arith.constant 0 : i32
    %c0_i32_1 = arith.constant 0 : i32
    return %c0_i32, %c0_i32_0 : i32, i32
  }
  func.func @transform_2(%arg0: i32) -> (i32, i32) {
    %c0_i32 = arith.constant 0 : i32
    %c0_i32_0 = arith.constant 0 : i32
    %c0_i32_1 = arith.constant 0 : i32
    return %c0_i32, %c0_i32_0 : i32, i32
  }
  func.func @transform_3(%arg0: i32) -> (i32, i32) {
    %c0_i32 = arith.constant 0 : i32
    %c0_i32_0 = arith.constant 0 : i32
    return %arg0, %c0_i32 : i32, i32
  }
}

module attributes {stable_mosaic.version = 14 : i64} {
  func.func @_mm_bias_body(%arg0: i32, %arg1: memref<2048x128xf32, #tpu.memory_space<vmem>>, %arg2: memref<128x128xf32, #tpu.memory_space<vmem>>, %arg3: memref<1x128xf32, #tpu.memory_space<vmem>>, %arg4: memref<2048x128xf32, #tpu.memory_space<vmem>>) attributes {dimension_semantics = [#tpu.dimension_semantics<arbitrary>], iteration_bounds = array<i64: 5>, scalar_prefetch = 0 : i64, scratch_operands = 0 : i64, tpu.core_type = #tpu.core_type<tc>, window_params = [{transform_indices = @transform_0, window_bounds = array<i64: 2048, 128>}, {pipeline_mode = #tpu.pipeline_mode<synchronous>, transform_indices = @transform_1, window_bounds = array<i64: 128, 128>}, {pipeline_mode = #tpu.pipeline_mode<synchronous>, transform_indices = @transform_2, window_bounds = array<i64: 1, 128>}, {transform_indices = @transform_3, window_bounds = array<i64: 2048, 128>}]} {
    %get3A = arith.constant 0 : index
    %get3A_0 = arith.constant 0 : index
    %get3A_1 = vector.load %arg1[%get3A, %get3A_0] : memref<2048x128xf32, #tpu.memory_space<vmem>>, vector<2048x128xf32>
    %get3A_2 = arith.constant 0 : index
    %get3A_3 = arith.constant 0 : index
    %get3A_4 = vector.load %arg2[%get3A_2, %get3A_3] : memref<128x128xf32, #tpu.memory_space<vmem>>, vector<128x128xf32>
    %dot_general3A = arith.constant dense<0.000000e+00> : vector<2048x128xf32>
    %dot_general3A_5 = tpu.matmul %get3A_1, %get3A_4, %dot_general3A {dimension_numbers = #tpu.dot_dimension_numbers<[1], [0], [0], [1], [0, 0, 1, 1], [], []>, transpose_lhs_hint = false} : vector<2048x128xf32>, vector<128x128xf32>, vector<2048x128xf32> -> vector<2048x128xf32>
    %get3A_6 = arith.constant 0 : index
    %get3A_7 = arith.constant 0 : index
    %get3A_8 = vector.load %arg3[%get3A_6, %get3A_7] : memref<1x128xf32, #tpu.memory_space<vmem>>, vector<1x128xf32>
    %add3A = vector.broadcast %get3A_8 : vector<1x128xf32> to vector<2048x128xf32>
    %add3A_9 = arith.addf %dot_general3A_5, %add3A : vector<2048x128xf32>
    %swap3A = arith.constant 0 : index
    %swap3A_10 = arith.constant 0 : index
    %swap3A_11 = vector.load %arg4[%swap3A, %swap3A_10] : memref<2048x128xf32, #tpu.memory_space<vmem>>, vector<2048x128xf32>
    tpu.vector_store %arg4[%swap3A, %swap3A_10], %add3A_9 {strides = array<i32>} : memref<2048x128xf32, #tpu.memory_space<vmem>>, vector<2048x128xf32>,
    return
  }
  func.func @transform_0(%arg0: i32) -> (i32, i32) {
    %c0_i32 = arith.constant 0 : i32
    %c0_i32_0 = arith.constant 0 : i32
    return %arg0, %c0_i32 : i32, i32
  }
  func.func @transform_1(%arg0: i32) -> (i32, i32) {
    %c0_i32 = arith.constant 0 : i32
    %c0_i32_0 = arith.constant 0 : i32
    %c0_i32_1 = arith.constant 0 : i32
    return %c0_i32, %c0_i32_0 : i32, i32
  }
  func.func @transform_2(%arg0: i32) -> (i32, i32) {
    %c0_i32 = arith.constant 0 : i32
    %c0_i32_0 = arith.constant 0 : i32
    %c0_i32_1 = arith.constant 0 : i32
    return %c0_i32, %c0_i32_0 : i32, i32
  }
  func.func @transform_3(%arg0: i32) -> (i32, i32) {
    %c0_i32 = arith.constant 0 : i32
    %c0_i32_0 = arith.constant 0 : i32
    return %arg0, %c0_i32 : i32, i32
  }
}

module attributes {stable_mosaic.version = 14 : i64} {
  func.func @_update_pool_body(%arg0: i32, %arg1: memref<2048x128xf32, #tpu.memory_space<vmem>>, %arg2: memref<2048x128xf32, #tpu.memory_space<vmem>>, %arg3: memref<2048x128xf32, #tpu.memory_space<vmem>>, %arg4: memref<128x128xf32, #tpu.memory_space<vmem>>, %arg5: memref<128x128xf32, #tpu.memory_space<vmem>>, %arg6: memref<1x128xf32, #tpu.memory_space<vmem>>, %arg7: memref<2048x1xi32, #tpu.memory_space<vmem>>, %arg8: memref<2048x128xf32, #tpu.memory_space<vmem>>, %arg9: memref<64x128xf32, #tpu.memory_space<vmem>>) attributes {dimension_semantics = [#tpu.dimension_semantics<arbitrary>], iteration_bounds = array<i64: 5>, scalar_prefetch = 0 : i64, scratch_operands = 0 : i64, tpu.core_type = #tpu.core_type<tc>, window_params = [{transform_indices = @transform_0, window_bounds = array<i64: 2048, 128>}, {transform_indices = @transform_1, window_bounds = array<i64: 2048, 128>}, {transform_indices = @transform_2, window_bounds = array<i64: 2048, 128>}, {pipeline_mode = #tpu.pipeline_mode<synchronous>, transform_indices = @transform_3, window_bounds = array<i64: 128, 128>}, {pipeline_mode = #tpu.pipeline_mode<synchronous>, transform_indices = @transform_4, window_bounds = array<i64: 128, 128>}, {pipeline_mode = #tpu.pipeline_mode<synchronous>, transform_indices = @transform_5, window_bounds = array<i64: 1, 128>}, {transform_indices = @transform_6, window_bounds = array<i64: 2048, 1>}, {transform_indices = @transform_7, window_bounds = array<i64: 2048, 128>}, {pipeline_mode = #tpu.pipeline_mode<synchronous>, transform_indices = @transform_8, window_bounds = array<i64: 64, 128>}]} {
    %get3A = arith.constant 0 : index
    %get3A_0 = arith.constant 0 : index
    %get3A_1 = vector.load %arg1[%get3A, %get3A_0] : memref<2048x128xf32, #tpu.memory_space<vmem>>, vector<2048x128xf32>
    %get3A_2 = arith.constant 0 : index
    %get3A_3 = arith.constant 0 : index
    %get3A_4 = vector.load %arg2[%get3A_2, %get3A_3] : memref<2048x128xf32, #tpu.memory_space<vmem>>, vector<2048x128xf32>
    %add3A = arith.addf %get3A_1, %get3A_4 : vector<2048x128xf32>
    %get3A_5 = arith.constant 0 : index
    %get3A_6 = arith.constant 0 : index
    %get3A_7 = vector.load %arg4[%get3A_5, %get3A_6] : memref<128x128xf32, #tpu.memory_space<vmem>>, vector<128x128xf32>
    %dot_general3A = arith.constant dense<0.000000e+00> : vector<2048x128xf32>
    %dot_general3A_8 = tpu.matmul %add3A, %get3A_7, %dot_general3A {dimension_numbers = #tpu.dot_dimension_numbers<[1], [0], [0], [1], [0, 0, 1, 1], [], []>, transpose_lhs_hint = false} : vector<2048x128xf32>, vector<128x128xf32>, vector<2048x128xf32> -> vector<2048x128xf32>
    %get3A_9 = arith.constant 0 : index
    %get3A_10 = arith.constant 0 : index
    %get3A_11 = vector.load %arg3[%get3A_9, %get3A_10] : memref<2048x128xf32, #tpu.memory_space<vmem>>, vector<2048x128xf32>
    %get3A_12 = arith.constant 0 : index
    %get3A_13 = arith.constant 0 : index
    %get3A_14 = vector.load %arg5[%get3A_12, %get3A_13] : memref<128x128xf32, #tpu.memory_space<vmem>>, vector<128x128xf32>
    %dot_general3A_15 = arith.constant dense<0.000000e+00> : vector<2048x128xf32>
    %dot_general3A_16 = tpu.matmul %get3A_11, %get3A_14, %dot_general3A_15 {dimension_numbers = #tpu.dot_dimension_numbers<[1], [0], [0], [1], [0, 0, 1, 1], [], []>, transpose_lhs_hint = false} : vector<2048x128xf32>, vector<128x128xf32>, vector<2048x128xf32> -> vector<2048x128xf32>
    %add3A_17 = arith.addf %dot_general3A_8, %dot_general3A_16 : vector<2048x128xf32>
    %get3A_18 = arith.constant 0 : index
    %get3A_19 = arith.constant 0 : index
    %get3A_20 = vector.load %arg6[%get3A_18, %get3A_19] : memref<1x128xf32, #tpu.memory_space<vmem>>, vector<1x128xf32>
    %add3A_21 = vector.broadcast %get3A_20 : vector<1x128xf32> to vector<2048x128xf32>
    %add3A_22 = arith.addf %add3A_17, %add3A_21 : vector<2048x128xf32>
    %max3A = arith.constant 0.000000e+00 : f32
    %max3A_23 = vector.broadcast %max3A : f32 to vector<2048x128xf32>
    %max3A_24 = arith.maximumf %add3A_22, %max3A_23 : vector<2048x128xf32>
    %swap3A = arith.constant 0 : index
    %swap3A_25 = arith.constant 0 : index
    %swap3A_26 = vector.load %arg8[%swap3A, %swap3A_25] : memref<2048x128xf32, #tpu.memory_space<vmem>>, vector<2048x128xf32>
    tpu.vector_store %arg8[%swap3A, %swap3A_25], %max3A_24 {strides = array<i32>} : memref<2048x128xf32, #tpu.memory_space<vmem>>, vector<2048x128xf32>,
    %eq3A = arith.constant 0 : i32
    %eq3A_27 = arith.cmpi eq, %arg0, %eq3A : i32
    %convert_element_type3A = arith.extui %eq3A_27 : i1 to i32
    %cond3A = arith.constant 0 : i32
    %cond3A_28 = arith.cmpi ne, %convert_element_type3A, %cond3A : i32
    scf.if %cond3A_28 {
      %broadcast_in_dim3A = arith.constant 0.000000e+00 : f32
      %broadcast_in_dim3A_45 = vector.broadcast %broadcast_in_dim3A : f32 to vector<64x128xf32>
      %swap3A_46 = arith.constant 0 : index
      %swap3A_47 = arith.constant 0 : index
      %swap3A_48 = vector.load %arg9[%swap3A_46, %swap3A_47] : memref<64x128xf32, #tpu.memory_space<vmem>>, vector<64x128xf32>
      tpu.vector_store %arg9[%swap3A_46, %swap3A_47], %broadcast_in_dim3A_45 {strides = array<i32>} : memref<64x128xf32, #tpu.memory_space<vmem>>, vector<64x128xf32>,
    } else {
    }
    %iota3A = tpu.iota {dimensions = array<i32: 1>} : vector<2048x64xi32>
    %get3A_29 = arith.constant 0 : index
    %get3A_30 = arith.constant 0 : index
    %get3A_31 = vector.load %arg7[%get3A_29, %get3A_30] : memref<2048x1xi32, #tpu.memory_space<vmem>>, vector<2048x1xi32>
    %eq3A_32 = vector.broadcast %get3A_31 : vector<2048x1xi32> to vector<2048x64xi32>
    %eq3A_33 = arith.cmpi eq, %eq3A_32, %iota3A : vector<2048x64xi32>
    %convert_element_type3A_34 = arith.extui %eq3A_33 : vector<2048x64xi1> to vector<2048x64xi32>
    %convert_element_type3A_35 = arith.sitofp %convert_element_type3A_34 : vector<2048x64xi32> to vector<2048x64xf32>
    %get3A_36 = arith.constant 0 : index
    %get3A_37 = arith.constant 0 : index
    %get3A_38 = vector.load %arg9[%get3A_36, %get3A_37] : memref<64x128xf32, #tpu.memory_space<vmem>>, vector<64x128xf32>
    %dot_general3A_39 = arith.constant dense<0.000000e+00> : vector<64x128xf32>
    %dot_general3A_40 = tpu.matmul %convert_element_type3A_35, %max3A_24, %dot_general3A_39 {dimension_numbers = #tpu.dot_dimension_numbers<[0], [0], [1], [1], [0, 1, 1, 1], [], []>, precision = #tpu.contract_precision<fp32>, transpose_lhs_hint = false} : vector<2048x64xf32>, vector<2048x128xf32>, vector<64x128xf32> -> vector<64x128xf32>
    %add3A_41 = arith.addf %get3A_38, %dot_general3A_40 : vector<64x128xf32>
    %swap3A_42 = arith.constant 0 : index
    %swap3A_43 = arith.constant 0 : index
    %swap3A_44 = vector.load %arg9[%swap3A_42, %swap3A_43] : memref<64x128xf32, #tpu.memory_space<vmem>>, vector<64x128xf32>
    tpu.vector_store %arg9[%swap3A_42, %swap3A_43], %add3A_41 {strides = array<i32>} : memref<64x128xf32, #tpu.memory_space<vmem>>, vector<64x128xf32>,
    return
  }
  func.func @transform_0(%arg0: i32) -> (i32, i32) {
    %c0_i32 = arith.constant 0 : i32
    %c0_i32_0 = arith.constant 0 : i32
    return %arg0, %c0_i32 : i32, i32
  }
  func.func @transform_1(%arg0: i32) -> (i32, i32) {
    %c0_i32 = arith.constant 0 : i32
    %c0_i32_0 = arith.constant 0 : i32
    return %arg0, %c0_i32 : i32, i32
  }
  func.func @transform_2(%arg0: i32) -> (i32, i32) {
    %c0_i32 = arith.constant 0 : i32
    %c0_i32_0 = arith.constant 0 : i32
    return %arg0, %c0_i32 : i32, i32
  }
  func.func @transform_3(%arg0: i32) -> (i32, i32) {
    %c0_i32 = arith.constant 0 : i32
    %c0_i32_0 = arith.constant 0 : i32
    %c0_i32_1 = arith.constant 0 : i32
    return %c0_i32, %c0_i32_0 : i32, i32
  }
  func.func @transform_4(%arg0: i32) -> (i32, i32) {
    %c0_i32 = arith.constant 0 : i32
    %c0_i32_0 = arith.constant 0 : i32
    %c0_i32_1 = arith.constant 0 : i32
    return %c0_i32, %c0_i32_0 : i32, i32
  }
  func.func @transform_5(%arg0: i32) -> (i32, i32) {
    %c0_i32 = arith.constant 0 : i32
    %c0_i32_0 = arith.constant 0 : i32
    %c0_i32_1 = arith.constant 0 : i32
    return %c0_i32, %c0_i32_0 : i32, i32
  }
  func.func @transform_6(%arg0: i32) -> (i32, i32) {
    %c0_i32 = arith.constant 0 : i32
    %c0_i32_0 = arith.constant 0 : i32
    return %arg0, %c0_i32 : i32, i32
  }
  func.func @transform_7(%arg0: i32) -> (i32, i32) {
    %c0_i32 = arith.constant 0 : i32
    %c0_i32_0 = arith.constant 0 : i32
    return %arg0, %c0_i32 : i32, i32
  }
  func.func @transform_8(%arg0: i32) -> (i32, i32) {
    %c0_i32 = arith.constant 0 : i32
    %c0_i32_0 = arith.constant 0 : i32
    %c0_i32_1 = arith.constant 0 : i32
    return %c0_i32, %c0_i32_0 : i32, i32
  }
}

module attributes {stable_mosaic.version = 14 : i64} {
  func.func @_vn_z_body(%arg0: i32, %arg1: memref<2048x128xf32, #tpu.memory_space<vmem>>, %arg2: memref<64x128xf32, #tpu.memory_space<vmem>>, %arg3: memref<128x128xf32, #tpu.memory_space<vmem>>, %arg4: memref<1x128xf32, #tpu.memory_space<vmem>>, %arg5: memref<2048x1xi32, #tpu.memory_space<vmem>>, %arg6: memref<128x128xf32, #tpu.memory_space<vmem>>, %arg7: memref<2048x128xf32, #tpu.memory_space<vmem>>, %arg8: memref<2048x128xf32, #tpu.memory_space<vmem>>) attributes {dimension_semantics = [#tpu.dimension_semantics<arbitrary>], iteration_bounds = array<i64: 5>, scalar_prefetch = 0 : i64, scratch_operands = 0 : i64, tpu.core_type = #tpu.core_type<tc>, window_params = [{transform_indices = @transform_0, window_bounds = array<i64: 2048, 128>}, {pipeline_mode = #tpu.pipeline_mode<synchronous>, transform_indices = @transform_1, window_bounds = array<i64: 64, 128>}, {pipeline_mode = #tpu.pipeline_mode<synchronous>, transform_indices = @transform_2, window_bounds = array<i64: 128, 128>}, {pipeline_mode = #tpu.pipeline_mode<synchronous>, transform_indices = @transform_3, window_bounds = array<i64: 1, 128>}, {transform_indices = @transform_4, window_bounds = array<i64: 2048, 1>}, {pipeline_mode = #tpu.pipeline_mode<synchronous>, transform_indices = @transform_5, window_bounds = array<i64: 128, 128>}, {transform_indices = @transform_6, window_bounds = array<i64: 2048, 128>}, {transform_indices = @transform_7, window_bounds = array<i64: 2048, 128>}]} {
    %get3A = arith.constant 0 : index
    %get3A_0 = arith.constant 0 : index
    %get3A_1 = vector.load %arg2[%get3A, %get3A_0] : memref<64x128xf32, #tpu.memory_space<vmem>>, vector<64x128xf32>
    %get3A_2 = arith.constant 0 : index
    %get3A_3 = arith.constant 0 : index
    %get3A_4 = vector.load %arg3[%get3A_2, %get3A_3] : memref<128x128xf32, #tpu.memory_space<vmem>>, vector<128x128xf32>
    %dot_general3A = arith.constant dense<0.000000e+00> : vector<64x128xf32>
    %dot_general3A_5 = tpu.matmul %get3A_1, %get3A_4, %dot_general3A {dimension_numbers = #tpu.dot_dimension_numbers<[1], [0], [0], [1], [0, 0, 1, 1], [], []>, transpose_lhs_hint = false} : vector<64x128xf32>, vector<128x128xf32>, vector<64x128xf32> -> vector<64x128xf32>
    %get3A_6 = arith.constant 0 : index
    %get3A_7 = arith.constant 0 : index
    %get3A_8 = vector.load %arg4[%get3A_6, %get3A_7] : memref<1x128xf32, #tpu.memory_space<vmem>>, vector<1x128xf32>
    %add3A = vector.broadcast %get3A_8 : vector<1x128xf32> to vector<64x128xf32>
    %add3A_9 = arith.addf %dot_general3A_5, %add3A : vector<64x128xf32>
    %max3A = arith.constant 0.000000e+00 : f32
    %max3A_10 = vector.broadcast %max3A : f32 to vector<64x128xf32>
    %max3A_11 = arith.maximumf %add3A_9, %max3A_10 : vector<64x128xf32>
    %iota3A = tpu.iota {dimensions = array<i32: 1>} : vector<2048x64xi32>
    %get3A_12 = arith.constant 0 : index
    %get3A_13 = arith.constant 0 : index
    %get3A_14 = vector.load %arg5[%get3A_12, %get3A_13] : memref<2048x1xi32, #tpu.memory_space<vmem>>, vector<2048x1xi32>
    %eq3A = vector.broadcast %get3A_14 : vector<2048x1xi32> to vector<2048x64xi32>
    %eq3A_15 = arith.cmpi eq, %eq3A, %iota3A : vector<2048x64xi32>
    %convert_element_type3A = arith.extui %eq3A_15 : vector<2048x64xi1> to vector<2048x64xi32>
    %convert_element_type3A_16 = arith.sitofp %convert_element_type3A : vector<2048x64xi32> to vector<2048x64xf32>
    %get3A_17 = arith.constant 0 : index
    %get3A_18 = arith.constant 0 : index
    %get3A_19 = vector.load %arg1[%get3A_17, %get3A_18] : memref<2048x128xf32, #tpu.memory_space<vmem>>, vector<2048x128xf32>
    %dot_general3A_20 = arith.constant dense<0.000000e+00> : vector<2048x128xf32>
    %dot_general3A_21 = tpu.matmul %convert_element_type3A_16, %max3A_11, %dot_general3A_20 {dimension_numbers = #tpu.dot_dimension_numbers<[1], [0], [0], [1], [0, 0, 1, 1], [], []>, precision = #tpu.contract_precision<fp32>, transpose_lhs_hint = false} : vector<2048x64xf32>, vector<64x128xf32>, vector<2048x128xf32> -> vector<2048x128xf32>
    %add3A_22 = arith.addf %get3A_19, %dot_general3A_21 : vector<2048x128xf32>
    %swap3A = arith.constant 0 : index
    %swap3A_23 = arith.constant 0 : index
    %swap3A_24 = vector.load %arg7[%swap3A, %swap3A_23] : memref<2048x128xf32, #tpu.memory_space<vmem>>, vector<2048x128xf32>
    tpu.vector_store %arg7[%swap3A, %swap3A_23], %add3A_22 {strides = array<i32>} : memref<2048x128xf32, #tpu.memory_space<vmem>>, vector<2048x128xf32>,
    %get3A_25 = arith.constant 0 : index
    %get3A_26 = arith.constant 0 : index
    %get3A_27 = vector.load %arg6[%get3A_25, %get3A_26] : memref<128x128xf32, #tpu.memory_space<vmem>>, vector<128x128xf32>
    %dot_general3A_28 = arith.constant dense<0.000000e+00> : vector<2048x128xf32>
    %dot_general3A_29 = tpu.matmul %add3A_22, %get3A_27, %dot_general3A_28 {dimension_numbers = #tpu.dot_dimension_numbers<[1], [0], [0], [1], [0, 0, 1, 1], [], []>, transpose_lhs_hint = false} : vector<2048x128xf32>, vector<128x128xf32>, vector<2048x128xf32> -> vector<2048x128xf32>
    %swap3A_30 = arith.constant 0 : index
    %swap3A_31 = arith.constant 0 : index
    %swap3A_32 = vector.load %arg8[%swap3A_30, %swap3A_31] : memref<2048x128xf32, #tpu.memory_space<vmem>>, vector<2048x128xf32>
    tpu.vector_store %arg8[%swap3A_30, %swap3A_31], %dot_general3A_29 {strides = array<i32>} : memref<2048x128xf32, #tpu.memory_space<vmem>>, vector<2048x128xf32>,
    return
  }
  func.func @transform_0(%arg0: i32) -> (i32, i32) {
    %c0_i32 = arith.constant 0 : i32
    %c0_i32_0 = arith.constant 0 : i32
    return %arg0, %c0_i32 : i32, i32
  }
  func.func @transform_1(%arg0: i32) -> (i32, i32) {
    %c0_i32 = arith.constant 0 : i32
    %c0_i32_0 = arith.constant 0 : i32
    %c0_i32_1 = arith.constant 0 : i32
    return %c0_i32, %c0_i32_0 : i32, i32
  }
  func.func @transform_2(%arg0: i32) -> (i32, i32) {
    %c0_i32 = arith.constant 0 : i32
    %c0_i32_0 = arith.constant 0 : i32
    %c0_i32_1 = arith.constant 0 : i32
    return %c0_i32, %c0_i32_0 : i32, i32
  }
  func.func @transform_3(%arg0: i32) -> (i32, i32) {
    %c0_i32 = arith.constant 0 : i32
    %c0_i32_0 = arith.constant 0 : i32
    %c0_i32_1 = arith.constant 0 : i32
    return %c0_i32, %c0_i32_0 : i32, i32
  }
  func.func @transform_4(%arg0: i32) -> (i32, i32) {
    %c0_i32 = arith.constant 0 : i32
    %c0_i32_0 = arith.constant 0 : i32
    return %arg0, %c0_i32 : i32, i32
  }
  func.func @transform_5(%arg0: i32) -> (i32, i32) {
    %c0_i32 = arith.constant 0 : i32
    %c0_i32_0 = arith.constant 0 : i32
    %c0_i32_1 = arith.constant 0 : i32
    return %c0_i32, %c0_i32_0 : i32, i32
  }
  func.func @transform_6(%arg0: i32) -> (i32, i32) {
    %c0_i32 = arith.constant 0 : i32
    %c0_i32_0 = arith.constant 0 : i32
    return %arg0, %c0_i32 : i32, i32
  }
  func.func @transform_7(%arg0: i32) -> (i32, i32) {
    %c0_i32 = arith.constant 0 : i32
    %c0_i32_0 = arith.constant 0 : i32
    return %arg0, %c0_i32 : i32, i32
  }
}

module attributes {stable_mosaic.version = 14 : i64} {
  func.func @_update_pool_body(%arg0: i32, %arg1: memref<2048x128xf32, #tpu.memory_space<vmem>>, %arg2: memref<2048x128xf32, #tpu.memory_space<vmem>>, %arg3: memref<2048x128xf32, #tpu.memory_space<vmem>>, %arg4: memref<128x128xf32, #tpu.memory_space<vmem>>, %arg5: memref<128x128xf32, #tpu.memory_space<vmem>>, %arg6: memref<1x128xf32, #tpu.memory_space<vmem>>, %arg7: memref<2048x1xi32, #tpu.memory_space<vmem>>, %arg8: memref<2048x128xf32, #tpu.memory_space<vmem>>, %arg9: memref<64x128xf32, #tpu.memory_space<vmem>>) attributes {dimension_semantics = [#tpu.dimension_semantics<arbitrary>], iteration_bounds = array<i64: 5>, scalar_prefetch = 0 : i64, scratch_operands = 0 : i64, tpu.core_type = #tpu.core_type<tc>, window_params = [{transform_indices = @transform_0, window_bounds = array<i64: 2048, 128>}, {transform_indices = @transform_1, window_bounds = array<i64: 2048, 128>}, {transform_indices = @transform_2, window_bounds = array<i64: 2048, 128>}, {pipeline_mode = #tpu.pipeline_mode<synchronous>, transform_indices = @transform_3, window_bounds = array<i64: 128, 128>}, {pipeline_mode = #tpu.pipeline_mode<synchronous>, transform_indices = @transform_4, window_bounds = array<i64: 128, 128>}, {pipeline_mode = #tpu.pipeline_mode<synchronous>, transform_indices = @transform_5, window_bounds = array<i64: 1, 128>}, {transform_indices = @transform_6, window_bounds = array<i64: 2048, 1>}, {transform_indices = @transform_7, window_bounds = array<i64: 2048, 128>}, {pipeline_mode = #tpu.pipeline_mode<synchronous>, transform_indices = @transform_8, window_bounds = array<i64: 64, 128>}]} {
    %get3A = arith.constant 0 : index
    %get3A_0 = arith.constant 0 : index
    %get3A_1 = vector.load %arg1[%get3A, %get3A_0] : memref<2048x128xf32, #tpu.memory_space<vmem>>, vector<2048x128xf32>
    %get3A_2 = arith.constant 0 : index
    %get3A_3 = arith.constant 0 : index
    %get3A_4 = vector.load %arg2[%get3A_2, %get3A_3] : memref<2048x128xf32, #tpu.memory_space<vmem>>, vector<2048x128xf32>
    %add3A = arith.addf %get3A_1, %get3A_4 : vector<2048x128xf32>
    %get3A_5 = arith.constant 0 : index
    %get3A_6 = arith.constant 0 : index
    %get3A_7 = vector.load %arg4[%get3A_5, %get3A_6] : memref<128x128xf32, #tpu.memory_space<vmem>>, vector<128x128xf32>
    %dot_general3A = arith.constant dense<0.000000e+00> : vector<2048x128xf32>
    %dot_general3A_8 = tpu.matmul %add3A, %get3A_7, %dot_general3A {dimension_numbers = #tpu.dot_dimension_numbers<[1], [0], [0], [1], [0, 0, 1, 1], [], []>, transpose_lhs_hint = false} : vector<2048x128xf32>, vector<128x128xf32>, vector<2048x128xf32> -> vector<2048x128xf32>
    %get3A_9 = arith.constant 0 : index
    %get3A_10 = arith.constant 0 : index
    %get3A_11 = vector.load %arg3[%get3A_9, %get3A_10] : memref<2048x128xf32, #tpu.memory_space<vmem>>, vector<2048x128xf32>
    %get3A_12 = arith.constant 0 : index
    %get3A_13 = arith.constant 0 : index
    %get3A_14 = vector.load %arg5[%get3A_12, %get3A_13] : memref<128x128xf32, #tpu.memory_space<vmem>>, vector<128x128xf32>
    %dot_general3A_15 = arith.constant dense<0.000000e+00> : vector<2048x128xf32>
    %dot_general3A_16 = tpu.matmul %get3A_11, %get3A_14, %dot_general3A_15 {dimension_numbers = #tpu.dot_dimension_numbers<[1], [0], [0], [1], [0, 0, 1, 1], [], []>, transpose_lhs_hint = false} : vector<2048x128xf32>, vector<128x128xf32>, vector<2048x128xf32> -> vector<2048x128xf32>
    %add3A_17 = arith.addf %dot_general3A_8, %dot_general3A_16 : vector<2048x128xf32>
    %get3A_18 = arith.constant 0 : index
    %get3A_19 = arith.constant 0 : index
    %get3A_20 = vector.load %arg6[%get3A_18, %get3A_19] : memref<1x128xf32, #tpu.memory_space<vmem>>, vector<1x128xf32>
    %add3A_21 = vector.broadcast %get3A_20 : vector<1x128xf32> to vector<2048x128xf32>
    %add3A_22 = arith.addf %add3A_17, %add3A_21 : vector<2048x128xf32>
    %max3A = arith.constant 0.000000e+00 : f32
    %max3A_23 = vector.broadcast %max3A : f32 to vector<2048x128xf32>
    %max3A_24 = arith.maximumf %add3A_22, %max3A_23 : vector<2048x128xf32>
    %swap3A = arith.constant 0 : index
    %swap3A_25 = arith.constant 0 : index
    %swap3A_26 = vector.load %arg8[%swap3A, %swap3A_25] : memref<2048x128xf32, #tpu.memory_space<vmem>>, vector<2048x128xf32>
    tpu.vector_store %arg8[%swap3A, %swap3A_25], %max3A_24 {strides = array<i32>} : memref<2048x128xf32, #tpu.memory_space<vmem>>, vector<2048x128xf32>,
    %eq3A = arith.constant 0 : i32
    %eq3A_27 = arith.cmpi eq, %arg0, %eq3A : i32
    %convert_element_type3A = arith.extui %eq3A_27 : i1 to i32
    %cond3A = arith.constant 0 : i32
    %cond3A_28 = arith.cmpi ne, %convert_element_type3A, %cond3A : i32
    scf.if %cond3A_28 {
      %broadcast_in_dim3A = arith.constant 0.000000e+00 : f32
      %broadcast_in_dim3A_45 = vector.broadcast %broadcast_in_dim3A : f32 to vector<64x128xf32>
      %swap3A_46 = arith.constant 0 : index
      %swap3A_47 = arith.constant 0 : index
      %swap3A_48 = vector.load %arg9[%swap3A_46, %swap3A_47] : memref<64x128xf32, #tpu.memory_space<vmem>>, vector<64x128xf32>
      tpu.vector_store %arg9[%swap3A_46, %swap3A_47], %broadcast_in_dim3A_45 {strides = array<i32>} : memref<64x128xf32, #tpu.memory_space<vmem>>, vector<64x128xf32>,
    } else {
    }
    %iota3A = tpu.iota {dimensions = array<i32: 1>} : vector<2048x64xi32>
    %get3A_29 = arith.constant 0 : index
    %get3A_30 = arith.constant 0 : index
    %get3A_31 = vector.load %arg7[%get3A_29, %get3A_30] : memref<2048x1xi32, #tpu.memory_space<vmem>>, vector<2048x1xi32>
    %eq3A_32 = vector.broadcast %get3A_31 : vector<2048x1xi32> to vector<2048x64xi32>
    %eq3A_33 = arith.cmpi eq, %eq3A_32, %iota3A : vector<2048x64xi32>
    %convert_element_type3A_34 = arith.extui %eq3A_33 : vector<2048x64xi1> to vector<2048x64xi32>
    %convert_element_type3A_35 = arith.sitofp %convert_element_type3A_34 : vector<2048x64xi32> to vector<2048x64xf32>
    %get3A_36 = arith.constant 0 : index
    %get3A_37 = arith.constant 0 : index
    %get3A_38 = vector.load %arg9[%get3A_36, %get3A_37] : memref<64x128xf32, #tpu.memory_space<vmem>>, vector<64x128xf32>
    %dot_general3A_39 = arith.constant dense<0.000000e+00> : vector<64x128xf32>
    %dot_general3A_40 = tpu.matmul %convert_element_type3A_35, %max3A_24, %dot_general3A_39 {dimension_numbers = #tpu.dot_dimension_numbers<[0], [0], [1], [1], [0, 1, 1, 1], [], []>, precision = #tpu.contract_precision<fp32>, transpose_lhs_hint = false} : vector<2048x64xf32>, vector<2048x128xf32>, vector<64x128xf32> -> vector<64x128xf32>
    %add3A_41 = arith.addf %get3A_38, %dot_general3A_40 : vector<64x128xf32>
    %swap3A_42 = arith.constant 0 : index
    %swap3A_43 = arith.constant 0 : index
    %swap3A_44 = vector.load %arg9[%swap3A_42, %swap3A_43] : memref<64x128xf32, #tpu.memory_space<vmem>>, vector<64x128xf32>
    tpu.vector_store %arg9[%swap3A_42, %swap3A_43], %add3A_41 {strides = array<i32>} : memref<64x128xf32, #tpu.memory_space<vmem>>, vector<64x128xf32>,
    return
  }
  func.func @transform_0(%arg0: i32) -> (i32, i32) {
    %c0_i32 = arith.constant 0 : i32
    %c0_i32_0 = arith.constant 0 : i32
    return %arg0, %c0_i32 : i32, i32
  }
  func.func @transform_1(%arg0: i32) -> (i32, i32) {
    %c0_i32 = arith.constant 0 : i32
    %c0_i32_0 = arith.constant 0 : i32
    return %arg0, %c0_i32 : i32, i32
  }
  func.func @transform_2(%arg0: i32) -> (i32, i32) {
    %c0_i32 = arith.constant 0 : i32
    %c0_i32_0 = arith.constant 0 : i32
    return %arg0, %c0_i32 : i32, i32
  }
  func.func @transform_3(%arg0: i32) -> (i32, i32) {
    %c0_i32 = arith.constant 0 : i32
    %c0_i32_0 = arith.constant 0 : i32
    %c0_i32_1 = arith.constant 0 : i32
    return %c0_i32, %c0_i32_0 : i32, i32
  }
  func.func @transform_4(%arg0: i32) -> (i32, i32) {
    %c0_i32 = arith.constant 0 : i32
    %c0_i32_0 = arith.constant 0 : i32
    %c0_i32_1 = arith.constant 0 : i32
    return %c0_i32, %c0_i32_0 : i32, i32
  }
  func.func @transform_5(%arg0: i32) -> (i32, i32) {
    %c0_i32 = arith.constant 0 : i32
    %c0_i32_0 = arith.constant 0 : i32
    %c0_i32_1 = arith.constant 0 : i32
    return %c0_i32, %c0_i32_0 : i32, i32
  }
  func.func @transform_6(%arg0: i32) -> (i32, i32) {
    %c0_i32 = arith.constant 0 : i32
    %c0_i32_0 = arith.constant 0 : i32
    return %arg0, %c0_i32 : i32, i32
  }
  func.func @transform_7(%arg0: i32) -> (i32, i32) {
    %c0_i32 = arith.constant 0 : i32
    %c0_i32_0 = arith.constant 0 : i32
    return %arg0, %c0_i32 : i32, i32
  }
  func.func @transform_8(%arg0: i32) -> (i32, i32) {
    %c0_i32 = arith.constant 0 : i32
    %c0_i32_0 = arith.constant 0 : i32
    %c0_i32_1 = arith.constant 0 : i32
    return %c0_i32, %c0_i32_0 : i32, i32
  }
}

module attributes {stable_mosaic.version = 14 : i64} {
  func.func @_head_body(%arg0: i32, %arg1: memref<64x128xf32, #tpu.memory_space<vmem>>, %arg2: memref<128x1xf32, #tpu.memory_space<vmem>>, %arg3: memref<1x1xf32, #tpu.memory_space<vmem>>, %arg4: memref<64x1xf32, #tpu.memory_space<vmem>>) attributes {dimension_semantics = [#tpu.dimension_semantics<arbitrary>], iteration_bounds = array<i64: 1>, scalar_prefetch = 0 : i64, scratch_operands = 0 : i64, tpu.core_type = #tpu.core_type<tc>, window_params = [{pipeline_mode = #tpu.pipeline_mode<synchronous>, transform_indices = @transform_0, window_bounds = array<i64: 64, 128>}, {pipeline_mode = #tpu.pipeline_mode<synchronous>, transform_indices = @transform_1, window_bounds = array<i64: 128, 1>}, {pipeline_mode = #tpu.pipeline_mode<synchronous>, transform_indices = @transform_2, window_bounds = array<i64: 1, 1>}, {pipeline_mode = #tpu.pipeline_mode<synchronous>, transform_indices = @transform_3, window_bounds = array<i64: 64, 1>}]} {
    %get3A = arith.constant 0 : index
    %get3A_0 = arith.constant 0 : index
    %get3A_1 = vector.load %arg1[%get3A, %get3A_0] : memref<64x128xf32, #tpu.memory_space<vmem>>, vector<64x128xf32>
    %get3A_2 = arith.constant 0 : index
    %get3A_3 = arith.constant 0 : index
    %get3A_4 = vector.load %arg2[%get3A_2, %get3A_3] : memref<128x1xf32, #tpu.memory_space<vmem>>, vector<128x1xf32>
    %dot_general3A = arith.constant dense<0.000000e+00> : vector<64x1xf32>
    %dot_general3A_5 = tpu.matmul %get3A_1, %get3A_4, %dot_general3A {dimension_numbers = #tpu.dot_dimension_numbers<[1], [0], [0], [1], [0, 0, 1, 1], [], []>, transpose_lhs_hint = false} : vector<64x128xf32>, vector<128x1xf32>, vector<64x1xf32> -> vector<64x1xf32>
    %get3A_6 = arith.constant 0 : index
    %get3A_7 = arith.constant 0 : index
    %get3A_8 = vector.load %arg3[%get3A_6, %get3A_7] : memref<1x1xf32, #tpu.memory_space<vmem>>, vector<1x1xf32>
    %add3A = vector.broadcast %get3A_8 : vector<1x1xf32> to vector<64x1xf32>
    %add3A_9 = arith.addf %dot_general3A_5, %add3A : vector<64x1xf32>
    %swap3A = arith.constant 0 : index
    %swap3A_10 = arith.constant 0 : index
    %swap3A_11 = vector.load %arg4[%swap3A, %swap3A_10] : memref<64x1xf32, #tpu.memory_space<vmem>>, vector<64x1xf32>
    tpu.vector_store %arg4[%swap3A, %swap3A_10], %add3A_9 {strides = array<i32>} : memref<64x1xf32, #tpu.memory_space<vmem>>, vector<64x1xf32>,
    return
  }
  func.func @transform_0(%arg0: i32) -> (i32, i32) {
    %c0_i32 = arith.constant 0 : i32
    %c0_i32_0 = arith.constant 0 : i32
    %c0_i32_1 = arith.constant 0 : i32
    return %c0_i32, %c0_i32_0 : i32, i32
  }
  func.func @transform_1(%arg0: i32) -> (i32, i32) {
    %c0_i32 = arith.constant 0 : i32
    %c0_i32_0 = arith.constant 0 : i32
    %c0_i32_1 = arith.constant 0 : i32
    return %c0_i32, %c0_i32_0 : i32, i32
  }
  func.func @transform_2(%arg0: i32) -> (i32, i32) {
    %c0_i32 = arith.constant 0 : i32
    %c0_i32_0 = arith.constant 0 : i32
    %c0_i32_1 = arith.constant 0 : i32
    return %c0_i32, %c0_i32_0 : i32, i32
  }
  func.func @transform_3(%arg0: i32) -> (i32, i32) {
    %c0_i32 = arith.constant 0 : i32
    %c0_i32_0 = arith.constant 0 : i32
    %c0_i32_1 = arith.constant 0 : i32
    return %c0_i32, %c0_i32_0 : i32, i32
  }
}

</mosaic_0001>

<sc_bundles>
// kernel: kernel.15.cloned.1.call-start
scs
__scs_entry_jumppad:
0x0: {  	(pc) =	sbr.rel $0x88, $3  }
0x1: {  	(tag) =	ssettag $0x0;
	lr =	simm.s32 $0x1  }
0x2: {  	[smem:$0x3F8B] =	sst lr;
	_ =	strace $0xD0000000  }
0x3: {  	_ = 	snop  }
0x4: {  	_ = 	snop  }
0x5: {  	_ = 	snop  }
0x6: {  	_ = 	snop  }
0x7: {  	_ = 	snop  }
__scs_overlays_trampoline_lowered:
0x8: {  	[smem:$0x3F9A] =	sst s0  }
0x9: {  	[smem:$0x3F9B] =	sst s1  }
0xa: {  	[smem:$0x3F9C] =	sst s2  }
0xb: {  	[smem:$0x3F9D] =	sst s3  }
0xc: {  	[smem:$0x3F9E] =	sst s4  }
0xd: {  	[smem:$0x3F9F] =	sst s5  }
0xe: {  	[smem:$0x3FA0] =	sst s6  }
0xf: {  	[smem:$0x3FA1] =	sst s7  }
0x10: {  	[smem:$0x3FA2] =	sst s8  }
0x11: {  	[smem:$0x3FA3] =	sst s9;
	s0 =	simm.s32 @!p0 $0x0  }
0x12: {  	s1 =	sld [smem:$0x3F89];
	s0 =	simm.s32 @p0 $0x1  }
0x13: {  	[smem:$0x3FA4] =	sst s0;
	s0 =	simm.s32 @!p1 $0x0  }
0x14: {  	s2 =	sld [smem:$0x3F88];
	s0 =	simm.s32 @p1 $0x1  }
0x15: {  	[smem:$0x3FA5] =	sst s0;
	s0 =	simm.s32 @!p2 $0x0  }
0x16: {  	s3 =	sld [smem:$0x3FDB];
	s0 =	simm.s32 @p2 $0x1  }
0x17: {  	s4 =	simm.s32 $0x1BF5;
	[smem:$0x3FA7] =	sst s0  }
0x18: {  	s0 =	sld [smem:$0x3F8A];
	_ =	swait.ge [sflag:s4], $0x0  }
0x19: {  	s7 =	sld [smem:$0x3F8B]  }
0x1a: {  	s8 =	sadd.s32 $0xFFFFE003, lr  }
0x1b: {  	s9 =	sadd.s32 $0xFFFFFEF7, lr;
	s5 =	simm.s32 $0xFFFFFFFF;
	p2 =	slt.u32 s8, $0xFFFFF086  }
0x1c: {  	p1 =	slt.u32 s9, $0xF7A;
	s5 =	simm.s32 @!p2 $0x0  }
0x1d: {  	s5 =	simm.s32 @p1 $0x1;
	p0 =	seq.s32 s7, s2  }
0x1e: {  	s7 =	smul.u32 @!p0 $0xF7A, s2;
	p2 =	seq.s32 @!p0 s5, $0x0  }
0x1f: {  	s9 =	smul.u32 $0xF7A, s1;
	s8 =	simm.s32 @!p0 $0x1BF5;
	p2 =	por !p2, p0  }
0x20: {  	[sflag:s8] =	ssyncset.s32 @!p0 $0xFFFFF086;
	s6 =	sadd.s32 @!p0 s3, s7;
	s7 =	simm.s32 @!p0 $0x108  }
0x21: {  	s3 =	sadd.s32 s3, s9;
	s6 =	sadd.s32 @!p0 $0x88, s6;
	s7 =	simm.s32 @p2 $0x1082  }
0x22: {  	[simem:s7], [sflag:s8] =	dma.local @!p0 [hbm:s6], $0xF7A  }
0x23: {  	s9 =	sor.u32 $0xD0000000, s2;
	s6 =	simm.s32 $0x108;
	_ =	swait.ge @!p0 [sflag:s8], $0x0  }
0x24: {  	s3 =	sadd.s32 $0x88, s3;
	s6 =	simm.s32 @!p1 $0x1082;
	[sflag:s4] =	ssyncset.s32 $0xFFFFF086  }
0x25: {  	[simem:s6], [sflag:s4] =	dma.local [hbm:s3], $0xF7A  }
0x26: {  	[smem:$0x3F8B] =	sst s1;
	(tag) =	ssettag s2;
	_ =	strace s9  }
0x27: {  	s1 =	sld [smem:$0x3F9B]  }
0x28: {  	s2 =	sld [smem:$0x3F9C]  }
0x29: {  	s4 =	sld [smem:$0x3F9E]  }
0x2a: {  	p0 =	seq.s32 s5, $0x0;
	s5 =	sld [smem:$0x3F9F]  }
0x2b: {  	s6 =	sld [smem:$0x3FA0]  }
0x2c: {  	s7 =	sld [smem:$0x3FA1]  }
0x2d: {  	s3 =	simm.s32 $0x108;
	s8 =	sld [smem:$0x3FA2]  }
0x2e: {  	s3 =	simm.s32 @!p0 $0x1082;
	s9 =	sld [smem:$0x3FA3]  }
0x2f: {  	lr =	sadd.s32 s0, s3;
	s0 =	sld [smem:$0x3F9A]  }
0x30: {  	s3 =	sld [smem:$0x3F9D]  }
0x31: {  	[smem:$0x3FA6] =	sst s10  }
0x32: {  	s10 =	sld [smem:$0x3FA4];
	_ =	sdelay $0x3  }
0x33: {  	p0 =	seq.s32 s10, $0x1;
	s10 =	sld [smem:$0x3FA6];
	_ =	sdelay $0x3  }
0x34: {  	[smem:$0x3FA6] =	sst s10  }
0x35: {  	s10 =	sld [smem:$0x3FA5];
	_ =	sdelay $0x3  }
0x36: {  	p1 =	seq.s32 s10, $0x1;
	s10 =	sld [smem:$0x3FA6];
	_ =	sdelay $0x3  }
0x37: {  	[smem:$0x3FA6] =	sst s10  }
0x38: {  	s10 =	sld [smem:$0x3FA7]  }
0x39: {  	_ = 	snop;
	(pc) =	sbr.ind lr, $3  }
0x3a: {  	_ = 	snop  }
0x3b: {  	_ = 	snop  }
0x3c: {  	p2 =	seq.s32 s10, $0x1;
	s10 =	sld [smem:$0x3FA6]  }
0x3d: {  	_ =	shalt  }
0x3e: {  	_ =	shalt  }
0x3f: {  	_ =	shalt  }
0x40: {  	_ =	shalt  }
0x41: {  	_ =	shalt  }
0x42: {  	_ =	shalt  }
0x43: {  	_ =	shalt  }
0x44: {  	_ =	shalt  }
0x45: {  	_ =	shalt  }
0x46: {  	_ =	shalt  }
0x47: {  	_ =	shalt  }
0x48: {  	_ =	shalt  }
0x49: {  	_ =	shalt  }
0x4a: {  	_ =	shalt  }
0x4b: {  	_ =	shalt  }
0x4c: {  	_ =	shalt  }
0x4d: {  	_ =	shalt  }
0x4e: {  	_ =	shalt  }
0x4f: {  	_ =	shalt  }
0x50: {  	_ =	shalt  }
0x51: {  	_ =	shalt  }
0x52: {  	_ =	shalt  }
0x53: {  	_ =	shalt  }
0x54: {  	_ =	shalt  }
0x55: {  	_ =	shalt  }
0x56: {  	_ =	shalt  }
0x57: {  	_ =	shalt  }
0x58: {  	_ =	shalt  }
0x59: {  	_ =	shalt  }
0x5a: {  	_ =	shalt  }
0x5b: {  	_ =	shalt  }
0x5c: {  	_ =	shalt  }
0x5d: {  	_ =	shalt  }
0x5e: {  	_ =	shalt  }
0x5f: {  	_ =	shalt  }
0x60: {  	_ =	shalt  }
0x61: {  	_ =	shalt  }
0x62: {  	_ =	shalt  }
0x63: {  	_ =	shalt  }
0x64: {  	_ =	shalt  }
0x65: {  	_ =	shalt  }
0x66: {  	_ =	shalt  }
0x67: {  	_ =	shalt  }
0x68: {  	_ =	shalt  }
0x69: {  	_ =	shalt  }
0x6a: {  	_ =	shalt  }
0x6b: {  	_ =	shalt  }
0x6c: {  	_ =	shalt  }
0x6d: {  	_ =	shalt  }
0x6e: {  	_ =	shalt  }
0x6f: {  	_ =	shalt  }
0x70: {  	_ =	shalt  }
0x71: {  	_ =	shalt  }
0x72: {  	_ =	shalt  }
0x73: {  	_ =	shalt  }
0x74: {  	_ =	shalt  }
0x75: {  	_ =	shalt  }
0x76: {  	_ =	shalt  }
0x77: {  	_ =	shalt  }
0x78: {  	_ =	shalt  }
0x79: {  	_ =	shalt  }
0x7a: {  	_ =	shalt  }
0x7b: {  	_ =	shalt  }
0x7c: {  	_ =	shalt  }
0x7d: {  	_ =	shalt  }
0x7e: {  	_ =	shalt  }
0x7f: {  	_ =	shalt  }
0x80: {  	_ =	shalt  }
0x81: {  	_ =	shalt  }
0x82: {  	_ =	shalt  }
0x83: {  	_ =	shalt  }
0x84: {  	_ =	shalt  }
0x85: {  	_ =	shalt  }
0x86: {  	_ =	shalt  }
0x87: {  	_ =	shalt  }
.Lfunc_end0:
.L_simem_size_0:
called_computation_lowered:
.L_overlay_start_0:
0x88: {  	s2 =	sld [smem:$0x3FD9]  }
0x89: {  	s3 =	sld [smem:$0x3FFE];
	_ =	sdelay $0x1  }
0x8a: {  	s1 =	srdreg.scid  }
0x8b: {  	s0 =	sand.u32 $0x1, s1  }
0x8c: {  	s16 =	sshll.u32 s0, $0xA;
	s2 =	sadd.s32 s3, s2  }
0x8d: {  	s2 =	sadd.s32 s2, s16  }
0x8e: {  	[smem:$0x3FB2] =	sst s2  }
0x8f: {  	_ = 	snop  }
0x90: {  	(tm) =	ssettm $0x1  }
0x91: {  	s17 =	sld [smem:$0x3FFB];
	_ =	sdelay $0x3  }
0x92: {  	_ =	strace s17  }
0x93: {  	s2 =	sld [smem:$0x3FFC];
	_ =	sdelay $0x3  }
0x94: {  	_ =	strace s2  }
0x95: {  	s2 =	sld [smem:$0x3FFD];
	_ =	sdelay $0x3  }
0x96: {  	_ =	strace s2  }
0x97: {  	_ =	strace $0x8FFFFFFF  }
0x98: {  	s18 =	sld [smem:$0x3FDB];
	_ =	sdelay $0x1  }
0x99: {  	s19 =	simm.s32 $_scs_section_size  }
0x9a: {  	s4 =	simm.s32 $_size__tile_overlayer_lowered;
	s5 =	simm.s32 $_tile_overlayer_lowered  }
0x9b: {  	s22 =	simm.s32 $0x1BFF;
	s21 =	sshll.u32 s5, $0x1;
	s2 =	sadd.s32 s19, s18  }
0x9c: {  	s6 =	simm.s32 $0x0;
	s20 =	sshll.u32 s4, $0x1;
	s4 =	sadd.s32 s21, s2  }
0x9d: {  	[timem:s6], [sflag:s22] =	dma.local [hbm:s4], s20  }
0x9e: {  	_ =	swait.ge [sflag:s22], s20  }
0x9f: {  	s3 =	ssub.s32 $0x0, s20;
	[sflag:s22] =	ssyncset.done $0x0  }
0xa0: {  	[sflag:s22] =	ssyncadd.s32 s3;
	_ =	sdelay $0x1  }
0xa1: {  	s23 =	simm.s32 $0x1B8B  }
0xa2: {  	_ =	swait.ge [sflag:s23], $0x1  }
0xa3: {  	[sflag:s23] =	ssyncset.done $0x0  }
0xa4: {  	s25 =	simm.s32 $0x1B8E;
	s24 =	sld [smem:$0x3FFE];
	[sflag:s23] =	ssyncadd.s32 $0xFFFFFFFF  }
0xa5: {  	s26 =	simm.s32 $execute0_lowered;
	[smem:$0x3FD2] =	sst s25  }
0xa6: {  	s4 =	sshll.u32 s26, $0x1;
	_ =	strace $0x80000046;
	[dreg:$0x1] =	wrdreg $0xFFFFFFFF  }
0xa7: {  	s28 =	simm.s32 $_size_execute0_lowered;
	s2 =	sadd.s32 s2, s4;
	[dreg:$0x0] =	wrdreg $0x0  }
0xa8: {  	s4 =	sshll.u32 s28, $0x1;
	[dreg:$0x2] =	wrdreg s2  }
0xa9: {  	[dreg:$0x3] =	wrdreg s4  }
0xaa: {  	[dreg:$0x4] =	wrdreg $0xC0  }
0xab: {  	_ =	task [dreg:s6], $0x5FFFF  }
0xac: {  	[dreg:$0x1] =	wrdreg $0xFFFFFFFF  }
0xad: {  	[dreg:$0x0] =	wrdreg $0x60  }
0xae: {  	[dreg:$0x2] =	wrdreg s24  }
0xaf: {  	[dreg:$0x3] =	wrdreg $0x93000  }
0xb0: {  	[dreg:$0x4] =	wrdreg $0x9  }
0xb1: {  	_ =	task.clear_ibuf [dreg:s6], $0x5FFFF;
	_ =	strace $0x90000046  }
0xb2: {  	s29 =	simm.s32 $0x9;
	_ =	strace $0x80000048  }
0xb3: {  	_ =	swait.ge [sflag:s29], $0x1  }
0xb4: {  	[sflag:s29] =	ssyncadd.s32 $0xFFFFFFFF  }
0xb5: {  	_ =	strace $0x90000048  }
0xb6: {  	_ =	sfence  }
0xb7: {  	s30 =	sld [smem:$0x0];
	_ =	sdelay $0x2  }
0xb8: {  	s31 =	sshll.u32 s1, $0xD;
	s1 =	sshrl.u32 s1, $0x2  }
0xb9: {  	s3 =	sand.u32 $0x4000, s31;
	s1 =	sadd.s32 s1, s30  }
0xba: {  	s0 =	sor.u32 s3, s0;
	s1 =	sshll.u32 s1, $0x11  }
0xbb: {  	s0 =	sor.u32 s1, s0  }
0xbc: {  	s0 =	sadd.s32 $0x8F2B, s0  }
0xbd: {  	[sflag:s0] =	ssyncadd.remote.s32 $0x1  }
0xbe: {  	_ =	sfence.sel $0xFFFF  }
0xbf: {  	[dreg:$0x0] =	wrdreg $0xFFFFFFFF;
	(pc) =	sbr.abs _section_cstart, $3  }
0xc0: {  	[dreg:$0x1] =	wrdreg $0xFFFFFFFF  }
0xc1: {  	_ =	task.clear_ibuf [dreg:s6], $0x2FFFF;
	_ =	strace $0x9FFFFFFF  }
0xc2: {  	(tm) =	ssettm $0x7FFFFFFF  }
0xc3: {  	_ =	shalt  }
tec
execute0_lowered:
.L_overlay_start_1:
0x0: {  	(tag) =	ssettag $0x1  }
0x1: {  	s0 =	rddreg [dreg:$0x0]  }
0x2: {  	s1 =	rddreg [dreg:$0x1]  }
0x3: {  	s2 =	simm.s32 $0x0;
	s4 =	srdreg.scid;
	s11 =	stileid.u32  }
0x4: {  	s29 =	simm.s32 $0x300;
	s30 =	simm.s32 $0xD;
	s31 =	simm.s32 $0x100  }
0x5: {  	s28 =	simm.s32 $0xA;
	[smem:$0x7FF] =	sst s2;
	s3 =	sadd.s32 $0x4AA00, s0  }
0x6: {  	s5 =	sadd.s32 $0x9D6600, s0;
	s6 =	sadd.s32 $0x30600, s0;
	s0 =	sadd.s32 $0x72A00, s0  }
0x7: {  	s4 =	sand.u32 $0x1, s4;
	s9 =	smul.u32 $0x50000, s11;
	_ =	strace $0x80000047  }
0x8: {  	s7 =	ssub.s32 $0x2, s4;
	s8 =	sshll.u32 s4, $0x4;
	s4 =	smul.u32 $0x140000, s4  }
0x9: {  	s10 =	sshrl.u32 s7, $0x1;
	s8 =	sor.u32 s11, s8;
	s11 =	smul.u32 $0x14000, s11  }
0xa: {  	s9 =	sshrl.u32 s9, $0x2;
	s10 =	ssub.s32 s7, s10;
	s7 =	smul.u32 $0x2760, s8  }
0xb: {  	s21 =	sadd.s32 s9, s1;
	s12 =	sor.u32 $0x3000, s11;
	s13 =	sadd.s32 $0x6000, s11  }
0xc: {  	s9 =	sadd.s32 $0x9000, s11;
	s14 =	sadd.s32 $0xC000, s11;
	s15 =	sadd.s32 s11, s4  }
0xd: {  	s16 =	sadd.s32 $0xF000, s11;
	[dreg:$0x3] =	wrdreg s21;
	s22 =	sadd.s32 s12, s1  }
0xe: {  	s17 =	sadd.s32 s13, s1;
	s15 =	sshrl.u32 s15, $0x3;
	s12 =	sadd.s32 s4, s12  }
0xf: {  	s13 =	sadd.s32 s4, s13;
	s18 =	sadd.s32 s4, s9;
	s24 =	sadd.s32 s4, s14  }
0x10: {  	s25 =	sadd.s32 s4, s16;
	[dreg:$0x5] =	wrdreg s17;
	s17 =	sadd.s32 $0x12000, s11  }
0x11: {  	s11 =	smul.u32 $0x6900, s8;
	s15 =	sadd.s32 s0, s15;
	s12 =	sshrl.u32 s12, $0x3  }
0x12: {  	s19 =	sshrl.u32 s13, $0x3;
	s20 =	sshrl.u32 s18, $0x3;
	s26 =	sshrl.u32 s25, $0x3  }
0x13: {  	s13 =	smul.u32 $0x13B000, s8;
	s18 =	sadd.s32 s14, s1;
	s25 =	smax.u32 s10, $0x1  }
0x14: {  	s14 =	simm.s32 $0x7;
	s10 =	simm.s32 $0x280;
	[dreg:$0x4] =	wrdreg s22  }
0x15: {  	[dreg:$0x6] =	wrdreg s15;
	s12 =	sadd.s32 s0, s12;
	s23 =	sadd.s32 s0, s20  }
0x16: {  	s4 =	sadd.s32 s4, s17;
	s15 =	sadd.s32 s9, s1;
	[dreg:$0xe] =	wrdreg s18  }
0x17: {  	s20 =	smul.u32 $0x27600, s8;
	[dreg:$0x14] =	wrdreg s25;
	s18 =	simm.s32 $0x2  }
0x18: {  	s25 =	simm.s32 $0x8;
	s9 =	simm.s32 $0x9;
	[dreg:$0x7] =	wrdreg s12  }
0x19: {  	s12 =	sadd.s32 s0, s19;
	[dreg:$0x9] =	wrdreg s23;
	s4 =	sshrl.u32 s4, $0x3  }
0x1a: {  	[dreg:$0xd] =	wrdreg s15;
	s19 =	sadd.s32 s16, s1;
	s23 =	sshrl.u32 s11, $0x3  }
0x1b: {  	s16 =	simm.s32 $0x200;
	[dreg:$0x8] =	wrdreg s12;
	s12 =	sshrl.u32 s24, $0x3  }
0x1c: {  	[dreg:$0xf] =	wrdreg s19;
	s24 =	sadd.s32 s17, s1;
	s8 =	sadd.s32 s6, s23  }
0x1d: {  	s17 =	simm.s32 $0x6300;
	s23 =	simm.s32 $0x3;
	[dreg:$0x10] =	wrdreg s24  }
0x1e: {  	s19 =	simm.s32 $0xB;
	s12 =	sadd.s32 s0, s12;
	[dreg:$0x11] =	wrdreg s8  }
0x1f: {  	s24 =	simm.s32 $0x5;
	[dreg:$0xa] =	wrdreg s12;
	s12 =	sadd.s32 s0, s26  }
0x20: {  	s0 =	sadd.s32 s0, s4;
	s4 =	sadd.s32 s5, s20;
	[dreg:$0xb] =	wrdreg s12  }
.Ltmp0:
0x21: {  	s26 =	sadd.s32 $0x20, s8;
	[dreg:$0xc] =	wrdreg s0;
	(pc) =	sbr.rel .LBB2_1-.Ltmp0, $4  }
0x22: {  	s8 =	simm.s32 $0x6;
	s0 =	sshrl.u32 s13, $0x3;
	[dreg:$0x12] =	wrdreg s4  }
0x23: {  	s20 =	simm.s32 $0x0;
	[dreg:$0x15] =	wrdreg s26;
	s0 =	sadd.s32 s5, s0  }
0x24: {  	s4 =	simm.s32 $0x1;
	s12 =	simm.s32 $0x4;
	s0 =	sadd.s32 $0x600, s0  }
0x25: {  	v0 =	vimm.f32 $0.0e+00;
	s13 =	simm.s32 $0x60;
	[dreg:$0x13] =	wrdreg s0;
	s0 =	simm.s32 $0x3300  }
.LBB2_12:
0x26: {  	s15 =	simm.s32 $0xC  }
0x27: {  	_ =	swait.ge [sflag:s15], $0x3000  }
0x28: {  	[sflag:s15] =	ssyncset.done $0x0  }
0x29: {  	[sflag:s15] =	ssyncadd.s32 $0xFFFFD000  }
0x2a: {  	[bflag:$0x0] =	sbarrier.arrive $0xFFFF  }
0x2b: {  	s21 =	rddreg [dreg:$0x3]  }
0x2c: {  	[tilespmem:s29], [sflag:$0xD] =	stream.linear.gather [spmem:s21], $0x3000, $0x38;
	[tilespmem:$0x1D300] =	vst v63  }
0x2d: {  	_ =	swait.ge [sflag:s30], $0x3000  }
0x2e: {  	[sflag:s30] =	ssyncset.done $0x0  }
0x2f: {  	s26 =	rddreg [dreg:$0x6];
	[sflag:s30] =	ssyncadd.s32 $0xFFFFD000  }
0x30: {  	[hbm4b:s26+s2] =	stream.linear.scatter [tilespmem:s29], [sflag:$0xD], $0x3000, $0x38;
	[tilespmem:$0x1D300] =	vst v63  }
0x31: {  	_ =	swait.ge [sflag:s30], $0x3000  }
0x32: {  	[sflag:s30] =	ssyncset.done $0x0  }
0x33: {  	s22 =	rddreg [dreg:$0x4];
	[sflag:s30] =	ssyncadd.s32 $0xFFFFD000  }
0x34: {  	[tilespmem:s29], [sflag:$0xD] =	stream.linear.gather [spmem:s22], $0x3000, $0x38;
	[tilespmem:$0x1D300] =	vst v63  }
0x35: {  	_ =	swait.ge [sflag:s30], $0x3000  }
0x36: {  	[sflag:s30] =	ssyncset.done $0x0  }
0x37: {  	s20 =	rddreg [dreg:$0x7];
	[sflag:s30] =	ssyncadd.s32 $0xFFFFD000  }
0x38: {  	[hbm4b:s20+s2] =	stream.linear.scatter [tilespmem:s29], [sflag:$0xD], $0x3000, $0x38;
	[tilespmem:$0x1D300] =	vst v63  }
0x39: {  	_ =	swait.ge [sflag:s30], $0x3000  }
0x3a: {  	[sflag:s30] =	ssyncset.done $0x0  }
0x3b: {  	s26 =	rddreg [dreg:$0x5];
	[sflag:s30] =	ssyncadd.s32 $0xFFFFD000  }
0x3c: {  	[tilespmem:s29], [sflag:$0xD] =	stream.linear.gather [spmem:s26], $0x3000, $0x38;
	[tilespmem:$0x1D300] =	vst v63  }
0x3d: {  	_ =	swait.ge [sflag:s30], $0x3000  }
0x3e: {  	[sflag:s30] =	ssyncset.done $0x0  }
0x3f: {  	s20 =	rddreg [dreg:$0x8];
	[sflag:s30] =	ssyncadd.s32 $0xFFFFD000  }
0x40: {  	[hbm4b:s20+s2] =	stream.linear.scatter [tilespmem:s29], [sflag:$0xD], $0x3000, $0x38;
	[tilespmem:$0x1D300] =	vst v63  }
0x41: {  	_ =	swait.ge [sflag:s30], $0x3000  }
0x42: {  	[sflag:s30] =	ssyncset.done $0x0  }
0x43: {  	s26 =	rddreg [dreg:$0xd];
	[sflag:s30] =	ssyncadd.s32 $0xFFFFD000  }
0x44: {  	[tilespmem:s29], [sflag:$0xD] =	stream.linear.gather [spmem:s26], $0x3000, $0x38;
	[tilespmem:$0x1D300] =	vst v63  }
0x45: {  	_ =	swait.ge [sflag:s30], $0x3000  }
0x46: {  	[sflag:s30] =	ssyncset.done $0x0  }
0x47: {  	s20 =	rddreg [dreg:$0x9];
	[sflag:s30] =	ssyncadd.s32 $0xFFFFD000  }
0x48: {  	[hbm4b:s20+s2] =	stream.linear.scatter [tilespmem:s29], [sflag:$0xD], $0x3000, $0x38;
	[tilespmem:$0x1D300] =	vst v63  }
0x49: {  	_ =	swait.ge [sflag:s30], $0x3000  }
0x4a: {  	[sflag:s30] =	ssyncset.done $0x0  }
0x4b: {  	s26 =	rddreg [dreg:$0xe];
	[sflag:s30] =	ssyncadd.s32 $0xFFFFD000  }
0x4c: {  	[tilespmem:s29], [sflag:$0xD] =	stream.linear.gather [spmem:s26], $0x3000, $0x38;
	[tilespmem:$0x1D300] =	vst v63  }
0x4d: {  	_ =	swait.ge [sflag:s30], $0x3000  }
0x4e: {  	[sflag:s30] =	ssyncset.done $0x0  }
0x4f: {  	s20 =	rddreg [dreg:$0xa];
	[sflag:s30] =	ssyncadd.s32 $0xFFFFD000  }
0x50: {  	[hbm4b:s20+s2] =	stream.linear.scatter [tilespmem:s29], [sflag:$0xD], $0x3000, $0x38;
	[tilespmem:$0x1D300] =	vst v63  }
0x51: {  	_ =	swait.ge [sflag:s30], $0x3000  }
0x52: {  	[sflag:s30] =	ssyncset.done $0x0  }
0x53: {  	s26 =	rddreg [dreg:$0xf];
	[sflag:s30] =	ssyncadd.s32 $0xFFFFD000  }
0x54: {  	[tilespmem:s29], [sflag:$0xD] =	stream.linear.gather [spmem:s26], $0x3000, $0x38;
	[tilespmem:$0x1D300] =	vst v63  }
0x55: {  	_ =	swait.ge [sflag:s30], $0x3000  }
0x56: {  	[sflag:s30] =	ssyncset.done $0x0  }
0x57: {  	s20 =	rddreg [dreg:$0xb];
	[sflag:s30] =	ssyncadd.s32 $0xFFFFD000  }
0x58: {  	[hbm4b:s20+s2] =	stream.linear.scatter [tilespmem:s29], [sflag:$0xD], $0x3000, $0x38;
	[tilespmem:$0x1D300] =	vst v63  }
0x59: {  	_ =	swait.ge [sflag:s30], $0x3000  }
0x5a: {  	[sflag:s30] =	ssyncset.done $0x0  }
0x5b: {  	s26 =	rddreg [dreg:$0x10];
	[sflag:s30] =	ssyncadd.s32 $0xFFFFD000  }
0x5c: {  	[tilespmem:s29], [sflag:$0xD] =	stream.linear.gather [spmem:s26], $0x2000, $0x38;
	[tilespmem:$0x1D300] =	vst v63  }
0x5d: {  	_ =	swait.ge [sflag:s30], $0x2000  }
0x5e: {  	[sflag:s30] =	ssyncset.done $0x0  }
0x5f: {  	s20 =	rddreg [dreg:$0xc];
	[sflag:s30] =	ssyncadd.s32 $0xFFFFE000  }
0x60: {  	[hbm4b:s20+s2] =	stream.linear.scatter [tilespmem:s29], [sflag:$0xD], $0x2000, $0x38;
	[tilespmem:$0x1D300] =	vst v63  }
0x61: {  	_ =	swait.ge [sflag:s30], $0x2000  }
0x62: {  	s20 =	rddreg [dreg:$0x16]  }
0x63: {  	s26 =	rddreg [dreg:$0x14];
	s20 =	sadd.s32 $0x1, s20  }
0x64: {  	p0 =	sne.s32 s20, s26  }
.Ltmp1:
0x65: {  	_ = 	snop;
	(pc) =	sbr.rel @!p0 .LBB2_13-.Ltmp1, $3  }
0x66: {  	_ =	sdelay $0x1  }
0x67: {  	[sflag:s30] =	ssyncset.done $0x0  }
0x68: {  	[sflag:s30] =	ssyncadd.s32 $0xFFFFE000  }
.LBB2_1:
0x69: {  	[dreg:$0x16] =	wrdreg s20;
	s15 =	simm.s32 $0x0;
	s20 =	simm.s32 $0x200  }
.LBB2_2:
0x6a: {  	p0 =	sne.s32 s20, $0xBE00;
	[tilespmem:s15+$0x370] =	vst v0  }
0x6b: {  	[tilespmem:s15+$0x300] =	vst v0  }
0x6c: {  	[tilespmem:s15+$0x310] =	vst v0  }
.Ltmp2:
0x6d: {  	[tilespmem:s15+$0x320] =	vst v0;
	(pc) =	sbr.rel @p0 .LBB2_2-.Ltmp2, $4  }
0x6e: {  	[tilespmem:s15+$0x330] =	vst v0  }
0x6f: {  	[tilespmem:s15+$0x340] =	vst v0  }
0x70: {  	[tilespmem:s15+$0x350] =	vst v0  }
0x71: {  	[tilespmem:s15+$0x360] =	vst v0;
	s15 =	sshra.s32 s20, $0x2;
	s20 =	sadd.s32 $0x200, s20  }
0x72: {  	[tilespmem:s15+$0x370] =	vst v0  }
0x73: {  	[tilespmem:s15+$0x300] =	vst v0  }
0x74: {  	[tilespmem:s15+$0x310] =	vst v0  }
0x75: {  	[tilespmem:s15+$0x320] =	vst v0  }
0x76: {  	[tilespmem:s15+$0x330] =	vst v0  }
0x77: {  	[tilespmem:s15+$0x340] =	vst v0  }
0x78: {  	[tilespmem:s15+$0x350] =	vst v0  }
0x79: {  	[tilespmem:s15+$0x360] =	vst v0  }
0x7a: {  	[spmem:s21] =	stream.linear.scatter [tilespmem:s29], [sflag:$0xD], $0x3000, $0x38;
	[tilespmem:$0x1D300] =	vst v63  }
0x7b: {  	_ =	swait.ge [sflag:s30], $0x3000  }
0x7c: {  	[sflag:s30] =	ssyncset.done $0x0  }
0x7d: {  	[sflag:s30] =	ssyncadd.s32 $0xFFFFD000  }
0x7e: {  	[spmem:s22] =	stream.linear.scatter [tilespmem:s29], [sflag:$0xD], $0x3000, $0x38;
	[tilespmem:$0x1D300] =	vst v63  }
0x7f: {  	_ =	swait.ge [sflag:s30], $0x3000  }
0x80: {  	[sflag:s30] =	ssyncset.done $0x0  }
0x81: {  	s22 =	rddreg [dreg:$0x5];
	[sflag:s30] =	ssyncadd.s32 $0xFFFFD000  }
0x82: {  	[spmem:s22] =	stream.linear.scatter [tilespmem:s29], [sflag:$0xD], $0x3000, $0x38;
	[tilespmem:$0x1D300] =	vst v63  }
0x83: {  	_ =	swait.ge [sflag:s30], $0x3000  }
0x84: {  	[sflag:s30] =	ssyncset.done $0x0  }
0x85: {  	s26 =	rddreg [dreg:$0xd];
	[sflag:s30] =	ssyncadd.s32 $0xFFFFD000  }
0x86: {  	[spmem:s26] =	stream.linear.scatter [tilespmem:s29], [sflag:$0xD], $0x3000, $0x38;
	[tilespmem:$0x1D300] =	vst v63  }
0x87: {  	_ =	swait.ge [sflag:s30], $0x3000  }
0x88: {  	[sflag:s30] =	ssyncset.done $0x0  }
0x89: {  	s20 =	rddreg [dreg:$0xe];
	[sflag:s30] =	ssyncadd.s32 $0xFFFFD000  }
0x8a: {  	[spmem:s20] =	stream.linear.scatter [tilespmem:s29], [sflag:$0xD], $0x3000, $0x38;
	[tilespmem:$0x1D300] =	vst v63  }
0x8b: {  	_ =	swait.ge [sflag:s30], $0x3000  }
0x8c: {  	[sflag:s30] =	ssyncset.done $0x0  }
0x8d: {  	s21 =	rddreg [dreg:$0xf];
	[sflag:s30] =	ssyncadd.s32 $0xFFFFD000  }
0x8e: {  	[spmem:s21] =	stream.linear.scatter [tilespmem:s29], [sflag:$0xD], $0x3000, $0x38;
	[tilespmem:$0x1D300] =	vst v63  }
0x8f: {  	_ =	swait.ge [sflag:s30], $0x3000  }
0x90: {  	[sflag:s30] =	ssyncset.done $0x0  }
0x91: {  	s22 =	rddreg [dreg:$0x10];
	[sflag:s30] =	ssyncadd.s32 $0xFFFFD000  }
0x92: {  	[spmem:s22] =	stream.linear.scatter [tilespmem:s29], [sflag:$0xD], $0x2000, $0x38;
	[tilespmem:$0x1D300] =	vst v63  }
0x93: {  	_ =	swait.ge [sflag:s30], $0x2000  }
0x94: {  	[sflag:s30] =	ssyncset.done $0x0  }
0x95: {  	[sflag:s30] =	ssyncadd.s32 $0xFFFFE000  }
0x96: {  	[bflag:$0x0] =	sbarrier.arrive $0xFFFF  }
0x97: {  	s21 =	simm.s32 $0x0;
	s26 =	rddreg [dreg:$0x11]  }
0x98: {  	[tilespmem:s21], [sflag:$0x1] =	stream.linear.gather [hbm4b:s26+s21], $0x100, $0x38;
	[tilespmem:$0x1D300] =	vst v63  }
0x99: {  	s20 =	rddreg [dreg:$0x12]  }
0x9a: {  	[tilespmem:s29], [sflag:$0x4] =	stream.linear.gather [hbm4b:s20+s21], $0x3000, $0x38;
	[tilespmem:$0x1D300] =	vst v63  }
0x9b: {  	s22 =	rddreg [dreg:$0x15]  }
0x9c: {  	[tilespmem:s31], [sflag:$0x2] =	stream.linear.gather [hbm4b:s22+s21], $0x100, $0x38;
	[tilespmem:$0x1D300] =	vst v63  }
0x9d: {  	s26 =	rddreg [dreg:$0x13]  }
0x9e: {  	[tilespmem:s0], [sflag:$0x5] =	stream.linear.gather [hbm4b:s26+s21], $0x3000, $0x38;
	[tilespmem:$0x1D300] =	vst v63  }
0x9f: {  	_ =	swait.ge [sflag:s4], $0x100  }
0xa0: {  	[sflag:s4] =	ssyncset.done $0x0  }
0xa1: {  	[sflag:s4] =	ssyncadd.s32 $0xFFFFFF00  }
0xa2: {  	_ =	swait.ge [sflag:s12], $0x3000  }
0xa3: {  	[sflag:s12] =	ssyncset.done $0x0  }
0xa4: {  	[sflag:s12] =	ssyncadd.s32 $0xFFFFD000  }
0xa5: {  	[tilespmem:s29], [sflag:$0x7] =	stream.indirect.gather.add.f32 [hbm:s3], $0x80, s21, s13, $0xb8;
	[tilespmem:$0x1D300] =	vst v63  }
.LBB2_4:
0xa6: {  	_ =	swait.ge [sflag:s14], $0x3000  }
0xa7: {  	[sflag:s14] =	ssyncset.done $0x0  }
0xa8: {  	s22 =	simm.s32 $0x0;
	[sflag:s14] =	ssyncadd.s32 $0xFFFFD000  }
0xa9: {  	v3 =	vld [tilespmem:s22+$0x300]  }
0xaa: {  	v5 =	vld [tilespmem:s22+$0x310]  }
0xab: {  	v4 =	vld [tilespmem:s22+$0x320]  }
0xac: {  	v2 =	vld [tilespmem:s22+$0x330]  }
0xad: {  	v1 =	vld [tilespmem:s22+$0x340]  }
0xae: {  	v6 =	vmax.f32 v3, $0.0e+00;
	v3 =	vld [tilespmem:s22+$0x350]  }
0xaf: {  	s20 =	simm.s32 $0x200;
	[tilespmem:s22+$0x300] =	vst v6;
	v6 =	vmax.f32 v5, $0.0e+00;
	v5 =	vld [tilespmem:s22+$0x360]  }
.LBB2_5:
0xb0: {  	s15 =	sshra.s32 s20, $0x2;
	p0 =	sne.s32 s20, $0xBE00;
	[tilespmem:s22+$0x310] =	vst v6;
	v4 =	vmax.f32 v4, $0.0e+00;
	v6 =	vld [tilespmem:s22+$0x370]  }
0xb1: {  	v7 =	vld [tilespmem:s15+$0x300];
	[tilespmem:s22+$0x320] =	vst v4;
	v2 =	vmax.f32 v2, $0.0e+00  }
0xb2: {  	v8 =	vld [tilespmem:s15+$0x310];
	[tilespmem:s22+$0x330] =	vst v2;
	v1 =	vmax.f32 v1, $0.0e+00  }
.Ltmp3:
0xb3: {  	v4 =	vld [tilespmem:s15+$0x320];
	[tilespmem:s22+$0x340] =	vst v1;
	v1 =	vmax.f32 v3, $0.0e+00;
	(pc) =	sbr.rel @p0 .LBB2_5-.Ltmp3, $4  }
0xb4: {  	v2 =	vld [tilespmem:s15+$0x330];
	[tilespmem:s22+$0x350] =	vst v1;
	v3 =	vmax.f32 v5, $0.0e+00  }
0xb5: {  	v1 =	vld [tilespmem:s15+$0x340];
	[tilespmem:s22+$0x360] =	vst v3;
	v5 =	vmax.f32 v6, $0.0e+00  }
0xb6: {  	v6 =	vmax.f32 v7, $0.0e+00;
	v3 =	vld [tilespmem:s15+$0x350];
	[tilespmem:s22+$0x370] =	vst v5;
	s22 =	smov.u32 s15  }
0xb7: {  	s20 =	sadd.s32 $0x200, s20;
	[tilespmem:s22+$0x300] =	vst v6;
	v6 =	vmax.f32 v8, $0.0e+00;
	v5 =	vld [tilespmem:s22+$0x360]  }
0xb8: {  	[tilespmem:s22+$0x310] =	vst v6;
	v4 =	vmax.f32 v4, $0.0e+00;
	v6 =	vld [tilespmem:s22+$0x370]  }
0xb9: {  	[tilespmem:s22+$0x320] =	vst v4;
	v2 =	vmax.f32 v2, $0.0e+00  }
0xba: {  	[tilespmem:s22+$0x330] =	vst v2;
	v1 =	vmax.f32 v1, $0.0e+00  }
0xbb: {  	[tilespmem:s22+$0x340] =	vst v1;
	v1 =	vmax.f32 v3, $0.0e+00  }
0xbc: {  	[tilespmem:s22+$0x350] =	vst v1;
	v1 =	vmax.f32 v5, $0.0e+00  }
0xbd: {  	[tilespmem:s22+$0x360] =	vst v1;
	v1 =	vmax.f32 v6, $0.0e+00  }
0xbe: {  	s15 =	simm.s32 $0x80;
	p0 =	seq.s32 s21, $0x0;
	[tilespmem:s22+$0x370] =	vst v1;
	s22 =	smul.u32 $0x3, s21  }
0xbf: {  	[spmem:s1] =	stream.indirect.scatter.add.f32 [tilespmem:s29], [sflag:$0xA], $0x80, s15, s13, $0xb8;
	[tilespmem:$0x1D300] =	vst v63  }
0xc0: {  	s15 =	simm.s32 @!p0 $0xC;
	s20 =	sadd.s32 $0x2, s22  }
0xc1: {  	_ =	swait.ge @!p0 [sflag:s15], $0x3000;
	s26 =	sshll.u32 s20, $0x8  }
0xc2: {  	[sflag:s15] =	ssyncset.done @!p0 $0x0;
	s20 =	smul.u32 $0x60, s20;
	s26 =	sadd.s32 s11, s26  }
0xc3: {  	[sflag:s15] =	ssyncadd.s32 @!p0 $0xFFFFD000;
	s26 =	sshrl.u32 s26, $0x3  }
0xc4: {  	s20 =	sadd.s32 s7, s20;
	s15 =	sadd.s32 s6, s26;
	s26 =	simm.s32 $0x0  }
0xc5: {  	[tilespmem:s16], [sflag:$0x3] =	stream.linear.gather [hbm4b:s15+s26], $0x100, $0x38;
	[tilespmem:$0x1D300] =	vst v63  }
0xc6: {  	s15 =	sshll.u32 s20, $0x4  }
0xc7: {  	s15 =	sadd.s32 s5, s15  }
0xc8: {  	[tilespmem:s17], [sflag:$0x6] =	stream.linear.gather [hbm4b:s15+s26], $0x3000, $0x38;
	[tilespmem:$0x1D300] =	vst v63  }
0xc9: {  	_ =	swait.ge [sflag:s18], $0x100  }
0xca: {  	[sflag:s18] =	ssyncset.done $0x0  }
0xcb: {  	[sflag:s18] =	ssyncadd.s32 $0xFFFFFF00  }
0xcc: {  	_ =	swait.ge [sflag:s24], $0x3000  }
0xcd: {  	[sflag:s24] =	ssyncset.done $0x0  }
0xce: {  	[sflag:s24] =	ssyncadd.s32 $0xFFFFD000  }
0xcf: {  	[tilespmem:s0], [sflag:$0x8] =	stream.indirect.gather.add.f32 [hbm:s3], $0x80, s31, s13, $0xb8;
	[tilespmem:$0x1D300] =	vst v63  }
0xd0: {  	_ =	swait.ge [sflag:s25], $0x3000  }
0xd1: {  	[sflag:s25] =	ssyncset.done $0x0  }
0xd2: {  	s20 =	simm.s32 $0x0;
	[sflag:s25] =	ssyncadd.s32 $0xFFFFD000  }
0xd3: {  	v3 =	vld [tilespmem:s20+$0x3300]  }
0xd4: {  	v5 =	vld [tilespmem:s20+$0x3310]  }
0xd5: {  	v4 =	vld [tilespmem:s20+$0x3320]  }
0xd6: {  	v2 =	vld [tilespmem:s20+$0x3330]  }
0xd7: {  	v1 =	vld [tilespmem:s20+$0x3340]  }
0xd8: {  	v6 =	vmax.f32 v3, $0.0e+00;
	v3 =	vld [tilespmem:s20+$0x3350]  }
0xd9: {  	s15 =	simm.s32 $0x200;
	[tilespmem:s20+$0x3300] =	vst v6;
	v6 =	vmax.f32 v5, $0.0e+00;
	v5 =	vld [tilespmem:s20+$0x3360]  }
.LBB2_7:
0xda: {  	s26 =	sshra.s32 s15, $0x2;
	p0 =	sne.s32 s15, $0xBE00;
	[tilespmem:s20+$0x3310] =	vst v6;
	v4 =	vmax.f32 v4, $0.0e+00;
	v6 =	vld [tilespmem:s20+$0x3370]  }
0xdb: {  	v7 =	vld [tilespmem:s26+$0x3300];
	[tilespmem:s20+$0x3320] =	vst v4;
	v2 =	vmax.f32 v2, $0.0e+00  }
0xdc: {  	v8 =	vld [tilespmem:s26+$0x3310];
	[tilespmem:s20+$0x3330] =	vst v2;
	v1 =	vmax.f32 v1, $0.0e+00  }
.Ltmp4:
0xdd: {  	v4 =	vld [tilespmem:s26+$0x3320];
	[tilespmem:s20+$0x3340] =	vst v1;
	v1 =	vmax.f32 v3, $0.0e+00;
	(pc) =	sbr.rel @p0 .LBB2_7-.Ltmp4, $4  }
0xde: {  	v2 =	vld [tilespmem:s26+$0x3330];
	[tilespmem:s20+$0x3350] =	vst v1;
	v3 =	vmax.f32 v5, $0.0e+00  }
0xdf: {  	v1 =	vld [tilespmem:s26+$0x3340];
	[tilespmem:s20+$0x3360] =	vst v3;
	v5 =	vmax.f32 v6, $0.0e+00  }
0xe0: {  	v6 =	vmax.f32 v7, $0.0e+00;
	v3 =	vld [tilespmem:s26+$0x3350];
	[tilespmem:s20+$0x3370] =	vst v5;
	s20 =	smov.u32 s26  }
0xe1: {  	s15 =	sadd.s32 $0x200, s15;
	[tilespmem:s20+$0x3300] =	vst v6;
	v6 =	vmax.f32 v8, $0.0e+00;
	v5 =	vld [tilespmem:s20+$0x3360]  }
0xe2: {  	[tilespmem:s20+$0x3310] =	vst v6;
	v4 =	vmax.f32 v4, $0.0e+00;
	v6 =	vld [tilespmem:s20+$0x3370]  }
0xe3: {  	[tilespmem:s20+$0x3320] =	vst v4;
	v2 =	vmax.f32 v2, $0.0e+00  }
0xe4: {  	[tilespmem:s20+$0x3330] =	vst v2;
	v1 =	vmax.f32 v1, $0.0e+00  }
0xe5: {  	[tilespmem:s20+$0x3340] =	vst v1;
	v1 =	vmax.f32 v3, $0.0e+00  }
0xe6: {  	[tilespmem:s20+$0x3350] =	vst v1;
	v1 =	vmax.f32 v5, $0.0e+00  }
0xe7: {  	[tilespmem:s20+$0x3360] =	vst v1;
	v1 =	vmax.f32 v6, $0.0e+00  }
0xe8: {  	s15 =	simm.s32 $0x180;
	p0 =	seq.s32 s21, $0x22;
	[tilespmem:s20+$0x3370] =	vst v1  }
0xe9: {  	[spmem:s1] =	stream.indirect.scatter.add.f32 [tilespmem:s0], [sflag:$0xB], $0x80, s15, s13, $0xb8;
	[tilespmem:$0x1D300] =	vst v63  }
0xea: {  	s15 =	sadd.s32 @!p0 $0x3, s22  }
0xeb: {  	s20 =	sshll.u32 @!p0 s15, $0x8;
	s15 =	smul.u32 @!p0 $0x60, s15  }
0xec: {  	s26 =	simm.s32 @!p0 $0x0;
	_ =	swait.ge [sflag:s28], $0x3000;
	s20 =	sadd.s32 @!p0 s11, s20  }
0xed: {  	[sflag:s28] =	ssyncset.done $0x0;
	s20 =	sshrl.u32 @!p0 s20, $0x3;
	s15 =	sadd.s32 @!p0 s7, s15  }
0xee: {  	[sflag:s28] =	ssyncadd.s32 $0xFFFFD000;
	s20 =	sadd.s32 @!p0 s6, s20;
	s15 =	sshll.u32 @!p0 s15, $0x4  }
0xef: {  	[tilespmem:s26], [sflag:$0x1] =	stream.linear.gather @!p0 [hbm4b:s20+s26], $0x100, $0x38;
	[tilespmem:$0x1D300] =	vst v63  }
0xf0: {  	s15 =	sadd.s32 @!p0 s5, s15;
	s20 =	simm.s32 @!p0 $0x300  }
0xf1: {  	[tilespmem:s20], [sflag:$0x4] =	stream.linear.gather @!p0 [hbm4b:s15+s26], $0x3000, $0x38;
	[tilespmem:$0x1D300] =	vst v63  }
0xf2: {  	_ =	swait.ge [sflag:s23], $0x100  }
0xf3: {  	[sflag:s23] =	ssyncset.done $0x0  }
0xf4: {  	[sflag:s23] =	ssyncadd.s32 $0xFFFFFF00  }
0xf5: {  	_ =	swait.ge [sflag:s8], $0x3000  }
0xf6: {  	[sflag:s8] =	ssyncset.done $0x0  }
0xf7: {  	[sflag:s8] =	ssyncadd.s32 $0xFFFFD000  }
0xf8: {  	[tilespmem:s17], [sflag:$0x9] =	stream.indirect.gather.add.f32 [hbm:s3], $0x80, s16, s13, $0xb8;
	[tilespmem:$0x1D300] =	vst v63  }
0xf9: {  	_ =	swait.ge [sflag:s9], $0x3000  }
0xfa: {  	[sflag:s9] =	ssyncset.done $0x0  }
0xfb: {  	s20 =	simm.s32 $0x0;
	[sflag:s9] =	ssyncadd.s32 $0xFFFFD000  }
0xfc: {  	v3 =	vld [tilespmem:s20+$0x6300]  }
0xfd: {  	v5 =	vld [tilespmem:s20+$0x6310]  }
0xfe: {  	v4 =	vld [tilespmem:s20+$0x6320]  }
0xff: {  	v2 =	vld [tilespmem:s20+$0x6330]  }
0x100: {  	v1 =	vld [tilespmem:s20+$0x6340]  }
0x101: {  	v6 =	vmax.f32 v3, $0.0e+00;
	v3 =	vld [tilespmem:s20+$0x6350]  }
0x102: {  	s15 =	simm.s32 $0x200;
	[tilespmem:s20+$0x6300] =	vst v6;
	v6 =	vmax.f32 v5, $0.0e+00;
	v5 =	vld [tilespmem:s20+$0x6360]  }
.LBB2_9:
0x103: {  	s26 =	sshra.s32 s15, $0x2;
	p1 =	sne.s32 s15, $0xBE00;
	[tilespmem:s20+$0x6310] =	vst v6;
	v4 =	vmax.f32 v4, $0.0e+00;
	v6 =	vld [tilespmem:s20+$0x6370]  }
0x104: {  	v7 =	vld [tilespmem:s26+$0x6300];
	[tilespmem:s20+$0x6320] =	vst v4;
	v2 =	vmax.f32 v2, $0.0e+00  }
0x105: {  	v8 =	vld [tilespmem:s26+$0x6310];
	[tilespmem:s20+$0x6330] =	vst v2;
	v1 =	vmax.f32 v1, $0.0e+00  }
.Ltmp5:
0x106: {  	v4 =	vld [tilespmem:s26+$0x6320];
	[tilespmem:s20+$0x6340] =	vst v1;
	v1 =	vmax.f32 v3, $0.0e+00;
	(pc) =	sbr.rel @p1 .LBB2_9-.Ltmp5, $4  }
0x107: {  	v2 =	vld [tilespmem:s26+$0x6330];
	[tilespmem:s20+$0x6350] =	vst v1;
	v3 =	vmax.f32 v5, $0.0e+00  }
0x108: {  	v1 =	vld [tilespmem:s26+$0x6340];
	[tilespmem:s20+$0x6360] =	vst v3;
	v5 =	vmax.f32 v6, $0.0e+00  }
0x109: {  	v6 =	vmax.f32 v7, $0.0e+00;
	v3 =	vld [tilespmem:s26+$0x6350];
	[tilespmem:s20+$0x6370] =	vst v5;
	s20 =	smov.u32 s26  }
0x10a: {  	s15 =	sadd.s32 $0x200, s15;
	[tilespmem:s20+$0x6300] =	vst v6;
	v6 =	vmax.f32 v8, $0.0e+00;
	v5 =	vld [tilespmem:s20+$0x6360]  }
0x10b: {  	[tilespmem:s20+$0x6310] =	vst v6;
	v4 =	vmax.f32 v4, $0.0e+00;
	v63 =	vld [tilespmem:s20+$0x6370]  }
0x10c: {  	[tilespmem:s20+$0x6320] =	vst v4;
	v2 =	vmax.f32 v2, $0.0e+00  }
0x10d: {  	[tilespmem:s20+$0x6330] =	vst v2;
	v1 =	vmax.f32 v1, $0.0e+00  }
0x10e: {  	[tilespmem:s20+$0x6340] =	vst v1;
	v1 =	vmax.f32 v3, $0.0e+00  }
0x10f: {  	[tilespmem:s20+$0x6350] =	vst v1;
	v1 =	vmax.f32 v5, $0.0e+00  }
0x110: {  	[tilespmem:s20+$0x6360] =	vst v1;
	v1 =	vmax.f32 v63, $0.0e+00  }
.Ltmp6:
0x111: {  	[tilespmem:s20+$0x6370] =	vst v1;
	(pc) =	sbr.rel @p0 .LBB2_12-.Ltmp6, $4  }
0x112: {  	[spmem:s1] =	stream.indirect.scatter.add.f32 [tilespmem:s17], [sflag:$0xC], $0x80, s10, s13, $0xb8;
	[tilespmem:$0x1D300] =	vst v63  }
0x113: {  	_ =	swait.ge [sflag:s19], $0x3000  }
0x114: {  	[sflag:s19] =	ssyncset.done $0x0  }
0x115: {  	[sflag:s19] =	ssyncadd.s32 $0xFFFFD000  }
0x116: {  	s15 =	sadd.s32 $0x4, s22  }
0x117: {  	s20 =	sshll.u32 s15, $0x8;
	s15 =	smul.u32 $0x60, s15  }
0x118: {  	s20 =	sadd.s32 s11, s20  }
0x119: {  	s20 =	sshrl.u32 s20, $0x3;
	s15 =	sadd.s32 s7, s15  }
0x11a: {  	s20 =	sadd.s32 s6, s20;
	s15 =	sshll.u32 s15, $0x4  }
0x11b: {  	[tilespmem:s31], [sflag:$0x2] =	stream.linear.gather [hbm4b:s20+s2], $0x100, $0x38;
	[tilespmem:$0x1D300] =	vst v63  }
0x11c: {  	s15 =	sadd.s32 s5, s15  }
0x11d: {  	[tilespmem:s0], [sflag:$0x5] =	stream.linear.gather [hbm4b:s15+s2], $0x3000, $0x38;
	[tilespmem:$0x1D300] =	vst v63  }
0x11e: {  	_ =	swait.ge [sflag:s4], $0x100  }
0x11f: {  	[sflag:s4] =	ssyncset.done $0x0  }
.Ltmp7:
0x120: {  	[sflag:s4] =	ssyncadd.s32 $0xFFFFFF00;
	(pc) =	sbr.rel .LBB2_4-.Ltmp7, $4  }
0x121: {  	_ =	swait.ge [sflag:s12], $0x3000  }
0x122: {  	[sflag:s12] =	ssyncset.done $0x0  }
0x123: {  	s21 =	sadd.s32 $0x1, s21;
	[sflag:s12] =	ssyncadd.s32 $0xFFFFD000  }
0x124: {  	[tilespmem:s29], [sflag:$0x7] =	stream.indirect.gather.add.f32 [hbm:s3], $0x80, s2, s13, $0xb8;
	[tilespmem:$0x1D300] =	vst v63  }
.LBB2_13:
0x125: {  	_ =	sfence.sel $0x180000  }
0x126: {  	[bflag:$0x0] =	sbarrier.arrive $0xFFFF  }
0x127: {  	_ =	strace $0x90000047  }
0x128: {  	s0 =	stileid.u32;
	[bflag:$0x2] =	sbarrier.arrive $0xFFFF  }
0x129: {  	p0 =	sne.s32 s0, $0x0;
	s0 =	rddreg [dreg:$0x2]  }
0x12a: {  	s0 =	sadd.s32 @!p0 $0x100000, s0  }
0x12b: {  	[sflag:s0] =	ssyncadd.tile.s32 @!p0 $0x1;
	_ =	shalt  }
.Lfunc_end2:
_tile_overlayer_lowered:
.L_overlay_start_2:
0x12c: {  	(tag) =	ssettag $0x2  }
0x12d: {  	s0 =	rddreg [dreg:$0x0];
	s2 =	stileid.u32  }
0x12e: {  	s1 =	rddreg [dreg:$0x1];
	p0 =	sne.s32 s2, $0x0  }
0x12f: {  	s3 =	rddreg [dreg:$0x2];
	[bflag:$0x3] =	sbarrier.arrive $0xFFFF;
	s2 =	simm.s32 @!p0 $0x1C0D  }
0x130: {  	[timem:s3], [sflag:s2] =	dma.local @!p0 [hbm:s0], s1  }
0x131: {  	s0 =	simm.s32 @!p0 $0xD  }
0x132: {  	_ =	swait.ge @!p0 [sflag:s0], s1  }
0x133: {  	s1 =	ssub.s32 @!p0 $0x0, s1;
	[sflag:s0] =	ssyncset.done @!p0 $0x0  }
0x134: {  	[sflag:s0] =	ssyncadd.s32 @!p0 s1  }
0x135: {  	[bflag:$0x3] =	sbarrier.arrive $0xFFFF  }
0x136: {  	_ =	shalt  }

// kernel: kernel.18.cloned.1.call-start
scs
__scs_entry_jumppad:
0x0: {  	(pc) =	sbr.rel $0x88, $3  }
0x1: {  	(tag) =	ssettag $0x0;
	lr =	simm.s32 $0x1  }
0x2: {  	[smem:$0x3F8B] =	sst lr;
	_ =	strace $0xD0000000  }
0x3: {  	_ = 	snop  }
0x4: {  	_ = 	snop  }
0x5: {  	_ = 	snop  }
0x6: {  	_ = 	snop  }
0x7: {  	_ = 	snop  }
__scs_overlays_trampoline_lowered:
0x8: {  	[smem:$0x3F9A] =	sst s0  }
0x9: {  	[smem:$0x3F9B] =	sst s1  }
0xa: {  	[smem:$0x3F9C] =	sst s2  }
0xb: {  	[smem:$0x3F9D] =	sst s3  }
0xc: {  	[smem:$0x3F9E] =	sst s4  }
0xd: {  	[smem:$0x3F9F] =	sst s5  }
0xe: {  	[smem:$0x3FA0] =	sst s6  }
0xf: {  	[smem:$0x3FA1] =	sst s7  }
0x10: {  	[smem:$0x3FA2] =	sst s8  }
0x11: {  	[smem:$0x3FA3] =	sst s9;
	s0 =	simm.s32 @!p0 $0x0  }
0x12: {  	s1 =	sld [smem:$0x3F89];
	s0 =	simm.s32 @p0 $0x1  }
0x13: {  	[smem:$0x3FA4] =	sst s0;
	s0 =	simm.s32 @!p1 $0x0  }
0x14: {  	s2 =	sld [smem:$0x3F88];
	s0 =	simm.s32 @p1 $0x1  }
0x15: {  	[smem:$0x3FA5] =	sst s0;
	s0 =	simm.s32 @!p2 $0x0  }
0x16: {  	s3 =	sld [smem:$0x3FDB];
	s0 =	simm.s32 @p2 $0x1  }
0x17: {  	s4 =	simm.s32 $0x1BF5;
	[smem:$0x3FA7] =	sst s0  }
0x18: {  	s0 =	sld [smem:$0x3F8A];
	_ =	swait.ge [sflag:s4], $0x0  }
0x19: {  	s7 =	sld [smem:$0x3F8B]  }
0x1a: {  	s8 =	sadd.s32 $0xFFFFE003, lr  }
0x1b: {  	s9 =	sadd.s32 $0xFFFFFEF7, lr;
	s5 =	simm.s32 $0xFFFFFFFF;
	p2 =	slt.u32 s8, $0xFFFFF086  }
0x1c: {  	p1 =	slt.u32 s9, $0xF7A;
	s5 =	simm.s32 @!p2 $0x0  }
0x1d: {  	s5 =	simm.s32 @p1 $0x1;
	p0 =	seq.s32 s7, s2  }
0x1e: {  	s7 =	smul.u32 @!p0 $0xF7A, s2;
	p2 =	seq.s32 @!p0 s5, $0x0  }
0x1f: {  	s9 =	smul.u32 $0xF7A, s1;
	s8 =	simm.s32 @!p0 $0x1BF5;
	p2 =	por !p2, p0  }
0x20: {  	[sflag:s8] =	ssyncset.s32 @!p0 $0xFFFFF086;
	s6 =	sadd.s32 @!p0 s3, s7;
	s7 =	simm.s32 @!p0 $0x108  }
0x21: {  	s3 =	sadd.s32 s3, s9;
	s6 =	sadd.s32 @!p0 $0x88, s6;
	s7 =	simm.s32 @p2 $0x1082  }
0x22: {  	[simem:s7], [sflag:s8] =	dma.local @!p0 [hbm:s6], $0xF7A  }
0x23: {  	s9 =	sor.u32 $0xD0000000, s2;
	s6 =	simm.s32 $0x108;
	_ =	swait.ge @!p0 [sflag:s8], $0x0  }
0x24: {  	s3 =	sadd.s32 $0x88, s3;
	s6 =	simm.s32 @!p1 $0x1082;
	[sflag:s4] =	ssyncset.s32 $0xFFFFF086  }
0x25: {  	[simem:s6], [sflag:s4] =	dma.local [hbm:s3], $0xF7A  }
0x26: {  	[smem:$0x3F8B] =	sst s1;
	(tag) =	ssettag s2;
	_ =	strace s9  }
0x27: {  	s1 =	sld [smem:$0x3F9B]  }
0x28: {  	s2 =	sld [smem:$0x3F9C]  }
0x29: {  	s4 =	sld [smem:$0x3F9E]  }
0x2a: {  	p0 =	seq.s32 s5, $0x0;
	s5 =	sld [smem:$0x3F9F]  }
0x2b: {  	s6 =	sld [smem:$0x3FA0]  }
0x2c: {  	s7 =	sld [smem:$0x3FA1]  }
0x2d: {  	s3 =	simm.s32 $0x108;
	s8 =	sld [smem:$0x3FA2]  }
0x2e: {  	s3 =	simm.s32 @!p0 $0x1082;
	s9 =	sld [smem:$0x3FA3]  }
0x2f: {  	lr =	sadd.s32 s0, s3;
	s0 =	sld [smem:$0x3F9A]  }
0x30: {  	s3 =	sld [smem:$0x3F9D]  }
0x31: {  	[smem:$0x3FA6] =	sst s10  }
0x32: {  	s10 =	sld [smem:$0x3FA4];
	_ =	sdelay $0x3  }
0x33: {  	p0 =	seq.s32 s10, $0x1;
	s10 =	sld [smem:$0x3FA6];
	_ =	sdelay $0x3  }
0x34: {  	[smem:$0x3FA6] =	sst s10  }
0x35: {  	s10 =	sld [smem:$0x3FA5];
	_ =	sdelay $0x3  }
0x36: {  	p1 =	seq.s32 s10, $0x1;
	s10 =	sld [smem:$0x3FA6];
	_ =	sdelay $0x3  }
0x37: {  	[smem:$0x3FA6] =	sst s10  }
0x38: {  	s10 =	sld [smem:$0x3FA7]  }
0x39: {  	_ = 	snop;
	(pc) =	sbr.ind lr, $3  }
0x3a: {  	_ = 	snop  }
0x3b: {  	_ = 	snop  }
0x3c: {  	p2 =	seq.s32 s10, $0x1;
	s10 =	sld [smem:$0x3FA6]  }
0x3d: {  	_ =	shalt  }
0x3e: {  	_ =	shalt  }
0x3f: {  	_ =	shalt  }
0x40: {  	_ =	shalt  }
0x41: {  	_ =	shalt  }
0x42: {  	_ =	shalt  }
0x43: {  	_ =	shalt  }
0x44: {  	_ =	shalt  }
0x45: {  	_ =	shalt  }
0x46: {  	_ =	shalt  }
0x47: {  	_ =	shalt  }
0x48: {  	_ =	shalt  }
0x49: {  	_ =	shalt  }
0x4a: {  	_ =	shalt  }
0x4b: {  	_ =	shalt  }
0x4c: {  	_ =	shalt  }
0x4d: {  	_ =	shalt  }
0x4e: {  	_ =	shalt  }
0x4f: {  	_ =	shalt  }
0x50: {  	_ =	shalt  }
0x51: {  	_ =	shalt  }
0x52: {  	_ =	shalt  }
0x53: {  	_ =	shalt  }
0x54: {  	_ =	shalt  }
0x55: {  	_ =	shalt  }
0x56: {  	_ =	shalt  }
0x57: {  	_ =	shalt  }
0x58: {  	_ =	shalt  }
0x59: {  	_ =	shalt  }
0x5a: {  	_ =	shalt  }
0x5b: {  	_ =	shalt  }
0x5c: {  	_ =	shalt  }
0x5d: {  	_ =	shalt  }
0x5e: {  	_ =	shalt  }
0x5f: {  	_ =	shalt  }
0x60: {  	_ =	shalt  }
0x61: {  	_ =	shalt  }
0x62: {  	_ =	shalt  }
0x63: {  	_ =	shalt  }
0x64: {  	_ =	shalt  }
0x65: {  	_ =	shalt  }
0x66: {  	_ =	shalt  }
0x67: {  	_ =	shalt  }
0x68: {  	_ =	shalt  }
0x69: {  	_ =	shalt  }
0x6a: {  	_ =	shalt  }
0x6b: {  	_ =	shalt  }
0x6c: {  	_ =	shalt  }
0x6d: {  	_ =	shalt  }
0x6e: {  	_ =	shalt  }
0x6f: {  	_ =	shalt  }
0x70: {  	_ =	shalt  }
0x71: {  	_ =	shalt  }
0x72: {  	_ =	shalt  }
0x73: {  	_ =	shalt  }
0x74: {  	_ =	shalt  }
0x75: {  	_ =	shalt  }
0x76: {  	_ =	shalt  }
0x77: {  	_ =	shalt  }
0x78: {  	_ =	shalt  }
0x79: {  	_ =	shalt  }
0x7a: {  	_ =	shalt  }
0x7b: {  	_ =	shalt  }
0x7c: {  	_ =	shalt  }
0x7d: {  	_ =	shalt  }
0x7e: {  	_ =	shalt  }
0x7f: {  	_ =	shalt  }
0x80: {  	_ =	shalt  }
0x81: {  	_ =	shalt  }
0x82: {  	_ =	shalt  }
0x83: {  	_ =	shalt  }
0x84: {  	_ =	shalt  }
0x85: {  	_ =	shalt  }
0x86: {  	_ =	shalt  }
0x87: {  	_ =	shalt  }
.Lfunc_end0:
.L_simem_size_0:
called_computation.1_lowered:
.L_overlay_start_0:
0x88: {  	s2 =	sld [smem:$0x3FD9]  }
0x89: {  	s3 =	sld [smem:$0x3FFE];
	_ =	sdelay $0x1  }
0x8a: {  	s1 =	srdreg.scid  }
0x8b: {  	s0 =	sand.u32 $0x1, s1  }
0x8c: {  	s16 =	sshll.u32 s0, $0xA;
	s2 =	sadd.s32 s3, s2  }
0x8d: {  	s2 =	sadd.s32 s2, s16  }
0x8e: {  	[smem:$0x3FB2] =	sst s2  }
0x8f: {  	_ = 	snop  }
0x90: {  	(tm) =	ssettm $0x1  }
0x91: {  	s17 =	sld [smem:$0x3FFB];
	_ =	sdelay $0x3  }
0x92: {  	_ =	strace s17  }
0x93: {  	s2 =	sld [smem:$0x3FFC];
	_ =	sdelay $0x3  }
0x94: {  	_ =	strace s2  }
0x95: {  	s2 =	sld [smem:$0x3FFD];
	_ =	sdelay $0x3  }
0x96: {  	_ =	strace s2  }
0x97: {  	_ =	strace $0x8FFFFFFF  }
0x98: {  	s18 =	sld [smem:$0x3FDB];
	_ =	sdelay $0x1  }
0x99: {  	s19 =	simm.s32 $_scs_section_size  }
0x9a: {  	s4 =	simm.s32 $_size__tile_overlayer_lowered;
	s5 =	simm.s32 $_tile_overlayer_lowered  }
0x9b: {  	s22 =	simm.s32 $0x1BFF;
	s21 =	sshll.u32 s5, $0x1;
	s2 =	sadd.s32 s19, s18  }
0x9c: {  	s6 =	simm.s32 $0x0;
	s20 =	sshll.u32 s4, $0x1;
	s4 =	sadd.s32 s21, s2  }
0x9d: {  	[timem:s6], [sflag:s22] =	dma.local [hbm:s4], s20  }
0x9e: {  	_ =	swait.ge [sflag:s22], s20  }
0x9f: {  	s3 =	ssub.s32 $0x0, s20;
	[sflag:s22] =	ssyncset.done $0x0  }
0xa0: {  	[sflag:s22] =	ssyncadd.s32 s3;
	_ =	sdelay $0x1  }
0xa1: {  	s23 =	simm.s32 $0x1B8B  }
0xa2: {  	_ =	swait.ge [sflag:s23], $0x1  }
0xa3: {  	[sflag:s23] =	ssyncset.done $0x0  }
0xa4: {  	s25 =	simm.s32 $0x1B8E;
	s24 =	sld [smem:$0x3FFE];
	[sflag:s23] =	ssyncadd.s32 $0xFFFFFFFF  }
0xa5: {  	s26 =	simm.s32 $execute0_lowered;
	[smem:$0x3FD2] =	sst s25  }
0xa6: {  	s4 =	sshll.u32 s26, $0x1;
	_ =	strace $0x80000049;
	[dreg:$0x1] =	wrdreg $0xFFFFFFFF  }
0xa7: {  	s28 =	simm.s32 $_size_execute0_lowered;
	s2 =	sadd.s32 s2, s4;
	[dreg:$0x0] =	wrdreg $0x0  }
0xa8: {  	s4 =	sshll.u32 s28, $0x1;
	[dreg:$0x2] =	wrdreg s2  }
0xa9: {  	[dreg:$0x3] =	wrdreg s4  }
0xaa: {  	[dreg:$0x4] =	wrdreg $0xC0  }
0xab: {  	_ =	task [dreg:s6], $0x5FFFF  }
0xac: {  	[dreg:$0x1] =	wrdreg $0xFFFFFFFF  }
0xad: {  	[dreg:$0x0] =	wrdreg $0x60  }
0xae: {  	[dreg:$0x2] =	wrdreg s24  }
0xaf: {  	[dreg:$0x3] =	wrdreg $0x93000  }
0xb0: {  	[dreg:$0x4] =	wrdreg $0x9  }
0xb1: {  	_ =	task.clear_ibuf [dreg:s6], $0x5FFFF;
	_ =	strace $0x90000049  }
0xb2: {  	s29 =	simm.s32 $0x9;
	_ =	strace $0x8000004B  }
0xb3: {  	_ =	swait.ge [sflag:s29], $0x1  }
0xb4: {  	[sflag:s29] =	ssyncadd.s32 $0xFFFFFFFF  }
0xb5: {  	_ =	strace $0x9000004B  }
0xb6: {  	_ =	sfence  }
0xb7: {  	s30 =	sld [smem:$0x0];
	_ =	sdelay $0x2  }
0xb8: {  	s31 =	sshll.u32 s1, $0xD;
	s1 =	sshrl.u32 s1, $0x2  }
0xb9: {  	s3 =	sand.u32 $0x4000, s31;
	s1 =	sadd.s32 s1, s30  }
0xba: {  	s0 =	sor.u32 s3, s0;
	s1 =	sshll.u32 s1, $0x11  }
0xbb: {  	s0 =	sor.u32 s1, s0  }
0xbc: {  	s0 =	sadd.s32 $0x8F2B, s0  }
0xbd: {  	[sflag:s0] =	ssyncadd.remote.s32 $0x1  }
0xbe: {  	_ =	sfence.sel $0xFFFF  }
0xbf: {  	[dreg:$0x0] =	wrdreg $0xFFFFFFFF;
	(pc) =	sbr.abs _section_cstart, $3  }
0xc0: {  	[dreg:$0x1] =	wrdreg $0xFFFFFFFF  }
0xc1: {  	_ =	task.clear_ibuf [dreg:s6], $0x2FFFF;
	_ =	strace $0x9FFFFFFF  }
0xc2: {  	(tm) =	ssettm $0x7FFFFFFF  }
0xc3: {  	_ =	shalt  }
tec
execute0_lowered:
.L_overlay_start_1:
0x0: {  	(tag) =	ssettag $0x1  }
0x1: {  	s0 =	rddreg [dreg:$0x0]  }
0x2: {  	s1 =	rddreg [dreg:$0x1]  }
0x3: {  	s2 =	simm.s32 $0x0;
	s4 =	srdreg.scid;
	s11 =	stileid.u32  }
0x4: {  	s29 =	simm.s32 $0x300;
	s30 =	simm.s32 $0xD;
	s31 =	simm.s32 $0x100  }
0x5: {  	s28 =	simm.s32 $0xA;
	[smem:$0x7FF] =	sst s2;
	s3 =	sadd.s32 $0x7C00, s0  }
0x6: {  	s5 =	sadd.s32 $0xEC2600, s0;
	s6 =	sadd.s32 $0x30600, s0;
	s0 =	sadd.s32 $0x72A00, s0  }
0x7: {  	s4 =	sand.u32 $0x1, s4;
	s9 =	smul.u32 $0x50000, s11;
	_ =	strace $0x8000004A  }
0x8: {  	s7 =	ssub.s32 $0x2, s4;
	s8 =	sshll.u32 s4, $0x4;
	s4 =	smul.u32 $0x140000, s4  }
0x9: {  	s10 =	sshrl.u32 s7, $0x1;
	s8 =	sor.u32 s11, s8;
	s11 =	smul.u32 $0x14000, s11  }
0xa: {  	s9 =	sshrl.u32 s9, $0x2;
	s10 =	ssub.s32 s7, s10;
	s7 =	smul.u32 $0x2760, s8  }
0xb: {  	s21 =	sadd.s32 s9, s1;
	s12 =	sor.u32 $0x3000, s11;
	s13 =	sadd.s32 $0x6000, s11  }
0xc: {  	s9 =	sadd.s32 $0x9000, s11;
	s14 =	sadd.s32 $0xC000, s11;
	s15 =	sadd.s32 s11, s4  }
0xd: {  	s16 =	sadd.s32 $0xF000, s11;
	[dreg:$0x3] =	wrdreg s21;
	s22 =	sadd.s32 s12, s1  }
0xe: {  	s17 =	sadd.s32 s13, s1;
	s15 =	sshrl.u32 s15, $0x3;
	s12 =	sadd.s32 s4, s12  }
0xf: {  	s13 =	sadd.s32 s4, s13;
	s18 =	sadd.s32 s4, s9;
	s24 =	sadd.s32 s4, s14  }
0x10: {  	s25 =	sadd.s32 s4, s16;
	[dreg:$0x5] =	wrdreg s17;
	s17 =	sadd.s32 $0x12000, s11  }
0x11: {  	s11 =	smul.u32 $0x6900, s8;
	s15 =	sadd.s32 s0, s15;
	s12 =	sshrl.u32 s12, $0x3  }
0x12: {  	s19 =	sshrl.u32 s13, $0x3;
	s20 =	sshrl.u32 s18, $0x3;
	s26 =	sshrl.u32 s25, $0x3  }
0x13: {  	s13 =	smul.u32 $0x13B000, s8;
	s18 =	sadd.s32 s14, s1;
	s25 =	smax.u32 s10, $0x1  }
0x14: {  	s14 =	simm.s32 $0x7;
	s10 =	simm.s32 $0x280;
	[dreg:$0x4] =	wrdreg s22  }
0x15: {  	[dreg:$0x6] =	wrdreg s15;
	s12 =	sadd.s32 s0, s12;
	s23 =	sadd.s32 s0, s20  }
0x16: {  	s4 =	sadd.s32 s4, s17;
	s15 =	sadd.s32 s9, s1;
	[dreg:$0xe] =	wrdreg s18  }
0x17: {  	s20 =	smul.u32 $0x27600, s8;
	[dreg:$0x14] =	wrdreg s25;
	s18 =	simm.s32 $0x2  }
0x18: {  	s25 =	simm.s32 $0x8;
	s9 =	simm.s32 $0x9;
	[dreg:$0x7] =	wrdreg s12  }
0x19: {  	s12 =	sadd.s32 s0, s19;
	[dreg:$0x9] =	wrdreg s23;
	s4 =	sshrl.u32 s4, $0x3  }
0x1a: {  	[dreg:$0xd] =	wrdreg s15;
	s19 =	sadd.s32 s16, s1;
	s23 =	sshrl.u32 s11, $0x3  }
0x1b: {  	s16 =	simm.s32 $0x200;
	[dreg:$0x8] =	wrdreg s12;
	s12 =	sshrl.u32 s24, $0x3  }
0x1c: {  	[dreg:$0xf] =	wrdreg s19;
	s24 =	sadd.s32 s17, s1;
	s8 =	sadd.s32 s6, s23  }
0x1d: {  	s17 =	simm.s32 $0x6300;
	s23 =	simm.s32 $0x3;
	[dreg:$0x10] =	wrdreg s24  }
0x1e: {  	s19 =	simm.s32 $0xB;
	s12 =	sadd.s32 s0, s12;
	[dreg:$0x11] =	wrdreg s8  }
0x1f: {  	s24 =	simm.s32 $0x5;
	[dreg:$0xa] =	wrdreg s12;
	s12 =	sadd.s32 s0, s26  }
0x20: {  	s0 =	sadd.s32 s0, s4;
	s4 =	sadd.s32 s5, s20;
	[dreg:$0xb] =	wrdreg s12  }
.Ltmp0:
0x21: {  	s26 =	sadd.s32 $0x20, s8;
	[dreg:$0xc] =	wrdreg s0;
	(pc) =	sbr.rel .LBB2_1-.Ltmp0, $4  }
0x22: {  	s8 =	simm.s32 $0x6;
	s0 =	sshrl.u32 s13, $0x3;
	[dreg:$0x12] =	wrdreg s4  }
0x23: {  	s20 =	simm.s32 $0x0;
	[dreg:$0x15] =	wrdreg s26;
	s0 =	sadd.s32 s5, s0  }
0x24: {  	s4 =	simm.s32 $0x1;
	s12 =	simm.s32 $0x4;
	s0 =	sadd.s32 $0x600, s0  }
0x25: {  	v0 =	vimm.f32 $0.0e+00;
	s13 =	simm.s32 $0x60;
	[dreg:$0x13] =	wrdreg s0;
	s0 =	simm.s32 $0x3300  }
.LBB2_12:
0x26: {  	s15 =	simm.s32 $0xC  }
0x27: {  	_ =	swait.ge [sflag:s15], $0x3000  }
0x28: {  	[sflag:s15] =	ssyncset.done $0x0  }
0x29: {  	[sflag:s15] =	ssyncadd.s32 $0xFFFFD000  }
0x2a: {  	[bflag:$0x0] =	sbarrier.arrive $0xFFFF  }
0x2b: {  	s21 =	rddreg [dreg:$0x3]  }
0x2c: {  	[tilespmem:s29], [sflag:$0xD] =	stream.linear.gather [spmem:s21], $0x3000, $0x38;
	[tilespmem:$0x1D300] =	vst v63  }
0x2d: {  	_ =	swait.ge [sflag:s30], $0x3000  }
0x2e: {  	[sflag:s30] =	ssyncset.done $0x0  }
0x2f: {  	s26 =	rddreg [dreg:$0x6];
	[sflag:s30] =	ssyncadd.s32 $0xFFFFD000  }
0x30: {  	[hbm4b:s26+s2] =	stream.linear.scatter [tilespmem:s29], [sflag:$0xD], $0x3000, $0x38;
	[tilespmem:$0x1D300] =	vst v63  }
0x31: {  	_ =	swait.ge [sflag:s30], $0x3000  }
0x32: {  	[sflag:s30] =	ssyncset.done $0x0  }
0x33: {  	s22 =	rddreg [dreg:$0x4];
	[sflag:s30] =	ssyncadd.s32 $0xFFFFD000  }
0x34: {  	[tilespmem:s29], [sflag:$0xD] =	stream.linear.gather [spmem:s22], $0x3000, $0x38;
	[tilespmem:$0x1D300] =	vst v63  }
0x35: {  	_ =	swait.ge [sflag:s30], $0x3000  }
0x36: {  	[sflag:s30] =	ssyncset.done $0x0  }
0x37: {  	s20 =	rddreg [dreg:$0x7];
	[sflag:s30] =	ssyncadd.s32 $0xFFFFD000  }
0x38: {  	[hbm4b:s20+s2] =	stream.linear.scatter [tilespmem:s29], [sflag:$0xD], $0x3000, $0x38;
	[tilespmem:$0x1D300] =	vst v63  }
0x39: {  	_ =	swait.ge [sflag:s30], $0x3000  }
0x3a: {  	[sflag:s30] =	ssyncset.done $0x0  }
0x3b: {  	s26 =	rddreg [dreg:$0x5];
	[sflag:s30] =	ssyncadd.s32 $0xFFFFD000  }
0x3c: {  	[tilespmem:s29], [sflag:$0xD] =	stream.linear.gather [spmem:s26], $0x3000, $0x38;
	[tilespmem:$0x1D300] =	vst v63  }
0x3d: {  	_ =	swait.ge [sflag:s30], $0x3000  }
0x3e: {  	[sflag:s30] =	ssyncset.done $0x0  }
0x3f: {  	s20 =	rddreg [dreg:$0x8];
	[sflag:s30] =	ssyncadd.s32 $0xFFFFD000  }
0x40: {  	[hbm4b:s20+s2] =	stream.linear.scatter [tilespmem:s29], [sflag:$0xD], $0x3000, $0x38;
	[tilespmem:$0x1D300] =	vst v63  }
0x41: {  	_ =	swait.ge [sflag:s30], $0x3000  }
0x42: {  	[sflag:s30] =	ssyncset.done $0x0  }
0x43: {  	s26 =	rddreg [dreg:$0xd];
	[sflag:s30] =	ssyncadd.s32 $0xFFFFD000  }
0x44: {  	[tilespmem:s29], [sflag:$0xD] =	stream.linear.gather [spmem:s26], $0x3000, $0x38;
	[tilespmem:$0x1D300] =	vst v63  }
0x45: {  	_ =	swait.ge [sflag:s30], $0x3000  }
0x46: {  	[sflag:s30] =	ssyncset.done $0x0  }
0x47: {  	s20 =	rddreg [dreg:$0x9];
	[sflag:s30] =	ssyncadd.s32 $0xFFFFD000  }
0x48: {  	[hbm4b:s20+s2] =	stream.linear.scatter [tilespmem:s29], [sflag:$0xD], $0x3000, $0x38;
	[tilespmem:$0x1D300] =	vst v63  }
0x49: {  	_ =	swait.ge [sflag:s30], $0x3000  }
0x4a: {  	[sflag:s30] =	ssyncset.done $0x0  }
0x4b: {  	s26 =	rddreg [dreg:$0xe];
	[sflag:s30] =	ssyncadd.s32 $0xFFFFD000  }
0x4c: {  	[tilespmem:s29], [sflag:$0xD] =	stream.linear.gather [spmem:s26], $0x3000, $0x38;
	[tilespmem:$0x1D300] =	vst v63  }
0x4d: {  	_ =	swait.ge [sflag:s30], $0x3000  }
0x4e: {  	[sflag:s30] =	ssyncset.done $0x0  }
0x4f: {  	s20 =	rddreg [dreg:$0xa];
	[sflag:s30] =	ssyncadd.s32 $0xFFFFD000  }
0x50: {  	[hbm4b:s20+s2] =	stream.linear.scatter [tilespmem:s29], [sflag:$0xD], $0x3000, $0x38;
	[tilespmem:$0x1D300] =	vst v63  }
0x51: {  	_ =	swait.ge [sflag:s30], $0x3000  }
0x52: {  	[sflag:s30] =	ssyncset.done $0x0  }
0x53: {  	s26 =	rddreg [dreg:$0xf];
	[sflag:s30] =	ssyncadd.s32 $0xFFFFD000  }
0x54: {  	[tilespmem:s29], [sflag:$0xD] =	stream.linear.gather [spmem:s26], $0x3000, $0x38;
	[tilespmem:$0x1D300] =	vst v63  }
0x55: {  	_ =	swait.ge [sflag:s30], $0x3000  }
0x56: {  	[sflag:s30] =	ssyncset.done $0x0  }
0x57: {  	s20 =	rddreg [dreg:$0xb];
	[sflag:s30] =	ssyncadd.s32 $0xFFFFD000  }
0x58: {  	[hbm4b:s20+s2] =	stream.linear.scatter [tilespmem:s29], [sflag:$0xD], $0x3000, $0x38;
	[tilespmem:$0x1D300] =	vst v63  }
0x59: {  	_ =	swait.ge [sflag:s30], $0x3000  }
0x5a: {  	[sflag:s30] =	ssyncset.done $0x0  }
0x5b: {  	s26 =	rddreg [dreg:$0x10];
	[sflag:s30] =	ssyncadd.s32 $0xFFFFD000  }
0x5c: {  	[tilespmem:s29], [sflag:$0xD] =	stream.linear.gather [spmem:s26], $0x2000, $0x38;
	[tilespmem:$0x1D300] =	vst v63  }
0x5d: {  	_ =	swait.ge [sflag:s30], $0x2000  }
0x5e: {  	[sflag:s30] =	ssyncset.done $0x0  }
0x5f: {  	s20 =	rddreg [dreg:$0xc];
	[sflag:s30] =	ssyncadd.s32 $0xFFFFE000  }
0x60: {  	[hbm4b:s20+s2] =	stream.linear.scatter [tilespmem:s29], [sflag:$0xD], $0x2000, $0x38;
	[tilespmem:$0x1D300] =	vst v63  }
0x61: {  	_ =	swait.ge [sflag:s30], $0x2000  }
0x62: {  	s20 =	rddreg [dreg:$0x16]  }
0x63: {  	s26 =	rddreg [dreg:$0x14];
	s20 =	sadd.s32 $0x1, s20  }
0x64: {  	p0 =	sne.s32 s20, s26  }
.Ltmp1:
0x65: {  	_ = 	snop;
	(pc) =	sbr.rel @!p0 .LBB2_13-.Ltmp1, $3  }
0x66: {  	_ =	sdelay $0x1  }
0x67: {  	[sflag:s30] =	ssyncset.done $0x0  }
0x68: {  	[sflag:s30] =	ssyncadd.s32 $0xFFFFE000  }
.LBB2_1:
0x69: {  	[dreg:$0x16] =	wrdreg s20;
	s15 =	simm.s32 $0x0;
	s20 =	simm.s32 $0x200  }
.LBB2_2:
0x6a: {  	p0 =	sne.s32 s20, $0xBE00;
	[tilespmem:s15+$0x370] =	vst v0  }
0x6b: {  	[tilespmem:s15+$0x300] =	vst v0  }
0x6c: {  	[tilespmem:s15+$0x310] =	vst v0  }
.Ltmp2:
0x6d: {  	[tilespmem:s15+$0x320] =	vst v0;
	(pc) =	sbr.rel @p0 .LBB2_2-.Ltmp2, $4  }
0x6e: {  	[tilespmem:s15+$0x330] =	vst v0  }
0x6f: {  	[tilespmem:s15+$0x340] =	vst v0  }
0x70: {  	[tilespmem:s15+$0x350] =	vst v0  }
0x71: {  	[tilespmem:s15+$0x360] =	vst v0;
	s15 =	sshra.s32 s20, $0x2;
	s20 =	sadd.s32 $0x200, s20  }
0x72: {  	[tilespmem:s15+$0x370] =	vst v0  }
0x73: {  	[tilespmem:s15+$0x300] =	vst v0  }
0x74: {  	[tilespmem:s15+$0x310] =	vst v0  }
0x75: {  	[tilespmem:s15+$0x320] =	vst v0  }
0x76: {  	[tilespmem:s15+$0x330] =	vst v0  }
0x77: {  	[tilespmem:s15+$0x340] =	vst v0  }
0x78: {  	[tilespmem:s15+$0x350] =	vst v0  }
0x79: {  	[tilespmem:s15+$0x360] =	vst v0  }
0x7a: {  	[spmem:s21] =	stream.linear.scatter [tilespmem:s29], [sflag:$0xD], $0x3000, $0x38;
	[tilespmem:$0x1D300] =	vst v63  }
0x7b: {  	_ =	swait.ge [sflag:s30], $0x3000  }
0x7c: {  	[sflag:s30] =	ssyncset.done $0x0  }
0x7d: {  	[sflag:s30] =	ssyncadd.s32 $0xFFFFD000  }
0x7e: {  	[spmem:s22] =	stream.linear.scatter [tilespmem:s29], [sflag:$0xD], $0x3000, $0x38;
	[tilespmem:$0x1D300] =	vst v63  }
0x7f: {  	_ =	swait.ge [sflag:s30], $0x3000  }
0x80: {  	[sflag:s30] =	ssyncset.done $0x0  }
0x81: {  	s22 =	rddreg [dreg:$0x5];
	[sflag:s30] =	ssyncadd.s32 $0xFFFFD000  }
0x82: {  	[spmem:s22] =	stream.linear.scatter [tilespmem:s29], [sflag:$0xD], $0x3000, $0x38;
	[tilespmem:$0x1D300] =	vst v63  }
0x83: {  	_ =	swait.ge [sflag:s30], $0x3000  }
0x84: {  	[sflag:s30] =	ssyncset.done $0x0  }
0x85: {  	s26 =	rddreg [dreg:$0xd];
	[sflag:s30] =	ssyncadd.s32 $0xFFFFD000  }
0x86: {  	[spmem:s26] =	stream.linear.scatter [tilespmem:s29], [sflag:$0xD], $0x3000, $0x38;
	[tilespmem:$0x1D300] =	vst v63  }
0x87: {  	_ =	swait.ge [sflag:s30], $0x3000  }
0x88: {  	[sflag:s30] =	ssyncset.done $0x0  }
0x89: {  	s20 =	rddreg [dreg:$0xe];
	[sflag:s30] =	ssyncadd.s32 $0xFFFFD000  }
0x8a: {  	[spmem:s20] =	stream.linear.scatter [tilespmem:s29], [sflag:$0xD], $0x3000, $0x38;
	[tilespmem:$0x1D300] =	vst v63  }
0x8b: {  	_ =	swait.ge [sflag:s30], $0x3000  }
0x8c: {  	[sflag:s30] =	ssyncset.done $0x0  }
0x8d: {  	s21 =	rddreg [dreg:$0xf];
	[sflag:s30] =	ssyncadd.s32 $0xFFFFD000  }
0x8e: {  	[spmem:s21] =	stream.linear.scatter [tilespmem:s29], [sflag:$0xD], $0x3000, $0x38;
	[tilespmem:$0x1D300] =	vst v63  }
0x8f: {  	_ =	swait.ge [sflag:s30], $0x3000  }
0x90: {  	[sflag:s30] =	ssyncset.done $0x0  }
0x91: {  	s22 =	rddreg [dreg:$0x10];
	[sflag:s30] =	ssyncadd.s32 $0xFFFFD000  }
0x92: {  	[spmem:s22] =	stream.linear.scatter [tilespmem:s29], [sflag:$0xD], $0x2000, $0x38;
	[tilespmem:$0x1D300] =	vst v63  }
0x93: {  	_ =	swait.ge [sflag:s30], $0x2000  }
0x94: {  	[sflag:s30] =	ssyncset.done $0x0  }
0x95: {  	[sflag:s30] =	ssyncadd.s32 $0xFFFFE000  }
0x96: {  	[bflag:$0x0] =	sbarrier.arrive $0xFFFF  }
0x97: {  	s21 =	simm.s32 $0x0;
	s26 =	rddreg [dreg:$0x11]  }
0x98: {  	[tilespmem:s21], [sflag:$0x1] =	stream.linear.gather [hbm4b:s26+s21], $0x100, $0x38;
	[tilespmem:$0x1D300] =	vst v63  }
0x99: {  	s20 =	rddreg [dreg:$0x12]  }
0x9a: {  	[tilespmem:s29], [sflag:$0x4] =	stream.linear.gather [hbm4b:s20+s21], $0x3000, $0x38;
	[tilespmem:$0x1D300] =	vst v63  }
0x9b: {  	s22 =	rddreg [dreg:$0x15]  }
0x9c: {  	[tilespmem:s31], [sflag:$0x2] =	stream.linear.gather [hbm4b:s22+s21], $0x100, $0x38;
	[tilespmem:$0x1D300] =	vst v63  }
0x9d: {  	s26 =	rddreg [dreg:$0x13]  }
0x9e: {  	[tilespmem:s0], [sflag:$0x5] =	stream.linear.gather [hbm4b:s26+s21], $0x3000, $0x38;
	[tilespmem:$0x1D300] =	vst v63  }
0x9f: {  	_ =	swait.ge [sflag:s4], $0x100  }
0xa0: {  	[sflag:s4] =	ssyncset.done $0x0  }
0xa1: {  	[sflag:s4] =	ssyncadd.s32 $0xFFFFFF00  }
0xa2: {  	_ =	swait.ge [sflag:s12], $0x3000  }
0xa3: {  	[sflag:s12] =	ssyncset.done $0x0  }
0xa4: {  	[sflag:s12] =	ssyncadd.s32 $0xFFFFD000  }
0xa5: {  	[tilespmem:s29], [sflag:$0x7] =	stream.indirect.gather.add.f32 [hbm:s3], $0x80, s21, s13, $0xb8;
	[tilespmem:$0x1D300] =	vst v63  }
.LBB2_4:
0xa6: {  	_ =	swait.ge [sflag:s14], $0x3000  }
0xa7: {  	[sflag:s14] =	ssyncset.done $0x0  }
0xa8: {  	s22 =	simm.s32 $0x0;
	[sflag:s14] =	ssyncadd.s32 $0xFFFFD000  }
0xa9: {  	v3 =	vld [tilespmem:s22+$0x300]  }
0xaa: {  	v5 =	vld [tilespmem:s22+$0x310]  }
0xab: {  	v4 =	vld [tilespmem:s22+$0x320]  }
0xac: {  	v2 =	vld [tilespmem:s22+$0x330]  }
0xad: {  	v1 =	vld [tilespmem:s22+$0x340]  }
0xae: {  	v6 =	vmax.f32 v3, $0.0e+00;
	v3 =	vld [tilespmem:s22+$0x350]  }
0xaf: {  	s20 =	simm.s32 $0x200;
	[tilespmem:s22+$0x300] =	vst v6;
	v6 =	vmax.f32 v5, $0.0e+00;
	v5 =	vld [tilespmem:s22+$0x360]  }
.LBB2_5:
0xb0: {  	s15 =	sshra.s32 s20, $0x2;
	p0 =	sne.s32 s20, $0xBE00;
	[tilespmem:s22+$0x310] =	vst v6;
	v4 =	vmax.f32 v4, $0.0e+00;
	v6 =	vld [tilespmem:s22+$0x370]  }
0xb1: {  	v7 =	vld [tilespmem:s15+$0x300];
	[tilespmem:s22+$0x320] =	vst v4;
	v2 =	vmax.f32 v2, $0.0e+00  }
0xb2: {  	v8 =	vld [tilespmem:s15+$0x310];
	[tilespmem:s22+$0x330] =	vst v2;
	v1 =	vmax.f32 v1, $0.0e+00  }
.Ltmp3:
0xb3: {  	v4 =	vld [tilespmem:s15+$0x320];
	[tilespmem:s22+$0x340] =	vst v1;
	v1 =	vmax.f32 v3, $0.0e+00;
	(pc) =	sbr.rel @p0 .LBB2_5-.Ltmp3, $4  }
0xb4: {  	v2 =	vld [tilespmem:s15+$0x330];
	[tilespmem:s22+$0x350] =	vst v1;
	v3 =	vmax.f32 v5, $0.0e+00  }
0xb5: {  	v1 =	vld [tilespmem:s15+$0x340];
	[tilespmem:s22+$0x360] =	vst v3;
	v5 =	vmax.f32 v6, $0.0e+00  }
0xb6: {  	v6 =	vmax.f32 v7, $0.0e+00;
	v3 =	vld [tilespmem:s15+$0x350];
	[tilespmem:s22+$0x370] =	vst v5;
	s22 =	smov.u32 s15  }
0xb7: {  	s20 =	sadd.s32 $0x200, s20;
	[tilespmem:s22+$0x300] =	vst v6;
	v6 =	vmax.f32 v8, $0.0e+00;
	v5 =	vld [tilespmem:s22+$0x360]  }
0xb8: {  	[tilespmem:s22+$0x310] =	vst v6;
	v4 =	vmax.f32 v4, $0.0e+00;
	v6 =	vld [tilespmem:s22+$0x370]  }
0xb9: {  	[tilespmem:s22+$0x320] =	vst v4;
	v2 =	vmax.f32 v2, $0.0e+00  }
0xba: {  	[tilespmem:s22+$0x330] =	vst v2;
	v1 =	vmax.f32 v1, $0.0e+00  }
0xbb: {  	[tilespmem:s22+$0x340] =	vst v1;
	v1 =	vmax.f32 v3, $0.0e+00  }
0xbc: {  	[tilespmem:s22+$0x350] =	vst v1;
	v1 =	vmax.f32 v5, $0.0e+00  }
0xbd: {  	[tilespmem:s22+$0x360] =	vst v1;
	v1 =	vmax.f32 v6, $0.0e+00  }
0xbe: {  	s15 =	simm.s32 $0x80;
	p0 =	seq.s32 s21, $0x0;
	[tilespmem:s22+$0x370] =	vst v1;
	s22 =	smul.u32 $0x3, s21  }
0xbf: {  	[spmem:s1] =	stream.indirect.scatter.add.f32 [tilespmem:s29], [sflag:$0xA], $0x80, s15, s13, $0xb8;
	[tilespmem:$0x1D300] =	vst v63  }
0xc0: {  	s15 =	simm.s32 @!p0 $0xC;
	s20 =	sadd.s32 $0x2, s22  }
0xc1: {  	_ =	swait.ge @!p0 [sflag:s15], $0x3000;
	s26 =	sshll.u32 s20, $0x8  }
0xc2: {  	[sflag:s15] =	ssyncset.done @!p0 $0x0;
	s20 =	smul.u32 $0x60, s20;
	s26 =	sadd.s32 s11, s26  }
0xc3: {  	[sflag:s15] =	ssyncadd.s32 @!p0 $0xFFFFD000;
	s26 =	sshrl.u32 s26, $0x3  }
0xc4: {  	s20 =	sadd.s32 s7, s20;
	s15 =	sadd.s32 s6, s26;
	s26 =	simm.s32 $0x0  }
0xc5: {  	[tilespmem:s16], [sflag:$0x3] =	stream.linear.gather [hbm4b:s15+s26], $0x100, $0x38;
	[tilespmem:$0x1D300] =	vst v63  }
0xc6: {  	s15 =	sshll.u32 s20, $0x4  }
0xc7: {  	s15 =	sadd.s32 s5, s15  }
0xc8: {  	[tilespmem:s17], [sflag:$0x6] =	stream.linear.gather [hbm4b:s15+s26], $0x3000, $0x38;
	[tilespmem:$0x1D300] =	vst v63  }
0xc9: {  	_ =	swait.ge [sflag:s18], $0x100  }
0xca: {  	[sflag:s18] =	ssyncset.done $0x0  }
0xcb: {  	[sflag:s18] =	ssyncadd.s32 $0xFFFFFF00  }
0xcc: {  	_ =	swait.ge [sflag:s24], $0x3000  }
0xcd: {  	[sflag:s24] =	ssyncset.done $0x0  }
0xce: {  	[sflag:s24] =	ssyncadd.s32 $0xFFFFD000  }
0xcf: {  	[tilespmem:s0], [sflag:$0x8] =	stream.indirect.gather.add.f32 [hbm:s3], $0x80, s31, s13, $0xb8;
	[tilespmem:$0x1D300] =	vst v63  }
0xd0: {  	_ =	swait.ge [sflag:s25], $0x3000  }
0xd1: {  	[sflag:s25] =	ssyncset.done $0x0  }
0xd2: {  	s20 =	simm.s32 $0x0;
	[sflag:s25] =	ssyncadd.s32 $0xFFFFD000  }
0xd3: {  	v3 =	vld [tilespmem:s20+$0x3300]  }
0xd4: {  	v5 =	vld [tilespmem:s20+$0x3310]  }
0xd5: {  	v4 =	vld [tilespmem:s20+$0x3320]  }
0xd6: {  	v2 =	vld [tilespmem:s20+$0x3330]  }
0xd7: {  	v1 =	vld [tilespmem:s20+$0x3340]  }
0xd8: {  	v6 =	vmax.f32 v3, $0.0e+00;
	v3 =	vld [tilespmem:s20+$0x3350]  }
0xd9: {  	s15 =	simm.s32 $0x200;
	[tilespmem:s20+$0x3300] =	vst v6;
	v6 =	vmax.f32 v5, $0.0e+00;
	v5 =	vld [tilespmem:s20+$0x3360]  }
.LBB2_7:
0xda: {  	s26 =	sshra.s32 s15, $0x2;
	p0 =	sne.s32 s15, $0xBE00;
	[tilespmem:s20+$0x3310] =	vst v6;
	v4 =	vmax.f32 v4, $0.0e+00;
	v6 =	vld [tilespmem:s20+$0x3370]  }
0xdb: {  	v7 =	vld [tilespmem:s26+$0x3300];
	[tilespmem:s20+$0x3320] =	vst v4;
	v2 =	vmax.f32 v2, $0.0e+00  }
0xdc: {  	v8 =	vld [tilespmem:s26+$0x3310];
	[tilespmem:s20+$0x3330] =	vst v2;
	v1 =	vmax.f32 v1, $0.0e+00  }
.Ltmp4:
0xdd: {  	v4 =	vld [tilespmem:s26+$0x3320];
	[tilespmem:s20+$0x3340] =	vst v1;
	v1 =	vmax.f32 v3, $0.0e+00;
	(pc) =	sbr.rel @p0 .LBB2_7-.Ltmp4, $4  }
0xde: {  	v2 =	vld [tilespmem:s26+$0x3330];
	[tilespmem:s20+$0x3350] =	vst v1;
	v3 =	vmax.f32 v5, $0.0e+00  }
0xdf: {  	v1 =	vld [tilespmem:s26+$0x3340];
	[tilespmem:s20+$0x3360] =	vst v3;
	v5 =	vmax.f32 v6, $0.0e+00  }
0xe0: {  	v6 =	vmax.f32 v7, $0.0e+00;
	v3 =	vld [tilespmem:s26+$0x3350];
	[tilespmem:s20+$0x3370] =	vst v5;
	s20 =	smov.u32 s26  }
0xe1: {  	s15 =	sadd.s32 $0x200, s15;
	[tilespmem:s20+$0x3300] =	vst v6;
	v6 =	vmax.f32 v8, $0.0e+00;
	v5 =	vld [tilespmem:s20+$0x3360]  }
0xe2: {  	[tilespmem:s20+$0x3310] =	vst v6;
	v4 =	vmax.f32 v4, $0.0e+00;
	v6 =	vld [tilespmem:s20+$0x3370]  }
0xe3: {  	[tilespmem:s20+$0x3320] =	vst v4;
	v2 =	vmax.f32 v2, $0.0e+00  }
0xe4: {  	[tilespmem:s20+$0x3330] =	vst v2;
	v1 =	vmax.f32 v1, $0.0e+00  }
0xe5: {  	[tilespmem:s20+$0x3340] =	vst v1;
	v1 =	vmax.f32 v3, $0.0e+00  }
0xe6: {  	[tilespmem:s20+$0x3350] =	vst v1;
	v1 =	vmax.f32 v5, $0.0e+00  }
0xe7: {  	[tilespmem:s20+$0x3360] =	vst v1;
	v1 =	vmax.f32 v6, $0.0e+00  }
0xe8: {  	s15 =	simm.s32 $0x180;
	p0 =	seq.s32 s21, $0x22;
	[tilespmem:s20+$0x3370] =	vst v1  }
0xe9: {  	[spmem:s1] =	stream.indirect.scatter.add.f32 [tilespmem:s0], [sflag:$0xB], $0x80, s15, s13, $0xb8;
	[tilespmem:$0x1D300] =	vst v63  }
0xea: {  	s15 =	sadd.s32 @!p0 $0x3, s22  }
0xeb: {  	s20 =	sshll.u32 @!p0 s15, $0x8;
	s15 =	smul.u32 @!p0 $0x60, s15  }
0xec: {  	s26 =	simm.s32 @!p0 $0x0;
	_ =	swait.ge [sflag:s28], $0x3000;
	s20 =	sadd.s32 @!p0 s11, s20  }
0xed: {  	[sflag:s28] =	ssyncset.done $0x0;
	s20 =	sshrl.u32 @!p0 s20, $0x3;
	s15 =	sadd.s32 @!p0 s7, s15  }
0xee: {  	[sflag:s28] =	ssyncadd.s32 $0xFFFFD000;
	s20 =	sadd.s32 @!p0 s6, s20;
	s15 =	sshll.u32 @!p0 s15, $0x4  }
0xef: {  	[tilespmem:s26], [sflag:$0x1] =	stream.linear.gather @!p0 [hbm4b:s20+s26], $0x100, $0x38;
	[tilespmem:$0x1D300] =	vst v63  }
0xf0: {  	s15 =	sadd.s32 @!p0 s5, s15;
	s20 =	simm.s32 @!p0 $0x300  }
0xf1: {  	[tilespmem:s20], [sflag:$0x4] =	stream.linear.gather @!p0 [hbm4b:s15+s26], $0x3000, $0x38;
	[tilespmem:$0x1D300] =	vst v63  }
0xf2: {  	_ =	swait.ge [sflag:s23], $0x100  }
0xf3: {  	[sflag:s23] =	ssyncset.done $0x0  }
0xf4: {  	[sflag:s23] =	ssyncadd.s32 $0xFFFFFF00  }
0xf5: {  	_ =	swait.ge [sflag:s8], $0x3000  }
0xf6: {  	[sflag:s8] =	ssyncset.done $0x0  }
0xf7: {  	[sflag:s8] =	ssyncadd.s32 $0xFFFFD000  }
0xf8: {  	[tilespmem:s17], [sflag:$0x9] =	stream.indirect.gather.add.f32 [hbm:s3], $0x80, s16, s13, $0xb8;
	[tilespmem:$0x1D300] =	vst v63  }
0xf9: {  	_ =	swait.ge [sflag:s9], $0x3000  }
0xfa: {  	[sflag:s9] =	ssyncset.done $0x0  }
0xfb: {  	s20 =	simm.s32 $0x0;
	[sflag:s9] =	ssyncadd.s32 $0xFFFFD000  }
0xfc: {  	v3 =	vld [tilespmem:s20+$0x6300]  }
0xfd: {  	v5 =	vld [tilespmem:s20+$0x6310]  }
0xfe: {  	v4 =	vld [tilespmem:s20+$0x6320]  }
0xff: {  	v2 =	vld [tilespmem:s20+$0x6330]  }
0x100: {  	v1 =	vld [tilespmem:s20+$0x6340]  }
0x101: {  	v6 =	vmax.f32 v3, $0.0e+00;
	v3 =	vld [tilespmem:s20+$0x6350]  }
0x102: {  	s15 =	simm.s32 $0x200;
	[tilespmem:s20+$0x6300] =	vst v6;
	v6 =	vmax.f32 v5, $0.0e+00;
	v5 =	vld [tilespmem:s20+$0x6360]  }
.LBB2_9:
0x103: {  	s26 =	sshra.s32 s15, $0x2;
	p1 =	sne.s32 s15, $0xBE00;
	[tilespmem:s20+$0x6310] =	vst v6;
	v4 =	vmax.f32 v4, $0.0e+00;
	v6 =	vld [tilespmem:s20+$0x6370]  }
0x104: {  	v7 =	vld [tilespmem:s26+$0x6300];
	[tilespmem:s20+$0x6320] =	vst v4;
	v2 =	vmax.f32 v2, $0.0e+00  }
0x105: {  	v8 =	vld [tilespmem:s26+$0x6310];
	[tilespmem:s20+$0x6330] =	vst v2;
	v1 =	vmax.f32 v1, $0.0e+00  }
.Ltmp5:
0x106: {  	v4 =	vld [tilespmem:s26+$0x6320];
	[tilespmem:s20+$0x6340] =	vst v1;
	v1 =	vmax.f32 v3, $0.0e+00;
	(pc) =	sbr.rel @p1 .LBB2_9-.Ltmp5, $4  }
0x107: {  	v2 =	vld [tilespmem:s26+$0x6330];
	[tilespmem:s20+$0x6350] =	vst v1;
	v3 =	vmax.f32 v5, $0.0e+00  }
0x108: {  	v1 =	vld [tilespmem:s26+$0x6340];
	[tilespmem:s20+$0x6360] =	vst v3;
	v5 =	vmax.f32 v6, $0.0e+00  }
0x109: {  	v6 =	vmax.f32 v7, $0.0e+00;
	v3 =	vld [tilespmem:s26+$0x6350];
	[tilespmem:s20+$0x6370] =	vst v5;
	s20 =	smov.u32 s26  }
0x10a: {  	s15 =	sadd.s32 $0x200, s15;
	[tilespmem:s20+$0x6300] =	vst v6;
	v6 =	vmax.f32 v8, $0.0e+00;
	v5 =	vld [tilespmem:s20+$0x6360]  }
0x10b: {  	[tilespmem:s20+$0x6310] =	vst v6;
	v4 =	vmax.f32 v4, $0.0e+00;
	v63 =	vld [tilespmem:s20+$0x6370]  }
0x10c: {  	[tilespmem:s20+$0x6320] =	vst v4;
	v2 =	vmax.f32 v2, $0.0e+00  }
0x10d: {  	[tilespmem:s20+$0x6330] =	vst v2;
	v1 =	vmax.f32 v1, $0.0e+00  }
0x10e: {  	[tilespmem:s20+$0x6340] =	vst v1;
	v1 =	vmax.f32 v3, $0.0e+00  }
0x10f: {  	[tilespmem:s20+$0x6350] =	vst v1;
	v1 =	vmax.f32 v5, $0.0e+00  }
0x110: {  	[tilespmem:s20+$0x6360] =	vst v1;
	v1 =	vmax.f32 v63, $0.0e+00  }
.Ltmp6:
0x111: {  	[tilespmem:s20+$0x6370] =	vst v1;
	(pc) =	sbr.rel @p0 .LBB2_12-.Ltmp6, $4  }
0x112: {  	[spmem:s1] =	stream.indirect.scatter.add.f32 [tilespmem:s17], [sflag:$0xC], $0x80, s10, s13, $0xb8;
	[tilespmem:$0x1D300] =	vst v63  }
0x113: {  	_ =	swait.ge [sflag:s19], $0x3000  }
0x114: {  	[sflag:s19] =	ssyncset.done $0x0  }
0x115: {  	[sflag:s19] =	ssyncadd.s32 $0xFFFFD000  }
0x116: {  	s15 =	sadd.s32 $0x4, s22  }
0x117: {  	s20 =	sshll.u32 s15, $0x8;
	s15 =	smul.u32 $0x60, s15  }
0x118: {  	s20 =	sadd.s32 s11, s20  }
0x119: {  	s20 =	sshrl.u32 s20, $0x3;
	s15 =	sadd.s32 s7, s15  }
0x11a: {  	s20 =	sadd.s32 s6, s20;
	s15 =	sshll.u32 s15, $0x4  }
0x11b: {  	[tilespmem:s31], [sflag:$0x2] =	stream.linear.gather [hbm4b:s20+s2], $0x100, $0x38;
	[tilespmem:$0x1D300] =	vst v63  }
0x11c: {  	s15 =	sadd.s32 s5, s15  }
0x11d: {  	[tilespmem:s0], [sflag:$0x5] =	stream.linear.gather [hbm4b:s15+s2], $0x3000, $0x38;
	[tilespmem:$0x1D300] =	vst v63  }
0x11e: {  	_ =	swait.ge [sflag:s4], $0x100  }
0x11f: {  	[sflag:s4] =	ssyncset.done $0x0  }
.Ltmp7:
0x120: {  	[sflag:s4] =	ssyncadd.s32 $0xFFFFFF00;
	(pc) =	sbr.rel .LBB2_4-.Ltmp7, $4  }
0x121: {  	_ =	swait.ge [sflag:s12], $0x3000  }
0x122: {  	[sflag:s12] =	ssyncset.done $0x0  }
0x123: {  	s21 =	sadd.s32 $0x1, s21;
	[sflag:s12] =	ssyncadd.s32 $0xFFFFD000  }
0x124: {  	[tilespmem:s29], [sflag:$0x7] =	stream.indirect.gather.add.f32 [hbm:s3], $0x80, s2, s13, $0xb8;
	[tilespmem:$0x1D300] =	vst v63  }
.LBB2_13:
0x125: {  	_ =	sfence.sel $0x180000  }
0x126: {  	[bflag:$0x0] =	sbarrier.arrive $0xFFFF  }
0x127: {  	_ =	strace $0x9000004A  }
0x128: {  	s0 =	stileid.u32;
	[bflag:$0x2] =	sbarrier.arrive $0xFFFF  }
0x129: {  	p0 =	sne.s32 s0, $0x0;
	s0 =	rddreg [dreg:$0x2]  }
0x12a: {  	s0 =	sadd.s32 @!p0 $0x100000, s0  }
0x12b: {  	[sflag:s0] =	ssyncadd.tile.s32 @!p0 $0x1;
	_ =	shalt  }
.Lfunc_end2:
_tile_overlayer_lowered:
.L_overlay_start_2:
0x12c: {  	(tag) =	ssettag $0x2  }
0x12d: {  	s0 =	rddreg [dreg:$0x0];
	s2 =	stileid.u32  }
0x12e: {  	s1 =	rddreg [dreg:$0x1];
	p0 =	sne.s32 s2, $0x0  }
0x12f: {  	s3 =	rddreg [dreg:$0x2];
	[bflag:$0x3] =	sbarrier.arrive $0xFFFF;
	s2 =	simm.s32 @!p0 $0x1C0D  }
0x130: {  	[timem:s3], [sflag:s2] =	dma.local @!p0 [hbm:s0], s1  }
0x131: {  	s0 =	simm.s32 @!p0 $0xD  }
0x132: {  	_ =	swait.ge @!p0 [sflag:s0], s1  }
0x133: {  	s1 =	ssub.s32 @!p0 $0x0, s1;
	[sflag:s0] =	ssyncset.done @!p0 $0x0  }
0x134: {  	[sflag:s0] =	ssyncadd.s32 @!p0 s1  }
0x135: {  	[bflag:$0x3] =	sbarrier.arrive $0xFFFF  }
0x136: {  	_ =	shalt  }

// kernel: kernel.21.cloned.1.call-start
scs
__scs_entry_jumppad:
0x0: {  	(pc) =	sbr.rel $0x88, $3  }
0x1: {  	(tag) =	ssettag $0x0;
	lr =	simm.s32 $0x1  }
0x2: {  	[smem:$0x3F8B] =	sst lr;
	_ =	strace $0xD0000000  }
0x3: {  	_ = 	snop  }
0x4: {  	_ = 	snop  }
0x5: {  	_ = 	snop  }
0x6: {  	_ = 	snop  }
0x7: {  	_ = 	snop  }
__scs_overlays_trampoline_lowered:
0x8: {  	[smem:$0x3F9A] =	sst s0  }
0x9: {  	[smem:$0x3F9B] =	sst s1  }
0xa: {  	[smem:$0x3F9C] =	sst s2  }
0xb: {  	[smem:$0x3F9D] =	sst s3  }
0xc: {  	[smem:$0x3F9E] =	sst s4  }
0xd: {  	[smem:$0x3F9F] =	sst s5  }
0xe: {  	[smem:$0x3FA0] =	sst s6  }
0xf: {  	[smem:$0x3FA1] =	sst s7  }
0x10: {  	[smem:$0x3FA2] =	sst s8  }
0x11: {  	[smem:$0x3FA3] =	sst s9;
	s0 =	simm.s32 @!p0 $0x0  }
0x12: {  	s1 =	sld [smem:$0x3F89];
	s0 =	simm.s32 @p0 $0x1  }
0x13: {  	[smem:$0x3FA4] =	sst s0;
	s0 =	simm.s32 @!p1 $0x0  }
0x14: {  	s2 =	sld [smem:$0x3F88];
	s0 =	simm.s32 @p1 $0x1  }
0x15: {  	[smem:$0x3FA5] =	sst s0;
	s0 =	simm.s32 @!p2 $0x0  }
0x16: {  	s3 =	sld [smem:$0x3FDB];
	s0 =	simm.s32 @p2 $0x1  }
0x17: {  	s4 =	simm.s32 $0x1BF5;
	[smem:$0x3FA7] =	sst s0  }
0x18: {  	s0 =	sld [smem:$0x3F8A];
	_ =	swait.ge [sflag:s4], $0x0  }
0x19: {  	s7 =	sld [smem:$0x3F8B]  }
0x1a: {  	s8 =	sadd.s32 $0xFFFFE003, lr  }
0x1b: {  	s9 =	sadd.s32 $0xFFFFFEF7, lr;
	s5 =	simm.s32 $0xFFFFFFFF;
	p2 =	slt.u32 s8, $0xFFFFF086  }
0x1c: {  	p1 =	slt.u32 s9, $0xF7A;
	s5 =	simm.s32 @!p2 $0x0  }
0x1d: {  	s5 =	simm.s32 @p1 $0x1;
	p0 =	seq.s32 s7, s2  }
0x1e: {  	s7 =	smul.u32 @!p0 $0xF7A, s2;
	p2 =	seq.s32 @!p0 s5, $0x0  }
0x1f: {  	s9 =	smul.u32 $0xF7A, s1;
	s8 =	simm.s32 @!p0 $0x1BF5;
	p2 =	por !p2, p0  }
0x20: {  	[sflag:s8] =	ssyncset.s32 @!p0 $0xFFFFF086;
	s6 =	sadd.s32 @!p0 s3, s7;
	s7 =	simm.s32 @!p0 $0x108  }
0x21: {  	s3 =	sadd.s32 s3, s9;
	s6 =	sadd.s32 @!p0 $0x88, s6;
	s7 =	simm.s32 @p2 $0x1082  }
0x22: {  	[simem:s7], [sflag:s8] =	dma.local @!p0 [hbm:s6], $0xF7A  }
0x23: {  	s9 =	sor.u32 $0xD0000000, s2;
	s6 =	simm.s32 $0x108;
	_ =	swait.ge @!p0 [sflag:s8], $0x0  }
0x24: {  	s3 =	sadd.s32 $0x88, s3;
	s6 =	simm.s32 @!p1 $0x1082;
	[sflag:s4] =	ssyncset.s32 $0xFFFFF086  }
0x25: {  	[simem:s6], [sflag:s4] =	dma.local [hbm:s3], $0xF7A  }
0x26: {  	[smem:$0x3F8B] =	sst s1;
	(tag) =	ssettag s2;
	_ =	strace s9  }
0x27: {  	s1 =	sld [smem:$0x3F9B]  }
0x28: {  	s2 =	sld [smem:$0x3F9C]  }
0x29: {  	s4 =	sld [smem:$0x3F9E]  }
0x2a: {  	p0 =	seq.s32 s5, $0x0;
	s5 =	sld [smem:$0x3F9F]  }
0x2b: {  	s6 =	sld [smem:$0x3FA0]  }
0x2c: {  	s7 =	sld [smem:$0x3FA1]  }
0x2d: {  	s3 =	simm.s32 $0x108;
	s8 =	sld [smem:$0x3FA2]  }
0x2e: {  	s3 =	simm.s32 @!p0 $0x1082;
	s9 =	sld [smem:$0x3FA3]  }
0x2f: {  	lr =	sadd.s32 s0, s3;
	s0 =	sld [smem:$0x3F9A]  }
0x30: {  	s3 =	sld [smem:$0x3F9D]  }
0x31: {  	[smem:$0x3FA6] =	sst s10  }
0x32: {  	s10 =	sld [smem:$0x3FA4];
	_ =	sdelay $0x3  }
0x33: {  	p0 =	seq.s32 s10, $0x1;
	s10 =	sld [smem:$0x3FA6];
	_ =	sdelay $0x3  }
0x34: {  	[smem:$0x3FA6] =	sst s10  }
0x35: {  	s10 =	sld [smem:$0x3FA5];
	_ =	sdelay $0x3  }
0x36: {  	p1 =	seq.s32 s10, $0x1;
	s10 =	sld [smem:$0x3FA6];
	_ =	sdelay $0x3  }
0x37: {  	[smem:$0x3FA6] =	sst s10  }
0x38: {  	s10 =	sld [smem:$0x3FA7]  }
0x39: {  	_ = 	snop;
	(pc) =	sbr.ind lr, $3  }
0x3a: {  	_ = 	snop  }
0x3b: {  	_ = 	snop  }
0x3c: {  	p2 =	seq.s32 s10, $0x1;
	s10 =	sld [smem:$0x3FA6]  }
0x3d: {  	_ =	shalt  }
0x3e: {  	_ =	shalt  }
0x3f: {  	_ =	shalt  }
0x40: {  	_ =	shalt  }
0x41: {  	_ =	shalt  }
0x42: {  	_ =	shalt  }
0x43: {  	_ =	shalt  }
0x44: {  	_ =	shalt  }
0x45: {  	_ =	shalt  }
0x46: {  	_ =	shalt  }
0x47: {  	_ =	shalt  }
0x48: {  	_ =	shalt  }
0x49: {  	_ =	shalt  }
0x4a: {  	_ =	shalt  }
0x4b: {  	_ =	shalt  }
0x4c: {  	_ =	shalt  }
0x4d: {  	_ =	shalt  }
0x4e: {  	_ =	shalt  }
0x4f: {  	_ =	shalt  }
0x50: {  	_ =	shalt  }
0x51: {  	_ =	shalt  }
0x52: {  	_ =	shalt  }
0x53: {  	_ =	shalt  }
0x54: {  	_ =	shalt  }
0x55: {  	_ =	shalt  }
0x56: {  	_ =	shalt  }
0x57: {  	_ =	shalt  }
0x58: {  	_ =	shalt  }
0x59: {  	_ =	shalt  }
0x5a: {  	_ =	shalt  }
0x5b: {  	_ =	shalt  }
0x5c: {  	_ =	shalt  }
0x5d: {  	_ =	shalt  }
0x5e: {  	_ =	shalt  }
0x5f: {  	_ =	shalt  }
0x60: {  	_ =	shalt  }
0x61: {  	_ =	shalt  }
0x62: {  	_ =	shalt  }
0x63: {  	_ =	shalt  }
0x64: {  	_ =	shalt  }
0x65: {  	_ =	shalt  }
0x66: {  	_ =	shalt  }
0x67: {  	_ =	shalt  }
0x68: {  	_ =	shalt  }
0x69: {  	_ =	shalt  }
0x6a: {  	_ =	shalt  }
0x6b: {  	_ =	shalt  }
0x6c: {  	_ =	shalt  }
0x6d: {  	_ =	shalt  }
0x6e: {  	_ =	shalt  }
0x6f: {  	_ =	shalt  }
0x70: {  	_ =	shalt  }
0x71: {  	_ =	shalt  }
0x72: {  	_ =	shalt  }
0x73: {  	_ =	shalt  }
0x74: {  	_ =	shalt  }
0x75: {  	_ =	shalt  }
0x76: {  	_ =	shalt  }
0x77: {  	_ =	shalt  }
0x78: {  	_ =	shalt  }
0x79: {  	_ =	shalt  }
0x7a: {  	_ =	shalt  }
0x7b: {  	_ =	shalt  }
0x7c: {  	_ =	shalt  }
0x7d: {  	_ =	shalt  }
0x7e: {  	_ =	shalt  }
0x7f: {  	_ =	shalt  }
0x80: {  	_ =	shalt  }
0x81: {  	_ =	shalt  }
0x82: {  	_ =	shalt  }
0x83: {  	_ =	shalt  }
0x84: {  	_ =	shalt  }
0x85: {  	_ =	shalt  }
0x86: {  	_ =	shalt  }
0x87: {  	_ =	shalt  }
.Lfunc_end0:
.L_simem_size_0:
called_computation.2_lowered:
.L_overlay_start_0:
0x88: {  	s2 =	sld [smem:$0x3FD9]  }
0x89: {  	s3 =	sld [smem:$0x3FFE];
	_ =	sdelay $0x1  }
0x8a: {  	s1 =	srdreg.scid  }
0x8b: {  	s0 =	sand.u32 $0x1, s1  }
0x8c: {  	s16 =	sshll.u32 s0, $0xA;
	s2 =	sadd.s32 s3, s2  }
0x8d: {  	s2 =	sadd.s32 s2, s16  }
0x8e: {  	[smem:$0x3FB2] =	sst s2  }
0x8f: {  	_ = 	snop  }
0x90: {  	(tm) =	ssettm $0x1  }
0x91: {  	s17 =	sld [smem:$0x3FFB];
	_ =	sdelay $0x3  }
0x92: {  	_ =	strace s17  }
0x93: {  	s2 =	sld [smem:$0x3FFC];
	_ =	sdelay $0x3  }
0x94: {  	_ =	strace s2  }
0x95: {  	s2 =	sld [smem:$0x3FFD];
	_ =	sdelay $0x3  }
0x96: {  	_ =	strace s2  }
0x97: {  	_ =	strace $0x8FFFFFFF  }
0x98: {  	s18 =	sld [smem:$0x3FDB];
	_ =	sdelay $0x1  }
0x99: {  	s19 =	simm.s32 $_scs_section_size  }
0x9a: {  	s4 =	simm.s32 $_size__tile_overlayer_lowered;
	s5 =	simm.s32 $_tile_overlayer_lowered  }
0x9b: {  	s22 =	simm.s32 $0x1BFF;
	s21 =	sshll.u32 s5, $0x1;
	s2 =	sadd.s32 s19, s18  }
0x9c: {  	s6 =	simm.s32 $0x0;
	s20 =	sshll.u32 s4, $0x1;
	s4 =	sadd.s32 s21, s2  }
0x9d: {  	[timem:s6], [sflag:s22] =	dma.local [hbm:s4], s20  }
0x9e: {  	_ =	swait.ge [sflag:s22], s20  }
0x9f: {  	s3 =	ssub.s32 $0x0, s20;
	[sflag:s22] =	ssyncset.done $0x0  }
0xa0: {  	[sflag:s22] =	ssyncadd.s32 s3;
	_ =	sdelay $0x1  }
0xa1: {  	s23 =	simm.s32 $0x1B8B  }
0xa2: {  	_ =	swait.ge [sflag:s23], $0x1  }
0xa3: {  	[sflag:s23] =	ssyncset.done $0x0  }
0xa4: {  	s25 =	simm.s32 $0x1B8E;
	s24 =	sld [smem:$0x3FFE];
	[sflag:s23] =	ssyncadd.s32 $0xFFFFFFFF  }
0xa5: {  	s26 =	simm.s32 $execute0_lowered;
	[smem:$0x3FD2] =	sst s25  }
0xa6: {  	s4 =	sshll.u32 s26, $0x1;
	_ =	strace $0x8000004C;
	[dreg:$0x1] =	wrdreg $0xFFFFFFFF  }
0xa7: {  	s28 =	simm.s32 $_size_execute0_lowered;
	s2 =	sadd.s32 s2, s4;
	[dreg:$0x0] =	wrdreg $0x0  }
0xa8: {  	s4 =	sshll.u32 s28, $0x1;
	[dreg:$0x2] =	wrdreg s2  }
0xa9: {  	[dreg:$0x3] =	wrdreg s4  }
0xaa: {  	[dreg:$0x4] =	wrdreg $0xC0  }
0xab: {  	_ =	task [dreg:s6], $0x5FFFF  }
0xac: {  	[dreg:$0x1] =	wrdreg $0xFFFFFFFF  }
0xad: {  	[dreg:$0x0] =	wrdreg $0x60  }
0xae: {  	[dreg:$0x2] =	wrdreg s24  }
0xaf: {  	[dreg:$0x3] =	wrdreg $0x93000  }
0xb0: {  	[dreg:$0x4] =	wrdreg $0x9  }
0xb1: {  	_ =	task.clear_ibuf [dreg:s6], $0x5FFFF;
	_ =	strace $0x9000004C  }
0xb2: {  	s29 =	simm.s32 $0x9;
	_ =	strace $0x8000004E  }
0xb3: {  	_ =	swait.ge [sflag:s29], $0x1  }
0xb4: {  	[sflag:s29] =	ssyncadd.s32 $0xFFFFFFFF  }
0xb5: {  	_ =	strace $0x9000004E  }
0xb6: {  	_ =	sfence  }
0xb7: {  	s30 =	sld [smem:$0x0];
	_ =	sdelay $0x2  }
0xb8: {  	s31 =	sshll.u32 s1, $0xD;
	s1 =	sshrl.u32 s1, $0x2  }
0xb9: {  	s3 =	sand.u32 $0x4000, s31;
	s1 =	sadd.s32 s1, s30  }
0xba: {  	s0 =	sor.u32 s3, s0;
	s1 =	sshll.u32 s1, $0x11  }
0xbb: {  	s0 =	sor.u32 s1, s0  }
0xbc: {  	s0 =	sadd.s32 $0x8F2B, s0  }
0xbd: {  	[sflag:s0] =	ssyncadd.remote.s32 $0x1  }
0xbe: {  	_ =	sfence.sel $0xFFFF  }
0xbf: {  	[dreg:$0x0] =	wrdreg $0xFFFFFFFF;
	(pc) =	sbr.abs _section_cstart, $3  }
0xc0: {  	[dreg:$0x1] =	wrdreg $0xFFFFFFFF  }
0xc1: {  	_ =	task.clear_ibuf [dreg:s6], $0x2FFFF;
	_ =	strace $0x9FFFFFFF  }
0xc2: {  	(tm) =	ssettm $0x7FFFFFFF  }
0xc3: {  	_ =	shalt  }
tec
execute0_lowered:
.L_overlay_start_1:
0x0: {  	(tag) =	ssettag $0x1  }
0x1: {  	s0 =	rddreg [dreg:$0x0]  }
0x2: {  	s1 =	rddreg [dreg:$0x1]  }
0x3: {  	s2 =	simm.s32 $0x0;
	s4 =	srdreg.scid;
	s11 =	stileid.u32  }
0x4: {  	s29 =	simm.s32 $0x300;
	s30 =	simm.s32 $0xD;
	s31 =	simm.s32 $0x100  }
0x5: {  	s28 =	simm.s32 $0xA;
	[smem:$0x7FF] =	sst s2;
	s3 =	sadd.s32 $0x7C00, s0  }
0x6: {  	s5 =	sadd.s32 $0x9D6600, s0;
	s6 =	sadd.s32 $0x30600, s0;
	s0 =	sadd.s32 $0x72A00, s0  }
0x7: {  	s4 =	sand.u32 $0x1, s4;
	s9 =	smul.u32 $0x50000, s11;
	_ =	strace $0x8000004D  }
0x8: {  	s7 =	ssub.s32 $0x2, s4;
	s8 =	sshll.u32 s4, $0x4;
	s4 =	smul.u32 $0x140000, s4  }
0x9: {  	s10 =	sshrl.u32 s7, $0x1;
	s8 =	sor.u32 s11, s8;
	s11 =	smul.u32 $0x14000, s11  }
0xa: {  	s9 =	sshrl.u32 s9, $0x2;
	s10 =	ssub.s32 s7, s10;
	s7 =	smul.u32 $0x2760, s8  }
0xb: {  	s21 =	sadd.s32 s9, s1;
	s12 =	sor.u32 $0x3000, s11;
	s13 =	sadd.s32 $0x6000, s11  }
0xc: {  	s9 =	sadd.s32 $0x9000, s11;
	s14 =	sadd.s32 $0xC000, s11;
	s15 =	sadd.s32 s11, s4  }
0xd: {  	s16 =	sadd.s32 $0xF000, s11;
	[dreg:$0x3] =	wrdreg s21;
	s22 =	sadd.s32 s12, s1  }
0xe: {  	s17 =	sadd.s32 s13, s1;
	s15 =	sshrl.u32 s15, $0x3;
	s12 =	sadd.s32 s4, s12  }
0xf: {  	s13 =	sadd.s32 s4, s13;
	s18 =	sadd.s32 s4, s9;
	s24 =	sadd.s32 s4, s14  }
0x10: {  	s25 =	sadd.s32 s4, s16;
	[dreg:$0x5] =	wrdreg s17;
	s17 =	sadd.s32 $0x12000, s11  }
0x11: {  	s11 =	smul.u32 $0x6900, s8;
	s15 =	sadd.s32 s0, s15;
	s12 =	sshrl.u32 s12, $0x3  }
0x12: {  	s19 =	sshrl.u32 s13, $0x3;
	s20 =	sshrl.u32 s18, $0x3;
	s26 =	sshrl.u32 s25, $0x3  }
0x13: {  	s13 =	smul.u32 $0x13B000, s8;
	s18 =	sadd.s32 s14, s1;
	s25 =	smax.u32 s10, $0x1  }
0x14: {  	s14 =	simm.s32 $0x7;
	s10 =	simm.s32 $0x280;
	[dreg:$0x4] =	wrdreg s22  }
0x15: {  	[dreg:$0x6] =	wrdreg s15;
	s12 =	sadd.s32 s0, s12;
	s23 =	sadd.s32 s0, s20  }
0x16: {  	s4 =	sadd.s32 s4, s17;
	s15 =	sadd.s32 s9, s1;
	[dreg:$0xe] =	wrdreg s18  }
0x17: {  	s20 =	smul.u32 $0x27600, s8;
	[dreg:$0x14] =	wrdreg s25;
	s18 =	simm.s32 $0x2  }
0x18: {  	s25 =	simm.s32 $0x8;
	s9 =	simm.s32 $0x9;
	[dreg:$0x7] =	wrdreg s12  }
0x19: {  	s12 =	sadd.s32 s0, s19;
	[dreg:$0x9] =	wrdreg s23;
	s4 =	sshrl.u32 s4, $0x3  }
0x1a: {  	[dreg:$0xd] =	wrdreg s15;
	s19 =	sadd.s32 s16, s1;
	s23 =	sshrl.u32 s11, $0x3  }
0x1b: {  	s16 =	simm.s32 $0x200;
	[dreg:$0x8] =	wrdreg s12;
	s12 =	sshrl.u32 s24, $0x3  }
0x1c: {  	[dreg:$0xf] =	wrdreg s19;
	s24 =	sadd.s32 s17, s1;
	s8 =	sadd.s32 s6, s23  }
0x1d: {  	s17 =	simm.s32 $0x6300;
	s23 =	simm.s32 $0x3;
	[dreg:$0x10] =	wrdreg s24  }
0x1e: {  	s19 =	simm.s32 $0xB;
	s12 =	sadd.s32 s0, s12;
	[dreg:$0x11] =	wrdreg s8  }
0x1f: {  	s24 =	simm.s32 $0x5;
	[dreg:$0xa] =	wrdreg s12;
	s12 =	sadd.s32 s0, s26  }
0x20: {  	s0 =	sadd.s32 s0, s4;
	s4 =	sadd.s32 s5, s20;
	[dreg:$0xb] =	wrdreg s12  }
.Ltmp0:
0x21: {  	s26 =	sadd.s32 $0x20, s8;
	[dreg:$0xc] =	wrdreg s0;
	(pc) =	sbr.rel .LBB2_1-.Ltmp0, $4  }
0x22: {  	s8 =	simm.s32 $0x6;
	s0 =	sshrl.u32 s13, $0x3;
	[dreg:$0x12] =	wrdreg s4  }
0x23: {  	s20 =	simm.s32 $0x0;
	[dreg:$0x15] =	wrdreg s26;
	s0 =	sadd.s32 s5, s0  }
0x24: {  	s4 =	simm.s32 $0x1;
	s12 =	simm.s32 $0x4;
	s0 =	sadd.s32 $0x600, s0  }
0x25: {  	v0 =	vimm.f32 $0.0e+00;
	s13 =	simm.s32 $0x60;
	[dreg:$0x13] =	wrdreg s0;
	s0 =	simm.s32 $0x3300  }
.LBB2_12:
0x26: {  	s15 =	simm.s32 $0xC  }
0x27: {  	_ =	swait.ge [sflag:s15], $0x3000  }
0x28: {  	[sflag:s15] =	ssyncset.done $0x0  }
0x29: {  	[sflag:s15] =	ssyncadd.s32 $0xFFFFD000  }
0x2a: {  	[bflag:$0x0] =	sbarrier.arrive $0xFFFF  }
0x2b: {  	s21 =	rddreg [dreg:$0x3]  }
0x2c: {  	[tilespmem:s29], [sflag:$0xD] =	stream.linear.gather [spmem:s21], $0x3000, $0x38;
	[tilespmem:$0x1D300] =	vst v63  }
0x2d: {  	_ =	swait.ge [sflag:s30], $0x3000  }
0x2e: {  	[sflag:s30] =	ssyncset.done $0x0  }
0x2f: {  	s26 =	rddreg [dreg:$0x6];
	[sflag:s30] =	ssyncadd.s32 $0xFFFFD000  }
0x30: {  	[hbm4b:s26+s2] =	stream.linear.scatter [tilespmem:s29], [sflag:$0xD], $0x3000, $0x38;
	[tilespmem:$0x1D300] =	vst v63  }
0x31: {  	_ =	swait.ge [sflag:s30], $0x3000  }
0x32: {  	[sflag:s30] =	ssyncset.done $0x0  }
0x33: {  	s22 =	rddreg [dreg:$0x4];
	[sflag:s30] =	ssyncadd.s32 $0xFFFFD000  }
0x34: {  	[tilespmem:s29], [sflag:$0xD] =	stream.linear.gather [spmem:s22], $0x3000, $0x38;
	[tilespmem:$0x1D300] =	vst v63  }
0x35: {  	_ =	swait.ge [sflag:s30], $0x3000  }
0x36: {  	[sflag:s30] =	ssyncset.done $0x0  }
0x37: {  	s20 =	rddreg [dreg:$0x7];
	[sflag:s30] =	ssyncadd.s32 $0xFFFFD000  }
0x38: {  	[hbm4b:s20+s2] =	stream.linear.scatter [tilespmem:s29], [sflag:$0xD], $0x3000, $0x38;
	[tilespmem:$0x1D300] =	vst v63  }
0x39: {  	_ =	swait.ge [sflag:s30], $0x3000  }
0x3a: {  	[sflag:s30] =	ssyncset.done $0x0  }
0x3b: {  	s26 =	rddreg [dreg:$0x5];
	[sflag:s30] =	ssyncadd.s32 $0xFFFFD000  }
0x3c: {  	[tilespmem:s29], [sflag:$0xD] =	stream.linear.gather [spmem:s26], $0x3000, $0x38;
	[tilespmem:$0x1D300] =	vst v63  }
0x3d: {  	_ =	swait.ge [sflag:s30], $0x3000  }
0x3e: {  	[sflag:s30] =	ssyncset.done $0x0  }
0x3f: {  	s20 =	rddreg [dreg:$0x8];
	[sflag:s30] =	ssyncadd.s32 $0xFFFFD000  }
0x40: {  	[hbm4b:s20+s2] =	stream.linear.scatter [tilespmem:s29], [sflag:$0xD], $0x3000, $0x38;
	[tilespmem:$0x1D300] =	vst v63  }
0x41: {  	_ =	swait.ge [sflag:s30], $0x3000  }
0x42: {  	[sflag:s30] =	ssyncset.done $0x0  }
0x43: {  	s26 =	rddreg [dreg:$0xd];
	[sflag:s30] =	ssyncadd.s32 $0xFFFFD000  }
0x44: {  	[tilespmem:s29], [sflag:$0xD] =	stream.linear.gather [spmem:s26], $0x3000, $0x38;
	[tilespmem:$0x1D300] =	vst v63  }
0x45: {  	_ =	swait.ge [sflag:s30], $0x3000  }
0x46: {  	[sflag:s30] =	ssyncset.done $0x0  }
0x47: {  	s20 =	rddreg [dreg:$0x9];
	[sflag:s30] =	ssyncadd.s32 $0xFFFFD000  }
0x48: {  	[hbm4b:s20+s2] =	stream.linear.scatter [tilespmem:s29], [sflag:$0xD], $0x3000, $0x38;
	[tilespmem:$0x1D300] =	vst v63  }
0x49: {  	_ =	swait.ge [sflag:s30], $0x3000  }
0x4a: {  	[sflag:s30] =	ssyncset.done $0x0  }
0x4b: {  	s26 =	rddreg [dreg:$0xe];
	[sflag:s30] =	ssyncadd.s32 $0xFFFFD000  }
0x4c: {  	[tilespmem:s29], [sflag:$0xD] =	stream.linear.gather [spmem:s26], $0x3000, $0x38;
	[tilespmem:$0x1D300] =	vst v63  }
0x4d: {  	_ =	swait.ge [sflag:s30], $0x3000  }
0x4e: {  	[sflag:s30] =	ssyncset.done $0x0  }
0x4f: {  	s20 =	rddreg [dreg:$0xa];
	[sflag:s30] =	ssyncadd.s32 $0xFFFFD000  }
0x50: {  	[hbm4b:s20+s2] =	stream.linear.scatter [tilespmem:s29], [sflag:$0xD], $0x3000, $0x38;
	[tilespmem:$0x1D300] =	vst v63  }
0x51: {  	_ =	swait.ge [sflag:s30], $0x3000  }
0x52: {  	[sflag:s30] =	ssyncset.done $0x0  }
0x53: {  	s26 =	rddreg [dreg:$0xf];
	[sflag:s30] =	ssyncadd.s32 $0xFFFFD000  }
0x54: {  	[tilespmem:s29], [sflag:$0xD] =	stream.linear.gather [spmem:s26], $0x3000, $0x38;
	[tilespmem:$0x1D300] =	vst v63  }
0x55: {  	_ =	swait.ge [sflag:s30], $0x3000  }
0x56: {  	[sflag:s30] =	ssyncset.done $0x0  }
0x57: {  	s20 =	rddreg [dreg:$0xb];
	[sflag:s30] =	ssyncadd.s32 $0xFFFFD000  }
0x58: {  	[hbm4b:s20+s2] =	stream.linear.scatter [tilespmem:s29], [sflag:$0xD], $0x3000, $0x38;
	[tilespmem:$0x1D300] =	vst v63  }
0x59: {  	_ =	swait.ge [sflag:s30], $0x3000  }
0x5a: {  	[sflag:s30] =	ssyncset.done $0x0  }
0x5b: {  	s26 =	rddreg [dreg:$0x10];
	[sflag:s30] =	ssyncadd.s32 $0xFFFFD000  }
0x5c: {  	[tilespmem:s29], [sflag:$0xD] =	stream.linear.gather [spmem:s26], $0x2000, $0x38;
	[tilespmem:$0x1D300] =	vst v63  }
0x5d: {  	_ =	swait.ge [sflag:s30], $0x2000  }
0x5e: {  	[sflag:s30] =	ssyncset.done $0x0  }
0x5f: {  	s20 =	rddreg [dreg:$0xc];
	[sflag:s30] =	ssyncadd.s32 $0xFFFFE000  }
0x60: {  	[hbm4b:s20+s2] =	stream.linear.scatter [tilespmem:s29], [sflag:$0xD], $0x2000, $0x38;
	[tilespmem:$0x1D300] =	vst v63  }
0x61: {  	_ =	swait.ge [sflag:s30], $0x2000  }
0x62: {  	s20 =	rddreg [dreg:$0x16]  }
0x63: {  	s26 =	rddreg [dreg:$0x14];
	s20 =	sadd.s32 $0x1, s20  }
0x64: {  	p0 =	sne.s32 s20, s26  }
.Ltmp1:
0x65: {  	_ = 	snop;
	(pc) =	sbr.rel @!p0 .LBB2_13-.Ltmp1, $3  }
0x66: {  	_ =	sdelay $0x1  }
0x67: {  	[sflag:s30] =	ssyncset.done $0x0  }
0x68: {  	[sflag:s30] =	ssyncadd.s32 $0xFFFFE000  }
.LBB2_1:
0x69: {  	[dreg:$0x16] =	wrdreg s20;
	s15 =	simm.s32 $0x0;
	s20 =	simm.s32 $0x200  }
.LBB2_2:
0x6a: {  	p0 =	sne.s32 s20, $0xBE00;
	[tilespmem:s15+$0x370] =	vst v0  }
0x6b: {  	[tilespmem:s15+$0x300] =	vst v0  }
0x6c: {  	[tilespmem:s15+$0x310] =	vst v0  }
.Ltmp2:
0x6d: {  	[tilespmem:s15+$0x320] =	vst v0;
	(pc) =	sbr.rel @p0 .LBB2_2-.Ltmp2, $4  }
0x6e: {  	[tilespmem:s15+$0x330] =	vst v0  }
0x6f: {  	[tilespmem:s15+$0x340] =	vst v0  }
0x70: {  	[tilespmem:s15+$0x350] =	vst v0  }
0x71: {  	[tilespmem:s15+$0x360] =	vst v0;
	s15 =	sshra.s32 s20, $0x2;
	s20 =	sadd.s32 $0x200, s20  }
0x72: {  	[tilespmem:s15+$0x370] =	vst v0  }
0x73: {  	[tilespmem:s15+$0x300] =	vst v0  }
0x74: {  	[tilespmem:s15+$0x310] =	vst v0  }
0x75: {  	[tilespmem:s15+$0x320] =	vst v0  }
0x76: {  	[tilespmem:s15+$0x330] =	vst v0  }
0x77: {  	[tilespmem:s15+$0x340] =	vst v0  }
0x78: {  	[tilespmem:s15+$0x350] =	vst v0  }
0x79: {  	[tilespmem:s15+$0x360] =	vst v0  }
0x7a: {  	[spmem:s21] =	stream.linear.scatter [tilespmem:s29], [sflag:$0xD], $0x3000, $0x38;
	[tilespmem:$0x1D300] =	vst v63  }
0x7b: {  	_ =	swait.ge [sflag:s30], $0x3000  }
0x7c: {  	[sflag:s30] =	ssyncset.done $0x0  }
0x7d: {  	[sflag:s30] =	ssyncadd.s32 $0xFFFFD000  }
0x7e: {  	[spmem:s22] =	stream.linear.scatter [tilespmem:s29], [sflag:$0xD], $0x3000, $0x38;
	[tilespmem:$0x1D300] =	vst v63  }
0x7f: {  	_ =	swait.ge [sflag:s30], $0x3000  }
0x80: {  	[sflag:s30] =	ssyncset.done $0x0  }
0x81: {  	s22 =	rddreg [dreg:$0x5];
	[sflag:s30] =	ssyncadd.s32 $0xFFFFD000  }
0x82: {  	[spmem:s22] =	stream.linear.scatter [tilespmem:s29], [sflag:$0xD], $0x3000, $0x38;
	[tilespmem:$0x1D300] =	vst v63  }
0x83: {  	_ =	swait.ge [sflag:s30], $0x3000  }
0x84: {  	[sflag:s30] =	ssyncset.done $0x0  }
0x85: {  	s26 =	rddreg [dreg:$0xd];
	[sflag:s30] =	ssyncadd.s32 $0xFFFFD000  }
0x86: {  	[spmem:s26] =	stream.linear.scatter [tilespmem:s29], [sflag:$0xD], $0x3000, $0x38;
	[tilespmem:$0x1D300] =	vst v63  }
0x87: {  	_ =	swait.ge [sflag:s30], $0x3000  }
0x88: {  	[sflag:s30] =	ssyncset.done $0x0  }
0x89: {  	s20 =	rddreg [dreg:$0xe];
	[sflag:s30] =	ssyncadd.s32 $0xFFFFD000  }
0x8a: {  	[spmem:s20] =	stream.linear.scatter [tilespmem:s29], [sflag:$0xD], $0x3000, $0x38;
	[tilespmem:$0x1D300] =	vst v63  }
0x8b: {  	_ =	swait.ge [sflag:s30], $0x3000  }
0x8c: {  	[sflag:s30] =	ssyncset.done $0x0  }
0x8d: {  	s21 =	rddreg [dreg:$0xf];
	[sflag:s30] =	ssyncadd.s32 $0xFFFFD000  }
0x8e: {  	[spmem:s21] =	stream.linear.scatter [tilespmem:s29], [sflag:$0xD], $0x3000, $0x38;
	[tilespmem:$0x1D300] =	vst v63  }
0x8f: {  	_ =	swait.ge [sflag:s30], $0x3000  }
0x90: {  	[sflag:s30] =	ssyncset.done $0x0  }
0x91: {  	s22 =	rddreg [dreg:$0x10];
	[sflag:s30] =	ssyncadd.s32 $0xFFFFD000  }
0x92: {  	[spmem:s22] =	stream.linear.scatter [tilespmem:s29], [sflag:$0xD], $0x2000, $0x38;
	[tilespmem:$0x1D300] =	vst v63  }
0x93: {  	_ =	swait.ge [sflag:s30], $0x2000  }
0x94: {  	[sflag:s30] =	ssyncset.done $0x0  }
0x95: {  	[sflag:s30] =	ssyncadd.s32 $0xFFFFE000  }
0x96: {  	[bflag:$0x0] =	sbarrier.arrive $0xFFFF  }
0x97: {  	s21 =	simm.s32 $0x0;
	s26 =	rddreg [dreg:$0x11]  }
0x98: {  	[tilespmem:s21], [sflag:$0x1] =	stream.linear.gather [hbm4b:s26+s21], $0x100, $0x38;
	[tilespmem:$0x1D300] =	vst v63  }
0x99: {  	s20 =	rddreg [dreg:$0x12]  }
0x9a: {  	[tilespmem:s29], [sflag:$0x4] =	stream.linear.gather [hbm4b:s20+s21], $0x3000, $0x38;
	[tilespmem:$0x1D300] =	vst v63  }
0x9b: {  	s22 =	rddreg [dreg:$0x15]  }
0x9c: {  	[tilespmem:s31], [sflag:$0x2] =	stream.linear.gather [hbm4b:s22+s21], $0x100, $0x38;
	[tilespmem:$0x1D300] =	vst v63  }
0x9d: {  	s26 =	rddreg [dreg:$0x13]  }
0x9e: {  	[tilespmem:s0], [sflag:$0x5] =	stream.linear.gather [hbm4b:s26+s21], $0x3000, $0x38;
	[tilespmem:$0x1D300] =	vst v63  }
0x9f: {  	_ =	swait.ge [sflag:s4], $0x100  }
0xa0: {  	[sflag:s4] =	ssyncset.done $0x0  }
0xa1: {  	[sflag:s4] =	ssyncadd.s32 $0xFFFFFF00  }
0xa2: {  	_ =	swait.ge [sflag:s12], $0x3000  }
0xa3: {  	[sflag:s12] =	ssyncset.done $0x0  }
0xa4: {  	[sflag:s12] =	ssyncadd.s32 $0xFFFFD000  }
0xa5: {  	[tilespmem:s29], [sflag:$0x7] =	stream.indirect.gather.add.f32 [hbm:s3], $0x80, s21, s13, $0xb8;
	[tilespmem:$0x1D300] =	vst v63  }
.LBB2_4:
0xa6: {  	_ =	swait.ge [sflag:s14], $0x3000  }
0xa7: {  	[sflag:s14] =	ssyncset.done $0x0  }
0xa8: {  	s22 =	simm.s32 $0x0;
	[sflag:s14] =	ssyncadd.s32 $0xFFFFD000  }
0xa9: {  	v3 =	vld [tilespmem:s22+$0x300]  }
0xaa: {  	v5 =	vld [tilespmem:s22+$0x310]  }
0xab: {  	v4 =	vld [tilespmem:s22+$0x320]  }
0xac: {  	v2 =	vld [tilespmem:s22+$0x330]  }
0xad: {  	v1 =	vld [tilespmem:s22+$0x340]  }
0xae: {  	v6 =	vmax.f32 v3, $0.0e+00;
	v3 =	vld [tilespmem:s22+$0x350]  }
0xaf: {  	s20 =	simm.s32 $0x200;
	[tilespmem:s22+$0x300] =	vst v6;
	v6 =	vmax.f32 v5, $0.0e+00;
	v5 =	vld [tilespmem:s22+$0x360]  }
.LBB2_5:
0xb0: {  	s15 =	sshra.s32 s20, $0x2;
	p0 =	sne.s32 s20, $0xBE00;
	[tilespmem:s22+$0x310] =	vst v6;
	v4 =	vmax.f32 v4, $0.0e+00;
	v6 =	vld [tilespmem:s22+$0x370]  }
0xb1: {  	v7 =	vld [tilespmem:s15+$0x300];
	[tilespmem:s22+$0x320] =	vst v4;
	v2 =	vmax.f32 v2, $0.0e+00  }
0xb2: {  	v8 =	vld [tilespmem:s15+$0x310];
	[tilespmem:s22+$0x330] =	vst v2;
	v1 =	vmax.f32 v1, $0.0e+00  }
.Ltmp3:
0xb3: {  	v4 =	vld [tilespmem:s15+$0x320];
	[tilespmem:s22+$0x340] =	vst v1;
	v1 =	vmax.f32 v3, $0.0e+00;
	(pc) =	sbr.rel @p0 .LBB2_5-.Ltmp3, $4  }
0xb4: {  	v2 =	vld [tilespmem:s15+$0x330];
	[tilespmem:s22+$0x350] =	vst v1;
	v3 =	vmax.f32 v5, $0.0e+00  }
0xb5: {  	v1 =	vld [tilespmem:s15+$0x340];
	[tilespmem:s22+$0x360] =	vst v3;
	v5 =	vmax.f32 v6, $0.0e+00  }
0xb6: {  	v6 =	vmax.f32 v7, $0.0e+00;
	v3 =	vld [tilespmem:s15+$0x350];
	[tilespmem:s22+$0x370] =	vst v5;
	s22 =	smov.u32 s15  }
0xb7: {  	s20 =	sadd.s32 $0x200, s20;
	[tilespmem:s22+$0x300] =	vst v6;
	v6 =	vmax.f32 v8, $0.0e+00;
	v5 =	vld [tilespmem:s22+$0x360]  }
0xb8: {  	[tilespmem:s22+$0x310] =	vst v6;
	v4 =	vmax.f32 v4, $0.0e+00;
	v6 =	vld [tilespmem:s22+$0x370]  }
0xb9: {  	[tilespmem:s22+$0x320] =	vst v4;
	v2 =	vmax.f32 v2, $0.0e+00  }
0xba: {  	[tilespmem:s22+$0x330] =	vst v2;
	v1 =	vmax.f32 v1, $0.0e+00  }
0xbb: {  	[tilespmem:s22+$0x340] =	vst v1;
	v1 =	vmax.f32 v3, $0.0e+00  }
0xbc: {  	[tilespmem:s22+$0x350] =	vst v1;
	v1 =	vmax.f32 v5, $0.0e+00  }
0xbd: {  	[tilespmem:s22+$0x360] =	vst v1;
	v1 =	vmax.f32 v6, $0.0e+00  }
0xbe: {  	s15 =	simm.s32 $0x80;
	p0 =	seq.s32 s21, $0x0;
	[tilespmem:s22+$0x370] =	vst v1;
	s22 =	smul.u32 $0x3, s21  }
0xbf: {  	[spmem:s1] =	stream.indirect.scatter.add.f32 [tilespmem:s29], [sflag:$0xA], $0x80, s15, s13, $0xb8;
	[tilespmem:$0x1D300] =	vst v63  }
0xc0: {  	s15 =	simm.s32 @!p0 $0xC;
	s20 =	sadd.s32 $0x2, s22  }
0xc1: {  	_ =	swait.ge @!p0 [sflag:s15], $0x3000;
	s26 =	sshll.u32 s20, $0x8  }
0xc2: {  	[sflag:s15] =	ssyncset.done @!p0 $0x0;
	s20 =	smul.u32 $0x60, s20;
	s26 =	sadd.s32 s11, s26  }
0xc3: {  	[sflag:s15] =	ssyncadd.s32 @!p0 $0xFFFFD000;
	s26 =	sshrl.u32 s26, $0x3  }
0xc4: {  	s20 =	sadd.s32 s7, s20;
	s15 =	sadd.s32 s6, s26;
	s26 =	simm.s32 $0x0  }
0xc5: {  	[tilespmem:s16], [sflag:$0x3] =	stream.linear.gather [hbm4b:s15+s26], $0x100, $0x38;
	[tilespmem:$0x1D300] =	vst v63  }
0xc6: {  	s15 =	sshll.u32 s20, $0x4  }
0xc7: {  	s15 =	sadd.s32 s5, s15  }
0xc8: {  	[tilespmem:s17], [sflag:$0x6] =	stream.linear.gather [hbm4b:s15+s26], $0x3000, $0x38;
	[tilespmem:$0x1D300] =	vst v63  }
0xc9: {  	_ =	swait.ge [sflag:s18], $0x100  }
0xca: {  	[sflag:s18] =	ssyncset.done $0x0  }
0xcb: {  	[sflag:s18] =	ssyncadd.s32 $0xFFFFFF00  }
0xcc: {  	_ =	swait.ge [sflag:s24], $0x3000  }
0xcd: {  	[sflag:s24] =	ssyncset.done $0x0  }
0xce: {  	[sflag:s24] =	ssyncadd.s32 $0xFFFFD000  }
0xcf: {  	[tilespmem:s0], [sflag:$0x8] =	stream.indirect.gather.add.f32 [hbm:s3], $0x80, s31, s13, $0xb8;
	[tilespmem:$0x1D300] =	vst v63  }
0xd0: {  	_ =	swait.ge [sflag:s25], $0x3000  }
0xd1: {  	[sflag:s25] =	ssyncset.done $0x0  }
0xd2: {  	s20 =	simm.s32 $0x0;
	[sflag:s25] =	ssyncadd.s32 $0xFFFFD000  }
0xd3: {  	v3 =	vld [tilespmem:s20+$0x3300]  }
0xd4: {  	v5 =	vld [tilespmem:s20+$0x3310]  }
0xd5: {  	v4 =	vld [tilespmem:s20+$0x3320]  }
0xd6: {  	v2 =	vld [tilespmem:s20+$0x3330]  }
0xd7: {  	v1 =	vld [tilespmem:s20+$0x3340]  }
0xd8: {  	v6 =	vmax.f32 v3, $0.0e+00;
	v3 =	vld [tilespmem:s20+$0x3350]  }
0xd9: {  	s15 =	simm.s32 $0x200;
	[tilespmem:s20+$0x3300] =	vst v6;
	v6 =	vmax.f32 v5, $0.0e+00;
	v5 =	vld [tilespmem:s20+$0x3360]  }
.LBB2_7:
0xda: {  	s26 =	sshra.s32 s15, $0x2;
	p0 =	sne.s32 s15, $0xBE00;
	[tilespmem:s20+$0x3310] =	vst v6;
	v4 =	vmax.f32 v4, $0.0e+00;
	v6 =	vld [tilespmem:s20+$0x3370]  }
0xdb: {  	v7 =	vld [tilespmem:s26+$0x3300];
	[tilespmem:s20+$0x3320] =	vst v4;
	v2 =	vmax.f32 v2, $0.0e+00  }
0xdc: {  	v8 =	vld [tilespmem:s26+$0x3310];
	[tilespmem:s20+$0x3330] =	vst v2;
	v1 =	vmax.f32 v1, $0.0e+00  }
.Ltmp4:
0xdd: {  	v4 =	vld [tilespmem:s26+$0x3320];
	[tilespmem:s20+$0x3340] =	vst v1;
	v1 =	vmax.f32 v3, $0.0e+00;
	(pc) =	sbr.rel @p0 .LBB2_7-.Ltmp4, $4  }
0xde: {  	v2 =	vld [tilespmem:s26+$0x3330];
	[tilespmem:s20+$0x3350] =	vst v1;
	v3 =	vmax.f32 v5, $0.0e+00  }
0xdf: {  	v1 =	vld [tilespmem:s26+$0x3340];
	[tilespmem:s20+$0x3360] =	vst v3;
	v5 =	vmax.f32 v6, $0.0e+00  }
0xe0: {  	v6 =	vmax.f32 v7, $0.0e+00;
	v3 =	vld [tilespmem:s26+$0x3350];
	[tilespmem:s20+$0x3370] =	vst v5;
	s20 =	smov.u32 s26  }
0xe1: {  	s15 =	sadd.s32 $0x200, s15;
	[tilespmem:s20+$0x3300] =	vst v6;
	v6 =	vmax.f32 v8, $0.0e+00;
	v5 =	vld [tilespmem:s20+$0x3360]  }
0xe2: {  	[tilespmem:s20+$0x3310] =	vst v6;
	v4 =	vmax.f32 v4, $0.0e+00;
	v6 =	vld [tilespmem:s20+$0x3370]  }
0xe3: {  	[tilespmem:s20+$0x3320] =	vst v4;
	v2 =	vmax.f32 v2, $0.0e+00  }
0xe4: {  	[tilespmem:s20+$0x3330] =	vst v2;
	v1 =	vmax.f32 v1, $0.0e+00  }
0xe5: {  	[tilespmem:s20+$0x3340] =	vst v1;
	v1 =	vmax.f32 v3, $0.0e+00  }
0xe6: {  	[tilespmem:s20+$0x3350] =	vst v1;
	v1 =	vmax.f32 v5, $0.0e+00  }
0xe7: {  	[tilespmem:s20+$0x3360] =	vst v1;
	v1 =	vmax.f32 v6, $0.0e+00  }
0xe8: {  	s15 =	simm.s32 $0x180;
	p0 =	seq.s32 s21, $0x22;
	[tilespmem:s20+$0x3370] =	vst v1  }
0xe9: {  	[spmem:s1] =	stream.indirect.scatter.add.f32 [tilespmem:s0], [sflag:$0xB], $0x80, s15, s13, $0xb8;
	[tilespmem:$0x1D300] =	vst v63  }
0xea: {  	s15 =	sadd.s32 @!p0 $0x3, s22  }
0xeb: {  	s20 =	sshll.u32 @!p0 s15, $0x8;
	s15 =	smul.u32 @!p0 $0x60, s15  }
0xec: {  	s26 =	simm.s32 @!p0 $0x0;
	_ =	swait.ge [sflag:s28], $0x3000;
	s20 =	sadd.s32 @!p0 s11, s20  }
0xed: {  	[sflag:s28] =	ssyncset.done $0x0;
	s20 =	sshrl.u32 @!p0 s20, $0x3;
	s15 =	sadd.s32 @!p0 s7, s15  }
0xee: {  	[sflag:s28] =	ssyncadd.s32 $0xFFFFD000;
	s20 =	sadd.s32 @!p0 s6, s20;
	s15 =	sshll.u32 @!p0 s15, $0x4  }
0xef: {  	[tilespmem:s26], [sflag:$0x1] =	stream.linear.gather @!p0 [hbm4b:s20+s26], $0x100, $0x38;
	[tilespmem:$0x1D300] =	vst v63  }
0xf0: {  	s15 =	sadd.s32 @!p0 s5, s15;
	s20 =	simm.s32 @!p0 $0x300  }
0xf1: {  	[tilespmem:s20], [sflag:$0x4] =	stream.linear.gather @!p0 [hbm4b:s15+s26], $0x3000, $0x38;
	[tilespmem:$0x1D300] =	vst v63  }
0xf2: {  	_ =	swait.ge [sflag:s23], $0x100  }
0xf3: {  	[sflag:s23] =	ssyncset.done $0x0  }
0xf4: {  	[sflag:s23] =	ssyncadd.s32 $0xFFFFFF00  }
0xf5: {  	_ =	swait.ge [sflag:s8], $0x3000  }
0xf6: {  	[sflag:s8] =	ssyncset.done $0x0  }
0xf7: {  	[sflag:s8] =	ssyncadd.s32 $0xFFFFD000  }
0xf8: {  	[tilespmem:s17], [sflag:$0x9] =	stream.indirect.gather.add.f32 [hbm:s3], $0x80, s16, s13, $0xb8;
	[tilespmem:$0x1D300] =	vst v63  }
0xf9: {  	_ =	swait.ge [sflag:s9], $0x3000  }
0xfa: {  	[sflag:s9] =	ssyncset.done $0x0  }
0xfb: {  	s20 =	simm.s32 $0x0;
	[sflag:s9] =	ssyncadd.s32 $0xFFFFD000  }
0xfc: {  	v3 =	vld [tilespmem:s20+$0x6300]  }
0xfd: {  	v5 =	vld [tilespmem:s20+$0x6310]  }
0xfe: {  	v4 =	vld [tilespmem:s20+$0x6320]  }
0xff: {  	v2 =	vld [tilespmem:s20+$0x6330]  }
0x100: {  	v1 =	vld [tilespmem:s20+$0x6340]  }
0x101: {  	v6 =	vmax.f32 v3, $0.0e+00;
	v3 =	vld [tilespmem:s20+$0x6350]  }
0x102: {  	s15 =	simm.s32 $0x200;
	[tilespmem:s20+$0x6300] =	vst v6;
	v6 =	vmax.f32 v5, $0.0e+00;
	v5 =	vld [tilespmem:s20+$0x6360]  }
.LBB2_9:
0x103: {  	s26 =	sshra.s32 s15, $0x2;
	p1 =	sne.s32 s15, $0xBE00;
	[tilespmem:s20+$0x6310] =	vst v6;
	v4 =	vmax.f32 v4, $0.0e+00;
	v6 =	vld [tilespmem:s20+$0x6370]  }
0x104: {  	v7 =	vld [tilespmem:s26+$0x6300];
	[tilespmem:s20+$0x6320] =	vst v4;
	v2 =	vmax.f32 v2, $0.0e+00  }
0x105: {  	v8 =	vld [tilespmem:s26+$0x6310];
	[tilespmem:s20+$0x6330] =	vst v2;
	v1 =	vmax.f32 v1, $0.0e+00  }
.Ltmp5:
0x106: {  	v4 =	vld [tilespmem:s26+$0x6320];
	[tilespmem:s20+$0x6340] =	vst v1;
	v1 =	vmax.f32 v3, $0.0e+00;
	(pc) =	sbr.rel @p1 .LBB2_9-.Ltmp5, $4  }
0x107: {  	v2 =	vld [tilespmem:s26+$0x6330];
	[tilespmem:s20+$0x6350] =	vst v1;
	v3 =	vmax.f32 v5, $0.0e+00  }
0x108: {  	v1 =	vld [tilespmem:s26+$0x6340];
	[tilespmem:s20+$0x6360] =	vst v3;
	v5 =	vmax.f32 v6, $0.0e+00  }
0x109: {  	v6 =	vmax.f32 v7, $0.0e+00;
	v3 =	vld [tilespmem:s26+$0x6350];
	[tilespmem:s20+$0x6370] =	vst v5;
	s20 =	smov.u32 s26  }
0x10a: {  	s15 =	sadd.s32 $0x200, s15;
	[tilespmem:s20+$0x6300] =	vst v6;
	v6 =	vmax.f32 v8, $0.0e+00;
	v5 =	vld [tilespmem:s20+$0x6360]  }
0x10b: {  	[tilespmem:s20+$0x6310] =	vst v6;
	v4 =	vmax.f32 v4, $0.0e+00;
	v63 =	vld [tilespmem:s20+$0x6370]  }
0x10c: {  	[tilespmem:s20+$0x6320] =	vst v4;
	v2 =	vmax.f32 v2, $0.0e+00  }
0x10d: {  	[tilespmem:s20+$0x6330] =	vst v2;
	v1 =	vmax.f32 v1, $0.0e+00  }
0x10e: {  	[tilespmem:s20+$0x6340] =	vst v1;
	v1 =	vmax.f32 v3, $0.0e+00  }
0x10f: {  	[tilespmem:s20+$0x6350] =	vst v1;
	v1 =	vmax.f32 v5, $0.0e+00  }
0x110: {  	[tilespmem:s20+$0x6360] =	vst v1;
	v1 =	vmax.f32 v63, $0.0e+00  }
.Ltmp6:
0x111: {  	[tilespmem:s20+$0x6370] =	vst v1;
	(pc) =	sbr.rel @p0 .LBB2_12-.Ltmp6, $4  }
0x112: {  	[spmem:s1] =	stream.indirect.scatter.add.f32 [tilespmem:s17], [sflag:$0xC], $0x80, s10, s13, $0xb8;
	[tilespmem:$0x1D300] =	vst v63  }
0x113: {  	_ =	swait.ge [sflag:s19], $0x3000  }
0x114: {  	[sflag:s19] =	ssyncset.done $0x0  }
0x115: {  	[sflag:s19] =	ssyncadd.s32 $0xFFFFD000  }
0x116: {  	s15 =	sadd.s32 $0x4, s22  }
0x117: {  	s20 =	sshll.u32 s15, $0x8;
	s15 =	smul.u32 $0x60, s15  }
0x118: {  	s20 =	sadd.s32 s11, s20  }
0x119: {  	s20 =	sshrl.u32 s20, $0x3;
	s15 =	sadd.s32 s7, s15  }
0x11a: {  	s20 =	sadd.s32 s6, s20;
	s15 =	sshll.u32 s15, $0x4  }
0x11b: {  	[tilespmem:s31], [sflag:$0x2] =	stream.linear.gather [hbm4b:s20+s2], $0x100, $0x38;
	[tilespmem:$0x1D300] =	vst v63  }
0x11c: {  	s15 =	sadd.s32 s5, s15  }
0x11d: {  	[tilespmem:s0], [sflag:$0x5] =	stream.linear.gather [hbm4b:s15+s2], $0x3000, $0x38;
	[tilespmem:$0x1D300] =	vst v63  }
0x11e: {  	_ =	swait.ge [sflag:s4], $0x100  }
0x11f: {  	[sflag:s4] =	ssyncset.done $0x0  }
.Ltmp7:
0x120: {  	[sflag:s4] =	ssyncadd.s32 $0xFFFFFF00;
	(pc) =	sbr.rel .LBB2_4-.Ltmp7, $4  }
0x121: {  	_ =	swait.ge [sflag:s12], $0x3000  }
0x122: {  	[sflag:s12] =	ssyncset.done $0x0  }
0x123: {  	s21 =	sadd.s32 $0x1, s21;
	[sflag:s12] =	ssyncadd.s32 $0xFFFFD000  }
0x124: {  	[tilespmem:s29], [sflag:$0x7] =	stream.indirect.gather.add.f32 [hbm:s3], $0x80, s2, s13, $0xb8;
	[tilespmem:$0x1D300] =	vst v63  }
.LBB2_13:
0x125: {  	_ =	sfence.sel $0x180000  }
0x126: {  	[bflag:$0x0] =	sbarrier.arrive $0xFFFF  }
0x127: {  	_ =	strace $0x9000004D  }
0x128: {  	s0 =	stileid.u32;
	[bflag:$0x2] =	sbarrier.arrive $0xFFFF  }
0x129: {  	p0 =	sne.s32 s0, $0x0;
	s0 =	rddreg [dreg:$0x2]  }
0x12a: {  	s0 =	sadd.s32 @!p0 $0x100000, s0  }
0x12b: {  	[sflag:s0] =	ssyncadd.tile.s32 @!p0 $0x1;
	_ =	shalt  }
.Lfunc_end2:
_tile_overlayer_lowered:
.L_overlay_start_2:
0x12c: {  	(tag) =	ssettag $0x2  }
0x12d: {  	s0 =	rddreg [dreg:$0x0];
	s2 =	stileid.u32  }
0x12e: {  	s1 =	rddreg [dreg:$0x1];
	p0 =	sne.s32 s2, $0x0  }
0x12f: {  	s3 =	rddreg [dreg:$0x2];
	[bflag:$0x3] =	sbarrier.arrive $0xFFFF;
	s2 =	simm.s32 @!p0 $0x1C0D  }
0x130: {  	[timem:s3], [sflag:s2] =	dma.local @!p0 [hbm:s0], s1  }
0x131: {  	s0 =	simm.s32 @!p0 $0xD  }
0x132: {  	_ =	swait.ge @!p0 [sflag:s0], s1  }
0x133: {  	s1 =	ssub.s32 @!p0 $0x0, s1;
	[sflag:s0] =	ssyncset.done @!p0 $0x0  }
0x134: {  	[sflag:s0] =	ssyncadd.s32 @!p0 s1  }
0x135: {  	[bflag:$0x3] =	sbarrier.arrive $0xFFFF  }
0x136: {  	_ =	shalt  }

</sc_bundles>
